<compile_context>
chip_gen: v7x
topology: tpu7x:2x2x1
jax: 0.10.2.dev20260603
libtpu: 0.0.44.dev20260713+nightly
codegen_flags: <defaults>
</compile_context>

<pallas_src>
import functools

import jax
import jax.numpy as jnp
from jax import lax
from jax.experimental import pallas as pl
from jax.experimental.pallas import tpu as pltpu
from jax.experimental.pallas import tpu_sc as plsc

N = 10000
E = 320000
D = 128
DE = 16
NPAD = 10240
NC = 2
NS = 16
NW = NC * NS
CHUNK = 128
RT = 80
ER = NW * RT
EP = ER * CHUNK
RPT = NPAD // NS
NB = 2
ND = 8
NV = 2
EH = EP // 2
RH = RT // 2


def _sc_mesh():
    return plsc.VectorSubcoreMesh(core_axis_name="c", subcore_axis_name="s")


def _deg_body(dst2, ones_hbm, zeros_hbm, out_hbm, didx, ones_v,
              deg_sh, *ss):
    core = lax.axis_index("c")
    sub = lax.axis_index("s")
    tid = core * NS + sub
    row0 = tid * RT
    r0 = sub * RPT
    pltpu.sync_copy(zeros_hbm.at[pl.ds(r0, RPT)], deg_sh.at[pl.ds(r0, RPT)])
    pltpu.sync_copy(dst2.at[pl.ds(row0, RT)], didx)
    pltpu.sync_copy(ones_hbm, ones_v)
    plsc.subcore_barrier()

    def s_start(c, b):
        pltpu.async_copy(ones_v, deg_sh.at[didx.at[c]], ss[b], add=True)

    def s_wait(c, b):
        pltpu.make_async_copy(ones_v, deg_sh.at[didx.at[c]], ss[b]).wait()

    for b in range(ND):
        s_start(b, b)

    @pl.loop(0, RT // ND)
    def _(i):
        for b in range(ND):
            c = i * ND + b

            @pl.when(c + ND < RT)
            def _():
                s_wait(c, b)
                s_start(c + ND, b)

    for b in range(ND):
        s_wait(RT - ND + b, b)

    plsc.subcore_barrier()
    pltpu.sync_copy(deg_sh.at[pl.ds(r0, RPT)],
                    out_hbm.at[core, pl.ds(r0, RPT)])


def _deg(dst2, ones128, zeros128):
    return pl.kernel(
        _deg_body,
        out_type=jax.ShapeDtypeStruct((NC, NPAD, D), jnp.float32),
        mesh=_sc_mesh(),
        scratch_types=[
            pltpu.VMEM((RT, CHUNK), jnp.int32),
            pltpu.VMEM((CHUNK, D), jnp.float32),
            pltpu.VMEM_SHARED((NPAD, D), jnp.float32),
        ] + [pltpu.SemaphoreType.DMA] * ND,
    )(dst2, ones128, zeros128)


def _scat_body(h_hbm, src2, dst1, zeros_hbm, out_hbm,
               sidx, didx0, didx1, rows, agg_sh, *sems):
    didx = (didx0, didx1)
    ii = sems[:NB]
    gs = sems[NB:2 * NB]
    ss = sems[2 * NB:]
    core = lax.axis_index("c")
    sub = lax.axis_index("s")
    tid = core * NS + sub
    row0 = tid * RT
    base = tid * RT * CHUNK
    r0 = sub * RPT
    pltpu.sync_copy(zeros_hbm.at[pl.ds(r0, RPT)], agg_sh.at[pl.ds(r0, RPT)])
    pltpu.sync_copy(src2.at[pl.ds(row0, RT)], sidx)
    plsc.subcore_barrier()

    def di_start(c, b):
        pltpu.async_copy(dst1.at[pl.ds(base + c * CHUNK, CHUNK)], didx[b],
                         ii[b])

    def di_wait(b):
        pltpu.make_async_copy(dst1.at[pl.ds(0, CHUNK)], didx[b], ii[b]).wait()

    def g_start(c, b):
        pltpu.async_copy(h_hbm.at[sidx.at[c]], rows.at[b], gs[b])

    def g_wait(b):
        pltpu.make_async_copy(h_hbm.at[pl.ds(0, CHUNK)], rows.at[b],
                              gs[b]).wait()

    def s_start(b):
        pltpu.async_copy(rows.at[b], agg_sh.at[didx[b]], ss[b], add=True)

    def s_wait(b):
        pltpu.make_async_copy(rows.at[b], agg_sh.at[pl.ds(0, CHUNK)],
                              ss[b]).wait()

    for b in range(NB):
        di_start(b, b)
        g_start(b, b)

    @pl.loop(0, RT // NB)
    def _(i):
        for b in range(NB):
            c = i * NB + b
            g_wait(b)
            di_wait(b)
            s_start(b)

            @pl.when(c + NB < RT)
            def _():
                s_wait(b)
                g_start(c + NB, b)
                di_start(c + NB, b)

    for b in range(NB):
        s_wait(b)

    plsc.subcore_barrier()
    pltpu.sync_copy(agg_sh.at[pl.ds(r0, RPT)],
                    out_hbm.at[core, pl.ds(r0, RPT)])


def _scatter(h, src2, dst1, zeros128):
    return pl.kernel(
        _scat_body,
        out_type=jax.ShapeDtypeStruct((NC, NPAD, D), jnp.float32),
        mesh=_sc_mesh(),
        scratch_types=[
            pltpu.VMEM((RT, CHUNK), jnp.int32),
            pltpu.VMEM((CHUNK,), jnp.int32),
            pltpu.VMEM((CHUNK,), jnp.int32),
            pltpu.VMEM((NB, CHUNK, D), jnp.float32),
            pltpu.VMEM_SHARED((NPAD, D), jnp.float32),
        ] + [pltpu.SemaphoreType.DMA] * (3 * NB),
    )(h, src2, dst1, zeros128)


def _v_add(r1, r2):
    @pl.loop(0, CHUNK)
    def _(r):
        for q in range(D // 16):
            sl = pl.ds(q * 16, 16)
            plsc.addupdate(r1.at[r, sl], r2[r, sl])


def _v_body(asrc, adst, src2, dst2, out_hbm,
            sidx, didx, rows1, rows2, *sems):
    g1 = sems[:NV]
    g2 = sems[NV:2 * NV]
    ws = sems[2 * NV:]
    core = lax.axis_index("c")
    sub = lax.axis_index("s")
    tid = core * NS + sub
    row0 = tid * RT
    pltpu.sync_copy(src2.at[pl.ds(row0, RT)], sidx)
    pltpu.sync_copy(dst2.at[pl.ds(row0, RT)], didx)

    def g_start(c, b):
        pltpu.async_copy(asrc.at[sidx.at[c]], rows1.at[b], g1[b])
        pltpu.async_copy(adst.at[didx.at[c]], rows2.at[b], g2[b])

    def g_wait(b):
        pltpu.make_async_copy(asrc.at[pl.ds(0, CHUNK)], rows1.at[b],
                              g1[b]).wait()
        pltpu.make_async_copy(adst.at[pl.ds(0, CHUNK)], rows2.at[b],
                              g2[b]).wait()

    def w_start(c, b):
        pltpu.async_copy(rows1.at[b],
                         out_hbm.at[pl.ds((row0 + c) * CHUNK, CHUNK)], ws[b])

    def w_wait(b):
        pltpu.make_async_copy(rows1.at[b], out_hbm.at[pl.ds(0, CHUNK)],
                              ws[b]).wait()

    for b in range(NV):
        g_start(b, b)

    @pl.loop(0, RT // NV)
    def _(i):
        for b in range(NV):
            c = i * NV + b
            g_wait(b)
            _v_add(rows1.at[b], rows2.at[b])
            w_start(c, b)

            @pl.when(c + NV < RT)
            def _():
                w_wait(b)
                g_start(c + NV, b)

    for b in range(NV):
        w_wait(b)


def _vkern(a_src, a_dst, src2, dst2):
    return pl.kernel(
        _v_body,
        out_type=jax.ShapeDtypeStruct((EP, D), jnp.float32),
        mesh=_sc_mesh(),
        scratch_types=[
            pltpu.VMEM((RT, CHUNK), jnp.int32),
            pltpu.VMEM((RT, CHUNK), jnp.int32),
            pltpu.VMEM((NV, CHUNK, D), jnp.float32),
            pltpu.VMEM((NV, CHUNK, D), jnp.float32),
        ] + [pltpu.SemaphoreType.DMA] * (3 * NV),
    )(a_src, a_dst, src2, dst2)


BM = 512
BE = 4000


def _enc_body(x_ref, w_ref, b_ref, o_ref):
    o_ref[...] = jnp.dot(x_ref[...], w_ref[...],
                         preferred_element_type=jnp.float32) + b_ref[...]


def _encode(x_pad, W, b_row):
    return pl.pallas_call(
        _enc_body,
        grid=(NPAD // BM,),
        in_specs=[
            pl.BlockSpec((BM, D), lambda i: (i, 0)),
            pl.BlockSpec((D, D), lambda i: (0, 0)),
            pl.BlockSpec((1, D), lambda i: (0, 0)),
        ],
        out_specs=pl.BlockSpec((BM, D), lambda i: (i, 0)),
        out_shape=jax.ShapeDtypeStruct((NPAD, D), jnp.float32),
    )(x_pad, W, b_row)


def _recip_body(d_ref, o_ref):
    deg = d_ref[0, :, 0:1] + d_ref[1, :, 0:1]
    o_ref[...] = 1.0 / jnp.maximum(deg, 1.0)


def _recip(deg2):
    return pl.pallas_call(
        _recip_body,
        grid=(NPAD // BM,),
        in_specs=[pl.BlockSpec((NC, BM, D), lambda i: (0, i, 0))],
        out_specs=pl.BlockSpec((BM, 1), lambda i: (i, 0)),
        out_shape=jax.ShapeDtypeStruct((NPAD, 1), jnp.float32),
    )(deg2)


def _layer_body(a_ref, r_ref, w_ref, b_ref, o_ref):
    z = (a_ref[0] + a_ref[1]) * r_ref[...]
    o_ref[...] = jax.nn.relu(
        jnp.dot(z, w_ref[...], preferred_element_type=jnp.float32)
        + b_ref[...])


def _layer(agg2, recip, W, b_row):
    return pl.pallas_call(
        _layer_body,
        grid=(NPAD // BM,),
        in_specs=[
            pl.BlockSpec((NC, BM, D), lambda i: (0, i, 0)),
            pl.BlockSpec((BM, 1), lambda i: (i, 0)),
            pl.BlockSpec((D, D), lambda i: (0, 0)),
            pl.BlockSpec((1, D), lambda i: (0, 0)),
        ],
        out_specs=pl.BlockSpec((BM, D), lambda i: (i, 0)),
        out_shape=jax.ShapeDtypeStruct((NPAD, D), jnp.float32),
    )(agg2, recip, W, b_row)


def _layer3_body(a_ref, r_ref, w_ref, b_ref, ws_ref, wd_ref, os_ref, od_ref):
    z = (a_ref[0] + a_ref[1]) * r_ref[...]
    h = jax.nn.relu(
        jnp.dot(z, w_ref[...], preferred_element_type=jnp.float32)
        + b_ref[...])
    os_ref[...] = jnp.dot(h, ws_ref[...], preferred_element_type=jnp.float32)
    od_ref[...] = jnp.dot(h, wd_ref[...], preferred_element_type=jnp.float32)


def _layer3(agg2, recip, W, b_row, W_src, W_dst):
    return pl.pallas_call(
        _layer3_body,
        grid=(NPAD // BM,),
        in_specs=[
            pl.BlockSpec((NC, BM, D), lambda i: (0, i, 0)),
            pl.BlockSpec((BM, 1), lambda i: (i, 0)),
            pl.BlockSpec((D, D), lambda i: (0, 0)),
            pl.BlockSpec((1, D), lambda i: (0, 0)),
            pl.BlockSpec((D, D), lambda i: (0, 0)),
            pl.BlockSpec((D, D), lambda i: (0, 0)),
        ],
        out_specs=[
            pl.BlockSpec((BM, D), lambda i: (i, 0)),
            pl.BlockSpec((BM, D), lambda i: (i, 0)),
        ],
        out_shape=[
            jax.ShapeDtypeStruct((NPAD, D), jnp.float32),
            jax.ShapeDtypeStruct((NPAD, D), jnp.float32),
        ],
    )(agg2, recip, W, b_row, W_src, W_dst)


def _score_body(v_ref, e_ref, we_ref, be_ref, wo_ref, bo_ref, o_ref):
    eh = jnp.dot(e_ref[...], we_ref[...],
                 preferred_element_type=jnp.float32) + be_ref[...]
    t = jax.nn.relu(v_ref[...] + eh)
    o_ref[...] = jnp.sum(t * wo_ref[...], axis=1, keepdims=True) + bo_ref[...]


def _score(V, e_full, W_edge, be_row, wo_row, bo_11):
    return pl.pallas_call(
        _score_body,
        grid=(E // BE,),
        in_specs=[
            pl.BlockSpec((BE, D), lambda i: (i, 0)),
            pl.BlockSpec((BE, DE), lambda i: (i, 0)),
            pl.BlockSpec((DE, D), lambda i: (0, 0)),
            pl.BlockSpec((1, D), lambda i: (0, 0)),
            pl.BlockSpec((1, D), lambda i: (0, 0)),
            pl.BlockSpec((1, 1), lambda i: (0, 0)),
        ],
        out_specs=pl.BlockSpec((BE, 1), lambda i: (i, 0)),
        out_shape=jax.ShapeDtypeStruct((E, 1), jnp.float32),
    )(V, e_full, W_edge, be_row, wo_row, bo_11)


def kernel(x, edge_index, e, W_node, b_node, W_edge, b_edge,
           W_gcn0, b_gcn0, W_gcn1, b_gcn1, W_gcn2, b_gcn2,
           W_src, W_dst, w_out, b_out):
    pad = N + jnp.arange(EP - E, dtype=jnp.int32) % (NPAD - N)
    src1 = jnp.concatenate([edge_index[0].astype(jnp.int32), pad])
    dst1 = jnp.concatenate([edge_index[1].astype(jnp.int32), pad])
    src2 = src1.reshape(ER, CHUNK)
    dst2 = dst1.reshape(ER, CHUNK)
    x_pad = jnp.pad(x, ((0, NPAD - N), (0, 0)))
    zeros128 = jnp.zeros((NPAD, D), jnp.float32)
    ones128 = jnp.ones((CHUNK, D), jnp.float32)

    deg2 = _deg(dst2, ones128, zeros128)
    h = _encode(x_pad, W_node, b_node.reshape(1, D))
    recip = _recip(deg2)
    for W, b in ((W_gcn0, b_gcn0), (W_gcn1, b_gcn1)):
        agg2 = _scatter(h, src2, dst1, zeros128)
        h = _layer(agg2, recip, W, b.reshape(1, D))
    agg2 = _scatter(h, src2, dst1, zeros128)
    a_src, a_dst = _layer3(agg2, recip, W_gcn2, b_gcn2.reshape(1, D),
                           W_src, W_dst)

    V = _vkern(a_src, a_dst, src2, dst2)
    scores = _score(V, e, W_edge, b_edge.reshape(1, D),
                    w_out.reshape(1, D), b_out.reshape(1, 1))
    return scores[:, 0]

# --- scband reference (transcript-rebuilt; emitter-appended) ---
"""Pipeline reference for scband-graph-gcnmodel-15109694947693 (READ-ONLY COPY).

The authoritative reference and input builder live on the scoring server;
editing this copy changes nothing except your own understanding.
"""

import jax, jax.numpy as jnp
import numpy as np

N_NODES = 10000
N_EDGES = 320000
D_FEAT = 128
D_EDGE = 16
HIDDEN = 128
NUM_LAYERS = 3


def setup_inputs(seed: int = 0) -> dict:
    key = jax.random.key(seed)
    ks = jax.random.split(key, 24)
    inp = {}
    inp["x"] = jax.random.normal(ks[0], (N_NODES, D_FEAT), dtype=jnp.float32)
    inp["edge_index"] = jax.random.randint(ks[1], (2, N_EDGES), 0, N_NODES)
    inp["e"] = jax.random.normal(ks[2], (N_EDGES, D_EDGE), dtype=jnp.float32)
    # learned parameters
    inp["W_node"] = jax.random.normal(ks[3], (D_FEAT, HIDDEN), dtype=jnp.float32) * 0.05
    inp["b_node"] = jnp.zeros((HIDDEN,), dtype=jnp.float32)
    inp["W_edge"] = jax.random.normal(ks[4], (D_EDGE, HIDDEN), dtype=jnp.float32) * 0.05
    inp["b_edge"] = jnp.zeros((HIDDEN,), dtype=jnp.float32)
    for i in range(NUM_LAYERS):
        inp[f"W_gcn{i}"] = jax.random.normal(ks[5 + i], (HIDDEN, HIDDEN), dtype=jnp.float32) * 0.05
        inp[f"b_gcn{i}"] = jnp.zeros((HIDDEN,), dtype=jnp.float32)
    inp["W_src"] = jax.random.normal(ks[10], (HIDDEN, HIDDEN), dtype=jnp.float32) * 0.05
    inp["W_dst"] = jax.random.normal(ks[11], (HIDDEN, HIDDEN), dtype=jnp.float32) * 0.05
    inp["w_out"] = jax.random.normal(ks[12], (HIDDEN, 1), dtype=jnp.float32) * 0.05
    inp["b_out"] = jnp.zeros((1,), dtype=jnp.float32)
    return inp


def reference(x, edge_index, e, W_node, b_node, W_edge, b_edge,
              W_gcn0, b_gcn0, W_gcn1, b_gcn1, W_gcn2, b_gcn2,
              W_src, W_dst, w_out, b_out):
    src = edge_index[0]
    dst = edge_index[1]
    # node / edge encoders (linear projections)
    h = jnp.dot(x, W_node) + b_node
    eh = jnp.dot(e, W_edge) + b_edge
    # degree normalization for mean aggregation
    deg = jax.ops.segment_sum(jnp.ones((src.shape[0],), dtype=jnp.float32), dst,
                              num_segments=N_NODES)
    deg = jnp.clip(deg, 1.0, None)
    # GCN message-passing layers: gather -> scatter-add -> normalize -> linear -> relu
    for W, b in ((W_gcn0, b_gcn0), (W_gcn1, b_gcn1), (W_gcn2, b_gcn2)):
        msg = jnp.take(h, src, axis=0)
        agg = jax.ops.segment_sum(msg, dst, num_segments=N_NODES)
        agg = agg / deg[:, None]
        h = jax.nn.relu(jnp.dot(agg, W) + b)
    # per-edge score predictor combining src/dst node states and edge embedding
    h_src = jnp.take(h, src, axis=0)
    h_dst = jnp.take(h, dst, axis=0)
    edge_hidden = jax.nn.relu(jnp.dot(h_src, W_src) + jnp.dot(h_dst, W_dst) + eh)
    scores = jnp.dot(edge_hidden, w_out) + b_out
    return scores[:, 0]

if __name__ == "__main__":
    import jax
    _d = setup_inputs()
    print(jax.jit(kernel)(*tuple(_d.values())))

</pallas_src>

<mosaic_0001>
#map = affine_map<(d0, d1) -> (0, 0)>
#map1 = affine_map<(d0, d1) -> (0)>
#map2 = affine_map<(d0, d1) -> (0, 0, 0)>
module attributes {stable_mosaic.version = 14 : i64} {
  func.func @_scat_body(%arg0: i32, %arg1: i32, %arg2: memref<10240x128xf32, #tpu.memory_space<hbm>>, %arg3: memref<2560x128xi32, #tpu.memory_space<hbm>>, %arg4: memref<327680xi32, #tpu.memory_space<hbm>>, %arg5: memref<10240x128xf32, #tpu.memory_space<hbm>>, %arg6: memref<2x10240x128xf32, #tpu.memory_space<hbm>>, %arg7: memref<80x128xi32, #tpu.memory_space<vmem>>, %arg8: memref<128xi32, #tpu.memory_space<vmem>>, %arg9: memref<128xi32, #tpu.memory_space<vmem>>, %arg10: memref<2x128x128xf32, #tpu.memory_space<vmem>>, %arg11: memref<10240x128xf32, #tpu.memory_space<vmem_shared>>, %arg12: memref<!tpu.dma_semaphore, #tpu.memory_space<semaphore_mem>>, %arg13: memref<!tpu.dma_semaphore, #tpu.memory_space<semaphore_mem>>, %arg14: memref<!tpu.dma_semaphore, #tpu.memory_space<semaphore_mem>>, %arg15: memref<!tpu.dma_semaphore, #tpu.memory_space<semaphore_mem>>, %arg16: memref<!tpu.dma_semaphore, #tpu.memory_space<semaphore_mem>>, %arg17: memref<!tpu.dma_semaphore, #tpu.memory_space<semaphore_mem>>) attributes {dimension_semantics = [#tpu.dimension_semantics<core_parallel>, #tpu.dimension_semantics<subcore_parallel>], iteration_bounds = array<i64: 2, 16>, scalar_prefetch = 0 : i64, scratch_operands = 11 : i64, tpu.core_type = #tpu.core_type<sc_vector_subcore>, window_params = [{transform_indices = #map}, {transform_indices = #map}, {transform_indices = #map1}, {transform_indices = #map}, {transform_indices = #map2}]} {
    %mul3A = arith.constant 16 : i32
    %mul3A_0 = arith.muli %arg0, %mul3A : i32
    %add3A = arith.addi %mul3A_0, %arg1 : i32
    %mul3A_1 = arith.constant 80 : i32
    %mul3A_2 = arith.muli %add3A, %mul3A_1 : i32
    %mul3A_3 = arith.constant 80 : i32
    %mul3A_4 = arith.muli %add3A, %mul3A_3 : i32
    %mul3A_5 = arith.constant 128 : i32
    %mul3A_6 = arith.muli %mul3A_4, %mul3A_5 : i32
    %mul3A_7 = arith.constant 640 : i32
    %mul3A_8 = arith.muli %arg1, %mul3A_7 : i32
    "tpu.region"() ({
      %run_scoped3A = tpu.sem_alloc : memref<!tpu.dma_semaphore, #tpu.memory_space<semaphore_mem>>
      %dma_start3A_74 = arith.constant 0 : i32
      %dma_start3A_75 = tpu.memref_slice %arg11[%mul3A_8, %dma_start3A_74] : memref<10240x128xf32, #tpu.memory_space<vmem_shared>> -> memref<640x128xf32, #tpu.memory_space<vmem_shared>>
      %dma_start3A_76 = arith.constant 0 : i32
      %dma_start3A_77 = tpu.memref_slice %arg5[%mul3A_8, %dma_start3A_76] : memref<10240x128xf32, #tpu.memory_space<hbm>> -> memref<640x128xf32, #tpu.memory_space<hbm>>
      tpu.enqueue_dma source(%dma_start3A_77 : memref<640x128xf32, #tpu.memory_space<hbm>>) target(%dma_start3A_75 : memref<640x128xf32, #tpu.memory_space<vmem_shared>>) target_semaphore(%run_scoped3A : memref<!tpu.dma_semaphore, #tpu.memory_space<semaphore_mem>>)
      %dma_wait3A_78 = arith.constant 0 : i32
      %dma_wait3A_79 = tpu.memref_slice %arg11[%mul3A_8, %dma_wait3A_78] : memref<10240x128xf32, #tpu.memory_space<vmem_shared>> -> memref<640x128xf32, #tpu.memory_space<vmem_shared>>
      %dma_wait3A_80 = arith.constant 0 : i32
      %dma_wait3A_81 = tpu.memref_slice %arg5[%mul3A_8, %dma_wait3A_80] : memref<10240x128xf32, #tpu.memory_space<hbm>> -> memref<640x128xf32, #tpu.memory_space<hbm>>
      tpu.wait_dma2 semaphore(%run_scoped3A : memref<!tpu.dma_semaphore, #tpu.memory_space<semaphore_mem>>) src(%dma_wait3A_81 : memref<640x128xf32, #tpu.memory_space<hbm>>) dst(%dma_wait3A_79 : memref<640x128xf32, #tpu.memory_space<vmem_shared>>)
      tpu.yield
    }) : () -> ()
    "tpu.region"() ({
      %run_scoped3A = tpu.sem_alloc : memref<!tpu.dma_semaphore, #tpu.memory_space<semaphore_mem>>
      %dma_start3A_74 = arith.constant 0 : i32
      %dma_start3A_75 = tpu.memref_slice %arg3[%mul3A_2, %dma_start3A_74] : memref<2560x128xi32, #tpu.memory_space<hbm>> -> memref<80x128xi32, #tpu.memory_space<hbm>>
      %dma_start3A_76 = arith.constant 0 : i32
      %dma_start3A_77 = tpu.memref_slice %arg3[%mul3A_2, %dma_start3A_76] : memref<2560x128xi32, #tpu.memory_space<hbm>> -> memref<80x128xi32, #tpu.memory_space<hbm>>
      tpu.enqueue_dma source(%dma_start3A_77 : memref<80x128xi32, #tpu.memory_space<hbm>>) target(%arg7 : memref<80x128xi32, #tpu.memory_space<vmem>>) target_semaphore(%run_scoped3A : memref<!tpu.dma_semaphore, #tpu.memory_space<semaphore_mem>>)
      %dma_wait3A_78 = arith.constant 0 : i32
      %dma_wait3A_79 = tpu.memref_slice %arg3[%mul3A_2, %dma_wait3A_78] : memref<2560x128xi32, #tpu.memory_space<hbm>> -> memref<80x128xi32, #tpu.memory_space<hbm>>
      %dma_wait3A_80 = arith.constant 0 : i32
      %dma_wait3A_81 = tpu.memref_slice %arg3[%mul3A_2, %dma_wait3A_80] : memref<2560x128xi32, #tpu.memory_space<hbm>> -> memref<80x128xi32, #tpu.memory_space<hbm>>
      tpu.wait_dma2 semaphore(%run_scoped3A : memref<!tpu.dma_semaphore, #tpu.memory_space<semaphore_mem>>) src(%dma_wait3A_81 : memref<80x128xi32, #tpu.memory_space<hbm>>) dst(%arg7 : memref<80x128xi32, #tpu.memory_space<vmem>>)
      tpu.yield
    }) : () -> ()
    %barrier3A = arith.constant 0 : index
    tpu.barrier barrier_id(%barrier3A)
    %add3A_9 = arith.constant 0 : i32
    %add3A_10 = arith.addi %mul3A_6, %add3A_9 : i32
    %dma_start3A = tpu.memref_slice %arg4[%add3A_10] : memref<327680xi32, #tpu.memory_space<hbm>> -> memref<128xi32, #tpu.memory_space<hbm>>
    %dma_start3A_11 = tpu.memref_slice %arg4[%add3A_10] : memref<327680xi32, #tpu.memory_space<hbm>> -> memref<128xi32, #tpu.memory_space<hbm>>
    tpu.enqueue_dma source(%dma_start3A_11 : memref<128xi32, #tpu.memory_space<hbm>>) target(%arg8 : memref<128xi32, #tpu.memory_space<vmem>>) target_semaphore(%arg12 : memref<!tpu.dma_semaphore, #tpu.memory_space<semaphore_mem>>)
    %dma_start3A_12 = arith.constant 0 : i32
    %dma_start3A_13 = arith.constant 0 : i32
    %dma_start3A_14 = arith.constant 0 : i32
    %dma_start3A_15 = arith.constant 0 : i32
    %dma_start3A_16 = tpu.memref_slice %arg10[%dma_start3A_13, %dma_start3A_14, %dma_start3A_15] : memref<2x128x128xf32, #tpu.memory_space<vmem>> -> memref<1x128x128xf32, #tpu.memory_space<vmem>>
    %dma_start3A_17 = tpu.memref_squeeze %dma_start3A_16 : memref<1x128x128xf32, #tpu.memory_space<vmem>> -> memref<128x128xf32, #tpu.memory_space<vmem>>
    %dma_start3A_18 = arith.constant 0 : i32
    %dma_start3A_19 = tpu.memref_slice %arg7[%dma_start3A_12, %dma_start3A_18] : memref<80x128xi32, #tpu.memory_space<vmem>> -> memref<1x128xi32, #tpu.memory_space<vmem>>
    %dma_start3A_20 = tpu.memref_squeeze %dma_start3A_19 : memref<1x128xi32, #tpu.memory_space<vmem>> -> memref<128xi32, #tpu.memory_space<vmem>>
    %dma_start3A_21 = arith.constant 0 : i32
    %dma_start3A_22 = arith.constant 0 : i32
    %dma_start3A_23 = tpu.memref_slice %arg2[%dma_start3A_21, %dma_start3A_22] : memref<10240x128xf32, #tpu.memory_space<hbm>> -> memref<10240x128xf32, #tpu.memory_space<hbm>>
    tpu.enqueue_indirect_dma source(%dma_start3A_23 : memref<10240x128xf32, #tpu.memory_space<hbm>>) target(%dma_start3A_17 : memref<128x128xf32, #tpu.memory_space<vmem>>) offsets(%dma_start3A_20 : memref<128xi32, #tpu.memory_space<vmem>>) semaphore(%arg14 : memref<!tpu.dma_semaphore, #tpu.memory_space<semaphore_mem>>)
    %add3A_24 = arith.constant 128 : i32
    %add3A_25 = arith.addi %mul3A_6, %add3A_24 : i32
    %dma_start3A_26 = tpu.memref_slice %arg4[%add3A_25] : memref<327680xi32, #tpu.memory_space<hbm>> -> memref<128xi32, #tpu.memory_space<hbm>>
    %dma_start3A_27 = tpu.memref_slice %arg4[%add3A_25] : memref<327680xi32, #tpu.memory_space<hbm>> -> memref<128xi32, #tpu.memory_space<hbm>>
    tpu.enqueue_dma source(%dma_start3A_27 : memref<128xi32, #tpu.memory_space<hbm>>) target(%arg9 : memref<128xi32, #tpu.memory_space<vmem>>) target_semaphore(%arg13 : memref<!tpu.dma_semaphore, #tpu.memory_space<semaphore_mem>>)
    %dma_start3A_28 = arith.constant 1 : i32
    %dma_start3A_29 = arith.constant 1 : i32
    %dma_start3A_30 = arith.constant 0 : i32
    %dma_start3A_31 = arith.constant 0 : i32
    %dma_start3A_32 = tpu.memref_slice %arg10[%dma_start3A_29, %dma_start3A_30, %dma_start3A_31] : memref<2x128x128xf32, #tpu.memory_space<vmem>> -> memref<1x128x128xf32, #tpu.memory_space<vmem>>
    %dma_start3A_33 = tpu.memref_squeeze %dma_start3A_32 : memref<1x128x128xf32, #tpu.memory_space<vmem>> -> memref<128x128xf32, #tpu.memory_space<vmem>>
    %dma_start3A_34 = arith.constant 0 : i32
    %dma_start3A_35 = tpu.memref_slice %arg7[%dma_start3A_28, %dma_start3A_34] : memref<80x128xi32, #tpu.memory_space<vmem>> -> memref<1x128xi32, #tpu.memory_space<vmem>>
    %dma_start3A_36 = tpu.memref_squeeze %dma_start3A_35 : memref<1x128xi32, #tpu.memory_space<vmem>> -> memref<128xi32, #tpu.memory_space<vmem>>
    %dma_start3A_37 = arith.constant 0 : i32
    %dma_start3A_38 = arith.constant 0 : i32
    %dma_start3A_39 = tpu.memref_slice %arg2[%dma_start3A_37, %dma_start3A_38] : memref<10240x128xf32, #tpu.memory_space<hbm>> -> memref<10240x128xf32, #tpu.memory_space<hbm>>
    tpu.enqueue_indirect_dma source(%dma_start3A_39 : memref<10240x128xf32, #tpu.memory_space<hbm>>) target(%dma_start3A_33 : memref<128x128xf32, #tpu.memory_space<vmem>>) offsets(%dma_start3A_36 : memref<128xi32, #tpu.memory_space<vmem>>) semaphore(%arg15 : memref<!tpu.dma_semaphore, #tpu.memory_space<semaphore_mem>>)
    %scan3A = arith.constant 0 : i32
    %scan3A_40 = arith.constant 40 : i32
    %scan3A_41 = arith.addi %scan3A, %scan3A_40 : i32
    %scan3A_42 = arith.constant 1 : i32
    scf.for %scan3A_74 = %scan3A to %scan3A_41 step %scan3A_42  : i32 {
      %mul3A_75 = arith.constant 1 : i32
      %mul3A_76 = arith.muli %scan3A_74, %mul3A_75 : i32
      %add3A_77 = arith.constant 0 : i32
      %add3A_78 = arith.addi %add3A_77, %mul3A_76 : i32
      %mul3A_79 = arith.constant 2 : i32
      %mul3A_80 = arith.muli %add3A_78, %mul3A_79 : i32
      %add3A_81 = arith.constant 0 : i32
      %add3A_82 = arith.addi %mul3A_80, %add3A_81 : i32
      %dma_wait3A_83 = arith.constant 0 : i32
      %dma_wait3A_84 = arith.constant 0 : i32
      %dma_wait3A_85 = arith.constant 0 : i32
      %dma_wait3A_86 = tpu.memref_slice %arg10[%dma_wait3A_83, %dma_wait3A_84, %dma_wait3A_85] : memref<2x128x128xf32, #tpu.memory_space<vmem>> -> memref<1x128x128xf32, #tpu.memory_space<vmem>>
      %dma_wait3A_87 = tpu.memref_squeeze %dma_wait3A_86 : memref<1x128x128xf32, #tpu.memory_space<vmem>> -> memref<128x128xf32, #tpu.memory_space<vmem>>
      %dma_wait3A_88 = arith.constant 0 : i32
      %dma_wait3A_89 = arith.constant 0 : i32
      %dma_wait3A_90 = tpu.memref_slice %arg2[%dma_wait3A_88, %dma_wait3A_89] : memref<10240x128xf32, #tpu.memory_space<hbm>> -> memref<128x128xf32, #tpu.memory_space<hbm>>
      %dma_wait3A_91 = arith.constant 0 : i32
      %dma_wait3A_92 = arith.constant 0 : i32
      %dma_wait3A_93 = tpu.memref_slice %arg10[%dma_wait3A_83, %dma_wait3A_91, %dma_wait3A_92] : memref<2x128x128xf32, #tpu.memory_space<vmem>> -> memref<1x128x128xf32, #tpu.memory_space<vmem>>
      %dma_wait3A_94 = tpu.memref_squeeze %dma_wait3A_93 : memref<1x128x128xf32, #tpu.memory_space<vmem>> -> memref<128x128xf32, #tpu.memory_space<vmem>>
      %dma_wait3A_95 = arith.constant 0 : i32
      %dma_wait3A_96 = arith.constant 0 : i32
      %dma_wait3A_97 = tpu.memref_slice %arg2[%dma_wait3A_95, %dma_wait3A_96] : memref<10240x128xf32, #tpu.memory_space<hbm>> -> memref<128x128xf32, #tpu.memory_space<hbm>>
      tpu.wait_dma2 semaphore(%arg14 : memref<!tpu.dma_semaphore, #tpu.memory_space<semaphore_mem>>) src(%dma_wait3A_97 : memref<128x128xf32, #tpu.memory_space<hbm>>) dst(%dma_wait3A_94 : memref<128x128xf32, #tpu.memory_space<vmem>>)
      %dma_wait3A_98 = arith.constant 0 : i32
      %dma_wait3A_99 = tpu.memref_slice %arg4[%dma_wait3A_98] : memref<327680xi32, #tpu.memory_space<hbm>> -> memref<128xi32, #tpu.memory_space<hbm>>
      %dma_wait3A_100 = arith.constant 0 : i32
      %dma_wait3A_101 = tpu.memref_slice %arg4[%dma_wait3A_100] : memref<327680xi32, #tpu.memory_space<hbm>> -> memref<128xi32, #tpu.memory_space<hbm>>
      tpu.wait_dma2 semaphore(%arg12 : memref<!tpu.dma_semaphore, #tpu.memory_space<semaphore_mem>>) src(%dma_wait3A_101 : memref<128xi32, #tpu.memory_space<hbm>>) dst(%arg8 : memref<128xi32, #tpu.memory_space<vmem>>)
      %dma_start3A_102 = arith.constant 0 : i32
      %dma_start3A_103 = arith.constant 0 : i32
      %dma_start3A_104 = arith.constant 0 : i32
      %dma_start3A_105 = tpu.memref_slice %arg10[%dma_start3A_102, %dma_start3A_103, %dma_start3A_104] : memref<2x128x128xf32, #tpu.memory_space<vmem>> -> memref<1x128x128xf32, #tpu.memory_space<vmem>>
      %dma_start3A_106 = tpu.memref_squeeze %dma_start3A_105 : memref<1x128x128xf32, #tpu.memory_space<vmem>> -> memref<128x128xf32, #tpu.memory_space<vmem>>
      %dma_start3A_107 = arith.constant 0 : i32
      %dma_start3A_108 = arith.constant 0 : i32
      %dma_start3A_109 = tpu.memref_slice %arg11[%dma_start3A_107, %dma_start3A_108] : memref<10240x128xf32, #tpu.memory_space<vmem_shared>> -> memref<10240x128xf32, #tpu.memory_space<vmem_shared>>
      tpu.enqueue_indirect_dma source(%dma_start3A_106 : memref<128x128xf32, #tpu.memory_space<vmem>>) target(%dma_start3A_109 : memref<10240x128xf32, #tpu.memory_space<vmem_shared>>) offsets(%arg8 : memref<128xi32, #tpu.memory_space<vmem>>) semaphore(%arg16 : memref<!tpu.dma_semaphore, #tpu.memory_space<semaphore_mem>>) {add = true}
      %add3A_110 = arith.constant 2 : i32
      %add3A_111 = arith.addi %add3A_82, %add3A_110 : i32
      %lt3A = arith.constant 80 : i32
      %lt3A_112 = arith.cmpi slt, %add3A_111, %lt3A : i32
      %convert_element_type3A = arith.extui %lt3A_112 : i1 to i32
      %cond3A = arith.constant 0 : i32
      %cond3A_113 = arith.cmpi ne, %convert_element_type3A, %cond3A : i32
      scf.if %cond3A_113 {
        %dma_wait3A_152 = arith.constant 0 : i32
        %dma_wait3A_153 = arith.constant 0 : i32
        %dma_wait3A_154 = arith.constant 0 : i32
        %dma_wait3A_155 = tpu.memref_slice %arg10[%dma_wait3A_152, %dma_wait3A_153, %dma_wait3A_154] : memref<2x128x128xf32, #tpu.memory_space<vmem>> -> memref<1x128x128xf32, #tpu.memory_space<vmem>>
        %dma_wait3A_156 = tpu.memref_squeeze %dma_wait3A_155 : memref<1x128x128xf32, #tpu.memory_space<vmem>> -> memref<128x128xf32, #tpu.memory_space<vmem>>
        %dma_wait3A_157 = arith.constant 0 : i32
        %dma_wait3A_158 = arith.constant 0 : i32
        %dma_wait3A_159 = tpu.memref_slice %arg11[%dma_wait3A_157, %dma_wait3A_158] : memref<10240x128xf32, #tpu.memory_space<vmem_shared>> -> memref<128x128xf32, #tpu.memory_space<vmem_shared>>
        %dma_wait3A_160 = arith.constant 0 : i32
        %dma_wait3A_161 = arith.constant 0 : i32
        %dma_wait3A_162 = tpu.memref_slice %arg11[%dma_wait3A_160, %dma_wait3A_161] : memref<10240x128xf32, #tpu.memory_space<vmem_shared>> -> memref<128x128xf32, #tpu.memory_space<vmem_shared>>
        %dma_wait3A_163 = arith.constant 0 : i32
        %dma_wait3A_164 = arith.constant 0 : i32
        %dma_wait3A_165 = tpu.memref_slice %arg10[%dma_wait3A_152, %dma_wait3A_163, %dma_wait3A_164] : memref<2x128x128xf32, #tpu.memory_space<vmem>> -> memref<1x128x128xf32, #tpu.memory_space<vmem>>
        %dma_wait3A_166 = tpu.memref_squeeze %dma_wait3A_165 : memref<1x128x128xf32, #tpu.memory_space<vmem>> -> memref<128x128xf32, #tpu.memory_space<vmem>>
        tpu.wait_dma2 semaphore(%arg16 : memref<!tpu.dma_semaphore, #tpu.memory_space<semaphore_mem>>) src(%dma_wait3A_166 : memref<128x128xf32, #tpu.memory_space<vmem>>) dst(%dma_wait3A_162 : memref<128x128xf32, #tpu.memory_space<vmem_shared>>)
        %add3A_167 = arith.constant 2 : i32
        %add3A_168 = arith.addi %add3A_82, %add3A_167 : i32
        %dma_start3A_169 = arith.constant 0 : i32
        %dma_start3A_170 = arith.constant 0 : i32
        %dma_start3A_171 = arith.constant 0 : i32
        %dma_start3A_172 = tpu.memref_slice %arg10[%dma_start3A_169, %dma_start3A_170, %dma_start3A_171] : memref<2x128x128xf32, #tpu.memory_space<vmem>> -> memref<1x128x128xf32, #tpu.memory_space<vmem>>
        %dma_start3A_173 = tpu.memref_squeeze %dma_start3A_172 : memref<1x128x128xf32, #tpu.memory_space<vmem>> -> memref<128x128xf32, #tpu.memory_space<vmem>>
        %dma_start3A_174 = arith.constant 0 : i32
        %dma_start3A_175 = tpu.memref_slice %arg7[%add3A_168, %dma_start3A_174] : memref<80x128xi32, #tpu.memory_space<vmem>> -> memref<1x128xi32, #tpu.memory_space<vmem>>
        %dma_start3A_176 = tpu.memref_squeeze %dma_start3A_175 : memref<1x128xi32, #tpu.memory_space<vmem>> -> memref<128xi32, #tpu.memory_space<vmem>>
        %dma_start3A_177 = arith.constant 0 : i32
        %dma_start3A_178 = arith.constant 0 : i32
        %dma_start3A_179 = tpu.memref_slice %arg2[%dma_start3A_177, %dma_start3A_178] : memref<10240x128xf32, #tpu.memory_space<hbm>> -> memref<10240x128xf32, #tpu.memory_space<hbm>>
        tpu.enqueue_indirect_dma source(%dma_start3A_179 : memref<10240x128xf32, #tpu.memory_space<hbm>>) target(%dma_start3A_173 : memref<128x128xf32, #tpu.memory_space<vmem>>) offsets(%dma_start3A_176 : memref<128xi32, #tpu.memory_space<vmem>>) semaphore(%arg14 : memref<!tpu.dma_semaphore, #tpu.memory_space<semaphore_mem>>)
        %add3A_180 = arith.constant 2 : i32
        %add3A_181 = arith.addi %add3A_82, %add3A_180 : i32
        %mul3A_182 = arith.constant 128 : i32
        %mul3A_183 = arith.muli %add3A_181, %mul3A_182 : i32
        %add3A_184 = arith.addi %mul3A_6, %mul3A_183 : i32
        %dma_start3A_185 = tpu.memref_slice %arg4[%add3A_184] : memref<327680xi32, #tpu.memory_space<hbm>> -> memref<128xi32, #tpu.memory_space<hbm>>
        %dma_start3A_186 = tpu.memref_slice %arg4[%add3A_184] : memref<327680xi32, #tpu.memory_space<hbm>> -> memref<128xi32, #tpu.memory_space<hbm>>
        tpu.enqueue_dma source(%dma_start3A_186 : memref<128xi32, #tpu.memory_space<hbm>>) target(%arg8 : memref<128xi32, #tpu.memory_space<vmem>>) target_semaphore(%arg12 : memref<!tpu.dma_semaphore, #tpu.memory_space<semaphore_mem>>)
      } else {
      }
      %mul3A_114 = arith.constant 2 : i32
      %mul3A_115 = arith.muli %add3A_78, %mul3A_114 : i32
      %add3A_116 = arith.constant 1 : i32
      %add3A_117 = arith.addi %mul3A_115, %add3A_116 : i32
      %dma_wait3A_118 = arith.constant 1 : i32
      %dma_wait3A_119 = arith.constant 0 : i32
      %dma_wait3A_120 = arith.constant 0 : i32
      %dma_wait3A_121 = tpu.memref_slice %arg10[%dma_wait3A_118, %dma_wait3A_119, %dma_wait3A_120] : memref<2x128x128xf32, #tpu.memory_space<vmem>> -> memref<1x128x128xf32, #tpu.memory_space<vmem>>
      %dma_wait3A_122 = tpu.memref_squeeze %dma_wait3A_121 : memref<1x128x128xf32, #tpu.memory_space<vmem>> -> memref<128x128xf32, #tpu.memory_space<vmem>>
      %dma_wait3A_123 = arith.constant 0 : i32
      %dma_wait3A_124 = arith.constant 0 : i32
      %dma_wait3A_125 = tpu.memref_slice %arg2[%dma_wait3A_123, %dma_wait3A_124] : memref<10240x128xf32, #tpu.memory_space<hbm>> -> memref<128x128xf32, #tpu.memory_space<hbm>>
      %dma_wait3A_126 = arith.constant 0 : i32
      %dma_wait3A_127 = arith.constant 0 : i32
      %dma_wait3A_128 = tpu.memref_slice %arg10[%dma_wait3A_118, %dma_wait3A_126, %dma_wait3A_127] : memref<2x128x128xf32, #tpu.memory_space<vmem>> -> memref<1x128x128xf32, #tpu.memory_space<vmem>>
      %dma_wait3A_129 = tpu.memref_squeeze %dma_wait3A_128 : memref<1x128x128xf32, #tpu.memory_space<vmem>> -> memref<128x128xf32, #tpu.memory_space<vmem>>
      %dma_wait3A_130 = arith.constant 0 : i32
      %dma_wait3A_131 = arith.constant 0 : i32
      %dma_wait3A_132 = tpu.memref_slice %arg2[%dma_wait3A_130, %dma_wait3A_131] : memref<10240x128xf32, #tpu.memory_space<hbm>> -> memref<128x128xf32, #tpu.memory_space<hbm>>
      tpu.wait_dma2 semaphore(%arg15 : memref<!tpu.dma_semaphore, #tpu.memory_space<semaphore_mem>>) src(%dma_wait3A_132 : memref<128x128xf32, #tpu.memory_space<hbm>>) dst(%dma_wait3A_129 : memref<128x128xf32, #tpu.memory_space<vmem>>)
      %dma_wait3A_133 = arith.constant 0 : i32
      %dma_wait3A_134 = tpu.memref_slice %arg4[%dma_wait3A_133] : memref<327680xi32, #tpu.memory_space<hbm>> -> memref<128xi32, #tpu.memory_space<hbm>>
      %dma_wait3A_135 = arith.constant 0 : i32
      %dma_wait3A_136 = tpu.memref_slice %arg4[%dma_wait3A_135] : memref<327680xi32, #tpu.memory_space<hbm>> -> memref<128xi32, #tpu.memory_space<hbm>>
      tpu.wait_dma2 semaphore(%arg13 : memref<!tpu.dma_semaphore, #tpu.memory_space<semaphore_mem>>) src(%dma_wait3A_136 : memref<128xi32, #tpu.memory_space<hbm>>) dst(%arg9 : memref<128xi32, #tpu.memory_space<vmem>>)
      %dma_start3A_137 = arith.constant 1 : i32
      %dma_start3A_138 = arith.constant 0 : i32
      %dma_start3A_139 = arith.constant 0 : i32
      %dma_start3A_140 = tpu.memref_slice %arg10[%dma_start3A_137, %dma_start3A_138, %dma_start3A_139] : memref<2x128x128xf32, #tpu.memory_space<vmem>> -> memref<1x128x128xf32, #tpu.memory_space<vmem>>
      %dma_start3A_141 = tpu.memref_squeeze %dma_start3A_140 : memref<1x128x128xf32, #tpu.memory_space<vmem>> -> memref<128x128xf32, #tpu.memory_space<vmem>>
      %dma_start3A_142 = arith.constant 0 : i32
      %dma_start3A_143 = arith.constant 0 : i32
      %dma_start3A_144 = tpu.memref_slice %arg11[%dma_start3A_142, %dma_start3A_143] : memref<10240x128xf32, #tpu.memory_space<vmem_shared>> -> memref<10240x128xf32, #tpu.memory_space<vmem_shared>>
      tpu.enqueue_indirect_dma source(%dma_start3A_141 : memref<128x128xf32, #tpu.memory_space<vmem>>) target(%dma_start3A_144 : memref<10240x128xf32, #tpu.memory_space<vmem_shared>>) offsets(%arg9 : memref<128xi32, #tpu.memory_space<vmem>>) semaphore(%arg17 : memref<!tpu.dma_semaphore, #tpu.memory_space<semaphore_mem>>) {add = true}
      %add3A_145 = arith.constant 2 : i32
      %add3A_146 = arith.addi %add3A_117, %add3A_145 : i32
      %lt3A_147 = arith.constant 80 : i32
      %lt3A_148 = arith.cmpi slt, %add3A_146, %lt3A_147 : i32
      %convert_element_type3A_149 = arith.extui %lt3A_148 : i1 to i32
      %cond3A_150 = arith.constant 0 : i32
      %cond3A_151 = arith.cmpi ne, %convert_element_type3A_149, %cond3A_150 : i32
      scf.if %cond3A_151 {
        %dma_wait3A_152 = arith.constant 1 : i32
        %dma_wait3A_153 = arith.constant 0 : i32
        %dma_wait3A_154 = arith.constant 0 : i32
        %dma_wait3A_155 = tpu.memref_slice %arg10[%dma_wait3A_152, %dma_wait3A_153, %dma_wait3A_154] : memref<2x128x128xf32, #tpu.memory_space<vmem>> -> memref<1x128x128xf32, #tpu.memory_space<vmem>>
        %dma_wait3A_156 = tpu.memref_squeeze %dma_wait3A_155 : memref<1x128x128xf32, #tpu.memory_space<vmem>> -> memref<128x128xf32, #tpu.memory_space<vmem>>
        %dma_wait3A_157 = arith.constant 0 : i32
        %dma_wait3A_158 = arith.constant 0 : i32
        %dma_wait3A_159 = tpu.memref_slice %arg11[%dma_wait3A_157, %dma_wait3A_158] : memref<10240x128xf32, #tpu.memory_space<vmem_shared>> -> memref<128x128xf32, #tpu.memory_space<vmem_shared>>
        %dma_wait3A_160 = arith.constant 0 : i32
        %dma_wait3A_161 = arith.constant 0 : i32
        %dma_wait3A_162 = tpu.memref_slice %arg11[%dma_wait3A_160, %dma_wait3A_161] : memref<10240x128xf32, #tpu.memory_space<vmem_shared>> -> memref<128x128xf32, #tpu.memory_space<vmem_shared>>
        %dma_wait3A_163 = arith.constant 0 : i32
        %dma_wait3A_164 = arith.constant 0 : i32
        %dma_wait3A_165 = tpu.memref_slice %arg10[%dma_wait3A_152, %dma_wait3A_163, %dma_wait3A_164] : memref<2x128x128xf32, #tpu.memory_space<vmem>> -> memref<1x128x128xf32, #tpu.memory_space<vmem>>
        %dma_wait3A_166 = tpu.memref_squeeze %dma_wait3A_165 : memref<1x128x128xf32, #tpu.memory_space<vmem>> -> memref<128x128xf32, #tpu.memory_space<vmem>>
        tpu.wait_dma2 semaphore(%arg17 : memref<!tpu.dma_semaphore, #tpu.memory_space<semaphore_mem>>) src(%dma_wait3A_166 : memref<128x128xf32, #tpu.memory_space<vmem>>) dst(%dma_wait3A_162 : memref<128x128xf32, #tpu.memory_space<vmem_shared>>)
        %add3A_167 = arith.constant 2 : i32
        %add3A_168 = arith.addi %add3A_117, %add3A_167 : i32
        %dma_start3A_169 = arith.constant 1 : i32
        %dma_start3A_170 = arith.constant 0 : i32
        %dma_start3A_171 = arith.constant 0 : i32
        %dma_start3A_172 = tpu.memref_slice %arg10[%dma_start3A_169, %dma_start3A_170, %dma_start3A_171] : memref<2x128x128xf32, #tpu.memory_space<vmem>> -> memref<1x128x128xf32, #tpu.memory_space<vmem>>
        %dma_start3A_173 = tpu.memref_squeeze %dma_start3A_172 : memref<1x128x128xf32, #tpu.memory_space<vmem>> -> memref<128x128xf32, #tpu.memory_space<vmem>>
        %dma_start3A_174 = arith.constant 0 : i32
        %dma_start3A_175 = tpu.memref_slice %arg7[%add3A_168, %dma_start3A_174] : memref<80x128xi32, #tpu.memory_space<vmem>> -> memref<1x128xi32, #tpu.memory_space<vmem>>
        %dma_start3A_176 = tpu.memref_squeeze %dma_start3A_175 : memref<1x128xi32, #tpu.memory_space<vmem>> -> memref<128xi32, #tpu.memory_space<vmem>>
        %dma_start3A_177 = arith.constant 0 : i32
        %dma_start3A_178 = arith.constant 0 : i32
        %dma_start3A_179 = tpu.memref_slice %arg2[%dma_start3A_177, %dma_start3A_178] : memref<10240x128xf32, #tpu.memory_space<hbm>> -> memref<10240x128xf32, #tpu.memory_space<hbm>>
        tpu.enqueue_indirect_dma source(%dma_start3A_179 : memref<10240x128xf32, #tpu.memory_space<hbm>>) target(%dma_start3A_173 : memref<128x128xf32, #tpu.memory_space<vmem>>) offsets(%dma_start3A_176 : memref<128xi32, #tpu.memory_space<vmem>>) semaphore(%arg15 : memref<!tpu.dma_semaphore, #tpu.memory_space<semaphore_mem>>)
        %add3A_180 = arith.constant 2 : i32
        %add3A_181 = arith.addi %add3A_117, %add3A_180 : i32
        %mul3A_182 = arith.constant 128 : i32
        %mul3A_183 = arith.muli %add3A_181, %mul3A_182 : i32
        %add3A_184 = arith.addi %mul3A_6, %mul3A_183 : i32
        %dma_start3A_185 = tpu.memref_slice %arg4[%add3A_184] : memref<327680xi32, #tpu.memory_space<hbm>> -> memref<128xi32, #tpu.memory_space<hbm>>
        %dma_start3A_186 = tpu.memref_slice %arg4[%add3A_184] : memref<327680xi32, #tpu.memory_space<hbm>> -> memref<128xi32, #tpu.memory_space<hbm>>
        tpu.enqueue_dma source(%dma_start3A_186 : memref<128xi32, #tpu.memory_space<hbm>>) target(%arg9 : memref<128xi32, #tpu.memory_space<vmem>>) target_semaphore(%arg13 : memref<!tpu.dma_semaphore, #tpu.memory_space<semaphore_mem>>)
      } else {
      }
    }
    %scan3A_43 = arith.constant 40 : i32
    %dma_wait3A = arith.constant 0 : i32
    %dma_wait3A_44 = arith.constant 0 : i32
    %dma_wait3A_45 = arith.constant 0 : i32
    %dma_wait3A_46 = tpu.memref_slice %arg10[%dma_wait3A, %dma_wait3A_44, %dma_wait3A_45] : memref<2x128x128xf32, #tpu.memory_space<vmem>> -> memref<1x128x128xf32, #tpu.memory_space<vmem>>
    %dma_wait3A_47 = tpu.memref_squeeze %dma_wait3A_46 : memref<1x128x128xf32, #tpu.memory_space<vmem>> -> memref<128x128xf32, #tpu.memory_space<vmem>>
    %dma_wait3A_48 = arith.constant 0 : i32
    %dma_wait3A_49 = arith.constant 0 : i32
    %dma_wait3A_50 = tpu.memref_slice %arg11[%dma_wait3A_48, %dma_wait3A_49] : memref<10240x128xf32, #tpu.memory_space<vmem_shared>> -> memref<128x128xf32, #tpu.memory_space<vmem_shared>>
    %dma_wait3A_51 = arith.constant 0 : i32
    %dma_wait3A_52 = arith.constant 0 : i32
    %dma_wait3A_53 = tpu.memref_slice %arg11[%dma_wait3A_51, %dma_wait3A_52] : memref<10240x128xf32, #tpu.memory_space<vmem_shared>> -> memref<128x128xf32, #tpu.memory_space<vmem_shared>>
    %dma_wait3A_54 = arith.constant 0 : i32
    %dma_wait3A_55 = arith.constant 0 : i32
    %dma_wait3A_56 = tpu.memref_slice %arg10[%dma_wait3A, %dma_wait3A_54, %dma_wait3A_55] : memref<2x128x128xf32, #tpu.memory_space<vmem>> -> memref<1x128x128xf32, #tpu.memory_space<vmem>>
    %dma_wait3A_57 = tpu.memref_squeeze %dma_wait3A_56 : memref<1x128x128xf32, #tpu.memory_space<vmem>> -> memref<128x128xf32, #tpu.memory_space<vmem>>
    tpu.wait_dma2 semaphore(%arg16 : memref<!tpu.dma_semaphore, #tpu.memory_space<semaphore_mem>>) src(%dma_wait3A_57 : memref<128x128xf32, #tpu.memory_space<vmem>>) dst(%dma_wait3A_53 : memref<128x128xf32, #tpu.memory_space<vmem_shared>>)
    %dma_wait3A_58 = arith.constant 1 : i32
    %dma_wait3A_59 = arith.constant 0 : i32
    %dma_wait3A_60 = arith.constant 0 : i32
    %dma_wait3A_61 = tpu.memref_slice %arg10[%dma_wait3A_58, %dma_wait3A_59, %dma_wait3A_60] : memref<2x128x128xf32, #tpu.memory_space<vmem>> -> memref<1x128x128xf32, #tpu.memory_space<vmem>>
    %dma_wait3A_62 = tpu.memref_squeeze %dma_wait3A_61 : memref<1x128x128xf32, #tpu.memory_space<vmem>> -> memref<128x128xf32, #tpu.memory_space<vmem>>
    %dma_wait3A_63 = arith.constant 0 : i32
    %dma_wait3A_64 = arith.constant 0 : i32
    %dma_wait3A_65 = tpu.memref_slice %arg11[%dma_wait3A_63, %dma_wait3A_64] : memref<10240x128xf32, #tpu.memory_space<vmem_shared>> -> memref<128x128xf32, #tpu.memory_space<vmem_shared>>
    %dma_wait3A_66 = arith.constant 0 : i32
    %dma_wait3A_67 = arith.constant 0 : i32
    %dma_wait3A_68 = tpu.memref_slice %arg11[%dma_wait3A_66, %dma_wait3A_67] : memref<10240x128xf32, #tpu.memory_space<vmem_shared>> -> memref<128x128xf32, #tpu.memory_space<vmem_shared>>
    %dma_wait3A_69 = arith.constant 0 : i32
    %dma_wait3A_70 = arith.constant 0 : i32
    %dma_wait3A_71 = tpu.memref_slice %arg10[%dma_wait3A_58, %dma_wait3A_69, %dma_wait3A_70] : memref<2x128x128xf32, #tpu.memory_space<vmem>> -> memref<1x128x128xf32, #tpu.memory_space<vmem>>
    %dma_wait3A_72 = tpu.memref_squeeze %dma_wait3A_71 : memref<1x128x128xf32, #tpu.memory_space<vmem>> -> memref<128x128xf32, #tpu.memory_space<vmem>>
    tpu.wait_dma2 semaphore(%arg17 : memref<!tpu.dma_semaphore, #tpu.memory_space<semaphore_mem>>) src(%dma_wait3A_72 : memref<128x128xf32, #tpu.memory_space<vmem>>) dst(%dma_wait3A_68 : memref<128x128xf32, #tpu.memory_space<vmem_shared>>)
    %barrier3A_73 = arith.constant 0 : index
    tpu.barrier barrier_id(%barrier3A_73)
    "tpu.region"() ({
      %run_scoped3A = tpu.sem_alloc : memref<!tpu.dma_semaphore, #tpu.memory_space<semaphore_mem>>
      %dma_start3A_74 = arith.constant 0 : i32
      %dma_start3A_75 = tpu.memref_slice %arg6[%arg0, %mul3A_8, %dma_start3A_74] : memref<2x10240x128xf32, #tpu.memory_space<hbm>> -> memref<1x640x128xf32, #tpu.memory_space<hbm>>
      %dma_start3A_76 = tpu.memref_squeeze %dma_start3A_75 : memref<1x640x128xf32, #tpu.memory_space<hbm>> -> memref<640x128xf32, #tpu.memory_space<hbm>>
      %dma_start3A_77 = arith.constant 0 : i32
      %dma_start3A_78 = tpu.memref_slice %arg11[%mul3A_8, %dma_start3A_77] : memref<10240x128xf32, #tpu.memory_space<vmem_shared>> -> memref<640x128xf32, #tpu.memory_space<vmem_shared>>
      tpu.enqueue_dma source(%dma_start3A_78 : memref<640x128xf32, #tpu.memory_space<vmem_shared>>) target(%dma_start3A_76 : memref<640x128xf32, #tpu.memory_space<hbm>>) target_semaphore(%run_scoped3A : memref<!tpu.dma_semaphore, #tpu.memory_space<semaphore_mem>>)
      %dma_wait3A_79 = arith.constant 0 : i32
      %dma_wait3A_80 = tpu.memref_slice %arg6[%arg0, %mul3A_8, %dma_wait3A_79] : memref<2x10240x128xf32, #tpu.memory_space<hbm>> -> memref<1x640x128xf32, #tpu.memory_space<hbm>>
      %dma_wait3A_81 = tpu.memref_squeeze %dma_wait3A_80 : memref<1x640x128xf32, #tpu.memory_space<hbm>> -> memref<640x128xf32, #tpu.memory_space<hbm>>
      %dma_wait3A_82 = arith.constant 0 : i32
      %dma_wait3A_83 = tpu.memref_slice %arg11[%mul3A_8, %dma_wait3A_82] : memref<10240x128xf32, #tpu.memory_space<vmem_shared>> -> memref<640x128xf32, #tpu.memory_space<vmem_shared>>
      tpu.wait_dma2 semaphore(%run_scoped3A : memref<!tpu.dma_semaphore, #tpu.memory_space<semaphore_mem>>) src(%dma_wait3A_83 : memref<640x128xf32, #tpu.memory_space<vmem_shared>>) dst(%dma_wait3A_81 : memref<640x128xf32, #tpu.memory_space<hbm>>)
      tpu.yield
    }) : () -> ()
    return
  }
}

#map = affine_map<(d0, d1) -> (0, 0)>
#map1 = affine_map<(d0, d1) -> (0)>
#map2 = affine_map<(d0, d1) -> (0, 0, 0)>
module attributes {stable_mosaic.version = 14 : i64} {
  func.func @_scat_body(%arg0: i32, %arg1: i32, %arg2: memref<10240x128xf32, #tpu.memory_space<hbm>>, %arg3: memref<2560x128xi32, #tpu.memory_space<hbm>>, %arg4: memref<327680xi32, #tpu.memory_space<hbm>>, %arg5: memref<10240x128xf32, #tpu.memory_space<hbm>>, %arg6: memref<2x10240x128xf32, #tpu.memory_space<hbm>>, %arg7: memref<80x128xi32, #tpu.memory_space<vmem>>, %arg8: memref<128xi32, #tpu.memory_space<vmem>>, %arg9: memref<128xi32, #tpu.memory_space<vmem>>, %arg10: memref<2x128x128xf32, #tpu.memory_space<vmem>>, %arg11: memref<10240x128xf32, #tpu.memory_space<vmem_shared>>, %arg12: memref<!tpu.dma_semaphore, #tpu.memory_space<semaphore_mem>>, %arg13: memref<!tpu.dma_semaphore, #tpu.memory_space<semaphore_mem>>, %arg14: memref<!tpu.dma_semaphore, #tpu.memory_space<semaphore_mem>>, %arg15: memref<!tpu.dma_semaphore, #tpu.memory_space<semaphore_mem>>, %arg16: memref<!tpu.dma_semaphore, #tpu.memory_space<semaphore_mem>>, %arg17: memref<!tpu.dma_semaphore, #tpu.memory_space<semaphore_mem>>) attributes {dimension_semantics = [#tpu.dimension_semantics<core_parallel>, #tpu.dimension_semantics<subcore_parallel>], iteration_bounds = array<i64: 2, 16>, scalar_prefetch = 0 : i64, scratch_operands = 11 : i64, tpu.core_type = #tpu.core_type<sc_vector_subcore>, window_params = [{transform_indices = #map}, {transform_indices = #map}, {transform_indices = #map1}, {transform_indices = #map}, {transform_indices = #map2}]} {
    %mul3A = arith.constant 16 : i32
    %mul3A_0 = arith.muli %arg0, %mul3A : i32
    %add3A = arith.addi %mul3A_0, %arg1 : i32
    %mul3A_1 = arith.constant 80 : i32
    %mul3A_2 = arith.muli %add3A, %mul3A_1 : i32
    %mul3A_3 = arith.constant 80 : i32
    %mul3A_4 = arith.muli %add3A, %mul3A_3 : i32
    %mul3A_5 = arith.constant 128 : i32
    %mul3A_6 = arith.muli %mul3A_4, %mul3A_5 : i32
    %mul3A_7 = arith.constant 640 : i32
    %mul3A_8 = arith.muli %arg1, %mul3A_7 : i32
    "tpu.region"() ({
      %run_scoped3A = tpu.sem_alloc : memref<!tpu.dma_semaphore, #tpu.memory_space<semaphore_mem>>
      %dma_start3A_74 = arith.constant 0 : i32
      %dma_start3A_75 = tpu.memref_slice %arg11[%mul3A_8, %dma_start3A_74] : memref<10240x128xf32, #tpu.memory_space<vmem_shared>> -> memref<640x128xf32, #tpu.memory_space<vmem_shared>>
      %dma_start3A_76 = arith.constant 0 : i32
      %dma_start3A_77 = tpu.memref_slice %arg5[%mul3A_8, %dma_start3A_76] : memref<10240x128xf32, #tpu.memory_space<hbm>> -> memref<640x128xf32, #tpu.memory_space<hbm>>
      tpu.enqueue_dma source(%dma_start3A_77 : memref<640x128xf32, #tpu.memory_space<hbm>>) target(%dma_start3A_75 : memref<640x128xf32, #tpu.memory_space<vmem_shared>>) target_semaphore(%run_scoped3A : memref<!tpu.dma_semaphore, #tpu.memory_space<semaphore_mem>>)
      %dma_wait3A_78 = arith.constant 0 : i32
      %dma_wait3A_79 = tpu.memref_slice %arg11[%mul3A_8, %dma_wait3A_78] : memref<10240x128xf32, #tpu.memory_space<vmem_shared>> -> memref<640x128xf32, #tpu.memory_space<vmem_shared>>
      %dma_wait3A_80 = arith.constant 0 : i32
      %dma_wait3A_81 = tpu.memref_slice %arg5[%mul3A_8, %dma_wait3A_80] : memref<10240x128xf32, #tpu.memory_space<hbm>> -> memref<640x128xf32, #tpu.memory_space<hbm>>
      tpu.wait_dma2 semaphore(%run_scoped3A : memref<!tpu.dma_semaphore, #tpu.memory_space<semaphore_mem>>) src(%dma_wait3A_81 : memref<640x128xf32, #tpu.memory_space<hbm>>) dst(%dma_wait3A_79 : memref<640x128xf32, #tpu.memory_space<vmem_shared>>)
      tpu.yield
    }) : () -> ()
    "tpu.region"() ({
      %run_scoped3A = tpu.sem_alloc : memref<!tpu.dma_semaphore, #tpu.memory_space<semaphore_mem>>
      %dma_start3A_74 = arith.constant 0 : i32
      %dma_start3A_75 = tpu.memref_slice %arg3[%mul3A_2, %dma_start3A_74] : memref<2560x128xi32, #tpu.memory_space<hbm>> -> memref<80x128xi32, #tpu.memory_space<hbm>>
      %dma_start3A_76 = arith.constant 0 : i32
      %dma_start3A_77 = tpu.memref_slice %arg3[%mul3A_2, %dma_start3A_76] : memref<2560x128xi32, #tpu.memory_space<hbm>> -> memref<80x128xi32, #tpu.memory_space<hbm>>
      tpu.enqueue_dma source(%dma_start3A_77 : memref<80x128xi32, #tpu.memory_space<hbm>>) target(%arg7 : memref<80x128xi32, #tpu.memory_space<vmem>>) target_semaphore(%run_scoped3A : memref<!tpu.dma_semaphore, #tpu.memory_space<semaphore_mem>>)
      %dma_wait3A_78 = arith.constant 0 : i32
      %dma_wait3A_79 = tpu.memref_slice %arg3[%mul3A_2, %dma_wait3A_78] : memref<2560x128xi32, #tpu.memory_space<hbm>> -> memref<80x128xi32, #tpu.memory_space<hbm>>
      %dma_wait3A_80 = arith.constant 0 : i32
      %dma_wait3A_81 = tpu.memref_slice %arg3[%mul3A_2, %dma_wait3A_80] : memref<2560x128xi32, #tpu.memory_space<hbm>> -> memref<80x128xi32, #tpu.memory_space<hbm>>
      tpu.wait_dma2 semaphore(%run_scoped3A : memref<!tpu.dma_semaphore, #tpu.memory_space<semaphore_mem>>) src(%dma_wait3A_81 : memref<80x128xi32, #tpu.memory_space<hbm>>) dst(%arg7 : memref<80x128xi32, #tpu.memory_space<vmem>>)
      tpu.yield
    }) : () -> ()
    %barrier3A = arith.constant 0 : index
    tpu.barrier barrier_id(%barrier3A)
    %add3A_9 = arith.constant 0 : i32
    %add3A_10 = arith.addi %mul3A_6, %add3A_9 : i32
    %dma_start3A = tpu.memref_slice %arg4[%add3A_10] : memref<327680xi32, #tpu.memory_space<hbm>> -> memref<128xi32, #tpu.memory_space<hbm>>
    %dma_start3A_11 = tpu.memref_slice %arg4[%add3A_10] : memref<327680xi32, #tpu.memory_space<hbm>> -> memref<128xi32, #tpu.memory_space<hbm>>
    tpu.enqueue_dma source(%dma_start3A_11 : memref<128xi32, #tpu.memory_space<hbm>>) target(%arg8 : memref<128xi32, #tpu.memory_space<vmem>>) target_semaphore(%arg12 : memref<!tpu.dma_semaphore, #tpu.memory_space<semaphore_mem>>)
    %dma_start3A_12 = arith.constant 0 : i32
    %dma_start3A_13 = arith.constant 0 : i32
    %dma_start3A_14 = arith.constant 0 : i32
    %dma_start3A_15 = arith.constant 0 : i32
    %dma_start3A_16 = tpu.memref_slice %arg10[%dma_start3A_13, %dma_start3A_14, %dma_start3A_15] : memref<2x128x128xf32, #tpu.memory_space<vmem>> -> memref<1x128x128xf32, #tpu.memory_space<vmem>>
    %dma_start3A_17 = tpu.memref_squeeze %dma_start3A_16 : memref<1x128x128xf32, #tpu.memory_space<vmem>> -> memref<128x128xf32, #tpu.memory_space<vmem>>
    %dma_start3A_18 = arith.constant 0 : i32
    %dma_start3A_19 = tpu.memref_slice %arg7[%dma_start3A_12, %dma_start3A_18] : memref<80x128xi32, #tpu.memory_space<vmem>> -> memref<1x128xi32, #tpu.memory_space<vmem>>
    %dma_start3A_20 = tpu.memref_squeeze %dma_start3A_19 : memref<1x128xi32, #tpu.memory_space<vmem>> -> memref<128xi32, #tpu.memory_space<vmem>>
    %dma_start3A_21 = arith.constant 0 : i32
    %dma_start3A_22 = arith.constant 0 : i32
    %dma_start3A_23 = tpu.memref_slice %arg2[%dma_start3A_21, %dma_start3A_22] : memref<10240x128xf32, #tpu.memory_space<hbm>> -> memref<10240x128xf32, #tpu.memory_space<hbm>>
    tpu.enqueue_indirect_dma source(%dma_start3A_23 : memref<10240x128xf32, #tpu.memory_space<hbm>>) target(%dma_start3A_17 : memref<128x128xf32, #tpu.memory_space<vmem>>) offsets(%dma_start3A_20 : memref<128xi32, #tpu.memory_space<vmem>>) semaphore(%arg14 : memref<!tpu.dma_semaphore, #tpu.memory_space<semaphore_mem>>)
    %add3A_24 = arith.constant 128 : i32
    %add3A_25 = arith.addi %mul3A_6, %add3A_24 : i32
    %dma_start3A_26 = tpu.memref_slice %arg4[%add3A_25] : memref<327680xi32, #tpu.memory_space<hbm>> -> memref<128xi32, #tpu.memory_space<hbm>>
    %dma_start3A_27 = tpu.memref_slice %arg4[%add3A_25] : memref<327680xi32, #tpu.memory_space<hbm>> -> memref<128xi32, #tpu.memory_space<hbm>>
    tpu.enqueue_dma source(%dma_start3A_27 : memref<128xi32, #tpu.memory_space<hbm>>) target(%arg9 : memref<128xi32, #tpu.memory_space<vmem>>) target_semaphore(%arg13 : memref<!tpu.dma_semaphore, #tpu.memory_space<semaphore_mem>>)
    %dma_start3A_28 = arith.constant 1 : i32
    %dma_start3A_29 = arith.constant 1 : i32
    %dma_start3A_30 = arith.constant 0 : i32
    %dma_start3A_31 = arith.constant 0 : i32
    %dma_start3A_32 = tpu.memref_slice %arg10[%dma_start3A_29, %dma_start3A_30, %dma_start3A_31] : memref<2x128x128xf32, #tpu.memory_space<vmem>> -> memref<1x128x128xf32, #tpu.memory_space<vmem>>
    %dma_start3A_33 = tpu.memref_squeeze %dma_start3A_32 : memref<1x128x128xf32, #tpu.memory_space<vmem>> -> memref<128x128xf32, #tpu.memory_space<vmem>>
    %dma_start3A_34 = arith.constant 0 : i32
    %dma_start3A_35 = tpu.memref_slice %arg7[%dma_start3A_28, %dma_start3A_34] : memref<80x128xi32, #tpu.memory_space<vmem>> -> memref<1x128xi32, #tpu.memory_space<vmem>>
    %dma_start3A_36 = tpu.memref_squeeze %dma_start3A_35 : memref<1x128xi32, #tpu.memory_space<vmem>> -> memref<128xi32, #tpu.memory_space<vmem>>
    %dma_start3A_37 = arith.constant 0 : i32
    %dma_start3A_38 = arith.constant 0 : i32
    %dma_start3A_39 = tpu.memref_slice %arg2[%dma_start3A_37, %dma_start3A_38] : memref<10240x128xf32, #tpu.memory_space<hbm>> -> memref<10240x128xf32, #tpu.memory_space<hbm>>
    tpu.enqueue_indirect_dma source(%dma_start3A_39 : memref<10240x128xf32, #tpu.memory_space<hbm>>) target(%dma_start3A_33 : memref<128x128xf32, #tpu.memory_space<vmem>>) offsets(%dma_start3A_36 : memref<128xi32, #tpu.memory_space<vmem>>) semaphore(%arg15 : memref<!tpu.dma_semaphore, #tpu.memory_space<semaphore_mem>>)
    %scan3A = arith.constant 0 : i32
    %scan3A_40 = arith.constant 40 : i32
    %scan3A_41 = arith.addi %scan3A, %scan3A_40 : i32
    %scan3A_42 = arith.constant 1 : i32
    scf.for %scan3A_74 = %scan3A to %scan3A_41 step %scan3A_42  : i32 {
      %mul3A_75 = arith.constant 1 : i32
      %mul3A_76 = arith.muli %scan3A_74, %mul3A_75 : i32
      %add3A_77 = arith.constant 0 : i32
      %add3A_78 = arith.addi %add3A_77, %mul3A_76 : i32
      %mul3A_79 = arith.constant 2 : i32
      %mul3A_80 = arith.muli %add3A_78, %mul3A_79 : i32
      %add3A_81 = arith.constant 0 : i32
      %add3A_82 = arith.addi %mul3A_80, %add3A_81 : i32
      %dma_wait3A_83 = arith.constant 0 : i32
      %dma_wait3A_84 = arith.constant 0 : i32
      %dma_wait3A_85 = arith.constant 0 : i32
      %dma_wait3A_86 = tpu.memref_slice %arg10[%dma_wait3A_83, %dma_wait3A_84, %dma_wait3A_85] : memref<2x128x128xf32, #tpu.memory_space<vmem>> -> memref<1x128x128xf32, #tpu.memory_space<vmem>>
      %dma_wait3A_87 = tpu.memref_squeeze %dma_wait3A_86 : memref<1x128x128xf32, #tpu.memory_space<vmem>> -> memref<128x128xf32, #tpu.memory_space<vmem>>
      %dma_wait3A_88 = arith.constant 0 : i32
      %dma_wait3A_89 = arith.constant 0 : i32
      %dma_wait3A_90 = tpu.memref_slice %arg2[%dma_wait3A_88, %dma_wait3A_89] : memref<10240x128xf32, #tpu.memory_space<hbm>> -> memref<128x128xf32, #tpu.memory_space<hbm>>
      %dma_wait3A_91 = arith.constant 0 : i32
      %dma_wait3A_92 = arith.constant 0 : i32
      %dma_wait3A_93 = tpu.memref_slice %arg10[%dma_wait3A_83, %dma_wait3A_91, %dma_wait3A_92] : memref<2x128x128xf32, #tpu.memory_space<vmem>> -> memref<1x128x128xf32, #tpu.memory_space<vmem>>
      %dma_wait3A_94 = tpu.memref_squeeze %dma_wait3A_93 : memref<1x128x128xf32, #tpu.memory_space<vmem>> -> memref<128x128xf32, #tpu.memory_space<vmem>>
      %dma_wait3A_95 = arith.constant 0 : i32
      %dma_wait3A_96 = arith.constant 0 : i32
      %dma_wait3A_97 = tpu.memref_slice %arg2[%dma_wait3A_95, %dma_wait3A_96] : memref<10240x128xf32, #tpu.memory_space<hbm>> -> memref<128x128xf32, #tpu.memory_space<hbm>>
      tpu.wait_dma2 semaphore(%arg14 : memref<!tpu.dma_semaphore, #tpu.memory_space<semaphore_mem>>) src(%dma_wait3A_97 : memref<128x128xf32, #tpu.memory_space<hbm>>) dst(%dma_wait3A_94 : memref<128x128xf32, #tpu.memory_space<vmem>>)
      %dma_wait3A_98 = arith.constant 0 : i32
      %dma_wait3A_99 = tpu.memref_slice %arg4[%dma_wait3A_98] : memref<327680xi32, #tpu.memory_space<hbm>> -> memref<128xi32, #tpu.memory_space<hbm>>
      %dma_wait3A_100 = arith.constant 0 : i32
      %dma_wait3A_101 = tpu.memref_slice %arg4[%dma_wait3A_100] : memref<327680xi32, #tpu.memory_space<hbm>> -> memref<128xi32, #tpu.memory_space<hbm>>
      tpu.wait_dma2 semaphore(%arg12 : memref<!tpu.dma_semaphore, #tpu.memory_space<semaphore_mem>>) src(%dma_wait3A_101 : memref<128xi32, #tpu.memory_space<hbm>>) dst(%arg8 : memref<128xi32, #tpu.memory_space<vmem>>)
      %dma_start3A_102 = arith.constant 0 : i32
      %dma_start3A_103 = arith.constant 0 : i32
      %dma_start3A_104 = arith.constant 0 : i32
      %dma_start3A_105 = tpu.memref_slice %arg10[%dma_start3A_102, %dma_start3A_103, %dma_start3A_104] : memref<2x128x128xf32, #tpu.memory_space<vmem>> -> memref<1x128x128xf32, #tpu.memory_space<vmem>>
      %dma_start3A_106 = tpu.memref_squeeze %dma_start3A_105 : memref<1x128x128xf32, #tpu.memory_space<vmem>> -> memref<128x128xf32, #tpu.memory_space<vmem>>
      %dma_start3A_107 = arith.constant 0 : i32
      %dma_start3A_108 = arith.constant 0 : i32
      %dma_start3A_109 = tpu.memref_slice %arg11[%dma_start3A_107, %dma_start3A_108] : memref<10240x128xf32, #tpu.memory_space<vmem_shared>> -> memref<10240x128xf32, #tpu.memory_space<vmem_shared>>
      tpu.enqueue_indirect_dma source(%dma_start3A_106 : memref<128x128xf32, #tpu.memory_space<vmem>>) target(%dma_start3A_109 : memref<10240x128xf32, #tpu.memory_space<vmem_shared>>) offsets(%arg8 : memref<128xi32, #tpu.memory_space<vmem>>) semaphore(%arg16 : memref<!tpu.dma_semaphore, #tpu.memory_space<semaphore_mem>>) {add = true}
      %add3A_110 = arith.constant 2 : i32
      %add3A_111 = arith.addi %add3A_82, %add3A_110 : i32
      %lt3A = arith.constant 80 : i32
      %lt3A_112 = arith.cmpi slt, %add3A_111, %lt3A : i32
      %convert_element_type3A = arith.extui %lt3A_112 : i1 to i32
      %cond3A = arith.constant 0 : i32
      %cond3A_113 = arith.cmpi ne, %convert_element_type3A, %cond3A : i32
      scf.if %cond3A_113 {
        %dma_wait3A_152 = arith.constant 0 : i32
        %dma_wait3A_153 = arith.constant 0 : i32
        %dma_wait3A_154 = arith.constant 0 : i32
        %dma_wait3A_155 = tpu.memref_slice %arg10[%dma_wait3A_152, %dma_wait3A_153, %dma_wait3A_154] : memref<2x128x128xf32, #tpu.memory_space<vmem>> -> memref<1x128x128xf32, #tpu.memory_space<vmem>>
        %dma_wait3A_156 = tpu.memref_squeeze %dma_wait3A_155 : memref<1x128x128xf32, #tpu.memory_space<vmem>> -> memref<128x128xf32, #tpu.memory_space<vmem>>
        %dma_wait3A_157 = arith.constant 0 : i32
        %dma_wait3A_158 = arith.constant 0 : i32
        %dma_wait3A_159 = tpu.memref_slice %arg11[%dma_wait3A_157, %dma_wait3A_158] : memref<10240x128xf32, #tpu.memory_space<vmem_shared>> -> memref<128x128xf32, #tpu.memory_space<vmem_shared>>
        %dma_wait3A_160 = arith.constant 0 : i32
        %dma_wait3A_161 = arith.constant 0 : i32
        %dma_wait3A_162 = tpu.memref_slice %arg11[%dma_wait3A_160, %dma_wait3A_161] : memref<10240x128xf32, #tpu.memory_space<vmem_shared>> -> memref<128x128xf32, #tpu.memory_space<vmem_shared>>
        %dma_wait3A_163 = arith.constant 0 : i32
        %dma_wait3A_164 = arith.constant 0 : i32
        %dma_wait3A_165 = tpu.memref_slice %arg10[%dma_wait3A_152, %dma_wait3A_163, %dma_wait3A_164] : memref<2x128x128xf32, #tpu.memory_space<vmem>> -> memref<1x128x128xf32, #tpu.memory_space<vmem>>
        %dma_wait3A_166 = tpu.memref_squeeze %dma_wait3A_165 : memref<1x128x128xf32, #tpu.memory_space<vmem>> -> memref<128x128xf32, #tpu.memory_space<vmem>>
        tpu.wait_dma2 semaphore(%arg16 : memref<!tpu.dma_semaphore, #tpu.memory_space<semaphore_mem>>) src(%dma_wait3A_166 : memref<128x128xf32, #tpu.memory_space<vmem>>) dst(%dma_wait3A_162 : memref<128x128xf32, #tpu.memory_space<vmem_shared>>)
        %add3A_167 = arith.constant 2 : i32
        %add3A_168 = arith.addi %add3A_82, %add3A_167 : i32
        %dma_start3A_169 = arith.constant 0 : i32
        %dma_start3A_170 = arith.constant 0 : i32
        %dma_start3A_171 = arith.constant 0 : i32
        %dma_start3A_172 = tpu.memref_slice %arg10[%dma_start3A_169, %dma_start3A_170, %dma_start3A_171] : memref<2x128x128xf32, #tpu.memory_space<vmem>> -> memref<1x128x128xf32, #tpu.memory_space<vmem>>
        %dma_start3A_173 = tpu.memref_squeeze %dma_start3A_172 : memref<1x128x128xf32, #tpu.memory_space<vmem>> -> memref<128x128xf32, #tpu.memory_space<vmem>>
        %dma_start3A_174 = arith.constant 0 : i32
        %dma_start3A_175 = tpu.memref_slice %arg7[%add3A_168, %dma_start3A_174] : memref<80x128xi32, #tpu.memory_space<vmem>> -> memref<1x128xi32, #tpu.memory_space<vmem>>
        %dma_start3A_176 = tpu.memref_squeeze %dma_start3A_175 : memref<1x128xi32, #tpu.memory_space<vmem>> -> memref<128xi32, #tpu.memory_space<vmem>>
        %dma_start3A_177 = arith.constant 0 : i32
        %dma_start3A_178 = arith.constant 0 : i32
        %dma_start3A_179 = tpu.memref_slice %arg2[%dma_start3A_177, %dma_start3A_178] : memref<10240x128xf32, #tpu.memory_space<hbm>> -> memref<10240x128xf32, #tpu.memory_space<hbm>>
        tpu.enqueue_indirect_dma source(%dma_start3A_179 : memref<10240x128xf32, #tpu.memory_space<hbm>>) target(%dma_start3A_173 : memref<128x128xf32, #tpu.memory_space<vmem>>) offsets(%dma_start3A_176 : memref<128xi32, #tpu.memory_space<vmem>>) semaphore(%arg14 : memref<!tpu.dma_semaphore, #tpu.memory_space<semaphore_mem>>)
        %add3A_180 = arith.constant 2 : i32
        %add3A_181 = arith.addi %add3A_82, %add3A_180 : i32
        %mul3A_182 = arith.constant 128 : i32
        %mul3A_183 = arith.muli %add3A_181, %mul3A_182 : i32
        %add3A_184 = arith.addi %mul3A_6, %mul3A_183 : i32
        %dma_start3A_185 = tpu.memref_slice %arg4[%add3A_184] : memref<327680xi32, #tpu.memory_space<hbm>> -> memref<128xi32, #tpu.memory_space<hbm>>
        %dma_start3A_186 = tpu.memref_slice %arg4[%add3A_184] : memref<327680xi32, #tpu.memory_space<hbm>> -> memref<128xi32, #tpu.memory_space<hbm>>
        tpu.enqueue_dma source(%dma_start3A_186 : memref<128xi32, #tpu.memory_space<hbm>>) target(%arg8 : memref<128xi32, #tpu.memory_space<vmem>>) target_semaphore(%arg12 : memref<!tpu.dma_semaphore, #tpu.memory_space<semaphore_mem>>)
      } else {
      }
      %mul3A_114 = arith.constant 2 : i32
      %mul3A_115 = arith.muli %add3A_78, %mul3A_114 : i32
      %add3A_116 = arith.constant 1 : i32
      %add3A_117 = arith.addi %mul3A_115, %add3A_116 : i32
      %dma_wait3A_118 = arith.constant 1 : i32
      %dma_wait3A_119 = arith.constant 0 : i32
      %dma_wait3A_120 = arith.constant 0 : i32
      %dma_wait3A_121 = tpu.memref_slice %arg10[%dma_wait3A_118, %dma_wait3A_119, %dma_wait3A_120] : memref<2x128x128xf32, #tpu.memory_space<vmem>> -> memref<1x128x128xf32, #tpu.memory_space<vmem>>
      %dma_wait3A_122 = tpu.memref_squeeze %dma_wait3A_121 : memref<1x128x128xf32, #tpu.memory_space<vmem>> -> memref<128x128xf32, #tpu.memory_space<vmem>>
      %dma_wait3A_123 = arith.constant 0 : i32
      %dma_wait3A_124 = arith.constant 0 : i32
      %dma_wait3A_125 = tpu.memref_slice %arg2[%dma_wait3A_123, %dma_wait3A_124] : memref<10240x128xf32, #tpu.memory_space<hbm>> -> memref<128x128xf32, #tpu.memory_space<hbm>>
      %dma_wait3A_126 = arith.constant 0 : i32
      %dma_wait3A_127 = arith.constant 0 : i32
      %dma_wait3A_128 = tpu.memref_slice %arg10[%dma_wait3A_118, %dma_wait3A_126, %dma_wait3A_127] : memref<2x128x128xf32, #tpu.memory_space<vmem>> -> memref<1x128x128xf32, #tpu.memory_space<vmem>>
      %dma_wait3A_129 = tpu.memref_squeeze %dma_wait3A_128 : memref<1x128x128xf32, #tpu.memory_space<vmem>> -> memref<128x128xf32, #tpu.memory_space<vmem>>
      %dma_wait3A_130 = arith.constant 0 : i32
      %dma_wait3A_131 = arith.constant 0 : i32
      %dma_wait3A_132 = tpu.memref_slice %arg2[%dma_wait3A_130, %dma_wait3A_131] : memref<10240x128xf32, #tpu.memory_space<hbm>> -> memref<128x128xf32, #tpu.memory_space<hbm>>
      tpu.wait_dma2 semaphore(%arg15 : memref<!tpu.dma_semaphore, #tpu.memory_space<semaphore_mem>>) src(%dma_wait3A_132 : memref<128x128xf32, #tpu.memory_space<hbm>>) dst(%dma_wait3A_129 : memref<128x128xf32, #tpu.memory_space<vmem>>)
      %dma_wait3A_133 = arith.constant 0 : i32
      %dma_wait3A_134 = tpu.memref_slice %arg4[%dma_wait3A_133] : memref<327680xi32, #tpu.memory_space<hbm>> -> memref<128xi32, #tpu.memory_space<hbm>>
      %dma_wait3A_135 = arith.constant 0 : i32
      %dma_wait3A_136 = tpu.memref_slice %arg4[%dma_wait3A_135] : memref<327680xi32, #tpu.memory_space<hbm>> -> memref<128xi32, #tpu.memory_space<hbm>>
      tpu.wait_dma2 semaphore(%arg13 : memref<!tpu.dma_semaphore, #tpu.memory_space<semaphore_mem>>) src(%dma_wait3A_136 : memref<128xi32, #tpu.memory_space<hbm>>) dst(%arg9 : memref<128xi32, #tpu.memory_space<vmem>>)
      %dma_start3A_137 = arith.constant 1 : i32
      %dma_start3A_138 = arith.constant 0 : i32
      %dma_start3A_139 = arith.constant 0 : i32
      %dma_start3A_140 = tpu.memref_slice %arg10[%dma_start3A_137, %dma_start3A_138, %dma_start3A_139] : memref<2x128x128xf32, #tpu.memory_space<vmem>> -> memref<1x128x128xf32, #tpu.memory_space<vmem>>
      %dma_start3A_141 = tpu.memref_squeeze %dma_start3A_140 : memref<1x128x128xf32, #tpu.memory_space<vmem>> -> memref<128x128xf32, #tpu.memory_space<vmem>>
      %dma_start3A_142 = arith.constant 0 : i32
      %dma_start3A_143 = arith.constant 0 : i32
      %dma_start3A_144 = tpu.memref_slice %arg11[%dma_start3A_142, %dma_start3A_143] : memref<10240x128xf32, #tpu.memory_space<vmem_shared>> -> memref<10240x128xf32, #tpu.memory_space<vmem_shared>>
      tpu.enqueue_indirect_dma source(%dma_start3A_141 : memref<128x128xf32, #tpu.memory_space<vmem>>) target(%dma_start3A_144 : memref<10240x128xf32, #tpu.memory_space<vmem_shared>>) offsets(%arg9 : memref<128xi32, #tpu.memory_space<vmem>>) semaphore(%arg17 : memref<!tpu.dma_semaphore, #tpu.memory_space<semaphore_mem>>) {add = true}
      %add3A_145 = arith.constant 2 : i32
      %add3A_146 = arith.addi %add3A_117, %add3A_145 : i32
      %lt3A_147 = arith.constant 80 : i32
      %lt3A_148 = arith.cmpi slt, %add3A_146, %lt3A_147 : i32
      %convert_element_type3A_149 = arith.extui %lt3A_148 : i1 to i32
      %cond3A_150 = arith.constant 0 : i32
      %cond3A_151 = arith.cmpi ne, %convert_element_type3A_149, %cond3A_150 : i32
      scf.if %cond3A_151 {
        %dma_wait3A_152 = arith.constant 1 : i32
        %dma_wait3A_153 = arith.constant 0 : i32
        %dma_wait3A_154 = arith.constant 0 : i32
        %dma_wait3A_155 = tpu.memref_slice %arg10[%dma_wait3A_152, %dma_wait3A_153, %dma_wait3A_154] : memref<2x128x128xf32, #tpu.memory_space<vmem>> -> memref<1x128x128xf32, #tpu.memory_space<vmem>>
        %dma_wait3A_156 = tpu.memref_squeeze %dma_wait3A_155 : memref<1x128x128xf32, #tpu.memory_space<vmem>> -> memref<128x128xf32, #tpu.memory_space<vmem>>
        %dma_wait3A_157 = arith.constant 0 : i32
        %dma_wait3A_158 = arith.constant 0 : i32
        %dma_wait3A_159 = tpu.memref_slice %arg11[%dma_wait3A_157, %dma_wait3A_158] : memref<10240x128xf32, #tpu.memory_space<vmem_shared>> -> memref<128x128xf32, #tpu.memory_space<vmem_shared>>
        %dma_wait3A_160 = arith.constant 0 : i32
        %dma_wait3A_161 = arith.constant 0 : i32
        %dma_wait3A_162 = tpu.memref_slice %arg11[%dma_wait3A_160, %dma_wait3A_161] : memref<10240x128xf32, #tpu.memory_space<vmem_shared>> -> memref<128x128xf32, #tpu.memory_space<vmem_shared>>
        %dma_wait3A_163 = arith.constant 0 : i32
        %dma_wait3A_164 = arith.constant 0 : i32
        %dma_wait3A_165 = tpu.memref_slice %arg10[%dma_wait3A_152, %dma_wait3A_163, %dma_wait3A_164] : memref<2x128x128xf32, #tpu.memory_space<vmem>> -> memref<1x128x128xf32, #tpu.memory_space<vmem>>
        %dma_wait3A_166 = tpu.memref_squeeze %dma_wait3A_165 : memref<1x128x128xf32, #tpu.memory_space<vmem>> -> memref<128x128xf32, #tpu.memory_space<vmem>>
        tpu.wait_dma2 semaphore(%arg17 : memref<!tpu.dma_semaphore, #tpu.memory_space<semaphore_mem>>) src(%dma_wait3A_166 : memref<128x128xf32, #tpu.memory_space<vmem>>) dst(%dma_wait3A_162 : memref<128x128xf32, #tpu.memory_space<vmem_shared>>)
        %add3A_167 = arith.constant 2 : i32
        %add3A_168 = arith.addi %add3A_117, %add3A_167 : i32
        %dma_start3A_169 = arith.constant 1 : i32
        %dma_start3A_170 = arith.constant 0 : i32
        %dma_start3A_171 = arith.constant 0 : i32
        %dma_start3A_172 = tpu.memref_slice %arg10[%dma_start3A_169, %dma_start3A_170, %dma_start3A_171] : memref<2x128x128xf32, #tpu.memory_space<vmem>> -> memref<1x128x128xf32, #tpu.memory_space<vmem>>
        %dma_start3A_173 = tpu.memref_squeeze %dma_start3A_172 : memref<1x128x128xf32, #tpu.memory_space<vmem>> -> memref<128x128xf32, #tpu.memory_space<vmem>>
        %dma_start3A_174 = arith.constant 0 : i32
        %dma_start3A_175 = tpu.memref_slice %arg7[%add3A_168, %dma_start3A_174] : memref<80x128xi32, #tpu.memory_space<vmem>> -> memref<1x128xi32, #tpu.memory_space<vmem>>
        %dma_start3A_176 = tpu.memref_squeeze %dma_start3A_175 : memref<1x128xi32, #tpu.memory_space<vmem>> -> memref<128xi32, #tpu.memory_space<vmem>>
        %dma_start3A_177 = arith.constant 0 : i32
        %dma_start3A_178 = arith.constant 0 : i32
        %dma_start3A_179 = tpu.memref_slice %arg2[%dma_start3A_177, %dma_start3A_178] : memref<10240x128xf32, #tpu.memory_space<hbm>> -> memref<10240x128xf32, #tpu.memory_space<hbm>>
        tpu.enqueue_indirect_dma source(%dma_start3A_179 : memref<10240x128xf32, #tpu.memory_space<hbm>>) target(%dma_start3A_173 : memref<128x128xf32, #tpu.memory_space<vmem>>) offsets(%dma_start3A_176 : memref<128xi32, #tpu.memory_space<vmem>>) semaphore(%arg15 : memref<!tpu.dma_semaphore, #tpu.memory_space<semaphore_mem>>)
        %add3A_180 = arith.constant 2 : i32
        %add3A_181 = arith.addi %add3A_117, %add3A_180 : i32
        %mul3A_182 = arith.constant 128 : i32
        %mul3A_183 = arith.muli %add3A_181, %mul3A_182 : i32
        %add3A_184 = arith.addi %mul3A_6, %mul3A_183 : i32
        %dma_start3A_185 = tpu.memref_slice %arg4[%add3A_184] : memref<327680xi32, #tpu.memory_space<hbm>> -> memref<128xi32, #tpu.memory_space<hbm>>
        %dma_start3A_186 = tpu.memref_slice %arg4[%add3A_184] : memref<327680xi32, #tpu.memory_space<hbm>> -> memref<128xi32, #tpu.memory_space<hbm>>
        tpu.enqueue_dma source(%dma_start3A_186 : memref<128xi32, #tpu.memory_space<hbm>>) target(%arg9 : memref<128xi32, #tpu.memory_space<vmem>>) target_semaphore(%arg13 : memref<!tpu.dma_semaphore, #tpu.memory_space<semaphore_mem>>)
      } else {
      }
    }
    %scan3A_43 = arith.constant 40 : i32
    %dma_wait3A = arith.constant 0 : i32
    %dma_wait3A_44 = arith.constant 0 : i32
    %dma_wait3A_45 = arith.constant 0 : i32
    %dma_wait3A_46 = tpu.memref_slice %arg10[%dma_wait3A, %dma_wait3A_44, %dma_wait3A_45] : memref<2x128x128xf32, #tpu.memory_space<vmem>> -> memref<1x128x128xf32, #tpu.memory_space<vmem>>
    %dma_wait3A_47 = tpu.memref_squeeze %dma_wait3A_46 : memref<1x128x128xf32, #tpu.memory_space<vmem>> -> memref<128x128xf32, #tpu.memory_space<vmem>>
    %dma_wait3A_48 = arith.constant 0 : i32
    %dma_wait3A_49 = arith.constant 0 : i32
    %dma_wait3A_50 = tpu.memref_slice %arg11[%dma_wait3A_48, %dma_wait3A_49] : memref<10240x128xf32, #tpu.memory_space<vmem_shared>> -> memref<128x128xf32, #tpu.memory_space<vmem_shared>>
    %dma_wait3A_51 = arith.constant 0 : i32
    %dma_wait3A_52 = arith.constant 0 : i32
    %dma_wait3A_53 = tpu.memref_slice %arg11[%dma_wait3A_51, %dma_wait3A_52] : memref<10240x128xf32, #tpu.memory_space<vmem_shared>> -> memref<128x128xf32, #tpu.memory_space<vmem_shared>>
    %dma_wait3A_54 = arith.constant 0 : i32
    %dma_wait3A_55 = arith.constant 0 : i32
    %dma_wait3A_56 = tpu.memref_slice %arg10[%dma_wait3A, %dma_wait3A_54, %dma_wait3A_55] : memref<2x128x128xf32, #tpu.memory_space<vmem>> -> memref<1x128x128xf32, #tpu.memory_space<vmem>>
    %dma_wait3A_57 = tpu.memref_squeeze %dma_wait3A_56 : memref<1x128x128xf32, #tpu.memory_space<vmem>> -> memref<128x128xf32, #tpu.memory_space<vmem>>
    tpu.wait_dma2 semaphore(%arg16 : memref<!tpu.dma_semaphore, #tpu.memory_space<semaphore_mem>>) src(%dma_wait3A_57 : memref<128x128xf32, #tpu.memory_space<vmem>>) dst(%dma_wait3A_53 : memref<128x128xf32, #tpu.memory_space<vmem_shared>>)
    %dma_wait3A_58 = arith.constant 1 : i32
    %dma_wait3A_59 = arith.constant 0 : i32
    %dma_wait3A_60 = arith.constant 0 : i32
    %dma_wait3A_61 = tpu.memref_slice %arg10[%dma_wait3A_58, %dma_wait3A_59, %dma_wait3A_60] : memref<2x128x128xf32, #tpu.memory_space<vmem>> -> memref<1x128x128xf32, #tpu.memory_space<vmem>>
    %dma_wait3A_62 = tpu.memref_squeeze %dma_wait3A_61 : memref<1x128x128xf32, #tpu.memory_space<vmem>> -> memref<128x128xf32, #tpu.memory_space<vmem>>
    %dma_wait3A_63 = arith.constant 0 : i32
    %dma_wait3A_64 = arith.constant 0 : i32
    %dma_wait3A_65 = tpu.memref_slice %arg11[%dma_wait3A_63, %dma_wait3A_64] : memref<10240x128xf32, #tpu.memory_space<vmem_shared>> -> memref<128x128xf32, #tpu.memory_space<vmem_shared>>
    %dma_wait3A_66 = arith.constant 0 : i32
    %dma_wait3A_67 = arith.constant 0 : i32
    %dma_wait3A_68 = tpu.memref_slice %arg11[%dma_wait3A_66, %dma_wait3A_67] : memref<10240x128xf32, #tpu.memory_space<vmem_shared>> -> memref<128x128xf32, #tpu.memory_space<vmem_shared>>
    %dma_wait3A_69 = arith.constant 0 : i32
    %dma_wait3A_70 = arith.constant 0 : i32
    %dma_wait3A_71 = tpu.memref_slice %arg10[%dma_wait3A_58, %dma_wait3A_69, %dma_wait3A_70] : memref<2x128x128xf32, #tpu.memory_space<vmem>> -> memref<1x128x128xf32, #tpu.memory_space<vmem>>
    %dma_wait3A_72 = tpu.memref_squeeze %dma_wait3A_71 : memref<1x128x128xf32, #tpu.memory_space<vmem>> -> memref<128x128xf32, #tpu.memory_space<vmem>>
    tpu.wait_dma2 semaphore(%arg17 : memref<!tpu.dma_semaphore, #tpu.memory_space<semaphore_mem>>) src(%dma_wait3A_72 : memref<128x128xf32, #tpu.memory_space<vmem>>) dst(%dma_wait3A_68 : memref<128x128xf32, #tpu.memory_space<vmem_shared>>)
    %barrier3A_73 = arith.constant 0 : index
    tpu.barrier barrier_id(%barrier3A_73)
    "tpu.region"() ({
      %run_scoped3A = tpu.sem_alloc : memref<!tpu.dma_semaphore, #tpu.memory_space<semaphore_mem>>
      %dma_start3A_74 = arith.constant 0 : i32
      %dma_start3A_75 = tpu.memref_slice %arg6[%arg0, %mul3A_8, %dma_start3A_74] : memref<2x10240x128xf32, #tpu.memory_space<hbm>> -> memref<1x640x128xf32, #tpu.memory_space<hbm>>
      %dma_start3A_76 = tpu.memref_squeeze %dma_start3A_75 : memref<1x640x128xf32, #tpu.memory_space<hbm>> -> memref<640x128xf32, #tpu.memory_space<hbm>>
      %dma_start3A_77 = arith.constant 0 : i32
      %dma_start3A_78 = tpu.memref_slice %arg11[%mul3A_8, %dma_start3A_77] : memref<10240x128xf32, #tpu.memory_space<vmem_shared>> -> memref<640x128xf32, #tpu.memory_space<vmem_shared>>
      tpu.enqueue_dma source(%dma_start3A_78 : memref<640x128xf32, #tpu.memory_space<vmem_shared>>) target(%dma_start3A_76 : memref<640x128xf32, #tpu.memory_space<hbm>>) target_semaphore(%run_scoped3A : memref<!tpu.dma_semaphore, #tpu.memory_space<semaphore_mem>>)
      %dma_wait3A_79 = arith.constant 0 : i32
      %dma_wait3A_80 = tpu.memref_slice %arg6[%arg0, %mul3A_8, %dma_wait3A_79] : memref<2x10240x128xf32, #tpu.memory_space<hbm>> -> memref<1x640x128xf32, #tpu.memory_space<hbm>>
      %dma_wait3A_81 = tpu.memref_squeeze %dma_wait3A_80 : memref<1x640x128xf32, #tpu.memory_space<hbm>> -> memref<640x128xf32, #tpu.memory_space<hbm>>
      %dma_wait3A_82 = arith.constant 0 : i32
      %dma_wait3A_83 = tpu.memref_slice %arg11[%mul3A_8, %dma_wait3A_82] : memref<10240x128xf32, #tpu.memory_space<vmem_shared>> -> memref<640x128xf32, #tpu.memory_space<vmem_shared>>
      tpu.wait_dma2 semaphore(%run_scoped3A : memref<!tpu.dma_semaphore, #tpu.memory_space<semaphore_mem>>) src(%dma_wait3A_83 : memref<640x128xf32, #tpu.memory_space<vmem_shared>>) dst(%dma_wait3A_81 : memref<640x128xf32, #tpu.memory_space<hbm>>)
      tpu.yield
    }) : () -> ()
    return
  }
}

#map = affine_map<(d0, d1) -> (0, 0)>
#map1 = affine_map<(d0, d1) -> (0)>
#map2 = affine_map<(d0, d1) -> (0, 0, 0)>
module attributes {stable_mosaic.version = 14 : i64} {
  func.func @_scat_body(%arg0: i32, %arg1: i32, %arg2: memref<10240x128xf32, #tpu.memory_space<hbm>>, %arg3: memref<2560x128xi32, #tpu.memory_space<hbm>>, %arg4: memref<327680xi32, #tpu.memory_space<hbm>>, %arg5: memref<10240x128xf32, #tpu.memory_space<hbm>>, %arg6: memref<2x10240x128xf32, #tpu.memory_space<hbm>>, %arg7: memref<80x128xi32, #tpu.memory_space<vmem>>, %arg8: memref<128xi32, #tpu.memory_space<vmem>>, %arg9: memref<128xi32, #tpu.memory_space<vmem>>, %arg10: memref<2x128x128xf32, #tpu.memory_space<vmem>>, %arg11: memref<10240x128xf32, #tpu.memory_space<vmem_shared>>, %arg12: memref<!tpu.dma_semaphore, #tpu.memory_space<semaphore_mem>>, %arg13: memref<!tpu.dma_semaphore, #tpu.memory_space<semaphore_mem>>, %arg14: memref<!tpu.dma_semaphore, #tpu.memory_space<semaphore_mem>>, %arg15: memref<!tpu.dma_semaphore, #tpu.memory_space<semaphore_mem>>, %arg16: memref<!tpu.dma_semaphore, #tpu.memory_space<semaphore_mem>>, %arg17: memref<!tpu.dma_semaphore, #tpu.memory_space<semaphore_mem>>) attributes {dimension_semantics = [#tpu.dimension_semantics<core_parallel>, #tpu.dimension_semantics<subcore_parallel>], iteration_bounds = array<i64: 2, 16>, scalar_prefetch = 0 : i64, scratch_operands = 11 : i64, tpu.core_type = #tpu.core_type<sc_vector_subcore>, window_params = [{transform_indices = #map}, {transform_indices = #map}, {transform_indices = #map1}, {transform_indices = #map}, {transform_indices = #map2}]} {
    %mul3A = arith.constant 16 : i32
    %mul3A_0 = arith.muli %arg0, %mul3A : i32
    %add3A = arith.addi %mul3A_0, %arg1 : i32
    %mul3A_1 = arith.constant 80 : i32
    %mul3A_2 = arith.muli %add3A, %mul3A_1 : i32
    %mul3A_3 = arith.constant 80 : i32
    %mul3A_4 = arith.muli %add3A, %mul3A_3 : i32
    %mul3A_5 = arith.constant 128 : i32
    %mul3A_6 = arith.muli %mul3A_4, %mul3A_5 : i32
    %mul3A_7 = arith.constant 640 : i32
    %mul3A_8 = arith.muli %arg1, %mul3A_7 : i32
    "tpu.region"() ({
      %run_scoped3A = tpu.sem_alloc : memref<!tpu.dma_semaphore, #tpu.memory_space<semaphore_mem>>
      %dma_start3A_74 = arith.constant 0 : i32
      %dma_start3A_75 = tpu.memref_slice %arg11[%mul3A_8, %dma_start3A_74] : memref<10240x128xf32, #tpu.memory_space<vmem_shared>> -> memref<640x128xf32, #tpu.memory_space<vmem_shared>>
      %dma_start3A_76 = arith.constant 0 : i32
      %dma_start3A_77 = tpu.memref_slice %arg5[%mul3A_8, %dma_start3A_76] : memref<10240x128xf32, #tpu.memory_space<hbm>> -> memref<640x128xf32, #tpu.memory_space<hbm>>
      tpu.enqueue_dma source(%dma_start3A_77 : memref<640x128xf32, #tpu.memory_space<hbm>>) target(%dma_start3A_75 : memref<640x128xf32, #tpu.memory_space<vmem_shared>>) target_semaphore(%run_scoped3A : memref<!tpu.dma_semaphore, #tpu.memory_space<semaphore_mem>>)
      %dma_wait3A_78 = arith.constant 0 : i32
      %dma_wait3A_79 = tpu.memref_slice %arg11[%mul3A_8, %dma_wait3A_78] : memref<10240x128xf32, #tpu.memory_space<vmem_shared>> -> memref<640x128xf32, #tpu.memory_space<vmem_shared>>
      %dma_wait3A_80 = arith.constant 0 : i32
      %dma_wait3A_81 = tpu.memref_slice %arg5[%mul3A_8, %dma_wait3A_80] : memref<10240x128xf32, #tpu.memory_space<hbm>> -> memref<640x128xf32, #tpu.memory_space<hbm>>
      tpu.wait_dma2 semaphore(%run_scoped3A : memref<!tpu.dma_semaphore, #tpu.memory_space<semaphore_mem>>) src(%dma_wait3A_81 : memref<640x128xf32, #tpu.memory_space<hbm>>) dst(%dma_wait3A_79 : memref<640x128xf32, #tpu.memory_space<vmem_shared>>)
      tpu.yield
    }) : () -> ()
    "tpu.region"() ({
      %run_scoped3A = tpu.sem_alloc : memref<!tpu.dma_semaphore, #tpu.memory_space<semaphore_mem>>
      %dma_start3A_74 = arith.constant 0 : i32
      %dma_start3A_75 = tpu.memref_slice %arg3[%mul3A_2, %dma_start3A_74] : memref<2560x128xi32, #tpu.memory_space<hbm>> -> memref<80x128xi32, #tpu.memory_space<hbm>>
      %dma_start3A_76 = arith.constant 0 : i32
      %dma_start3A_77 = tpu.memref_slice %arg3[%mul3A_2, %dma_start3A_76] : memref<2560x128xi32, #tpu.memory_space<hbm>> -> memref<80x128xi32, #tpu.memory_space<hbm>>
      tpu.enqueue_dma source(%dma_start3A_77 : memref<80x128xi32, #tpu.memory_space<hbm>>) target(%arg7 : memref<80x128xi32, #tpu.memory_space<vmem>>) target_semaphore(%run_scoped3A : memref<!tpu.dma_semaphore, #tpu.memory_space<semaphore_mem>>)
      %dma_wait3A_78 = arith.constant 0 : i32
      %dma_wait3A_79 = tpu.memref_slice %arg3[%mul3A_2, %dma_wait3A_78] : memref<2560x128xi32, #tpu.memory_space<hbm>> -> memref<80x128xi32, #tpu.memory_space<hbm>>
      %dma_wait3A_80 = arith.constant 0 : i32
      %dma_wait3A_81 = tpu.memref_slice %arg3[%mul3A_2, %dma_wait3A_80] : memref<2560x128xi32, #tpu.memory_space<hbm>> -> memref<80x128xi32, #tpu.memory_space<hbm>>
      tpu.wait_dma2 semaphore(%run_scoped3A : memref<!tpu.dma_semaphore, #tpu.memory_space<semaphore_mem>>) src(%dma_wait3A_81 : memref<80x128xi32, #tpu.memory_space<hbm>>) dst(%arg7 : memref<80x128xi32, #tpu.memory_space<vmem>>)
      tpu.yield
    }) : () -> ()
    %barrier3A = arith.constant 0 : index
    tpu.barrier barrier_id(%barrier3A)
    %add3A_9 = arith.constant 0 : i32
    %add3A_10 = arith.addi %mul3A_6, %add3A_9 : i32
    %dma_start3A = tpu.memref_slice %arg4[%add3A_10] : memref<327680xi32, #tpu.memory_space<hbm>> -> memref<128xi32, #tpu.memory_space<hbm>>
    %dma_start3A_11 = tpu.memref_slice %arg4[%add3A_10] : memref<327680xi32, #tpu.memory_space<hbm>> -> memref<128xi32, #tpu.memory_space<hbm>>
    tpu.enqueue_dma source(%dma_start3A_11 : memref<128xi32, #tpu.memory_space<hbm>>) target(%arg8 : memref<128xi32, #tpu.memory_space<vmem>>) target_semaphore(%arg12 : memref<!tpu.dma_semaphore, #tpu.memory_space<semaphore_mem>>)
    %dma_start3A_12 = arith.constant 0 : i32
    %dma_start3A_13 = arith.constant 0 : i32
    %dma_start3A_14 = arith.constant 0 : i32
    %dma_start3A_15 = arith.constant 0 : i32
    %dma_start3A_16 = tpu.memref_slice %arg10[%dma_start3A_13, %dma_start3A_14, %dma_start3A_15] : memref<2x128x128xf32, #tpu.memory_space<vmem>> -> memref<1x128x128xf32, #tpu.memory_space<vmem>>
    %dma_start3A_17 = tpu.memref_squeeze %dma_start3A_16 : memref<1x128x128xf32, #tpu.memory_space<vmem>> -> memref<128x128xf32, #tpu.memory_space<vmem>>
    %dma_start3A_18 = arith.constant 0 : i32
    %dma_start3A_19 = tpu.memref_slice %arg7[%dma_start3A_12, %dma_start3A_18] : memref<80x128xi32, #tpu.memory_space<vmem>> -> memref<1x128xi32, #tpu.memory_space<vmem>>
    %dma_start3A_20 = tpu.memref_squeeze %dma_start3A_19 : memref<1x128xi32, #tpu.memory_space<vmem>> -> memref<128xi32, #tpu.memory_space<vmem>>
    %dma_start3A_21 = arith.constant 0 : i32
    %dma_start3A_22 = arith.constant 0 : i32
    %dma_start3A_23 = tpu.memref_slice %arg2[%dma_start3A_21, %dma_start3A_22] : memref<10240x128xf32, #tpu.memory_space<hbm>> -> memref<10240x128xf32, #tpu.memory_space<hbm>>
    tpu.enqueue_indirect_dma source(%dma_start3A_23 : memref<10240x128xf32, #tpu.memory_space<hbm>>) target(%dma_start3A_17 : memref<128x128xf32, #tpu.memory_space<vmem>>) offsets(%dma_start3A_20 : memref<128xi32, #tpu.memory_space<vmem>>) semaphore(%arg14 : memref<!tpu.dma_semaphore, #tpu.memory_space<semaphore_mem>>)
    %add3A_24 = arith.constant 128 : i32
    %add3A_25 = arith.addi %mul3A_6, %add3A_24 : i32
    %dma_start3A_26 = tpu.memref_slice %arg4[%add3A_25] : memref<327680xi32, #tpu.memory_space<hbm>> -> memref<128xi32, #tpu.memory_space<hbm>>
    %dma_start3A_27 = tpu.memref_slice %arg4[%add3A_25] : memref<327680xi32, #tpu.memory_space<hbm>> -> memref<128xi32, #tpu.memory_space<hbm>>
    tpu.enqueue_dma source(%dma_start3A_27 : memref<128xi32, #tpu.memory_space<hbm>>) target(%arg9 : memref<128xi32, #tpu.memory_space<vmem>>) target_semaphore(%arg13 : memref<!tpu.dma_semaphore, #tpu.memory_space<semaphore_mem>>)
    %dma_start3A_28 = arith.constant 1 : i32
    %dma_start3A_29 = arith.constant 1 : i32
    %dma_start3A_30 = arith.constant 0 : i32
    %dma_start3A_31 = arith.constant 0 : i32
    %dma_start3A_32 = tpu.memref_slice %arg10[%dma_start3A_29, %dma_start3A_30, %dma_start3A_31] : memref<2x128x128xf32, #tpu.memory_space<vmem>> -> memref<1x128x128xf32, #tpu.memory_space<vmem>>
    %dma_start3A_33 = tpu.memref_squeeze %dma_start3A_32 : memref<1x128x128xf32, #tpu.memory_space<vmem>> -> memref<128x128xf32, #tpu.memory_space<vmem>>
    %dma_start3A_34 = arith.constant 0 : i32
    %dma_start3A_35 = tpu.memref_slice %arg7[%dma_start3A_28, %dma_start3A_34] : memref<80x128xi32, #tpu.memory_space<vmem>> -> memref<1x128xi32, #tpu.memory_space<vmem>>
    %dma_start3A_36 = tpu.memref_squeeze %dma_start3A_35 : memref<1x128xi32, #tpu.memory_space<vmem>> -> memref<128xi32, #tpu.memory_space<vmem>>
    %dma_start3A_37 = arith.constant 0 : i32
    %dma_start3A_38 = arith.constant 0 : i32
    %dma_start3A_39 = tpu.memref_slice %arg2[%dma_start3A_37, %dma_start3A_38] : memref<10240x128xf32, #tpu.memory_space<hbm>> -> memref<10240x128xf32, #tpu.memory_space<hbm>>
    tpu.enqueue_indirect_dma source(%dma_start3A_39 : memref<10240x128xf32, #tpu.memory_space<hbm>>) target(%dma_start3A_33 : memref<128x128xf32, #tpu.memory_space<vmem>>) offsets(%dma_start3A_36 : memref<128xi32, #tpu.memory_space<vmem>>) semaphore(%arg15 : memref<!tpu.dma_semaphore, #tpu.memory_space<semaphore_mem>>)
    %scan3A = arith.constant 0 : i32
    %scan3A_40 = arith.constant 40 : i32
    %scan3A_41 = arith.addi %scan3A, %scan3A_40 : i32
    %scan3A_42 = arith.constant 1 : i32
    scf.for %scan3A_74 = %scan3A to %scan3A_41 step %scan3A_42  : i32 {
      %mul3A_75 = arith.constant 1 : i32
      %mul3A_76 = arith.muli %scan3A_74, %mul3A_75 : i32
      %add3A_77 = arith.constant 0 : i32
      %add3A_78 = arith.addi %add3A_77, %mul3A_76 : i32
      %mul3A_79 = arith.constant 2 : i32
      %mul3A_80 = arith.muli %add3A_78, %mul3A_79 : i32
      %add3A_81 = arith.constant 0 : i32
      %add3A_82 = arith.addi %mul3A_80, %add3A_81 : i32
      %dma_wait3A_83 = arith.constant 0 : i32
      %dma_wait3A_84 = arith.constant 0 : i32
      %dma_wait3A_85 = arith.constant 0 : i32
      %dma_wait3A_86 = tpu.memref_slice %arg10[%dma_wait3A_83, %dma_wait3A_84, %dma_wait3A_85] : memref<2x128x128xf32, #tpu.memory_space<vmem>> -> memref<1x128x128xf32, #tpu.memory_space<vmem>>
      %dma_wait3A_87 = tpu.memref_squeeze %dma_wait3A_86 : memref<1x128x128xf32, #tpu.memory_space<vmem>> -> memref<128x128xf32, #tpu.memory_space<vmem>>
      %dma_wait3A_88 = arith.constant 0 : i32
      %dma_wait3A_89 = arith.constant 0 : i32
      %dma_wait3A_90 = tpu.memref_slice %arg2[%dma_wait3A_88, %dma_wait3A_89] : memref<10240x128xf32, #tpu.memory_space<hbm>> -> memref<128x128xf32, #tpu.memory_space<hbm>>
      %dma_wait3A_91 = arith.constant 0 : i32
      %dma_wait3A_92 = arith.constant 0 : i32
      %dma_wait3A_93 = tpu.memref_slice %arg10[%dma_wait3A_83, %dma_wait3A_91, %dma_wait3A_92] : memref<2x128x128xf32, #tpu.memory_space<vmem>> -> memref<1x128x128xf32, #tpu.memory_space<vmem>>
      %dma_wait3A_94 = tpu.memref_squeeze %dma_wait3A_93 : memref<1x128x128xf32, #tpu.memory_space<vmem>> -> memref<128x128xf32, #tpu.memory_space<vmem>>
      %dma_wait3A_95 = arith.constant 0 : i32
      %dma_wait3A_96 = arith.constant 0 : i32
      %dma_wait3A_97 = tpu.memref_slice %arg2[%dma_wait3A_95, %dma_wait3A_96] : memref<10240x128xf32, #tpu.memory_space<hbm>> -> memref<128x128xf32, #tpu.memory_space<hbm>>
      tpu.wait_dma2 semaphore(%arg14 : memref<!tpu.dma_semaphore, #tpu.memory_space<semaphore_mem>>) src(%dma_wait3A_97 : memref<128x128xf32, #tpu.memory_space<hbm>>) dst(%dma_wait3A_94 : memref<128x128xf32, #tpu.memory_space<vmem>>)
      %dma_wait3A_98 = arith.constant 0 : i32
      %dma_wait3A_99 = tpu.memref_slice %arg4[%dma_wait3A_98] : memref<327680xi32, #tpu.memory_space<hbm>> -> memref<128xi32, #tpu.memory_space<hbm>>
      %dma_wait3A_100 = arith.constant 0 : i32
      %dma_wait3A_101 = tpu.memref_slice %arg4[%dma_wait3A_100] : memref<327680xi32, #tpu.memory_space<hbm>> -> memref<128xi32, #tpu.memory_space<hbm>>
      tpu.wait_dma2 semaphore(%arg12 : memref<!tpu.dma_semaphore, #tpu.memory_space<semaphore_mem>>) src(%dma_wait3A_101 : memref<128xi32, #tpu.memory_space<hbm>>) dst(%arg8 : memref<128xi32, #tpu.memory_space<vmem>>)
      %dma_start3A_102 = arith.constant 0 : i32
      %dma_start3A_103 = arith.constant 0 : i32
      %dma_start3A_104 = arith.constant 0 : i32
      %dma_start3A_105 = tpu.memref_slice %arg10[%dma_start3A_102, %dma_start3A_103, %dma_start3A_104] : memref<2x128x128xf32, #tpu.memory_space<vmem>> -> memref<1x128x128xf32, #tpu.memory_space<vmem>>
      %dma_start3A_106 = tpu.memref_squeeze %dma_start3A_105 : memref<1x128x128xf32, #tpu.memory_space<vmem>> -> memref<128x128xf32, #tpu.memory_space<vmem>>
      %dma_start3A_107 = arith.constant 0 : i32
      %dma_start3A_108 = arith.constant 0 : i32
      %dma_start3A_109 = tpu.memref_slice %arg11[%dma_start3A_107, %dma_start3A_108] : memref<10240x128xf32, #tpu.memory_space<vmem_shared>> -> memref<10240x128xf32, #tpu.memory_space<vmem_shared>>
      tpu.enqueue_indirect_dma source(%dma_start3A_106 : memref<128x128xf32, #tpu.memory_space<vmem>>) target(%dma_start3A_109 : memref<10240x128xf32, #tpu.memory_space<vmem_shared>>) offsets(%arg8 : memref<128xi32, #tpu.memory_space<vmem>>) semaphore(%arg16 : memref<!tpu.dma_semaphore, #tpu.memory_space<semaphore_mem>>) {add = true}
      %add3A_110 = arith.constant 2 : i32
      %add3A_111 = arith.addi %add3A_82, %add3A_110 : i32
      %lt3A = arith.constant 80 : i32
      %lt3A_112 = arith.cmpi slt, %add3A_111, %lt3A : i32
      %convert_element_type3A = arith.extui %lt3A_112 : i1 to i32
      %cond3A = arith.constant 0 : i32
      %cond3A_113 = arith.cmpi ne, %convert_element_type3A, %cond3A : i32
      scf.if %cond3A_113 {
        %dma_wait3A_152 = arith.constant 0 : i32
        %dma_wait3A_153 = arith.constant 0 : i32
        %dma_wait3A_154 = arith.constant 0 : i32
        %dma_wait3A_155 = tpu.memref_slice %arg10[%dma_wait3A_152, %dma_wait3A_153, %dma_wait3A_154] : memref<2x128x128xf32, #tpu.memory_space<vmem>> -> memref<1x128x128xf32, #tpu.memory_space<vmem>>
        %dma_wait3A_156 = tpu.memref_squeeze %dma_wait3A_155 : memref<1x128x128xf32, #tpu.memory_space<vmem>> -> memref<128x128xf32, #tpu.memory_space<vmem>>
        %dma_wait3A_157 = arith.constant 0 : i32
        %dma_wait3A_158 = arith.constant 0 : i32
        %dma_wait3A_159 = tpu.memref_slice %arg11[%dma_wait3A_157, %dma_wait3A_158] : memref<10240x128xf32, #tpu.memory_space<vmem_shared>> -> memref<128x128xf32, #tpu.memory_space<vmem_shared>>
        %dma_wait3A_160 = arith.constant 0 : i32
        %dma_wait3A_161 = arith.constant 0 : i32
        %dma_wait3A_162 = tpu.memref_slice %arg11[%dma_wait3A_160, %dma_wait3A_161] : memref<10240x128xf32, #tpu.memory_space<vmem_shared>> -> memref<128x128xf32, #tpu.memory_space<vmem_shared>>
        %dma_wait3A_163 = arith.constant 0 : i32
        %dma_wait3A_164 = arith.constant 0 : i32
        %dma_wait3A_165 = tpu.memref_slice %arg10[%dma_wait3A_152, %dma_wait3A_163, %dma_wait3A_164] : memref<2x128x128xf32, #tpu.memory_space<vmem>> -> memref<1x128x128xf32, #tpu.memory_space<vmem>>
        %dma_wait3A_166 = tpu.memref_squeeze %dma_wait3A_165 : memref<1x128x128xf32, #tpu.memory_space<vmem>> -> memref<128x128xf32, #tpu.memory_space<vmem>>
        tpu.wait_dma2 semaphore(%arg16 : memref<!tpu.dma_semaphore, #tpu.memory_space<semaphore_mem>>) src(%dma_wait3A_166 : memref<128x128xf32, #tpu.memory_space<vmem>>) dst(%dma_wait3A_162 : memref<128x128xf32, #tpu.memory_space<vmem_shared>>)
        %add3A_167 = arith.constant 2 : i32
        %add3A_168 = arith.addi %add3A_82, %add3A_167 : i32
        %dma_start3A_169 = arith.constant 0 : i32
        %dma_start3A_170 = arith.constant 0 : i32
        %dma_start3A_171 = arith.constant 0 : i32
        %dma_start3A_172 = tpu.memref_slice %arg10[%dma_start3A_169, %dma_start3A_170, %dma_start3A_171] : memref<2x128x128xf32, #tpu.memory_space<vmem>> -> memref<1x128x128xf32, #tpu.memory_space<vmem>>
        %dma_start3A_173 = tpu.memref_squeeze %dma_start3A_172 : memref<1x128x128xf32, #tpu.memory_space<vmem>> -> memref<128x128xf32, #tpu.memory_space<vmem>>
        %dma_start3A_174 = arith.constant 0 : i32
        %dma_start3A_175 = tpu.memref_slice %arg7[%add3A_168, %dma_start3A_174] : memref<80x128xi32, #tpu.memory_space<vmem>> -> memref<1x128xi32, #tpu.memory_space<vmem>>
        %dma_start3A_176 = tpu.memref_squeeze %dma_start3A_175 : memref<1x128xi32, #tpu.memory_space<vmem>> -> memref<128xi32, #tpu.memory_space<vmem>>
        %dma_start3A_177 = arith.constant 0 : i32
        %dma_start3A_178 = arith.constant 0 : i32
        %dma_start3A_179 = tpu.memref_slice %arg2[%dma_start3A_177, %dma_start3A_178] : memref<10240x128xf32, #tpu.memory_space<hbm>> -> memref<10240x128xf32, #tpu.memory_space<hbm>>
        tpu.enqueue_indirect_dma source(%dma_start3A_179 : memref<10240x128xf32, #tpu.memory_space<hbm>>) target(%dma_start3A_173 : memref<128x128xf32, #tpu.memory_space<vmem>>) offsets(%dma_start3A_176 : memref<128xi32, #tpu.memory_space<vmem>>) semaphore(%arg14 : memref<!tpu.dma_semaphore, #tpu.memory_space<semaphore_mem>>)
        %add3A_180 = arith.constant 2 : i32
        %add3A_181 = arith.addi %add3A_82, %add3A_180 : i32
        %mul3A_182 = arith.constant 128 : i32
        %mul3A_183 = arith.muli %add3A_181, %mul3A_182 : i32
        %add3A_184 = arith.addi %mul3A_6, %mul3A_183 : i32
        %dma_start3A_185 = tpu.memref_slice %arg4[%add3A_184] : memref<327680xi32, #tpu.memory_space<hbm>> -> memref<128xi32, #tpu.memory_space<hbm>>
        %dma_start3A_186 = tpu.memref_slice %arg4[%add3A_184] : memref<327680xi32, #tpu.memory_space<hbm>> -> memref<128xi32, #tpu.memory_space<hbm>>
        tpu.enqueue_dma source(%dma_start3A_186 : memref<128xi32, #tpu.memory_space<hbm>>) target(%arg8 : memref<128xi32, #tpu.memory_space<vmem>>) target_semaphore(%arg12 : memref<!tpu.dma_semaphore, #tpu.memory_space<semaphore_mem>>)
      } else {
      }
      %mul3A_114 = arith.constant 2 : i32
      %mul3A_115 = arith.muli %add3A_78, %mul3A_114 : i32
      %add3A_116 = arith.constant 1 : i32
      %add3A_117 = arith.addi %mul3A_115, %add3A_116 : i32
      %dma_wait3A_118 = arith.constant 1 : i32
      %dma_wait3A_119 = arith.constant 0 : i32
      %dma_wait3A_120 = arith.constant 0 : i32
      %dma_wait3A_121 = tpu.memref_slice %arg10[%dma_wait3A_118, %dma_wait3A_119, %dma_wait3A_120] : memref<2x128x128xf32, #tpu.memory_space<vmem>> -> memref<1x128x128xf32, #tpu.memory_space<vmem>>
      %dma_wait3A_122 = tpu.memref_squeeze %dma_wait3A_121 : memref<1x128x128xf32, #tpu.memory_space<vmem>> -> memref<128x128xf32, #tpu.memory_space<vmem>>
      %dma_wait3A_123 = arith.constant 0 : i32
      %dma_wait3A_124 = arith.constant 0 : i32
      %dma_wait3A_125 = tpu.memref_slice %arg2[%dma_wait3A_123, %dma_wait3A_124] : memref<10240x128xf32, #tpu.memory_space<hbm>> -> memref<128x128xf32, #tpu.memory_space<hbm>>
      %dma_wait3A_126 = arith.constant 0 : i32
      %dma_wait3A_127 = arith.constant 0 : i32
      %dma_wait3A_128 = tpu.memref_slice %arg10[%dma_wait3A_118, %dma_wait3A_126, %dma_wait3A_127] : memref<2x128x128xf32, #tpu.memory_space<vmem>> -> memref<1x128x128xf32, #tpu.memory_space<vmem>>
      %dma_wait3A_129 = tpu.memref_squeeze %dma_wait3A_128 : memref<1x128x128xf32, #tpu.memory_space<vmem>> -> memref<128x128xf32, #tpu.memory_space<vmem>>
      %dma_wait3A_130 = arith.constant 0 : i32
      %dma_wait3A_131 = arith.constant 0 : i32
      %dma_wait3A_132 = tpu.memref_slice %arg2[%dma_wait3A_130, %dma_wait3A_131] : memref<10240x128xf32, #tpu.memory_space<hbm>> -> memref<128x128xf32, #tpu.memory_space<hbm>>
      tpu.wait_dma2 semaphore(%arg15 : memref<!tpu.dma_semaphore, #tpu.memory_space<semaphore_mem>>) src(%dma_wait3A_132 : memref<128x128xf32, #tpu.memory_space<hbm>>) dst(%dma_wait3A_129 : memref<128x128xf32, #tpu.memory_space<vmem>>)
      %dma_wait3A_133 = arith.constant 0 : i32
      %dma_wait3A_134 = tpu.memref_slice %arg4[%dma_wait3A_133] : memref<327680xi32, #tpu.memory_space<hbm>> -> memref<128xi32, #tpu.memory_space<hbm>>
      %dma_wait3A_135 = arith.constant 0 : i32
      %dma_wait3A_136 = tpu.memref_slice %arg4[%dma_wait3A_135] : memref<327680xi32, #tpu.memory_space<hbm>> -> memref<128xi32, #tpu.memory_space<hbm>>
      tpu.wait_dma2 semaphore(%arg13 : memref<!tpu.dma_semaphore, #tpu.memory_space<semaphore_mem>>) src(%dma_wait3A_136 : memref<128xi32, #tpu.memory_space<hbm>>) dst(%arg9 : memref<128xi32, #tpu.memory_space<vmem>>)
      %dma_start3A_137 = arith.constant 1 : i32
      %dma_start3A_138 = arith.constant 0 : i32
      %dma_start3A_139 = arith.constant 0 : i32
      %dma_start3A_140 = tpu.memref_slice %arg10[%dma_start3A_137, %dma_start3A_138, %dma_start3A_139] : memref<2x128x128xf32, #tpu.memory_space<vmem>> -> memref<1x128x128xf32, #tpu.memory_space<vmem>>
      %dma_start3A_141 = tpu.memref_squeeze %dma_start3A_140 : memref<1x128x128xf32, #tpu.memory_space<vmem>> -> memref<128x128xf32, #tpu.memory_space<vmem>>
      %dma_start3A_142 = arith.constant 0 : i32
      %dma_start3A_143 = arith.constant 0 : i32
      %dma_start3A_144 = tpu.memref_slice %arg11[%dma_start3A_142, %dma_start3A_143] : memref<10240x128xf32, #tpu.memory_space<vmem_shared>> -> memref<10240x128xf32, #tpu.memory_space<vmem_shared>>
      tpu.enqueue_indirect_dma source(%dma_start3A_141 : memref<128x128xf32, #tpu.memory_space<vmem>>) target(%dma_start3A_144 : memref<10240x128xf32, #tpu.memory_space<vmem_shared>>) offsets(%arg9 : memref<128xi32, #tpu.memory_space<vmem>>) semaphore(%arg17 : memref<!tpu.dma_semaphore, #tpu.memory_space<semaphore_mem>>) {add = true}
      %add3A_145 = arith.constant 2 : i32
      %add3A_146 = arith.addi %add3A_117, %add3A_145 : i32
      %lt3A_147 = arith.constant 80 : i32
      %lt3A_148 = arith.cmpi slt, %add3A_146, %lt3A_147 : i32
      %convert_element_type3A_149 = arith.extui %lt3A_148 : i1 to i32
      %cond3A_150 = arith.constant 0 : i32
      %cond3A_151 = arith.cmpi ne, %convert_element_type3A_149, %cond3A_150 : i32
      scf.if %cond3A_151 {
        %dma_wait3A_152 = arith.constant 1 : i32
        %dma_wait3A_153 = arith.constant 0 : i32
        %dma_wait3A_154 = arith.constant 0 : i32
        %dma_wait3A_155 = tpu.memref_slice %arg10[%dma_wait3A_152, %dma_wait3A_153, %dma_wait3A_154] : memref<2x128x128xf32, #tpu.memory_space<vmem>> -> memref<1x128x128xf32, #tpu.memory_space<vmem>>
        %dma_wait3A_156 = tpu.memref_squeeze %dma_wait3A_155 : memref<1x128x128xf32, #tpu.memory_space<vmem>> -> memref<128x128xf32, #tpu.memory_space<vmem>>
        %dma_wait3A_157 = arith.constant 0 : i32
        %dma_wait3A_158 = arith.constant 0 : i32
        %dma_wait3A_159 = tpu.memref_slice %arg11[%dma_wait3A_157, %dma_wait3A_158] : memref<10240x128xf32, #tpu.memory_space<vmem_shared>> -> memref<128x128xf32, #tpu.memory_space<vmem_shared>>
        %dma_wait3A_160 = arith.constant 0 : i32
        %dma_wait3A_161 = arith.constant 0 : i32
        %dma_wait3A_162 = tpu.memref_slice %arg11[%dma_wait3A_160, %dma_wait3A_161] : memref<10240x128xf32, #tpu.memory_space<vmem_shared>> -> memref<128x128xf32, #tpu.memory_space<vmem_shared>>
        %dma_wait3A_163 = arith.constant 0 : i32
        %dma_wait3A_164 = arith.constant 0 : i32
        %dma_wait3A_165 = tpu.memref_slice %arg10[%dma_wait3A_152, %dma_wait3A_163, %dma_wait3A_164] : memref<2x128x128xf32, #tpu.memory_space<vmem>> -> memref<1x128x128xf32, #tpu.memory_space<vmem>>
        %dma_wait3A_166 = tpu.memref_squeeze %dma_wait3A_165 : memref<1x128x128xf32, #tpu.memory_space<vmem>> -> memref<128x128xf32, #tpu.memory_space<vmem>>
        tpu.wait_dma2 semaphore(%arg17 : memref<!tpu.dma_semaphore, #tpu.memory_space<semaphore_mem>>) src(%dma_wait3A_166 : memref<128x128xf32, #tpu.memory_space<vmem>>) dst(%dma_wait3A_162 : memref<128x128xf32, #tpu.memory_space<vmem_shared>>)
        %add3A_167 = arith.constant 2 : i32
        %add3A_168 = arith.addi %add3A_117, %add3A_167 : i32
        %dma_start3A_169 = arith.constant 1 : i32
        %dma_start3A_170 = arith.constant 0 : i32
        %dma_start3A_171 = arith.constant 0 : i32
        %dma_start3A_172 = tpu.memref_slice %arg10[%dma_start3A_169, %dma_start3A_170, %dma_start3A_171] : memref<2x128x128xf32, #tpu.memory_space<vmem>> -> memref<1x128x128xf32, #tpu.memory_space<vmem>>
        %dma_start3A_173 = tpu.memref_squeeze %dma_start3A_172 : memref<1x128x128xf32, #tpu.memory_space<vmem>> -> memref<128x128xf32, #tpu.memory_space<vmem>>
        %dma_start3A_174 = arith.constant 0 : i32
        %dma_start3A_175 = tpu.memref_slice %arg7[%add3A_168, %dma_start3A_174] : memref<80x128xi32, #tpu.memory_space<vmem>> -> memref<1x128xi32, #tpu.memory_space<vmem>>
        %dma_start3A_176 = tpu.memref_squeeze %dma_start3A_175 : memref<1x128xi32, #tpu.memory_space<vmem>> -> memref<128xi32, #tpu.memory_space<vmem>>
        %dma_start3A_177 = arith.constant 0 : i32
        %dma_start3A_178 = arith.constant 0 : i32
        %dma_start3A_179 = tpu.memref_slice %arg2[%dma_start3A_177, %dma_start3A_178] : memref<10240x128xf32, #tpu.memory_space<hbm>> -> memref<10240x128xf32, #tpu.memory_space<hbm>>
        tpu.enqueue_indirect_dma source(%dma_start3A_179 : memref<10240x128xf32, #tpu.memory_space<hbm>>) target(%dma_start3A_173 : memref<128x128xf32, #tpu.memory_space<vmem>>) offsets(%dma_start3A_176 : memref<128xi32, #tpu.memory_space<vmem>>) semaphore(%arg15 : memref<!tpu.dma_semaphore, #tpu.memory_space<semaphore_mem>>)
        %add3A_180 = arith.constant 2 : i32
        %add3A_181 = arith.addi %add3A_117, %add3A_180 : i32
        %mul3A_182 = arith.constant 128 : i32
        %mul3A_183 = arith.muli %add3A_181, %mul3A_182 : i32
        %add3A_184 = arith.addi %mul3A_6, %mul3A_183 : i32
        %dma_start3A_185 = tpu.memref_slice %arg4[%add3A_184] : memref<327680xi32, #tpu.memory_space<hbm>> -> memref<128xi32, #tpu.memory_space<hbm>>
        %dma_start3A_186 = tpu.memref_slice %arg4[%add3A_184] : memref<327680xi32, #tpu.memory_space<hbm>> -> memref<128xi32, #tpu.memory_space<hbm>>
        tpu.enqueue_dma source(%dma_start3A_186 : memref<128xi32, #tpu.memory_space<hbm>>) target(%arg9 : memref<128xi32, #tpu.memory_space<vmem>>) target_semaphore(%arg13 : memref<!tpu.dma_semaphore, #tpu.memory_space<semaphore_mem>>)
      } else {
      }
    }
    %scan3A_43 = arith.constant 40 : i32
    %dma_wait3A = arith.constant 0 : i32
    %dma_wait3A_44 = arith.constant 0 : i32
    %dma_wait3A_45 = arith.constant 0 : i32
    %dma_wait3A_46 = tpu.memref_slice %arg10[%dma_wait3A, %dma_wait3A_44, %dma_wait3A_45] : memref<2x128x128xf32, #tpu.memory_space<vmem>> -> memref<1x128x128xf32, #tpu.memory_space<vmem>>
    %dma_wait3A_47 = tpu.memref_squeeze %dma_wait3A_46 : memref<1x128x128xf32, #tpu.memory_space<vmem>> -> memref<128x128xf32, #tpu.memory_space<vmem>>
    %dma_wait3A_48 = arith.constant 0 : i32
    %dma_wait3A_49 = arith.constant 0 : i32
    %dma_wait3A_50 = tpu.memref_slice %arg11[%dma_wait3A_48, %dma_wait3A_49] : memref<10240x128xf32, #tpu.memory_space<vmem_shared>> -> memref<128x128xf32, #tpu.memory_space<vmem_shared>>
    %dma_wait3A_51 = arith.constant 0 : i32
    %dma_wait3A_52 = arith.constant 0 : i32
    %dma_wait3A_53 = tpu.memref_slice %arg11[%dma_wait3A_51, %dma_wait3A_52] : memref<10240x128xf32, #tpu.memory_space<vmem_shared>> -> memref<128x128xf32, #tpu.memory_space<vmem_shared>>
    %dma_wait3A_54 = arith.constant 0 : i32
    %dma_wait3A_55 = arith.constant 0 : i32
    %dma_wait3A_56 = tpu.memref_slice %arg10[%dma_wait3A, %dma_wait3A_54, %dma_wait3A_55] : memref<2x128x128xf32, #tpu.memory_space<vmem>> -> memref<1x128x128xf32, #tpu.memory_space<vmem>>
    %dma_wait3A_57 = tpu.memref_squeeze %dma_wait3A_56 : memref<1x128x128xf32, #tpu.memory_space<vmem>> -> memref<128x128xf32, #tpu.memory_space<vmem>>
    tpu.wait_dma2 semaphore(%arg16 : memref<!tpu.dma_semaphore, #tpu.memory_space<semaphore_mem>>) src(%dma_wait3A_57 : memref<128x128xf32, #tpu.memory_space<vmem>>) dst(%dma_wait3A_53 : memref<128x128xf32, #tpu.memory_space<vmem_shared>>)
    %dma_wait3A_58 = arith.constant 1 : i32
    %dma_wait3A_59 = arith.constant 0 : i32
    %dma_wait3A_60 = arith.constant 0 : i32
    %dma_wait3A_61 = tpu.memref_slice %arg10[%dma_wait3A_58, %dma_wait3A_59, %dma_wait3A_60] : memref<2x128x128xf32, #tpu.memory_space<vmem>> -> memref<1x128x128xf32, #tpu.memory_space<vmem>>
    %dma_wait3A_62 = tpu.memref_squeeze %dma_wait3A_61 : memref<1x128x128xf32, #tpu.memory_space<vmem>> -> memref<128x128xf32, #tpu.memory_space<vmem>>
    %dma_wait3A_63 = arith.constant 0 : i32
    %dma_wait3A_64 = arith.constant 0 : i32
    %dma_wait3A_65 = tpu.memref_slice %arg11[%dma_wait3A_63, %dma_wait3A_64] : memref<10240x128xf32, #tpu.memory_space<vmem_shared>> -> memref<128x128xf32, #tpu.memory_space<vmem_shared>>
    %dma_wait3A_66 = arith.constant 0 : i32
    %dma_wait3A_67 = arith.constant 0 : i32
    %dma_wait3A_68 = tpu.memref_slice %arg11[%dma_wait3A_66, %dma_wait3A_67] : memref<10240x128xf32, #tpu.memory_space<vmem_shared>> -> memref<128x128xf32, #tpu.memory_space<vmem_shared>>
    %dma_wait3A_69 = arith.constant 0 : i32
    %dma_wait3A_70 = arith.constant 0 : i32
    %dma_wait3A_71 = tpu.memref_slice %arg10[%dma_wait3A_58, %dma_wait3A_69, %dma_wait3A_70] : memref<2x128x128xf32, #tpu.memory_space<vmem>> -> memref<1x128x128xf32, #tpu.memory_space<vmem>>
    %dma_wait3A_72 = tpu.memref_squeeze %dma_wait3A_71 : memref<1x128x128xf32, #tpu.memory_space<vmem>> -> memref<128x128xf32, #tpu.memory_space<vmem>>
    tpu.wait_dma2 semaphore(%arg17 : memref<!tpu.dma_semaphore, #tpu.memory_space<semaphore_mem>>) src(%dma_wait3A_72 : memref<128x128xf32, #tpu.memory_space<vmem>>) dst(%dma_wait3A_68 : memref<128x128xf32, #tpu.memory_space<vmem_shared>>)
    %barrier3A_73 = arith.constant 0 : index
    tpu.barrier barrier_id(%barrier3A_73)
    "tpu.region"() ({
      %run_scoped3A = tpu.sem_alloc : memref<!tpu.dma_semaphore, #tpu.memory_space<semaphore_mem>>
      %dma_start3A_74 = arith.constant 0 : i32
      %dma_start3A_75 = tpu.memref_slice %arg6[%arg0, %mul3A_8, %dma_start3A_74] : memref<2x10240x128xf32, #tpu.memory_space<hbm>> -> memref<1x640x128xf32, #tpu.memory_space<hbm>>
      %dma_start3A_76 = tpu.memref_squeeze %dma_start3A_75 : memref<1x640x128xf32, #tpu.memory_space<hbm>> -> memref<640x128xf32, #tpu.memory_space<hbm>>
      %dma_start3A_77 = arith.constant 0 : i32
      %dma_start3A_78 = tpu.memref_slice %arg11[%mul3A_8, %dma_start3A_77] : memref<10240x128xf32, #tpu.memory_space<vmem_shared>> -> memref<640x128xf32, #tpu.memory_space<vmem_shared>>
      tpu.enqueue_dma source(%dma_start3A_78 : memref<640x128xf32, #tpu.memory_space<vmem_shared>>) target(%dma_start3A_76 : memref<640x128xf32, #tpu.memory_space<hbm>>) target_semaphore(%run_scoped3A : memref<!tpu.dma_semaphore, #tpu.memory_space<semaphore_mem>>)
      %dma_wait3A_79 = arith.constant 0 : i32
      %dma_wait3A_80 = tpu.memref_slice %arg6[%arg0, %mul3A_8, %dma_wait3A_79] : memref<2x10240x128xf32, #tpu.memory_space<hbm>> -> memref<1x640x128xf32, #tpu.memory_space<hbm>>
      %dma_wait3A_81 = tpu.memref_squeeze %dma_wait3A_80 : memref<1x640x128xf32, #tpu.memory_space<hbm>> -> memref<640x128xf32, #tpu.memory_space<hbm>>
      %dma_wait3A_82 = arith.constant 0 : i32
      %dma_wait3A_83 = tpu.memref_slice %arg11[%mul3A_8, %dma_wait3A_82] : memref<10240x128xf32, #tpu.memory_space<vmem_shared>> -> memref<640x128xf32, #tpu.memory_space<vmem_shared>>
      tpu.wait_dma2 semaphore(%run_scoped3A : memref<!tpu.dma_semaphore, #tpu.memory_space<semaphore_mem>>) src(%dma_wait3A_83 : memref<640x128xf32, #tpu.memory_space<vmem_shared>>) dst(%dma_wait3A_81 : memref<640x128xf32, #tpu.memory_space<hbm>>)
      tpu.yield
    }) : () -> ()
    return
  }
}

#map = affine_map<(d0, d1) -> (0, 0)>
#map1 = affine_map<(d0, d1) -> (0, 0, 0)>
module attributes {stable_mosaic.version = 14 : i64} {
  func.func @_deg_body(%arg0: i32, %arg1: i32, %arg2: memref<2560x128xi32, #tpu.memory_space<hbm>>, %arg3: memref<128x128xf32, #tpu.memory_space<hbm>>, %arg4: memref<10240x128xf32, #tpu.memory_space<hbm>>, %arg5: memref<2x10240x128xf32, #tpu.memory_space<hbm>>, %arg6: memref<80x128xi32, #tpu.memory_space<vmem>>, %arg7: memref<128x128xf32, #tpu.memory_space<vmem>>, %arg8: memref<10240x128xf32, #tpu.memory_space<vmem_shared>>, %arg9: memref<!tpu.dma_semaphore, #tpu.memory_space<semaphore_mem>>, %arg10: memref<!tpu.dma_semaphore, #tpu.memory_space<semaphore_mem>>, %arg11: memref<!tpu.dma_semaphore, #tpu.memory_space<semaphore_mem>>, %arg12: memref<!tpu.dma_semaphore, #tpu.memory_space<semaphore_mem>>, %arg13: memref<!tpu.dma_semaphore, #tpu.memory_space<semaphore_mem>>, %arg14: memref<!tpu.dma_semaphore, #tpu.memory_space<semaphore_mem>>, %arg15: memref<!tpu.dma_semaphore, #tpu.memory_space<semaphore_mem>>, %arg16: memref<!tpu.dma_semaphore, #tpu.memory_space<semaphore_mem>>) attributes {dimension_semantics = [#tpu.dimension_semantics<core_parallel>, #tpu.dimension_semantics<subcore_parallel>], iteration_bounds = array<i64: 2, 16>, scalar_prefetch = 0 : i64, scratch_operands = 11 : i64, tpu.core_type = #tpu.core_type<sc_vector_subcore>, window_params = [{transform_indices = #map}, {transform_indices = #map}, {transform_indices = #map}, {transform_indices = #map1}]} {
    %mul3A = arith.constant 16 : i32
    %mul3A_0 = arith.muli %arg0, %mul3A : i32
    %add3A = arith.addi %mul3A_0, %arg1 : i32
    %mul3A_1 = arith.constant 80 : i32
    %mul3A_2 = arith.muli %add3A, %mul3A_1 : i32
    %mul3A_3 = arith.constant 640 : i32
    %mul3A_4 = arith.muli %arg1, %mul3A_3 : i32
    "tpu.region"() ({
      %run_scoped3A = tpu.sem_alloc : memref<!tpu.dma_semaphore, #tpu.memory_space<semaphore_mem>>
      %dma_start3A_120 = arith.constant 0 : i32
      %dma_start3A_121 = tpu.memref_slice %arg8[%mul3A_4, %dma_start3A_120] : memref<10240x128xf32, #tpu.memory_space<vmem_shared>> -> memref<640x128xf32, #tpu.memory_space<vmem_shared>>
      %dma_start3A_122 = arith.constant 0 : i32
      %dma_start3A_123 = tpu.memref_slice %arg4[%mul3A_4, %dma_start3A_122] : memref<10240x128xf32, #tpu.memory_space<hbm>> -> memref<640x128xf32, #tpu.memory_space<hbm>>
      tpu.enqueue_dma source(%dma_start3A_123 : memref<640x128xf32, #tpu.memory_space<hbm>>) target(%dma_start3A_121 : memref<640x128xf32, #tpu.memory_space<vmem_shared>>) target_semaphore(%run_scoped3A : memref<!tpu.dma_semaphore, #tpu.memory_space<semaphore_mem>>)
      %dma_wait3A_124 = arith.constant 0 : i32
      %dma_wait3A_125 = tpu.memref_slice %arg8[%mul3A_4, %dma_wait3A_124] : memref<10240x128xf32, #tpu.memory_space<vmem_shared>> -> memref<640x128xf32, #tpu.memory_space<vmem_shared>>
      %dma_wait3A_126 = arith.constant 0 : i32
      %dma_wait3A_127 = tpu.memref_slice %arg4[%mul3A_4, %dma_wait3A_126] : memref<10240x128xf32, #tpu.memory_space<hbm>> -> memref<640x128xf32, #tpu.memory_space<hbm>>
      tpu.wait_dma2 semaphore(%run_scoped3A : memref<!tpu.dma_semaphore, #tpu.memory_space<semaphore_mem>>) src(%dma_wait3A_127 : memref<640x128xf32, #tpu.memory_space<hbm>>) dst(%dma_wait3A_125 : memref<640x128xf32, #tpu.memory_space<vmem_shared>>)
      tpu.yield
    }) : () -> ()
    "tpu.region"() ({
      %run_scoped3A = tpu.sem_alloc : memref<!tpu.dma_semaphore, #tpu.memory_space<semaphore_mem>>
      %dma_start3A_120 = arith.constant 0 : i32
      %dma_start3A_121 = tpu.memref_slice %arg2[%mul3A_2, %dma_start3A_120] : memref<2560x128xi32, #tpu.memory_space<hbm>> -> memref<80x128xi32, #tpu.memory_space<hbm>>
      %dma_start3A_122 = arith.constant 0 : i32
      %dma_start3A_123 = tpu.memref_slice %arg2[%mul3A_2, %dma_start3A_122] : memref<2560x128xi32, #tpu.memory_space<hbm>> -> memref<80x128xi32, #tpu.memory_space<hbm>>
      tpu.enqueue_dma source(%dma_start3A_123 : memref<80x128xi32, #tpu.memory_space<hbm>>) target(%arg6 : memref<80x128xi32, #tpu.memory_space<vmem>>) target_semaphore(%run_scoped3A : memref<!tpu.dma_semaphore, #tpu.memory_space<semaphore_mem>>)
      %dma_wait3A_124 = arith.constant 0 : i32
      %dma_wait3A_125 = tpu.memref_slice %arg2[%mul3A_2, %dma_wait3A_124] : memref<2560x128xi32, #tpu.memory_space<hbm>> -> memref<80x128xi32, #tpu.memory_space<hbm>>
      %dma_wait3A_126 = arith.constant 0 : i32
      %dma_wait3A_127 = tpu.memref_slice %arg2[%mul3A_2, %dma_wait3A_126] : memref<2560x128xi32, #tpu.memory_space<hbm>> -> memref<80x128xi32, #tpu.memory_space<hbm>>
      tpu.wait_dma2 semaphore(%run_scoped3A : memref<!tpu.dma_semaphore, #tpu.memory_space<semaphore_mem>>) src(%dma_wait3A_127 : memref<80x128xi32, #tpu.memory_space<hbm>>) dst(%arg6 : memref<80x128xi32, #tpu.memory_space<vmem>>)
      tpu.yield
    }) : () -> ()
    "tpu.region"() ({
      %run_scoped3A = tpu.sem_alloc : memref<!tpu.dma_semaphore, #tpu.memory_space<semaphore_mem>>
      tpu.enqueue_dma source(%arg3 : memref<128x128xf32, #tpu.memory_space<hbm>>) target(%arg7 : memref<128x128xf32, #tpu.memory_space<vmem>>) target_semaphore(%run_scoped3A : memref<!tpu.dma_semaphore, #tpu.memory_space<semaphore_mem>>)
      tpu.wait_dma2 semaphore(%run_scoped3A : memref<!tpu.dma_semaphore, #tpu.memory_space<semaphore_mem>>) src(%arg3 : memref<128x128xf32, #tpu.memory_space<hbm>>) dst(%arg7 : memref<128x128xf32, #tpu.memory_space<vmem>>)
      tpu.yield
    }) : () -> ()
    %barrier3A = arith.constant 0 : index
    tpu.barrier barrier_id(%barrier3A)
    %dma_start3A = arith.constant 0 : i32
    %dma_start3A_5 = arith.constant 0 : i32
    %dma_start3A_6 = tpu.memref_slice %arg6[%dma_start3A, %dma_start3A_5] : memref<80x128xi32, #tpu.memory_space<vmem>> -> memref<1x128xi32, #tpu.memory_space<vmem>>
    %dma_start3A_7 = tpu.memref_squeeze %dma_start3A_6 : memref<1x128xi32, #tpu.memory_space<vmem>> -> memref<128xi32, #tpu.memory_space<vmem>>
    %dma_start3A_8 = arith.constant 0 : i32
    %dma_start3A_9 = arith.constant 0 : i32
    %dma_start3A_10 = tpu.memref_slice %arg8[%dma_start3A_8, %dma_start3A_9] : memref<10240x128xf32, #tpu.memory_space<vmem_shared>> -> memref<10240x128xf32, #tpu.memory_space<vmem_shared>>
    tpu.enqueue_indirect_dma source(%arg7 : memref<128x128xf32, #tpu.memory_space<vmem>>) target(%dma_start3A_10 : memref<10240x128xf32, #tpu.memory_space<vmem_shared>>) offsets(%dma_start3A_7 : memref<128xi32, #tpu.memory_space<vmem>>) semaphore(%arg9 : memref<!tpu.dma_semaphore, #tpu.memory_space<semaphore_mem>>) {add = true}
    %dma_start3A_11 = arith.constant 1 : i32
    %dma_start3A_12 = arith.constant 0 : i32
    %dma_start3A_13 = tpu.memref_slice %arg6[%dma_start3A_11, %dma_start3A_12] : memref<80x128xi32, #tpu.memory_space<vmem>> -> memref<1x128xi32, #tpu.memory_space<vmem>>
    %dma_start3A_14 = tpu.memref_squeeze %dma_start3A_13 : memref<1x128xi32, #tpu.memory_space<vmem>> -> memref<128xi32, #tpu.memory_space<vmem>>
    %dma_start3A_15 = arith.constant 0 : i32
    %dma_start3A_16 = arith.constant 0 : i32
    %dma_start3A_17 = tpu.memref_slice %arg8[%dma_start3A_15, %dma_start3A_16] : memref<10240x128xf32, #tpu.memory_space<vmem_shared>> -> memref<10240x128xf32, #tpu.memory_space<vmem_shared>>
    tpu.enqueue_indirect_dma source(%arg7 : memref<128x128xf32, #tpu.memory_space<vmem>>) target(%dma_start3A_17 : memref<10240x128xf32, #tpu.memory_space<vmem_shared>>) offsets(%dma_start3A_14 : memref<128xi32, #tpu.memory_space<vmem>>) semaphore(%arg10 : memref<!tpu.dma_semaphore, #tpu.memory_space<semaphore_mem>>) {add = true}
    %dma_start3A_18 = arith.constant 2 : i32
    %dma_start3A_19 = arith.constant 0 : i32
    %dma_start3A_20 = tpu.memref_slice %arg6[%dma_start3A_18, %dma_start3A_19] : memref<80x128xi32, #tpu.memory_space<vmem>> -> memref<1x128xi32, #tpu.memory_space<vmem>>
    %dma_start3A_21 = tpu.memref_squeeze %dma_start3A_20 : memref<1x128xi32, #tpu.memory_space<vmem>> -> memref<128xi32, #tpu.memory_space<vmem>>
    %dma_start3A_22 = arith.constant 0 : i32
    %dma_start3A_23 = arith.constant 0 : i32
    %dma_start3A_24 = tpu.memref_slice %arg8[%dma_start3A_22, %dma_start3A_23] : memref<10240x128xf32, #tpu.memory_space<vmem_shared>> -> memref<10240x128xf32, #tpu.memory_space<vmem_shared>>
    tpu.enqueue_indirect_dma source(%arg7 : memref<128x128xf32, #tpu.memory_space<vmem>>) target(%dma_start3A_24 : memref<10240x128xf32, #tpu.memory_space<vmem_shared>>) offsets(%dma_start3A_21 : memref<128xi32, #tpu.memory_space<vmem>>) semaphore(%arg11 : memref<!tpu.dma_semaphore, #tpu.memory_space<semaphore_mem>>) {add = true}
    %dma_start3A_25 = arith.constant 3 : i32
    %dma_start3A_26 = arith.constant 0 : i32
    %dma_start3A_27 = tpu.memref_slice %arg6[%dma_start3A_25, %dma_start3A_26] : memref<80x128xi32, #tpu.memory_space<vmem>> -> memref<1x128xi32, #tpu.memory_space<vmem>>
    %dma_start3A_28 = tpu.memref_squeeze %dma_start3A_27 : memref<1x128xi32, #tpu.memory_space<vmem>> -> memref<128xi32, #tpu.memory_space<vmem>>
    %dma_start3A_29 = arith.constant 0 : i32
    %dma_start3A_30 = arith.constant 0 : i32
    %dma_start3A_31 = tpu.memref_slice %arg8[%dma_start3A_29, %dma_start3A_30] : memref<10240x128xf32, #tpu.memory_space<vmem_shared>> -> memref<10240x128xf32, #tpu.memory_space<vmem_shared>>
    tpu.enqueue_indirect_dma source(%arg7 : memref<128x128xf32, #tpu.memory_space<vmem>>) target(%dma_start3A_31 : memref<10240x128xf32, #tpu.memory_space<vmem_shared>>) offsets(%dma_start3A_28 : memref<128xi32, #tpu.memory_space<vmem>>) semaphore(%arg12 : memref<!tpu.dma_semaphore, #tpu.memory_space<semaphore_mem>>) {add = true}
    %dma_start3A_32 = arith.constant 4 : i32
    %dma_start3A_33 = arith.constant 0 : i32
    %dma_start3A_34 = tpu.memref_slice %arg6[%dma_start3A_32, %dma_start3A_33] : memref<80x128xi32, #tpu.memory_space<vmem>> -> memref<1x128xi32, #tpu.memory_space<vmem>>
    %dma_start3A_35 = tpu.memref_squeeze %dma_start3A_34 : memref<1x128xi32, #tpu.memory_space<vmem>> -> memref<128xi32, #tpu.memory_space<vmem>>
    %dma_start3A_36 = arith.constant 0 : i32
    %dma_start3A_37 = arith.constant 0 : i32
    %dma_start3A_38 = tpu.memref_slice %arg8[%dma_start3A_36, %dma_start3A_37] : memref<10240x128xf32, #tpu.memory_space<vmem_shared>> -> memref<10240x128xf32, #tpu.memory_space<vmem_shared>>
    tpu.enqueue_indirect_dma source(%arg7 : memref<128x128xf32, #tpu.memory_space<vmem>>) target(%dma_start3A_38 : memref<10240x128xf32, #tpu.memory_space<vmem_shared>>) offsets(%dma_start3A_35 : memref<128xi32, #tpu.memory_space<vmem>>) semaphore(%arg13 : memref<!tpu.dma_semaphore, #tpu.memory_space<semaphore_mem>>) {add = true}
    %dma_start3A_39 = arith.constant 5 : i32
    %dma_start3A_40 = arith.constant 0 : i32
    %dma_start3A_41 = tpu.memref_slice %arg6[%dma_start3A_39, %dma_start3A_40] : memref<80x128xi32, #tpu.memory_space<vmem>> -> memref<1x128xi32, #tpu.memory_space<vmem>>
    %dma_start3A_42 = tpu.memref_squeeze %dma_start3A_41 : memref<1x128xi32, #tpu.memory_space<vmem>> -> memref<128xi32, #tpu.memory_space<vmem>>
    %dma_start3A_43 = arith.constant 0 : i32
    %dma_start3A_44 = arith.constant 0 : i32
    %dma_start3A_45 = tpu.memref_slice %arg8[%dma_start3A_43, %dma_start3A_44] : memref<10240x128xf32, #tpu.memory_space<vmem_shared>> -> memref<10240x128xf32, #tpu.memory_space<vmem_shared>>
    tpu.enqueue_indirect_dma source(%arg7 : memref<128x128xf32, #tpu.memory_space<vmem>>) target(%dma_start3A_45 : memref<10240x128xf32, #tpu.memory_space<vmem_shared>>) offsets(%dma_start3A_42 : memref<128xi32, #tpu.memory_space<vmem>>) semaphore(%arg14 : memref<!tpu.dma_semaphore, #tpu.memory_space<semaphore_mem>>) {add = true}
    %dma_start3A_46 = arith.constant 6 : i32
    %dma_start3A_47 = arith.constant 0 : i32
    %dma_start3A_48 = tpu.memref_slice %arg6[%dma_start3A_46, %dma_start3A_47] : memref<80x128xi32, #tpu.memory_space<vmem>> -> memref<1x128xi32, #tpu.memory_space<vmem>>
    %dma_start3A_49 = tpu.memref_squeeze %dma_start3A_48 : memref<1x128xi32, #tpu.memory_space<vmem>> -> memref<128xi32, #tpu.memory_space<vmem>>
    %dma_start3A_50 = arith.constant 0 : i32
    %dma_start3A_51 = arith.constant 0 : i32
    %dma_start3A_52 = tpu.memref_slice %arg8[%dma_start3A_50, %dma_start3A_51] : memref<10240x128xf32, #tpu.memory_space<vmem_shared>> -> memref<10240x128xf32, #tpu.memory_space<vmem_shared>>
    tpu.enqueue_indirect_dma source(%arg7 : memref<128x128xf32, #tpu.memory_space<vmem>>) target(%dma_start3A_52 : memref<10240x128xf32, #tpu.memory_space<vmem_shared>>) offsets(%dma_start3A_49 : memref<128xi32, #tpu.memory_space<vmem>>) semaphore(%arg15 : memref<!tpu.dma_semaphore, #tpu.memory_space<semaphore_mem>>) {add = true}
    %dma_start3A_53 = arith.constant 7 : i32
    %dma_start3A_54 = arith.constant 0 : i32
    %dma_start3A_55 = tpu.memref_slice %arg6[%dma_start3A_53, %dma_start3A_54] : memref<80x128xi32, #tpu.memory_space<vmem>> -> memref<1x128xi32, #tpu.memory_space<vmem>>
    %dma_start3A_56 = tpu.memref_squeeze %dma_start3A_55 : memref<1x128xi32, #tpu.memory_space<vmem>> -> memref<128xi32, #tpu.memory_space<vmem>>
    %dma_start3A_57 = arith.constant 0 : i32
    %dma_start3A_58 = arith.constant 0 : i32
    %dma_start3A_59 = tpu.memref_slice %arg8[%dma_start3A_57, %dma_start3A_58] : memref<10240x128xf32, #tpu.memory_space<vmem_shared>> -> memref<10240x128xf32, #tpu.memory_space<vmem_shared>>
    tpu.enqueue_indirect_dma source(%arg7 : memref<128x128xf32, #tpu.memory_space<vmem>>) target(%dma_start3A_59 : memref<10240x128xf32, #tpu.memory_space<vmem_shared>>) offsets(%dma_start3A_56 : memref<128xi32, #tpu.memory_space<vmem>>) semaphore(%arg16 : memref<!tpu.dma_semaphore, #tpu.memory_space<semaphore_mem>>) {add = true}
    %scan3A = arith.constant 0 : i32
    %scan3A_60 = arith.constant 10 : i32
    %scan3A_61 = arith.addi %scan3A, %scan3A_60 : i32
    %scan3A_62 = arith.constant 1 : i32
    scf.for %scan3A_120 = %scan3A to %scan3A_61 step %scan3A_62  : i32 {
      %mul3A_121 = arith.constant 1 : i32
      %mul3A_122 = arith.muli %scan3A_120, %mul3A_121 : i32
      %add3A_123 = arith.constant 0 : i32
      %add3A_124 = arith.addi %add3A_123, %mul3A_122 : i32
      %mul3A_125 = arith.constant 8 : i32
      %mul3A_126 = arith.muli %add3A_124, %mul3A_125 : i32
      %add3A_127 = arith.constant 0 : i32
      %add3A_128 = arith.addi %mul3A_126, %add3A_127 : i32
      %add3A_129 = arith.constant 8 : i32
      %add3A_130 = arith.addi %add3A_128, %add3A_129 : i32
      %lt3A = arith.constant 80 : i32
      %lt3A_131 = arith.cmpi slt, %add3A_130, %lt3A : i32
      %convert_element_type3A = arith.extui %lt3A_131 : i1 to i32
      %cond3A = arith.constant 0 : i32
      %cond3A_132 = arith.cmpi ne, %convert_element_type3A, %cond3A : i32
      scf.if %cond3A_132 {
        %dma_wait3A_210 = arith.constant 0 : i32
        %dma_wait3A_211 = tpu.memref_slice %arg6[%add3A_128, %dma_wait3A_210] : memref<80x128xi32, #tpu.memory_space<vmem>> -> memref<1x128xi32, #tpu.memory_space<vmem>>
        %dma_wait3A_212 = tpu.memref_squeeze %dma_wait3A_211 : memref<1x128xi32, #tpu.memory_space<vmem>> -> memref<128xi32, #tpu.memory_space<vmem>>
        %dma_wait3A_213 = arith.constant 0 : i32
        %dma_wait3A_214 = arith.constant 0 : i32
        %dma_wait3A_215 = tpu.memref_slice %arg8[%dma_wait3A_213, %dma_wait3A_214] : memref<10240x128xf32, #tpu.memory_space<vmem_shared>> -> memref<10240x128xf32, #tpu.memory_space<vmem_shared>>
        tpu.wait_indirect_dma semaphore(%arg9 : memref<!tpu.dma_semaphore, #tpu.memory_space<semaphore_mem>>) src(%arg7 : memref<128x128xf32, #tpu.memory_space<vmem>>) dst(%dma_wait3A_215 : memref<10240x128xf32, #tpu.memory_space<vmem_shared>>)
        %add3A_216 = arith.constant 8 : i32
        %add3A_217 = arith.addi %add3A_128, %add3A_216 : i32
        %dma_start3A_218 = arith.constant 0 : i32
        %dma_start3A_219 = tpu.memref_slice %arg6[%add3A_217, %dma_start3A_218] : memref<80x128xi32, #tpu.memory_space<vmem>> -> memref<1x128xi32, #tpu.memory_space<vmem>>
        %dma_start3A_220 = tpu.memref_squeeze %dma_start3A_219 : memref<1x128xi32, #tpu.memory_space<vmem>> -> memref<128xi32, #tpu.memory_space<vmem>>
        %dma_start3A_221 = arith.constant 0 : i32
        %dma_start3A_222 = arith.constant 0 : i32
        %dma_start3A_223 = tpu.memref_slice %arg8[%dma_start3A_221, %dma_start3A_222] : memref<10240x128xf32, #tpu.memory_space<vmem_shared>> -> memref<10240x128xf32, #tpu.memory_space<vmem_shared>>
        tpu.enqueue_indirect_dma source(%arg7 : memref<128x128xf32, #tpu.memory_space<vmem>>) target(%dma_start3A_223 : memref<10240x128xf32, #tpu.memory_space<vmem_shared>>) offsets(%dma_start3A_220 : memref<128xi32, #tpu.memory_space<vmem>>) semaphore(%arg9 : memref<!tpu.dma_semaphore, #tpu.memory_space<semaphore_mem>>) {add = true}
      } else {
      }
      %mul3A_133 = arith.constant 8 : i32
      %mul3A_134 = arith.muli %add3A_124, %mul3A_133 : i32
      %add3A_135 = arith.constant 1 : i32
      %add3A_136 = arith.addi %mul3A_134, %add3A_135 : i32
      %add3A_137 = arith.constant 8 : i32
      %add3A_138 = arith.addi %add3A_136, %add3A_137 : i32
      %lt3A_139 = arith.constant 80 : i32
      %lt3A_140 = arith.cmpi slt, %add3A_138, %lt3A_139 : i32
      %convert_element_type3A_141 = arith.extui %lt3A_140 : i1 to i32
      %cond3A_142 = arith.constant 0 : i32
      %cond3A_143 = arith.cmpi ne, %convert_element_type3A_141, %cond3A_142 : i32
      scf.if %cond3A_143 {
        %dma_wait3A_210 = arith.constant 0 : i32
        %dma_wait3A_211 = tpu.memref_slice %arg6[%add3A_136, %dma_wait3A_210] : memref<80x128xi32, #tpu.memory_space<vmem>> -> memref<1x128xi32, #tpu.memory_space<vmem>>
        %dma_wait3A_212 = tpu.memref_squeeze %dma_wait3A_211 : memref<1x128xi32, #tpu.memory_space<vmem>> -> memref<128xi32, #tpu.memory_space<vmem>>
        %dma_wait3A_213 = arith.constant 0 : i32
        %dma_wait3A_214 = arith.constant 0 : i32
        %dma_wait3A_215 = tpu.memref_slice %arg8[%dma_wait3A_213, %dma_wait3A_214] : memref<10240x128xf32, #tpu.memory_space<vmem_shared>> -> memref<10240x128xf32, #tpu.memory_space<vmem_shared>>
        tpu.wait_indirect_dma semaphore(%arg10 : memref<!tpu.dma_semaphore, #tpu.memory_space<semaphore_mem>>) src(%arg7 : memref<128x128xf32, #tpu.memory_space<vmem>>) dst(%dma_wait3A_215 : memref<10240x128xf32, #tpu.memory_space<vmem_shared>>)
        %add3A_216 = arith.constant 8 : i32
        %add3A_217 = arith.addi %add3A_136, %add3A_216 : i32
        %dma_start3A_218 = arith.constant 0 : i32
        %dma_start3A_219 = tpu.memref_slice %arg6[%add3A_217, %dma_start3A_218] : memref<80x128xi32, #tpu.memory_space<vmem>> -> memref<1x128xi32, #tpu.memory_space<vmem>>
        %dma_start3A_220 = tpu.memref_squeeze %dma_start3A_219 : memref<1x128xi32, #tpu.memory_space<vmem>> -> memref<128xi32, #tpu.memory_space<vmem>>
        %dma_start3A_221 = arith.constant 0 : i32
        %dma_start3A_222 = arith.constant 0 : i32
        %dma_start3A_223 = tpu.memref_slice %arg8[%dma_start3A_221, %dma_start3A_222] : memref<10240x128xf32, #tpu.memory_space<vmem_shared>> -> memref<10240x128xf32, #tpu.memory_space<vmem_shared>>
        tpu.enqueue_indirect_dma source(%arg7 : memref<128x128xf32, #tpu.memory_space<vmem>>) target(%dma_start3A_223 : memref<10240x128xf32, #tpu.memory_space<vmem_shared>>) offsets(%dma_start3A_220 : memref<128xi32, #tpu.memory_space<vmem>>) semaphore(%arg10 : memref<!tpu.dma_semaphore, #tpu.memory_space<semaphore_mem>>) {add = true}
      } else {
      }
      %mul3A_144 = arith.constant 8 : i32
      %mul3A_145 = arith.muli %add3A_124, %mul3A_144 : i32
      %add3A_146 = arith.constant 2 : i32
      %add3A_147 = arith.addi %mul3A_145, %add3A_146 : i32
      %add3A_148 = arith.constant 8 : i32
      %add3A_149 = arith.addi %add3A_147, %add3A_148 : i32
      %lt3A_150 = arith.constant 80 : i32
      %lt3A_151 = arith.cmpi slt, %add3A_149, %lt3A_150 : i32
      %convert_element_type3A_152 = arith.extui %lt3A_151 : i1 to i32
      %cond3A_153 = arith.constant 0 : i32
      %cond3A_154 = arith.cmpi ne, %convert_element_type3A_152, %cond3A_153 : i32
      scf.if %cond3A_154 {
        %dma_wait3A_210 = arith.constant 0 : i32
        %dma_wait3A_211 = tpu.memref_slice %arg6[%add3A_147, %dma_wait3A_210] : memref<80x128xi32, #tpu.memory_space<vmem>> -> memref<1x128xi32, #tpu.memory_space<vmem>>
        %dma_wait3A_212 = tpu.memref_squeeze %dma_wait3A_211 : memref<1x128xi32, #tpu.memory_space<vmem>> -> memref<128xi32, #tpu.memory_space<vmem>>
        %dma_wait3A_213 = arith.constant 0 : i32
        %dma_wait3A_214 = arith.constant 0 : i32
        %dma_wait3A_215 = tpu.memref_slice %arg8[%dma_wait3A_213, %dma_wait3A_214] : memref<10240x128xf32, #tpu.memory_space<vmem_shared>> -> memref<10240x128xf32, #tpu.memory_space<vmem_shared>>
        tpu.wait_indirect_dma semaphore(%arg11 : memref<!tpu.dma_semaphore, #tpu.memory_space<semaphore_mem>>) src(%arg7 : memref<128x128xf32, #tpu.memory_space<vmem>>) dst(%dma_wait3A_215 : memref<10240x128xf32, #tpu.memory_space<vmem_shared>>)
        %add3A_216 = arith.constant 8 : i32
        %add3A_217 = arith.addi %add3A_147, %add3A_216 : i32
        %dma_start3A_218 = arith.constant 0 : i32
        %dma_start3A_219 = tpu.memref_slice %arg6[%add3A_217, %dma_start3A_218] : memref<80x128xi32, #tpu.memory_space<vmem>> -> memref<1x128xi32, #tpu.memory_space<vmem>>
        %dma_start3A_220 = tpu.memref_squeeze %dma_start3A_219 : memref<1x128xi32, #tpu.memory_space<vmem>> -> memref<128xi32, #tpu.memory_space<vmem>>
        %dma_start3A_221 = arith.constant 0 : i32
        %dma_start3A_222 = arith.constant 0 : i32
        %dma_start3A_223 = tpu.memref_slice %arg8[%dma_start3A_221, %dma_start3A_222] : memref<10240x128xf32, #tpu.memory_space<vmem_shared>> -> memref<10240x128xf32, #tpu.memory_space<vmem_shared>>
        tpu.enqueue_indirect_dma source(%arg7 : memref<128x128xf32, #tpu.memory_space<vmem>>) target(%dma_start3A_223 : memref<10240x128xf32, #tpu.memory_space<vmem_shared>>) offsets(%dma_start3A_220 : memref<128xi32, #tpu.memory_space<vmem>>) semaphore(%arg11 : memref<!tpu.dma_semaphore, #tpu.memory_space<semaphore_mem>>) {add = true}
      } else {
      }
      %mul3A_155 = arith.constant 8 : i32
      %mul3A_156 = arith.muli %add3A_124, %mul3A_155 : i32
      %add3A_157 = arith.constant 3 : i32
      %add3A_158 = arith.addi %mul3A_156, %add3A_157 : i32
      %add3A_159 = arith.constant 8 : i32
      %add3A_160 = arith.addi %add3A_158, %add3A_159 : i32
      %lt3A_161 = arith.constant 80 : i32
      %lt3A_162 = arith.cmpi slt, %add3A_160, %lt3A_161 : i32
      %convert_element_type3A_163 = arith.extui %lt3A_162 : i1 to i32
      %cond3A_164 = arith.constant 0 : i32
      %cond3A_165 = arith.cmpi ne, %convert_element_type3A_163, %cond3A_164 : i32
      scf.if %cond3A_165 {
        %dma_wait3A_210 = arith.constant 0 : i32
        %dma_wait3A_211 = tpu.memref_slice %arg6[%add3A_158, %dma_wait3A_210] : memref<80x128xi32, #tpu.memory_space<vmem>> -> memref<1x128xi32, #tpu.memory_space<vmem>>
        %dma_wait3A_212 = tpu.memref_squeeze %dma_wait3A_211 : memref<1x128xi32, #tpu.memory_space<vmem>> -> memref<128xi32, #tpu.memory_space<vmem>>
        %dma_wait3A_213 = arith.constant 0 : i32
        %dma_wait3A_214 = arith.constant 0 : i32
        %dma_wait3A_215 = tpu.memref_slice %arg8[%dma_wait3A_213, %dma_wait3A_214] : memref<10240x128xf32, #tpu.memory_space<vmem_shared>> -> memref<10240x128xf32, #tpu.memory_space<vmem_shared>>
        tpu.wait_indirect_dma semaphore(%arg12 : memref<!tpu.dma_semaphore, #tpu.memory_space<semaphore_mem>>) src(%arg7 : memref<128x128xf32, #tpu.memory_space<vmem>>) dst(%dma_wait3A_215 : memref<10240x128xf32, #tpu.memory_space<vmem_shared>>)
        %add3A_216 = arith.constant 8 : i32
        %add3A_217 = arith.addi %add3A_158, %add3A_216 : i32
        %dma_start3A_218 = arith.constant 0 : i32
        %dma_start3A_219 = tpu.memref_slice %arg6[%add3A_217, %dma_start3A_218] : memref<80x128xi32, #tpu.memory_space<vmem>> -> memref<1x128xi32, #tpu.memory_space<vmem>>
        %dma_start3A_220 = tpu.memref_squeeze %dma_start3A_219 : memref<1x128xi32, #tpu.memory_space<vmem>> -> memref<128xi32, #tpu.memory_space<vmem>>
        %dma_start3A_221 = arith.constant 0 : i32
        %dma_start3A_222 = arith.constant 0 : i32
        %dma_start3A_223 = tpu.memref_slice %arg8[%dma_start3A_221, %dma_start3A_222] : memref<10240x128xf32, #tpu.memory_space<vmem_shared>> -> memref<10240x128xf32, #tpu.memory_space<vmem_shared>>
        tpu.enqueue_indirect_dma source(%arg7 : memref<128x128xf32, #tpu.memory_space<vmem>>) target(%dma_start3A_223 : memref<10240x128xf32, #tpu.memory_space<vmem_shared>>) offsets(%dma_start3A_220 : memref<128xi32, #tpu.memory_space<vmem>>) semaphore(%arg12 : memref<!tpu.dma_semaphore, #tpu.memory_space<semaphore_mem>>) {add = true}
      } else {
      }
      %mul3A_166 = arith.constant 8 : i32
      %mul3A_167 = arith.muli %add3A_124, %mul3A_166 : i32
      %add3A_168 = arith.constant 4 : i32
      %add3A_169 = arith.addi %mul3A_167, %add3A_168 : i32
      %add3A_170 = arith.constant 8 : i32
      %add3A_171 = arith.addi %add3A_169, %add3A_170 : i32
      %lt3A_172 = arith.constant 80 : i32
      %lt3A_173 = arith.cmpi slt, %add3A_171, %lt3A_172 : i32
      %convert_element_type3A_174 = arith.extui %lt3A_173 : i1 to i32
      %cond3A_175 = arith.constant 0 : i32
      %cond3A_176 = arith.cmpi ne, %convert_element_type3A_174, %cond3A_175 : i32
      scf.if %cond3A_176 {
        %dma_wait3A_210 = arith.constant 0 : i32
        %dma_wait3A_211 = tpu.memref_slice %arg6[%add3A_169, %dma_wait3A_210] : memref<80x128xi32, #tpu.memory_space<vmem>> -> memref<1x128xi32, #tpu.memory_space<vmem>>
        %dma_wait3A_212 = tpu.memref_squeeze %dma_wait3A_211 : memref<1x128xi32, #tpu.memory_space<vmem>> -> memref<128xi32, #tpu.memory_space<vmem>>
        %dma_wait3A_213 = arith.constant 0 : i32
        %dma_wait3A_214 = arith.constant 0 : i32
        %dma_wait3A_215 = tpu.memref_slice %arg8[%dma_wait3A_213, %dma_wait3A_214] : memref<10240x128xf32, #tpu.memory_space<vmem_shared>> -> memref<10240x128xf32, #tpu.memory_space<vmem_shared>>
        tpu.wait_indirect_dma semaphore(%arg13 : memref<!tpu.dma_semaphore, #tpu.memory_space<semaphore_mem>>) src(%arg7 : memref<128x128xf32, #tpu.memory_space<vmem>>) dst(%dma_wait3A_215 : memref<10240x128xf32, #tpu.memory_space<vmem_shared>>)
        %add3A_216 = arith.constant 8 : i32
        %add3A_217 = arith.addi %add3A_169, %add3A_216 : i32
        %dma_start3A_218 = arith.constant 0 : i32
        %dma_start3A_219 = tpu.memref_slice %arg6[%add3A_217, %dma_start3A_218] : memref<80x128xi32, #tpu.memory_space<vmem>> -> memref<1x128xi32, #tpu.memory_space<vmem>>
        %dma_start3A_220 = tpu.memref_squeeze %dma_start3A_219 : memref<1x128xi32, #tpu.memory_space<vmem>> -> memref<128xi32, #tpu.memory_space<vmem>>
        %dma_start3A_221 = arith.constant 0 : i32
        %dma_start3A_222 = arith.constant 0 : i32
        %dma_start3A_223 = tpu.memref_slice %arg8[%dma_start3A_221, %dma_start3A_222] : memref<10240x128xf32, #tpu.memory_space<vmem_shared>> -> memref<10240x128xf32, #tpu.memory_space<vmem_shared>>
        tpu.enqueue_indirect_dma source(%arg7 : memref<128x128xf32, #tpu.memory_space<vmem>>) target(%dma_start3A_223 : memref<10240x128xf32, #tpu.memory_space<vmem_shared>>) offsets(%dma_start3A_220 : memref<128xi32, #tpu.memory_space<vmem>>) semaphore(%arg13 : memref<!tpu.dma_semaphore, #tpu.memory_space<semaphore_mem>>) {add = true}
      } else {
      }
      %mul3A_177 = arith.constant 8 : i32
      %mul3A_178 = arith.muli %add3A_124, %mul3A_177 : i32
      %add3A_179 = arith.constant 5 : i32
      %add3A_180 = arith.addi %mul3A_178, %add3A_179 : i32
      %add3A_181 = arith.constant 8 : i32
      %add3A_182 = arith.addi %add3A_180, %add3A_181 : i32
      %lt3A_183 = arith.constant 80 : i32
      %lt3A_184 = arith.cmpi slt, %add3A_182, %lt3A_183 : i32
      %convert_element_type3A_185 = arith.extui %lt3A_184 : i1 to i32
      %cond3A_186 = arith.constant 0 : i32
      %cond3A_187 = arith.cmpi ne, %convert_element_type3A_185, %cond3A_186 : i32
      scf.if %cond3A_187 {
        %dma_wait3A_210 = arith.constant 0 : i32
        %dma_wait3A_211 = tpu.memref_slice %arg6[%add3A_180, %dma_wait3A_210] : memref<80x128xi32, #tpu.memory_space<vmem>> -> memref<1x128xi32, #tpu.memory_space<vmem>>
        %dma_wait3A_212 = tpu.memref_squeeze %dma_wait3A_211 : memref<1x128xi32, #tpu.memory_space<vmem>> -> memref<128xi32, #tpu.memory_space<vmem>>
        %dma_wait3A_213 = arith.constant 0 : i32
        %dma_wait3A_214 = arith.constant 0 : i32
        %dma_wait3A_215 = tpu.memref_slice %arg8[%dma_wait3A_213, %dma_wait3A_214] : memref<10240x128xf32, #tpu.memory_space<vmem_shared>> -> memref<10240x128xf32, #tpu.memory_space<vmem_shared>>
        tpu.wait_indirect_dma semaphore(%arg14 : memref<!tpu.dma_semaphore, #tpu.memory_space<semaphore_mem>>) src(%arg7 : memref<128x128xf32, #tpu.memory_space<vmem>>) dst(%dma_wait3A_215 : memref<10240x128xf32, #tpu.memory_space<vmem_shared>>)
        %add3A_216 = arith.constant 8 : i32
        %add3A_217 = arith.addi %add3A_180, %add3A_216 : i32
        %dma_start3A_218 = arith.constant 0 : i32
        %dma_start3A_219 = tpu.memref_slice %arg6[%add3A_217, %dma_start3A_218] : memref<80x128xi32, #tpu.memory_space<vmem>> -> memref<1x128xi32, #tpu.memory_space<vmem>>
        %dma_start3A_220 = tpu.memref_squeeze %dma_start3A_219 : memref<1x128xi32, #tpu.memory_space<vmem>> -> memref<128xi32, #tpu.memory_space<vmem>>
        %dma_start3A_221 = arith.constant 0 : i32
        %dma_start3A_222 = arith.constant 0 : i32
        %dma_start3A_223 = tpu.memref_slice %arg8[%dma_start3A_221, %dma_start3A_222] : memref<10240x128xf32, #tpu.memory_space<vmem_shared>> -> memref<10240x128xf32, #tpu.memory_space<vmem_shared>>
        tpu.enqueue_indirect_dma source(%arg7 : memref<128x128xf32, #tpu.memory_space<vmem>>) target(%dma_start3A_223 : memref<10240x128xf32, #tpu.memory_space<vmem_shared>>) offsets(%dma_start3A_220 : memref<128xi32, #tpu.memory_space<vmem>>) semaphore(%arg14 : memref<!tpu.dma_semaphore, #tpu.memory_space<semaphore_mem>>) {add = true}
      } else {
      }
      %mul3A_188 = arith.constant 8 : i32
      %mul3A_189 = arith.muli %add3A_124, %mul3A_188 : i32
      %add3A_190 = arith.constant 6 : i32
      %add3A_191 = arith.addi %mul3A_189, %add3A_190 : i32
      %add3A_192 = arith.constant 8 : i32
      %add3A_193 = arith.addi %add3A_191, %add3A_192 : i32
      %lt3A_194 = arith.constant 80 : i32
      %lt3A_195 = arith.cmpi slt, %add3A_193, %lt3A_194 : i32
      %convert_element_type3A_196 = arith.extui %lt3A_195 : i1 to i32
      %cond3A_197 = arith.constant 0 : i32
      %cond3A_198 = arith.cmpi ne, %convert_element_type3A_196, %cond3A_197 : i32
      scf.if %cond3A_198 {
        %dma_wait3A_210 = arith.constant 0 : i32
        %dma_wait3A_211 = tpu.memref_slice %arg6[%add3A_191, %dma_wait3A_210] : memref<80x128xi32, #tpu.memory_space<vmem>> -> memref<1x128xi32, #tpu.memory_space<vmem>>
        %dma_wait3A_212 = tpu.memref_squeeze %dma_wait3A_211 : memref<1x128xi32, #tpu.memory_space<vmem>> -> memref<128xi32, #tpu.memory_space<vmem>>
        %dma_wait3A_213 = arith.constant 0 : i32
        %dma_wait3A_214 = arith.constant 0 : i32
        %dma_wait3A_215 = tpu.memref_slice %arg8[%dma_wait3A_213, %dma_wait3A_214] : memref<10240x128xf32, #tpu.memory_space<vmem_shared>> -> memref<10240x128xf32, #tpu.memory_space<vmem_shared>>
        tpu.wait_indirect_dma semaphore(%arg15 : memref<!tpu.dma_semaphore, #tpu.memory_space<semaphore_mem>>) src(%arg7 : memref<128x128xf32, #tpu.memory_space<vmem>>) dst(%dma_wait3A_215 : memref<10240x128xf32, #tpu.memory_space<vmem_shared>>)
        %add3A_216 = arith.constant 8 : i32
        %add3A_217 = arith.addi %add3A_191, %add3A_216 : i32
        %dma_start3A_218 = arith.constant 0 : i32
        %dma_start3A_219 = tpu.memref_slice %arg6[%add3A_217, %dma_start3A_218] : memref<80x128xi32, #tpu.memory_space<vmem>> -> memref<1x128xi32, #tpu.memory_space<vmem>>
        %dma_start3A_220 = tpu.memref_squeeze %dma_start3A_219 : memref<1x128xi32, #tpu.memory_space<vmem>> -> memref<128xi32, #tpu.memory_space<vmem>>
        %dma_start3A_221 = arith.constant 0 : i32
        %dma_start3A_222 = arith.constant 0 : i32
        %dma_start3A_223 = tpu.memref_slice %arg8[%dma_start3A_221, %dma_start3A_222] : memref<10240x128xf32, #tpu.memory_space<vmem_shared>> -> memref<10240x128xf32, #tpu.memory_space<vmem_shared>>
        tpu.enqueue_indirect_dma source(%arg7 : memref<128x128xf32, #tpu.memory_space<vmem>>) target(%dma_start3A_223 : memref<10240x128xf32, #tpu.memory_space<vmem_shared>>) offsets(%dma_start3A_220 : memref<128xi32, #tpu.memory_space<vmem>>) semaphore(%arg15 : memref<!tpu.dma_semaphore, #tpu.memory_space<semaphore_mem>>) {add = true}
      } else {
      }
      %mul3A_199 = arith.constant 8 : i32
      %mul3A_200 = arith.muli %add3A_124, %mul3A_199 : i32
      %add3A_201 = arith.constant 7 : i32
      %add3A_202 = arith.addi %mul3A_200, %add3A_201 : i32
      %add3A_203 = arith.constant 8 : i32
      %add3A_204 = arith.addi %add3A_202, %add3A_203 : i32
      %lt3A_205 = arith.constant 80 : i32
      %lt3A_206 = arith.cmpi slt, %add3A_204, %lt3A_205 : i32
      %convert_element_type3A_207 = arith.extui %lt3A_206 : i1 to i32
      %cond3A_208 = arith.constant 0 : i32
      %cond3A_209 = arith.cmpi ne, %convert_element_type3A_207, %cond3A_208 : i32
      scf.if %cond3A_209 {
        %dma_wait3A_210 = arith.constant 0 : i32
        %dma_wait3A_211 = tpu.memref_slice %arg6[%add3A_202, %dma_wait3A_210] : memref<80x128xi32, #tpu.memory_space<vmem>> -> memref<1x128xi32, #tpu.memory_space<vmem>>
        %dma_wait3A_212 = tpu.memref_squeeze %dma_wait3A_211 : memref<1x128xi32, #tpu.memory_space<vmem>> -> memref<128xi32, #tpu.memory_space<vmem>>
        %dma_wait3A_213 = arith.constant 0 : i32
        %dma_wait3A_214 = arith.constant 0 : i32
        %dma_wait3A_215 = tpu.memref_slice %arg8[%dma_wait3A_213, %dma_wait3A_214] : memref<10240x128xf32, #tpu.memory_space<vmem_shared>> -> memref<10240x128xf32, #tpu.memory_space<vmem_shared>>
        tpu.wait_indirect_dma semaphore(%arg16 : memref<!tpu.dma_semaphore, #tpu.memory_space<semaphore_mem>>) src(%arg7 : memref<128x128xf32, #tpu.memory_space<vmem>>) dst(%dma_wait3A_215 : memref<10240x128xf32, #tpu.memory_space<vmem_shared>>)
        %add3A_216 = arith.constant 8 : i32
        %add3A_217 = arith.addi %add3A_202, %add3A_216 : i32
        %dma_start3A_218 = arith.constant 0 : i32
        %dma_start3A_219 = tpu.memref_slice %arg6[%add3A_217, %dma_start3A_218] : memref<80x128xi32, #tpu.memory_space<vmem>> -> memref<1x128xi32, #tpu.memory_space<vmem>>
        %dma_start3A_220 = tpu.memref_squeeze %dma_start3A_219 : memref<1x128xi32, #tpu.memory_space<vmem>> -> memref<128xi32, #tpu.memory_space<vmem>>
        %dma_start3A_221 = arith.constant 0 : i32
        %dma_start3A_222 = arith.constant 0 : i32
        %dma_start3A_223 = tpu.memref_slice %arg8[%dma_start3A_221, %dma_start3A_222] : memref<10240x128xf32, #tpu.memory_space<vmem_shared>> -> memref<10240x128xf32, #tpu.memory_space<vmem_shared>>
        tpu.enqueue_indirect_dma source(%arg7 : memref<128x128xf32, #tpu.memory_space<vmem>>) target(%dma_start3A_223 : memref<10240x128xf32, #tpu.memory_space<vmem_shared>>) offsets(%dma_start3A_220 : memref<128xi32, #tpu.memory_space<vmem>>) semaphore(%arg16 : memref<!tpu.dma_semaphore, #tpu.memory_space<semaphore_mem>>) {add = true}
      } else {
      }
    }
    %scan3A_63 = arith.constant 10 : i32
    %dma_wait3A = arith.constant 72 : i32
    %dma_wait3A_64 = arith.constant 0 : i32
    %dma_wait3A_65 = tpu.memref_slice %arg6[%dma_wait3A, %dma_wait3A_64] : memref<80x128xi32, #tpu.memory_space<vmem>> -> memref<1x128xi32, #tpu.memory_space<vmem>>
    %dma_wait3A_66 = tpu.memref_squeeze %dma_wait3A_65 : memref<1x128xi32, #tpu.memory_space<vmem>> -> memref<128xi32, #tpu.memory_space<vmem>>
    %dma_wait3A_67 = arith.constant 0 : i32
    %dma_wait3A_68 = arith.constant 0 : i32
    %dma_wait3A_69 = tpu.memref_slice %arg8[%dma_wait3A_67, %dma_wait3A_68] : memref<10240x128xf32, #tpu.memory_space<vmem_shared>> -> memref<10240x128xf32, #tpu.memory_space<vmem_shared>>
    tpu.wait_indirect_dma semaphore(%arg9 : memref<!tpu.dma_semaphore, #tpu.memory_space<semaphore_mem>>) src(%arg7 : memref<128x128xf32, #tpu.memory_space<vmem>>) dst(%dma_wait3A_69 : memref<10240x128xf32, #tpu.memory_space<vmem_shared>>)
    %dma_wait3A_70 = arith.constant 73 : i32
    %dma_wait3A_71 = arith.constant 0 : i32
    %dma_wait3A_72 = tpu.memref_slice %arg6[%dma_wait3A_70, %dma_wait3A_71] : memref<80x128xi32, #tpu.memory_space<vmem>> -> memref<1x128xi32, #tpu.memory_space<vmem>>
    %dma_wait3A_73 = tpu.memref_squeeze %dma_wait3A_72 : memref<1x128xi32, #tpu.memory_space<vmem>> -> memref<128xi32, #tpu.memory_space<vmem>>
    %dma_wait3A_74 = arith.constant 0 : i32
    %dma_wait3A_75 = arith.constant 0 : i32
    %dma_wait3A_76 = tpu.memref_slice %arg8[%dma_wait3A_74, %dma_wait3A_75] : memref<10240x128xf32, #tpu.memory_space<vmem_shared>> -> memref<10240x128xf32, #tpu.memory_space<vmem_shared>>
    tpu.wait_indirect_dma semaphore(%arg10 : memref<!tpu.dma_semaphore, #tpu.memory_space<semaphore_mem>>) src(%arg7 : memref<128x128xf32, #tpu.memory_space<vmem>>) dst(%dma_wait3A_76 : memref<10240x128xf32, #tpu.memory_space<vmem_shared>>)
    %dma_wait3A_77 = arith.constant 74 : i32
    %dma_wait3A_78 = arith.constant 0 : i32
    %dma_wait3A_79 = tpu.memref_slice %arg6[%dma_wait3A_77, %dma_wait3A_78] : memref<80x128xi32, #tpu.memory_space<vmem>> -> memref<1x128xi32, #tpu.memory_space<vmem>>
    %dma_wait3A_80 = tpu.memref_squeeze %dma_wait3A_79 : memref<1x128xi32, #tpu.memory_space<vmem>> -> memref<128xi32, #tpu.memory_space<vmem>>
    %dma_wait3A_81 = arith.constant 0 : i32
    %dma_wait3A_82 = arith.constant 0 : i32
    %dma_wait3A_83 = tpu.memref_slice %arg8[%dma_wait3A_81, %dma_wait3A_82] : memref<10240x128xf32, #tpu.memory_space<vmem_shared>> -> memref<10240x128xf32, #tpu.memory_space<vmem_shared>>
    tpu.wait_indirect_dma semaphore(%arg11 : memref<!tpu.dma_semaphore, #tpu.memory_space<semaphore_mem>>) src(%arg7 : memref<128x128xf32, #tpu.memory_space<vmem>>) dst(%dma_wait3A_83 : memref<10240x128xf32, #tpu.memory_space<vmem_shared>>)
    %dma_wait3A_84 = arith.constant 75 : i32
    %dma_wait3A_85 = arith.constant 0 : i32
    %dma_wait3A_86 = tpu.memref_slice %arg6[%dma_wait3A_84, %dma_wait3A_85] : memref<80x128xi32, #tpu.memory_space<vmem>> -> memref<1x128xi32, #tpu.memory_space<vmem>>
    %dma_wait3A_87 = tpu.memref_squeeze %dma_wait3A_86 : memref<1x128xi32, #tpu.memory_space<vmem>> -> memref<128xi32, #tpu.memory_space<vmem>>
    %dma_wait3A_88 = arith.constant 0 : i32
    %dma_wait3A_89 = arith.constant 0 : i32
    %dma_wait3A_90 = tpu.memref_slice %arg8[%dma_wait3A_88, %dma_wait3A_89] : memref<10240x128xf32, #tpu.memory_space<vmem_shared>> -> memref<10240x128xf32, #tpu.memory_space<vmem_shared>>
    tpu.wait_indirect_dma semaphore(%arg12 : memref<!tpu.dma_semaphore, #tpu.memory_space<semaphore_mem>>) src(%arg7 : memref<128x128xf32, #tpu.memory_space<vmem>>) dst(%dma_wait3A_90 : memref<10240x128xf32, #tpu.memory_space<vmem_shared>>)
    %dma_wait3A_91 = arith.constant 76 : i32
    %dma_wait3A_92 = arith.constant 0 : i32
    %dma_wait3A_93 = tpu.memref_slice %arg6[%dma_wait3A_91, %dma_wait3A_92] : memref<80x128xi32, #tpu.memory_space<vmem>> -> memref<1x128xi32, #tpu.memory_space<vmem>>
    %dma_wait3A_94 = tpu.memref_squeeze %dma_wait3A_93 : memref<1x128xi32, #tpu.memory_space<vmem>> -> memref<128xi32, #tpu.memory_space<vmem>>
    %dma_wait3A_95 = arith.constant 0 : i32
    %dma_wait3A_96 = arith.constant 0 : i32
    %dma_wait3A_97 = tpu.memref_slice %arg8[%dma_wait3A_95, %dma_wait3A_96] : memref<10240x128xf32, #tpu.memory_space<vmem_shared>> -> memref<10240x128xf32, #tpu.memory_space<vmem_shared>>
    tpu.wait_indirect_dma semaphore(%arg13 : memref<!tpu.dma_semaphore, #tpu.memory_space<semaphore_mem>>) src(%arg7 : memref<128x128xf32, #tpu.memory_space<vmem>>) dst(%dma_wait3A_97 : memref<10240x128xf32, #tpu.memory_space<vmem_shared>>)
    %dma_wait3A_98 = arith.constant 77 : i32
    %dma_wait3A_99 = arith.constant 0 : i32
    %dma_wait3A_100 = tpu.memref_slice %arg6[%dma_wait3A_98, %dma_wait3A_99] : memref<80x128xi32, #tpu.memory_space<vmem>> -> memref<1x128xi32, #tpu.memory_space<vmem>>
    %dma_wait3A_101 = tpu.memref_squeeze %dma_wait3A_100 : memref<1x128xi32, #tpu.memory_space<vmem>> -> memref<128xi32, #tpu.memory_space<vmem>>
    %dma_wait3A_102 = arith.constant 0 : i32
    %dma_wait3A_103 = arith.constant 0 : i32
    %dma_wait3A_104 = tpu.memref_slice %arg8[%dma_wait3A_102, %dma_wait3A_103] : memref<10240x128xf32, #tpu.memory_space<vmem_shared>> -> memref<10240x128xf32, #tpu.memory_space<vmem_shared>>
    tpu.wait_indirect_dma semaphore(%arg14 : memref<!tpu.dma_semaphore, #tpu.memory_space<semaphore_mem>>) src(%arg7 : memref<128x128xf32, #tpu.memory_space<vmem>>) dst(%dma_wait3A_104 : memref<10240x128xf32, #tpu.memory_space<vmem_shared>>)
    %dma_wait3A_105 = arith.constant 78 : i32
    %dma_wait3A_106 = arith.constant 0 : i32
    %dma_wait3A_107 = tpu.memref_slice %arg6[%dma_wait3A_105, %dma_wait3A_106] : memref<80x128xi32, #tpu.memory_space<vmem>> -> memref<1x128xi32, #tpu.memory_space<vmem>>
    %dma_wait3A_108 = tpu.memref_squeeze %dma_wait3A_107 : memref<1x128xi32, #tpu.memory_space<vmem>> -> memref<128xi32, #tpu.memory_space<vmem>>
    %dma_wait3A_109 = arith.constant 0 : i32
    %dma_wait3A_110 = arith.constant 0 : i32
    %dma_wait3A_111 = tpu.memref_slice %arg8[%dma_wait3A_109, %dma_wait3A_110] : memref<10240x128xf32, #tpu.memory_space<vmem_shared>> -> memref<10240x128xf32, #tpu.memory_space<vmem_shared>>
    tpu.wait_indirect_dma semaphore(%arg15 : memref<!tpu.dma_semaphore, #tpu.memory_space<semaphore_mem>>) src(%arg7 : memref<128x128xf32, #tpu.memory_space<vmem>>) dst(%dma_wait3A_111 : memref<10240x128xf32, #tpu.memory_space<vmem_shared>>)
    %dma_wait3A_112 = arith.constant 79 : i32
    %dma_wait3A_113 = arith.constant 0 : i32
    %dma_wait3A_114 = tpu.memref_slice %arg6[%dma_wait3A_112, %dma_wait3A_113] : memref<80x128xi32, #tpu.memory_space<vmem>> -> memref<1x128xi32, #tpu.memory_space<vmem>>
    %dma_wait3A_115 = tpu.memref_squeeze %dma_wait3A_114 : memref<1x128xi32, #tpu.memory_space<vmem>> -> memref<128xi32, #tpu.memory_space<vmem>>
    %dma_wait3A_116 = arith.constant 0 : i32
    %dma_wait3A_117 = arith.constant 0 : i32
    %dma_wait3A_118 = tpu.memref_slice %arg8[%dma_wait3A_116, %dma_wait3A_117] : memref<10240x128xf32, #tpu.memory_space<vmem_shared>> -> memref<10240x128xf32, #tpu.memory_space<vmem_shared>>
    tpu.wait_indirect_dma semaphore(%arg16 : memref<!tpu.dma_semaphore, #tpu.memory_space<semaphore_mem>>) src(%arg7 : memref<128x128xf32, #tpu.memory_space<vmem>>) dst(%dma_wait3A_118 : memref<10240x128xf32, #tpu.memory_space<vmem_shared>>)
    %barrier3A_119 = arith.constant 0 : index
    tpu.barrier barrier_id(%barrier3A_119)
    "tpu.region"() ({
      %run_scoped3A = tpu.sem_alloc : memref<!tpu.dma_semaphore, #tpu.memory_space<semaphore_mem>>
      %dma_start3A_120 = arith.constant 0 : i32
      %dma_start3A_121 = tpu.memref_slice %arg5[%arg0, %mul3A_4, %dma_start3A_120] : memref<2x10240x128xf32, #tpu.memory_space<hbm>> -> memref<1x640x128xf32, #tpu.memory_space<hbm>>
      %dma_start3A_122 = tpu.memref_squeeze %dma_start3A_121 : memref<1x640x128xf32, #tpu.memory_space<hbm>> -> memref<640x128xf32, #tpu.memory_space<hbm>>
      %dma_start3A_123 = arith.constant 0 : i32
      %dma_start3A_124 = tpu.memref_slice %arg8[%mul3A_4, %dma_start3A_123] : memref<10240x128xf32, #tpu.memory_space<vmem_shared>> -> memref<640x128xf32, #tpu.memory_space<vmem_shared>>
      tpu.enqueue_dma source(%dma_start3A_124 : memref<640x128xf32, #tpu.memory_space<vmem_shared>>) target(%dma_start3A_122 : memref<640x128xf32, #tpu.memory_space<hbm>>) target_semaphore(%run_scoped3A : memref<!tpu.dma_semaphore, #tpu.memory_space<semaphore_mem>>)
      %dma_wait3A_125 = arith.constant 0 : i32
      %dma_wait3A_126 = tpu.memref_slice %arg5[%arg0, %mul3A_4, %dma_wait3A_125] : memref<2x10240x128xf32, #tpu.memory_space<hbm>> -> memref<1x640x128xf32, #tpu.memory_space<hbm>>
      %dma_wait3A_127 = tpu.memref_squeeze %dma_wait3A_126 : memref<1x640x128xf32, #tpu.memory_space<hbm>> -> memref<640x128xf32, #tpu.memory_space<hbm>>
      %dma_wait3A_128 = arith.constant 0 : i32
      %dma_wait3A_129 = tpu.memref_slice %arg8[%mul3A_4, %dma_wait3A_128] : memref<10240x128xf32, #tpu.memory_space<vmem_shared>> -> memref<640x128xf32, #tpu.memory_space<vmem_shared>>
      tpu.wait_dma2 semaphore(%run_scoped3A : memref<!tpu.dma_semaphore, #tpu.memory_space<semaphore_mem>>) src(%dma_wait3A_129 : memref<640x128xf32, #tpu.memory_space<vmem_shared>>) dst(%dma_wait3A_127 : memref<640x128xf32, #tpu.memory_space<hbm>>)
      tpu.yield
    }) : () -> ()
    return
  }
}

#map = affine_map<(d0, d1) -> (0, 0)>
module attributes {stable_mosaic.version = 14 : i64} {
  func.func @_v_body(%arg0: i32, %arg1: i32, %arg2: memref<10240x128xf32, #tpu.memory_space<hbm>>, %arg3: memref<10240x128xf32, #tpu.memory_space<hbm>>, %arg4: memref<2560x128xi32, #tpu.memory_space<hbm>>, %arg5: memref<2560x128xi32, #tpu.memory_space<hbm>>, %arg6: memref<327680x128xf32, #tpu.memory_space<hbm>>, %arg7: memref<80x128xi32, #tpu.memory_space<vmem>>, %arg8: memref<80x128xi32, #tpu.memory_space<vmem>>, %arg9: memref<2x128x128xf32, #tpu.memory_space<vmem>>, %arg10: memref<2x128x128xf32, #tpu.memory_space<vmem>>, %arg11: memref<!tpu.dma_semaphore, #tpu.memory_space<semaphore_mem>>, %arg12: memref<!tpu.dma_semaphore, #tpu.memory_space<semaphore_mem>>, %arg13: memref<!tpu.dma_semaphore, #tpu.memory_space<semaphore_mem>>, %arg14: memref<!tpu.dma_semaphore, #tpu.memory_space<semaphore_mem>>, %arg15: memref<!tpu.dma_semaphore, #tpu.memory_space<semaphore_mem>>, %arg16: memref<!tpu.dma_semaphore, #tpu.memory_space<semaphore_mem>>) attributes {dimension_semantics = [#tpu.dimension_semantics<core_parallel>, #tpu.dimension_semantics<subcore_parallel>], iteration_bounds = array<i64: 2, 16>, scalar_prefetch = 0 : i64, scratch_operands = 10 : i64, tpu.core_type = #tpu.core_type<sc_vector_subcore>, window_params = [{transform_indices = #map}, {transform_indices = #map}, {transform_indices = #map}, {transform_indices = #map}, {transform_indices = #map}]} {
    %mul3A = arith.constant 16 : i32
    %mul3A_0 = arith.muli %arg0, %mul3A : i32
    %add3A = arith.addi %mul3A_0, %arg1 : i32
    %mul3A_1 = arith.constant 80 : i32
    %mul3A_2 = arith.muli %add3A, %mul3A_1 : i32
    "tpu.region"() ({
      %run_scoped3A = tpu.sem_alloc : memref<!tpu.dma_semaphore, #tpu.memory_space<semaphore_mem>>
      %dma_start3A_83 = arith.constant 0 : i32
      %dma_start3A_84 = tpu.memref_slice %arg4[%mul3A_2, %dma_start3A_83] : memref<2560x128xi32, #tpu.memory_space<hbm>> -> memref<80x128xi32, #tpu.memory_space<hbm>>
      %dma_start3A_85 = arith.constant 0 : i32
      %dma_start3A_86 = tpu.memref_slice %arg4[%mul3A_2, %dma_start3A_85] : memref<2560x128xi32, #tpu.memory_space<hbm>> -> memref<80x128xi32, #tpu.memory_space<hbm>>
      tpu.enqueue_dma source(%dma_start3A_86 : memref<80x128xi32, #tpu.memory_space<hbm>>) target(%arg7 : memref<80x128xi32, #tpu.memory_space<vmem>>) target_semaphore(%run_scoped3A : memref<!tpu.dma_semaphore, #tpu.memory_space<semaphore_mem>>)
      %dma_wait3A_87 = arith.constant 0 : i32
      %dma_wait3A_88 = tpu.memref_slice %arg4[%mul3A_2, %dma_wait3A_87] : memref<2560x128xi32, #tpu.memory_space<hbm>> -> memref<80x128xi32, #tpu.memory_space<hbm>>
      %dma_wait3A_89 = arith.constant 0 : i32
      %dma_wait3A_90 = tpu.memref_slice %arg4[%mul3A_2, %dma_wait3A_89] : memref<2560x128xi32, #tpu.memory_space<hbm>> -> memref<80x128xi32, #tpu.memory_space<hbm>>
      tpu.wait_dma2 semaphore(%run_scoped3A : memref<!tpu.dma_semaphore, #tpu.memory_space<semaphore_mem>>) src(%dma_wait3A_90 : memref<80x128xi32, #tpu.memory_space<hbm>>) dst(%arg7 : memref<80x128xi32, #tpu.memory_space<vmem>>)
      tpu.yield
    }) : () -> ()
    "tpu.region"() ({
      %run_scoped3A = tpu.sem_alloc : memref<!tpu.dma_semaphore, #tpu.memory_space<semaphore_mem>>
      %dma_start3A_83 = arith.constant 0 : i32
      %dma_start3A_84 = tpu.memref_slice %arg5[%mul3A_2, %dma_start3A_83] : memref<2560x128xi32, #tpu.memory_space<hbm>> -> memref<80x128xi32, #tpu.memory_space<hbm>>
      %dma_start3A_85 = arith.constant 0 : i32
      %dma_start3A_86 = tpu.memref_slice %arg5[%mul3A_2, %dma_start3A_85] : memref<2560x128xi32, #tpu.memory_space<hbm>> -> memref<80x128xi32, #tpu.memory_space<hbm>>
      tpu.enqueue_dma source(%dma_start3A_86 : memref<80x128xi32, #tpu.memory_space<hbm>>) target(%arg8 : memref<80x128xi32, #tpu.memory_space<vmem>>) target_semaphore(%run_scoped3A : memref<!tpu.dma_semaphore, #tpu.memory_space<semaphore_mem>>)
      %dma_wait3A_87 = arith.constant 0 : i32
      %dma_wait3A_88 = tpu.memref_slice %arg5[%mul3A_2, %dma_wait3A_87] : memref<2560x128xi32, #tpu.memory_space<hbm>> -> memref<80x128xi32, #tpu.memory_space<hbm>>
      %dma_wait3A_89 = arith.constant 0 : i32
      %dma_wait3A_90 = tpu.memref_slice %arg5[%mul3A_2, %dma_wait3A_89] : memref<2560x128xi32, #tpu.memory_space<hbm>> -> memref<80x128xi32, #tpu.memory_space<hbm>>
      tpu.wait_dma2 semaphore(%run_scoped3A : memref<!tpu.dma_semaphore, #tpu.memory_space<semaphore_mem>>) src(%dma_wait3A_90 : memref<80x128xi32, #tpu.memory_space<hbm>>) dst(%arg8 : memref<80x128xi32, #tpu.memory_space<vmem>>)
      tpu.yield
    }) : () -> ()
    %dma_start3A = arith.constant 0 : i32
    %dma_start3A_3 = arith.constant 0 : i32
    %dma_start3A_4 = arith.constant 0 : i32
    %dma_start3A_5 = arith.constant 0 : i32
    %dma_start3A_6 = tpu.memref_slice %arg9[%dma_start3A_3, %dma_start3A_4, %dma_start3A_5] : memref<2x128x128xf32, #tpu.memory_space<vmem>> -> memref<1x128x128xf32, #tpu.memory_space<vmem>>
    %dma_start3A_7 = tpu.memref_squeeze %dma_start3A_6 : memref<1x128x128xf32, #tpu.memory_space<vmem>> -> memref<128x128xf32, #tpu.memory_space<vmem>>
    %dma_start3A_8 = arith.constant 0 : i32
    %dma_start3A_9 = tpu.memref_slice %arg7[%dma_start3A, %dma_start3A_8] : memref<80x128xi32, #tpu.memory_space<vmem>> -> memref<1x128xi32, #tpu.memory_space<vmem>>
    %dma_start3A_10 = tpu.memref_squeeze %dma_start3A_9 : memref<1x128xi32, #tpu.memory_space<vmem>> -> memref<128xi32, #tpu.memory_space<vmem>>
    %dma_start3A_11 = arith.constant 0 : i32
    %dma_start3A_12 = arith.constant 0 : i32
    %dma_start3A_13 = tpu.memref_slice %arg2[%dma_start3A_11, %dma_start3A_12] : memref<10240x128xf32, #tpu.memory_space<hbm>> -> memref<10240x128xf32, #tpu.memory_space<hbm>>
    tpu.enqueue_indirect_dma source(%dma_start3A_13 : memref<10240x128xf32, #tpu.memory_space<hbm>>) target(%dma_start3A_7 : memref<128x128xf32, #tpu.memory_space<vmem>>) offsets(%dma_start3A_10 : memref<128xi32, #tpu.memory_space<vmem>>) semaphore(%arg11 : memref<!tpu.dma_semaphore, #tpu.memory_space<semaphore_mem>>)
    %dma_start3A_14 = arith.constant 0 : i32
    %dma_start3A_15 = arith.constant 0 : i32
    %dma_start3A_16 = arith.constant 0 : i32
    %dma_start3A_17 = arith.constant 0 : i32
    %dma_start3A_18 = tpu.memref_slice %arg10[%dma_start3A_15, %dma_start3A_16, %dma_start3A_17] : memref<2x128x128xf32, #tpu.memory_space<vmem>> -> memref<1x128x128xf32, #tpu.memory_space<vmem>>
    %dma_start3A_19 = tpu.memref_squeeze %dma_start3A_18 : memref<1x128x128xf32, #tpu.memory_space<vmem>> -> memref<128x128xf32, #tpu.memory_space<vmem>>
    %dma_start3A_20 = arith.constant 0 : i32
    %dma_start3A_21 = tpu.memref_slice %arg8[%dma_start3A_14, %dma_start3A_20] : memref<80x128xi32, #tpu.memory_space<vmem>> -> memref<1x128xi32, #tpu.memory_space<vmem>>
    %dma_start3A_22 = tpu.memref_squeeze %dma_start3A_21 : memref<1x128xi32, #tpu.memory_space<vmem>> -> memref<128xi32, #tpu.memory_space<vmem>>
    %dma_start3A_23 = arith.constant 0 : i32
    %dma_start3A_24 = arith.constant 0 : i32
    %dma_start3A_25 = tpu.memref_slice %arg3[%dma_start3A_23, %dma_start3A_24] : memref<10240x128xf32, #tpu.memory_space<hbm>> -> memref<10240x128xf32, #tpu.memory_space<hbm>>
    tpu.enqueue_indirect_dma source(%dma_start3A_25 : memref<10240x128xf32, #tpu.memory_space<hbm>>) target(%dma_start3A_19 : memref<128x128xf32, #tpu.memory_space<vmem>>) offsets(%dma_start3A_22 : memref<128xi32, #tpu.memory_space<vmem>>) semaphore(%arg13 : memref<!tpu.dma_semaphore, #tpu.memory_space<semaphore_mem>>)
    %dma_start3A_26 = arith.constant 1 : i32
    %dma_start3A_27 = arith.constant 1 : i32
    %dma_start3A_28 = arith.constant 0 : i32
    %dma_start3A_29 = arith.constant 0 : i32
    %dma_start3A_30 = tpu.memref_slice %arg9[%dma_start3A_27, %dma_start3A_28, %dma_start3A_29] : memref<2x128x128xf32, #tpu.memory_space<vmem>> -> memref<1x128x128xf32, #tpu.memory_space<vmem>>
    %dma_start3A_31 = tpu.memref_squeeze %dma_start3A_30 : memref<1x128x128xf32, #tpu.memory_space<vmem>> -> memref<128x128xf32, #tpu.memory_space<vmem>>
    %dma_start3A_32 = arith.constant 0 : i32
    %dma_start3A_33 = tpu.memref_slice %arg7[%dma_start3A_26, %dma_start3A_32] : memref<80x128xi32, #tpu.memory_space<vmem>> -> memref<1x128xi32, #tpu.memory_space<vmem>>
    %dma_start3A_34 = tpu.memref_squeeze %dma_start3A_33 : memref<1x128xi32, #tpu.memory_space<vmem>> -> memref<128xi32, #tpu.memory_space<vmem>>
    %dma_start3A_35 = arith.constant 0 : i32
    %dma_start3A_36 = arith.constant 0 : i32
    %dma_start3A_37 = tpu.memref_slice %arg2[%dma_start3A_35, %dma_start3A_36] : memref<10240x128xf32, #tpu.memory_space<hbm>> -> memref<10240x128xf32, #tpu.memory_space<hbm>>
    tpu.enqueue_indirect_dma source(%dma_start3A_37 : memref<10240x128xf32, #tpu.memory_space<hbm>>) target(%dma_start3A_31 : memref<128x128xf32, #tpu.memory_space<vmem>>) offsets(%dma_start3A_34 : memref<128xi32, #tpu.memory_space<vmem>>) semaphore(%arg12 : memref<!tpu.dma_semaphore, #tpu.memory_space<semaphore_mem>>)
    %dma_start3A_38 = arith.constant 1 : i32
    %dma_start3A_39 = arith.constant 1 : i32
    %dma_start3A_40 = arith.constant 0 : i32
    %dma_start3A_41 = arith.constant 0 : i32
    %dma_start3A_42 = tpu.memref_slice %arg10[%dma_start3A_39, %dma_start3A_40, %dma_start3A_41] : memref<2x128x128xf32, #tpu.memory_space<vmem>> -> memref<1x128x128xf32, #tpu.memory_space<vmem>>
    %dma_start3A_43 = tpu.memref_squeeze %dma_start3A_42 : memref<1x128x128xf32, #tpu.memory_space<vmem>> -> memref<128x128xf32, #tpu.memory_space<vmem>>
    %dma_start3A_44 = arith.constant 0 : i32
    %dma_start3A_45 = tpu.memref_slice %arg8[%dma_start3A_38, %dma_start3A_44] : memref<80x128xi32, #tpu.memory_space<vmem>> -> memref<1x128xi32, #tpu.memory_space<vmem>>
    %dma_start3A_46 = tpu.memref_squeeze %dma_start3A_45 : memref<1x128xi32, #tpu.memory_space<vmem>> -> memref<128xi32, #tpu.memory_space<vmem>>
    %dma_start3A_47 = arith.constant 0 : i32
    %dma_start3A_48 = arith.constant 0 : i32
    %dma_start3A_49 = tpu.memref_slice %arg3[%dma_start3A_47, %dma_start3A_48] : memref<10240x128xf32, #tpu.memory_space<hbm>> -> memref<10240x128xf32, #tpu.memory_space<hbm>>
    tpu.enqueue_indirect_dma source(%dma_start3A_49 : memref<10240x128xf32, #tpu.memory_space<hbm>>) target(%dma_start3A_43 : memref<128x128xf32, #tpu.memory_space<vmem>>) offsets(%dma_start3A_46 : memref<128xi32, #tpu.memory_space<vmem>>) semaphore(%arg14 : memref<!tpu.dma_semaphore, #tpu.memory_space<semaphore_mem>>)
    %scan3A = arith.constant 0 : i32
    %scan3A_50 = arith.constant 40 : i32
    %scan3A_51 = arith.addi %scan3A, %scan3A_50 : i32
    %scan3A_52 = arith.constant 1 : i32
    scf.for %scan3A_83 = %scan3A to %scan3A_51 step %scan3A_52  : i32 {
      %mul3A_84 = arith.constant 1 : i32
      %mul3A_85 = arith.muli %scan3A_83, %mul3A_84 : i32
      %add3A_86 = arith.constant 0 : i32
      %add3A_87 = arith.addi %add3A_86, %mul3A_85 : i32
      %mul3A_88 = arith.constant 2 : i32
      %mul3A_89 = arith.muli %add3A_87, %mul3A_88 : i32
      %add3A_90 = arith.constant 0 : i32
      %add3A_91 = arith.addi %mul3A_89, %add3A_90 : i32
      %dma_wait3A_92 = arith.constant 0 : i32
      %dma_wait3A_93 = arith.constant 0 : i32
      %dma_wait3A_94 = arith.constant 0 : i32
      %dma_wait3A_95 = tpu.memref_slice %arg9[%dma_wait3A_92, %dma_wait3A_93, %dma_wait3A_94] : memref<2x128x128xf32, #tpu.memory_space<vmem>> -> memref<1x128x128xf32, #tpu.memory_space<vmem>>
      %dma_wait3A_96 = tpu.memref_squeeze %dma_wait3A_95 : memref<1x128x128xf32, #tpu.memory_space<vmem>> -> memref<128x128xf32, #tpu.memory_space<vmem>>
      %dma_wait3A_97 = arith.constant 0 : i32
      %dma_wait3A_98 = arith.constant 0 : i32
      %dma_wait3A_99 = tpu.memref_slice %arg2[%dma_wait3A_97, %dma_wait3A_98] : memref<10240x128xf32, #tpu.memory_space<hbm>> -> memref<128x128xf32, #tpu.memory_space<hbm>>
      %dma_wait3A_100 = arith.constant 0 : i32
      %dma_wait3A_101 = arith.constant 0 : i32
      %dma_wait3A_102 = tpu.memref_slice %arg9[%dma_wait3A_92, %dma_wait3A_100, %dma_wait3A_101] : memref<2x128x128xf32, #tpu.memory_space<vmem>> -> memref<1x128x128xf32, #tpu.memory_space<vmem>>
      %dma_wait3A_103 = tpu.memref_squeeze %dma_wait3A_102 : memref<1x128x128xf32, #tpu.memory_space<vmem>> -> memref<128x128xf32, #tpu.memory_space<vmem>>
      %dma_wait3A_104 = arith.constant 0 : i32
      %dma_wait3A_105 = arith.constant 0 : i32
      %dma_wait3A_106 = tpu.memref_slice %arg2[%dma_wait3A_104, %dma_wait3A_105] : memref<10240x128xf32, #tpu.memory_space<hbm>> -> memref<128x128xf32, #tpu.memory_space<hbm>>
      tpu.wait_dma2 semaphore(%arg11 : memref<!tpu.dma_semaphore, #tpu.memory_space<semaphore_mem>>) src(%dma_wait3A_106 : memref<128x128xf32, #tpu.memory_space<hbm>>) dst(%dma_wait3A_103 : memref<128x128xf32, #tpu.memory_space<vmem>>)
      %dma_wait3A_107 = arith.constant 0 : i32
      %dma_wait3A_108 = arith.constant 0 : i32
      %dma_wait3A_109 = arith.constant 0 : i32
      %dma_wait3A_110 = tpu.memref_slice %arg10[%dma_wait3A_107, %dma_wait3A_108, %dma_wait3A_109] : memref<2x128x128xf32, #tpu.memory_space<vmem>> -> memref<1x128x128xf32, #tpu.memory_space<vmem>>
      %dma_wait3A_111 = tpu.memref_squeeze %dma_wait3A_110 : memref<1x128x128xf32, #tpu.memory_space<vmem>> -> memref<128x128xf32, #tpu.memory_space<vmem>>
      %dma_wait3A_112 = arith.constant 0 : i32
      %dma_wait3A_113 = arith.constant 0 : i32
      %dma_wait3A_114 = tpu.memref_slice %arg3[%dma_wait3A_112, %dma_wait3A_113] : memref<10240x128xf32, #tpu.memory_space<hbm>> -> memref<128x128xf32, #tpu.memory_space<hbm>>
      %dma_wait3A_115 = arith.constant 0 : i32
      %dma_wait3A_116 = arith.constant 0 : i32
      %dma_wait3A_117 = tpu.memref_slice %arg10[%dma_wait3A_107, %dma_wait3A_115, %dma_wait3A_116] : memref<2x128x128xf32, #tpu.memory_space<vmem>> -> memref<1x128x128xf32, #tpu.memory_space<vmem>>
      %dma_wait3A_118 = tpu.memref_squeeze %dma_wait3A_117 : memref<1x128x128xf32, #tpu.memory_space<vmem>> -> memref<128x128xf32, #tpu.memory_space<vmem>>
      %dma_wait3A_119 = arith.constant 0 : i32
      %dma_wait3A_120 = arith.constant 0 : i32
      %dma_wait3A_121 = tpu.memref_slice %arg3[%dma_wait3A_119, %dma_wait3A_120] : memref<10240x128xf32, #tpu.memory_space<hbm>> -> memref<128x128xf32, #tpu.memory_space<hbm>>
      tpu.wait_dma2 semaphore(%arg13 : memref<!tpu.dma_semaphore, #tpu.memory_space<semaphore_mem>>) src(%dma_wait3A_121 : memref<128x128xf32, #tpu.memory_space<hbm>>) dst(%dma_wait3A_118 : memref<128x128xf32, #tpu.memory_space<vmem>>)
      %scan3A_122 = arith.constant 0 : i32
      %scan3A_123 = arith.constant 0 : i32
      %scan3A_124 = arith.constant 0 : i32
      %scan3A_125 = arith.constant 128 : i32
      %scan3A_126 = arith.addi %scan3A_124, %scan3A_125 : i32
      %scan3A_127 = arith.constant 1 : i32
      scf.for %scan3A_213 = %scan3A_124 to %scan3A_126 step %scan3A_127  : i32 {
        %mul3A_214 = arith.constant 1 : i32
        %mul3A_215 = arith.muli %scan3A_213, %mul3A_214 : i32
        %add3A_216 = arith.constant 0 : i32
        %add3A_217 = arith.addi %add3A_216, %mul3A_215 : i32
        %get3A = arith.constant 0 : i32
        %get3A_218 = arith.constant 0 : i32
        %get3A_219 = tpu.memref_slice %arg10[%scan3A_122, %get3A, %get3A_218] : memref<2x128x128xf32, #tpu.memory_space<vmem>> -> memref<1x128x128xf32, #tpu.memory_space<vmem>>
        %get3A_220 = tpu.memref_squeeze %get3A_219 : memref<1x128x128xf32, #tpu.memory_space<vmem>> -> memref<128x128xf32, #tpu.memory_space<vmem>>
        %get3A_221 = arith.index_cast %add3A_217 : i32 to index
        %get3A_222 = arith.constant 0 : index
        %get3A_223 = tpu.vector_load %get3A_220[%get3A_221, %get3A_222] {strides = array<i32>} : memref<128x128xf32, #tpu.memory_space<vmem>>, vector<1x16xf32>,
        %get3A_224 = vector.shape_cast %get3A_223 : vector<1x16xf32> to vector<16xf32>
        %swap3A = arith.constant 0 : i32
        %swap3A_225 = arith.constant 0 : i32
        %swap3A_226 = tpu.memref_slice %arg9[%scan3A_123, %swap3A, %swap3A_225] : memref<2x128x128xf32, #tpu.memory_space<vmem>> -> memref<1x128x128xf32, #tpu.memory_space<vmem>>
        %swap3A_227 = tpu.memref_squeeze %swap3A_226 : memref<1x128x128xf32, #tpu.memory_space<vmem>> -> memref<128x128xf32, #tpu.memory_space<vmem>>
        %swap3A_228 = arith.index_cast %add3A_217 : i32 to index
        %swap3A_229 = arith.constant 0 : index
        %swap3A_230 = tpu.vector_load %swap3A_227[%swap3A_228, %swap3A_229] {strides = array<i32>} : memref<128x128xf32, #tpu.memory_space<vmem>>, vector<1x16xf32>,
        %swap3A_231 = vector.shape_cast %swap3A_230 : vector<1x16xf32> to vector<16xf32>
        %swap3A_232 = vector.shape_cast %get3A_224 : vector<16xf32> to vector<1x16xf32>
        tpu.vector_store %swap3A_227[%swap3A_228, %swap3A_229], %swap3A_232 {add = true, strides = array<i32>} : memref<128x128xf32, #tpu.memory_space<vmem>>, vector<1x16xf32>,
        %get3A_233 = arith.constant 0 : i32
        %get3A_234 = arith.constant 0 : i32
        %get3A_235 = tpu.memref_slice %arg10[%scan3A_122, %get3A_233, %get3A_234] : memref<2x128x128xf32, #tpu.memory_space<vmem>> -> memref<1x128x128xf32, #tpu.memory_space<vmem>>
        %get3A_236 = tpu.memref_squeeze %get3A_235 : memref<1x128x128xf32, #tpu.memory_space<vmem>> -> memref<128x128xf32, #tpu.memory_space<vmem>>
        %get3A_237 = arith.index_cast %add3A_217 : i32 to index
        %get3A_238 = arith.constant 16 : index
        %get3A_239 = tpu.vector_load %get3A_236[%get3A_237, %get3A_238] {strides = array<i32>} : memref<128x128xf32, #tpu.memory_space<vmem>>, vector<1x16xf32>,
        %get3A_240 = vector.shape_cast %get3A_239 : vector<1x16xf32> to vector<16xf32>
        %swap3A_241 = arith.constant 0 : i32
        %swap3A_242 = arith.constant 0 : i32
        %swap3A_243 = tpu.memref_slice %arg9[%scan3A_123, %swap3A_241, %swap3A_242] : memref<2x128x128xf32, #tpu.memory_space<vmem>> -> memref<1x128x128xf32, #tpu.memory_space<vmem>>
        %swap3A_244 = tpu.memref_squeeze %swap3A_243 : memref<1x128x128xf32, #tpu.memory_space<vmem>> -> memref<128x128xf32, #tpu.memory_space<vmem>>
        %swap3A_245 = arith.index_cast %add3A_217 : i32 to index
        %swap3A_246 = arith.constant 16 : index
        %swap3A_247 = tpu.vector_load %swap3A_244[%swap3A_245, %swap3A_246] {strides = array<i32>} : memref<128x128xf32, #tpu.memory_space<vmem>>, vector<1x16xf32>,
        %swap3A_248 = vector.shape_cast %swap3A_247 : vector<1x16xf32> to vector<16xf32>
        %swap3A_249 = vector.shape_cast %get3A_240 : vector<16xf32> to vector<1x16xf32>
        tpu.vector_store %swap3A_244[%swap3A_245, %swap3A_246], %swap3A_249 {add = true, strides = array<i32>} : memref<128x128xf32, #tpu.memory_space<vmem>>, vector<1x16xf32>,
        %get3A_250 = arith.constant 0 : i32
        %get3A_251 = arith.constant 0 : i32
        %get3A_252 = tpu.memref_slice %arg10[%scan3A_122, %get3A_250, %get3A_251] : memref<2x128x128xf32, #tpu.memory_space<vmem>> -> memref<1x128x128xf32, #tpu.memory_space<vmem>>
        %get3A_253 = tpu.memref_squeeze %get3A_252 : memref<1x128x128xf32, #tpu.memory_space<vmem>> -> memref<128x128xf32, #tpu.memory_space<vmem>>
        %get3A_254 = arith.index_cast %add3A_217 : i32 to index
        %get3A_255 = arith.constant 32 : index
        %get3A_256 = tpu.vector_load %get3A_253[%get3A_254, %get3A_255] {strides = array<i32>} : memref<128x128xf32, #tpu.memory_space<vmem>>, vector<1x16xf32>,
        %get3A_257 = vector.shape_cast %get3A_256 : vector<1x16xf32> to vector<16xf32>
        %swap3A_258 = arith.constant 0 : i32
        %swap3A_259 = arith.constant 0 : i32
        %swap3A_260 = tpu.memref_slice %arg9[%scan3A_123, %swap3A_258, %swap3A_259] : memref<2x128x128xf32, #tpu.memory_space<vmem>> -> memref<1x128x128xf32, #tpu.memory_space<vmem>>
        %swap3A_261 = tpu.memref_squeeze %swap3A_260 : memref<1x128x128xf32, #tpu.memory_space<vmem>> -> memref<128x128xf32, #tpu.memory_space<vmem>>
        %swap3A_262 = arith.index_cast %add3A_217 : i32 to index
        %swap3A_263 = arith.constant 32 : index
        %swap3A_264 = tpu.vector_load %swap3A_261[%swap3A_262, %swap3A_263] {strides = array<i32>} : memref<128x128xf32, #tpu.memory_space<vmem>>, vector<1x16xf32>,
        %swap3A_265 = vector.shape_cast %swap3A_264 : vector<1x16xf32> to vector<16xf32>
        %swap3A_266 = vector.shape_cast %get3A_257 : vector<16xf32> to vector<1x16xf32>
        tpu.vector_store %swap3A_261[%swap3A_262, %swap3A_263], %swap3A_266 {add = true, strides = array<i32>} : memref<128x128xf32, #tpu.memory_space<vmem>>, vector<1x16xf32>,
        %get3A_267 = arith.constant 0 : i32
        %get3A_268 = arith.constant 0 : i32
        %get3A_269 = tpu.memref_slice %arg10[%scan3A_122, %get3A_267, %get3A_268] : memref<2x128x128xf32, #tpu.memory_space<vmem>> -> memref<1x128x128xf32, #tpu.memory_space<vmem>>
        %get3A_270 = tpu.memref_squeeze %get3A_269 : memref<1x128x128xf32, #tpu.memory_space<vmem>> -> memref<128x128xf32, #tpu.memory_space<vmem>>
        %get3A_271 = arith.index_cast %add3A_217 : i32 to index
        %get3A_272 = arith.constant 48 : index
        %get3A_273 = tpu.vector_load %get3A_270[%get3A_271, %get3A_272] {strides = array<i32>} : memref<128x128xf32, #tpu.memory_space<vmem>>, vector<1x16xf32>,
        %get3A_274 = vector.shape_cast %get3A_273 : vector<1x16xf32> to vector<16xf32>
        %swap3A_275 = arith.constant 0 : i32
        %swap3A_276 = arith.constant 0 : i32
        %swap3A_277 = tpu.memref_slice %arg9[%scan3A_123, %swap3A_275, %swap3A_276] : memref<2x128x128xf32, #tpu.memory_space<vmem>> -> memref<1x128x128xf32, #tpu.memory_space<vmem>>
        %swap3A_278 = tpu.memref_squeeze %swap3A_277 : memref<1x128x128xf32, #tpu.memory_space<vmem>> -> memref<128x128xf32, #tpu.memory_space<vmem>>
        %swap3A_279 = arith.index_cast %add3A_217 : i32 to index
        %swap3A_280 = arith.constant 48 : index
        %swap3A_281 = tpu.vector_load %swap3A_278[%swap3A_279, %swap3A_280] {strides = array<i32>} : memref<128x128xf32, #tpu.memory_space<vmem>>, vector<1x16xf32>,
        %swap3A_282 = vector.shape_cast %swap3A_281 : vector<1x16xf32> to vector<16xf32>
        %swap3A_283 = vector.shape_cast %get3A_274 : vector<16xf32> to vector<1x16xf32>
        tpu.vector_store %swap3A_278[%swap3A_279, %swap3A_280], %swap3A_283 {add = true, strides = array<i32>} : memref<128x128xf32, #tpu.memory_space<vmem>>, vector<1x16xf32>,
        %get3A_284 = arith.constant 0 : i32
        %get3A_285 = arith.constant 0 : i32
        %get3A_286 = tpu.memref_slice %arg10[%scan3A_122, %get3A_284, %get3A_285] : memref<2x128x128xf32, #tpu.memory_space<vmem>> -> memref<1x128x128xf32, #tpu.memory_space<vmem>>
        %get3A_287 = tpu.memref_squeeze %get3A_286 : memref<1x128x128xf32, #tpu.memory_space<vmem>> -> memref<128x128xf32, #tpu.memory_space<vmem>>
        %get3A_288 = arith.index_cast %add3A_217 : i32 to index
        %get3A_289 = arith.constant 64 : index
        %get3A_290 = tpu.vector_load %get3A_287[%get3A_288, %get3A_289] {strides = array<i32>} : memref<128x128xf32, #tpu.memory_space<vmem>>, vector<1x16xf32>,
        %get3A_291 = vector.shape_cast %get3A_290 : vector<1x16xf32> to vector<16xf32>
        %swap3A_292 = arith.constant 0 : i32
        %swap3A_293 = arith.constant 0 : i32
        %swap3A_294 = tpu.memref_slice %arg9[%scan3A_123, %swap3A_292, %swap3A_293] : memref<2x128x128xf32, #tpu.memory_space<vmem>> -> memref<1x128x128xf32, #tpu.memory_space<vmem>>
        %swap3A_295 = tpu.memref_squeeze %swap3A_294 : memref<1x128x128xf32, #tpu.memory_space<vmem>> -> memref<128x128xf32, #tpu.memory_space<vmem>>
        %swap3A_296 = arith.index_cast %add3A_217 : i32 to index
        %swap3A_297 = arith.constant 64 : index
        %swap3A_298 = tpu.vector_load %swap3A_295[%swap3A_296, %swap3A_297] {strides = array<i32>} : memref<128x128xf32, #tpu.memory_space<vmem>>, vector<1x16xf32>,
        %swap3A_299 = vector.shape_cast %swap3A_298 : vector<1x16xf32> to vector<16xf32>
        %swap3A_300 = vector.shape_cast %get3A_291 : vector<16xf32> to vector<1x16xf32>
        tpu.vector_store %swap3A_295[%swap3A_296, %swap3A_297], %swap3A_300 {add = true, strides = array<i32>} : memref<128x128xf32, #tpu.memory_space<vmem>>, vector<1x16xf32>,
        %get3A_301 = arith.constant 0 : i32
        %get3A_302 = arith.constant 0 : i32
        %get3A_303 = tpu.memref_slice %arg10[%scan3A_122, %get3A_301, %get3A_302] : memref<2x128x128xf32, #tpu.memory_space<vmem>> -> memref<1x128x128xf32, #tpu.memory_space<vmem>>
        %get3A_304 = tpu.memref_squeeze %get3A_303 : memref<1x128x128xf32, #tpu.memory_space<vmem>> -> memref<128x128xf32, #tpu.memory_space<vmem>>
        %get3A_305 = arith.index_cast %add3A_217 : i32 to index
        %get3A_306 = arith.constant 80 : index
        %get3A_307 = tpu.vector_load %get3A_304[%get3A_305, %get3A_306] {strides = array<i32>} : memref<128x128xf32, #tpu.memory_space<vmem>>, vector<1x16xf32>,
        %get3A_308 = vector.shape_cast %get3A_307 : vector<1x16xf32> to vector<16xf32>
        %swap3A_309 = arith.constant 0 : i32
        %swap3A_310 = arith.constant 0 : i32
        %swap3A_311 = tpu.memref_slice %arg9[%scan3A_123, %swap3A_309, %swap3A_310] : memref<2x128x128xf32, #tpu.memory_space<vmem>> -> memref<1x128x128xf32, #tpu.memory_space<vmem>>
        %swap3A_312 = tpu.memref_squeeze %swap3A_311 : memref<1x128x128xf32, #tpu.memory_space<vmem>> -> memref<128x128xf32, #tpu.memory_space<vmem>>
        %swap3A_313 = arith.index_cast %add3A_217 : i32 to index
        %swap3A_314 = arith.constant 80 : index
        %swap3A_315 = tpu.vector_load %swap3A_312[%swap3A_313, %swap3A_314] {strides = array<i32>} : memref<128x128xf32, #tpu.memory_space<vmem>>, vector<1x16xf32>,
        %swap3A_316 = vector.shape_cast %swap3A_315 : vector<1x16xf32> to vector<16xf32>
        %swap3A_317 = vector.shape_cast %get3A_308 : vector<16xf32> to vector<1x16xf32>
        tpu.vector_store %swap3A_312[%swap3A_313, %swap3A_314], %swap3A_317 {add = true, strides = array<i32>} : memref<128x128xf32, #tpu.memory_space<vmem>>, vector<1x16xf32>,
        %get3A_318 = arith.constant 0 : i32
        %get3A_319 = arith.constant 0 : i32
        %get3A_320 = tpu.memref_slice %arg10[%scan3A_122, %get3A_318, %get3A_319] : memref<2x128x128xf32, #tpu.memory_space<vmem>> -> memref<1x128x128xf32, #tpu.memory_space<vmem>>
        %get3A_321 = tpu.memref_squeeze %get3A_320 : memref<1x128x128xf32, #tpu.memory_space<vmem>> -> memref<128x128xf32, #tpu.memory_space<vmem>>
        %get3A_322 = arith.index_cast %add3A_217 : i32 to index
        %get3A_323 = arith.constant 96 : index
        %get3A_324 = tpu.vector_load %get3A_321[%get3A_322, %get3A_323] {strides = array<i32>} : memref<128x128xf32, #tpu.memory_space<vmem>>, vector<1x16xf32>,
        %get3A_325 = vector.shape_cast %get3A_324 : vector<1x16xf32> to vector<16xf32>
        %swap3A_326 = arith.constant 0 : i32
        %swap3A_327 = arith.constant 0 : i32
        %swap3A_328 = tpu.memref_slice %arg9[%scan3A_123, %swap3A_326, %swap3A_327] : memref<2x128x128xf32, #tpu.memory_space<vmem>> -> memref<1x128x128xf32, #tpu.memory_space<vmem>>
        %swap3A_329 = tpu.memref_squeeze %swap3A_328 : memref<1x128x128xf32, #tpu.memory_space<vmem>> -> memref<128x128xf32, #tpu.memory_space<vmem>>
        %swap3A_330 = arith.index_cast %add3A_217 : i32 to index
        %swap3A_331 = arith.constant 96 : index
        %swap3A_332 = tpu.vector_load %swap3A_329[%swap3A_330, %swap3A_331] {strides = array<i32>} : memref<128x128xf32, #tpu.memory_space<vmem>>, vector<1x16xf32>,
        %swap3A_333 = vector.shape_cast %swap3A_332 : vector<1x16xf32> to vector<16xf32>
        %swap3A_334 = vector.shape_cast %get3A_325 : vector<16xf32> to vector<1x16xf32>
        tpu.vector_store %swap3A_329[%swap3A_330, %swap3A_331], %swap3A_334 {add = true, strides = array<i32>} : memref<128x128xf32, #tpu.memory_space<vmem>>, vector<1x16xf32>,
        %get3A_335 = arith.constant 0 : i32
        %get3A_336 = arith.constant 0 : i32
        %get3A_337 = tpu.memref_slice %arg10[%scan3A_122, %get3A_335, %get3A_336] : memref<2x128x128xf32, #tpu.memory_space<vmem>> -> memref<1x128x128xf32, #tpu.memory_space<vmem>>
        %get3A_338 = tpu.memref_squeeze %get3A_337 : memref<1x128x128xf32, #tpu.memory_space<vmem>> -> memref<128x128xf32, #tpu.memory_space<vmem>>
        %get3A_339 = arith.index_cast %add3A_217 : i32 to index
        %get3A_340 = arith.constant 112 : index
        %get3A_341 = tpu.vector_load %get3A_338[%get3A_339, %get3A_340] {strides = array<i32>} : memref<128x128xf32, #tpu.memory_space<vmem>>, vector<1x16xf32>,
        %get3A_342 = vector.shape_cast %get3A_341 : vector<1x16xf32> to vector<16xf32>
        %swap3A_343 = arith.constant 0 : i32
        %swap3A_344 = arith.constant 0 : i32
        %swap3A_345 = tpu.memref_slice %arg9[%scan3A_123, %swap3A_343, %swap3A_344] : memref<2x128x128xf32, #tpu.memory_space<vmem>> -> memref<1x128x128xf32, #tpu.memory_space<vmem>>
        %swap3A_346 = tpu.memref_squeeze %swap3A_345 : memref<1x128x128xf32, #tpu.memory_space<vmem>> -> memref<128x128xf32, #tpu.memory_space<vmem>>
        %swap3A_347 = arith.index_cast %add3A_217 : i32 to index
        %swap3A_348 = arith.constant 112 : index
        %swap3A_349 = tpu.vector_load %swap3A_346[%swap3A_347, %swap3A_348] {strides = array<i32>} : memref<128x128xf32, #tpu.memory_space<vmem>>, vector<1x16xf32>,
        %swap3A_350 = vector.shape_cast %swap3A_349 : vector<1x16xf32> to vector<16xf32>
        %swap3A_351 = vector.shape_cast %get3A_342 : vector<16xf32> to vector<1x16xf32>
        tpu.vector_store %swap3A_346[%swap3A_347, %swap3A_348], %swap3A_351 {add = true, strides = array<i32>} : memref<128x128xf32, #tpu.memory_space<vmem>>, vector<1x16xf32>,
      }
      %scan3A_128 = arith.constant 128 : i32
      %add3A_129 = arith.addi %mul3A_2, %add3A_91 : i32
      %mul3A_130 = arith.constant 128 : i32
      %mul3A_131 = arith.muli %add3A_129, %mul3A_130 : i32
      %dma_start3A_132 = arith.constant 0 : i32
      %dma_start3A_133 = arith.constant 0 : i32
      %dma_start3A_134 = arith.constant 0 : i32
      %dma_start3A_135 = tpu.memref_slice %arg9[%dma_start3A_132, %dma_start3A_133, %dma_start3A_134] : memref<2x128x128xf32, #tpu.memory_space<vmem>> -> memref<1x128x128xf32, #tpu.memory_space<vmem>>
      %dma_start3A_136 = tpu.memref_squeeze %dma_start3A_135 : memref<1x128x128xf32, #tpu.memory_space<vmem>> -> memref<128x128xf32, #tpu.memory_space<vmem>>
      %dma_start3A_137 = arith.constant 0 : i32
      %dma_start3A_138 = tpu.memref_slice %arg6[%mul3A_131, %dma_start3A_137] : memref<327680x128xf32, #tpu.memory_space<hbm>> -> memref<128x128xf32, #tpu.memory_space<hbm>>
      %dma_start3A_139 = arith.constant 0 : i32
      %dma_start3A_140 = tpu.memref_slice %arg6[%mul3A_131, %dma_start3A_139] : memref<327680x128xf32, #tpu.memory_space<hbm>> -> memref<128x128xf32, #tpu.memory_space<hbm>>
      %dma_start3A_141 = arith.constant 0 : i32
      %dma_start3A_142 = arith.constant 0 : i32
      %dma_start3A_143 = tpu.memref_slice %arg9[%dma_start3A_132, %dma_start3A_141, %dma_start3A_142] : memref<2x128x128xf32, #tpu.memory_space<vmem>> -> memref<1x128x128xf32, #tpu.memory_space<vmem>>
      %dma_start3A_144 = tpu.memref_squeeze %dma_start3A_143 : memref<1x128x128xf32, #tpu.memory_space<vmem>> -> memref<128x128xf32, #tpu.memory_space<vmem>>
      tpu.enqueue_dma source(%dma_start3A_144 : memref<128x128xf32, #tpu.memory_space<vmem>>) target(%dma_start3A_140 : memref<128x128xf32, #tpu.memory_space<hbm>>) target_semaphore(%arg15 : memref<!tpu.dma_semaphore, #tpu.memory_space<semaphore_mem>>)
      %add3A_145 = arith.constant 2 : i32
      %add3A_146 = arith.addi %add3A_91, %add3A_145 : i32
      %lt3A = arith.constant 80 : i32
      %lt3A_147 = arith.cmpi slt, %add3A_146, %lt3A : i32
      %convert_element_type3A = arith.extui %lt3A_147 : i1 to i32
      %cond3A = arith.constant 0 : i32
      %cond3A_148 = arith.cmpi ne, %convert_element_type3A, %cond3A : i32
      scf.if %cond3A_148 {
        %dma_wait3A_213 = arith.constant 0 : i32
        %dma_wait3A_214 = arith.constant 0 : i32
        %dma_wait3A_215 = arith.constant 0 : i32
        %dma_wait3A_216 = tpu.memref_slice %arg9[%dma_wait3A_213, %dma_wait3A_214, %dma_wait3A_215] : memref<2x128x128xf32, #tpu.memory_space<vmem>> -> memref<1x128x128xf32, #tpu.memory_space<vmem>>
        %dma_wait3A_217 = tpu.memref_squeeze %dma_wait3A_216 : memref<1x128x128xf32, #tpu.memory_space<vmem>> -> memref<128x128xf32, #tpu.memory_space<vmem>>
        %dma_wait3A_218 = arith.constant 0 : i32
        %dma_wait3A_219 = arith.constant 0 : i32
        %dma_wait3A_220 = tpu.memref_slice %arg6[%dma_wait3A_218, %dma_wait3A_219] : memref<327680x128xf32, #tpu.memory_space<hbm>> -> memref<128x128xf32, #tpu.memory_space<hbm>>
        %dma_wait3A_221 = arith.constant 0 : i32
        %dma_wait3A_222 = arith.constant 0 : i32
        %dma_wait3A_223 = tpu.memref_slice %arg6[%dma_wait3A_221, %dma_wait3A_222] : memref<327680x128xf32, #tpu.memory_space<hbm>> -> memref<128x128xf32, #tpu.memory_space<hbm>>
        %dma_wait3A_224 = arith.constant 0 : i32
        %dma_wait3A_225 = arith.constant 0 : i32
        %dma_wait3A_226 = tpu.memref_slice %arg9[%dma_wait3A_213, %dma_wait3A_224, %dma_wait3A_225] : memref<2x128x128xf32, #tpu.memory_space<vmem>> -> memref<1x128x128xf32, #tpu.memory_space<vmem>>
        %dma_wait3A_227 = tpu.memref_squeeze %dma_wait3A_226 : memref<1x128x128xf32, #tpu.memory_space<vmem>> -> memref<128x128xf32, #tpu.memory_space<vmem>>
        tpu.wait_dma2 semaphore(%arg15 : memref<!tpu.dma_semaphore, #tpu.memory_space<semaphore_mem>>) src(%dma_wait3A_227 : memref<128x128xf32, #tpu.memory_space<vmem>>) dst(%dma_wait3A_223 : memref<128x128xf32, #tpu.memory_space<hbm>>)
        %add3A_228 = arith.constant 2 : i32
        %add3A_229 = arith.addi %add3A_91, %add3A_228 : i32
        %dma_start3A_230 = arith.constant 0 : i32
        %dma_start3A_231 = arith.constant 0 : i32
        %dma_start3A_232 = arith.constant 0 : i32
        %dma_start3A_233 = tpu.memref_slice %arg9[%dma_start3A_230, %dma_start3A_231, %dma_start3A_232] : memref<2x128x128xf32, #tpu.memory_space<vmem>> -> memref<1x128x128xf32, #tpu.memory_space<vmem>>
        %dma_start3A_234 = tpu.memref_squeeze %dma_start3A_233 : memref<1x128x128xf32, #tpu.memory_space<vmem>> -> memref<128x128xf32, #tpu.memory_space<vmem>>
        %dma_start3A_235 = arith.constant 0 : i32
        %dma_start3A_236 = tpu.memref_slice %arg7[%add3A_229, %dma_start3A_235] : memref<80x128xi32, #tpu.memory_space<vmem>> -> memref<1x128xi32, #tpu.memory_space<vmem>>
        %dma_start3A_237 = tpu.memref_squeeze %dma_start3A_236 : memref<1x128xi32, #tpu.memory_space<vmem>> -> memref<128xi32, #tpu.memory_space<vmem>>
        %dma_start3A_238 = arith.constant 0 : i32
        %dma_start3A_239 = arith.constant 0 : i32
        %dma_start3A_240 = tpu.memref_slice %arg2[%dma_start3A_238, %dma_start3A_239] : memref<10240x128xf32, #tpu.memory_space<hbm>> -> memref<10240x128xf32, #tpu.memory_space<hbm>>
        tpu.enqueue_indirect_dma source(%dma_start3A_240 : memref<10240x128xf32, #tpu.memory_space<hbm>>) target(%dma_start3A_234 : memref<128x128xf32, #tpu.memory_space<vmem>>) offsets(%dma_start3A_237 : memref<128xi32, #tpu.memory_space<vmem>>) semaphore(%arg11 : memref<!tpu.dma_semaphore, #tpu.memory_space<semaphore_mem>>)
        %dma_start3A_241 = arith.constant 0 : i32
        %dma_start3A_242 = arith.constant 0 : i32
        %dma_start3A_243 = arith.constant 0 : i32
        %dma_start3A_244 = tpu.memref_slice %arg10[%dma_start3A_241, %dma_start3A_242, %dma_start3A_243] : memref<2x128x128xf32, #tpu.memory_space<vmem>> -> memref<1x128x128xf32, #tpu.memory_space<vmem>>
        %dma_start3A_245 = tpu.memref_squeeze %dma_start3A_244 : memref<1x128x128xf32, #tpu.memory_space<vmem>> -> memref<128x128xf32, #tpu.memory_space<vmem>>
        %dma_start3A_246 = arith.constant 0 : i32
        %dma_start3A_247 = tpu.memref_slice %arg8[%add3A_229, %dma_start3A_246] : memref<80x128xi32, #tpu.memory_space<vmem>> -> memref<1x128xi32, #tpu.memory_space<vmem>>
        %dma_start3A_248 = tpu.memref_squeeze %dma_start3A_247 : memref<1x128xi32, #tpu.memory_space<vmem>> -> memref<128xi32, #tpu.memory_space<vmem>>
        %dma_start3A_249 = arith.constant 0 : i32
        %dma_start3A_250 = arith.constant 0 : i32
        %dma_start3A_251 = tpu.memref_slice %arg3[%dma_start3A_249, %dma_start3A_250] : memref<10240x128xf32, #tpu.memory_space<hbm>> -> memref<10240x128xf32, #tpu.memory_space<hbm>>
        tpu.enqueue_indirect_dma source(%dma_start3A_251 : memref<10240x128xf32, #tpu.memory_space<hbm>>) target(%dma_start3A_245 : memref<128x128xf32, #tpu.memory_space<vmem>>) offsets(%dma_start3A_248 : memref<128xi32, #tpu.memory_space<vmem>>) semaphore(%arg13 : memref<!tpu.dma_semaphore, #tpu.memory_space<semaphore_mem>>)
      } else {
      }
      %mul3A_149 = arith.constant 2 : i32
      %mul3A_150 = arith.muli %add3A_87, %mul3A_149 : i32
      %add3A_151 = arith.constant 1 : i32
      %add3A_152 = arith.addi %mul3A_150, %add3A_151 : i32
      %dma_wait3A_153 = arith.constant 1 : i32
      %dma_wait3A_154 = arith.constant 0 : i32
      %dma_wait3A_155 = arith.constant 0 : i32
      %dma_wait3A_156 = tpu.memref_slice %arg9[%dma_wait3A_153, %dma_wait3A_154, %dma_wait3A_155] : memref<2x128x128xf32, #tpu.memory_space<vmem>> -> memref<1x128x128xf32, #tpu.memory_space<vmem>>
      %dma_wait3A_157 = tpu.memref_squeeze %dma_wait3A_156 : memref<1x128x128xf32, #tpu.memory_space<vmem>> -> memref<128x128xf32, #tpu.memory_space<vmem>>
      %dma_wait3A_158 = arith.constant 0 : i32
      %dma_wait3A_159 = arith.constant 0 : i32
      %dma_wait3A_160 = tpu.memref_slice %arg2[%dma_wait3A_158, %dma_wait3A_159] : memref<10240x128xf32, #tpu.memory_space<hbm>> -> memref<128x128xf32, #tpu.memory_space<hbm>>
      %dma_wait3A_161 = arith.constant 0 : i32
      %dma_wait3A_162 = arith.constant 0 : i32
      %dma_wait3A_163 = tpu.memref_slice %arg9[%dma_wait3A_153, %dma_wait3A_161, %dma_wait3A_162] : memref<2x128x128xf32, #tpu.memory_space<vmem>> -> memref<1x128x128xf32, #tpu.memory_space<vmem>>
      %dma_wait3A_164 = tpu.memref_squeeze %dma_wait3A_163 : memref<1x128x128xf32, #tpu.memory_space<vmem>> -> memref<128x128xf32, #tpu.memory_space<vmem>>
      %dma_wait3A_165 = arith.constant 0 : i32
      %dma_wait3A_166 = arith.constant 0 : i32
      %dma_wait3A_167 = tpu.memref_slice %arg2[%dma_wait3A_165, %dma_wait3A_166] : memref<10240x128xf32, #tpu.memory_space<hbm>> -> memref<128x128xf32, #tpu.memory_space<hbm>>
      tpu.wait_dma2 semaphore(%arg12 : memref<!tpu.dma_semaphore, #tpu.memory_space<semaphore_mem>>) src(%dma_wait3A_167 : memref<128x128xf32, #tpu.memory_space<hbm>>) dst(%dma_wait3A_164 : memref<128x128xf32, #tpu.memory_space<vmem>>)
      %dma_wait3A_168 = arith.constant 1 : i32
      %dma_wait3A_169 = arith.constant 0 : i32
      %dma_wait3A_170 = arith.constant 0 : i32
      %dma_wait3A_171 = tpu.memref_slice %arg10[%dma_wait3A_168, %dma_wait3A_169, %dma_wait3A_170] : memref<2x128x128xf32, #tpu.memory_space<vmem>> -> memref<1x128x128xf32, #tpu.memory_space<vmem>>
      %dma_wait3A_172 = tpu.memref_squeeze %dma_wait3A_171 : memref<1x128x128xf32, #tpu.memory_space<vmem>> -> memref<128x128xf32, #tpu.memory_space<vmem>>
      %dma_wait3A_173 = arith.constant 0 : i32
      %dma_wait3A_174 = arith.constant 0 : i32
      %dma_wait3A_175 = tpu.memref_slice %arg3[%dma_wait3A_173, %dma_wait3A_174] : memref<10240x128xf32, #tpu.memory_space<hbm>> -> memref<128x128xf32, #tpu.memory_space<hbm>>
      %dma_wait3A_176 = arith.constant 0 : i32
      %dma_wait3A_177 = arith.constant 0 : i32
      %dma_wait3A_178 = tpu.memref_slice %arg10[%dma_wait3A_168, %dma_wait3A_176, %dma_wait3A_177] : memref<2x128x128xf32, #tpu.memory_space<vmem>> -> memref<1x128x128xf32, #tpu.memory_space<vmem>>
      %dma_wait3A_179 = tpu.memref_squeeze %dma_wait3A_178 : memref<1x128x128xf32, #tpu.memory_space<vmem>> -> memref<128x128xf32, #tpu.memory_space<vmem>>
      %dma_wait3A_180 = arith.constant 0 : i32
      %dma_wait3A_181 = arith.constant 0 : i32
      %dma_wait3A_182 = tpu.memref_slice %arg3[%dma_wait3A_180, %dma_wait3A_181] : memref<10240x128xf32, #tpu.memory_space<hbm>> -> memref<128x128xf32, #tpu.memory_space<hbm>>
      tpu.wait_dma2 semaphore(%arg14 : memref<!tpu.dma_semaphore, #tpu.memory_space<semaphore_mem>>) src(%dma_wait3A_182 : memref<128x128xf32, #tpu.memory_space<hbm>>) dst(%dma_wait3A_179 : memref<128x128xf32, #tpu.memory_space<vmem>>)
      %scan3A_183 = arith.constant 1 : i32
      %scan3A_184 = arith.constant 1 : i32
      %scan3A_185 = arith.constant 0 : i32
      %scan3A_186 = arith.constant 128 : i32
      %scan3A_187 = arith.addi %scan3A_185, %scan3A_186 : i32
      %scan3A_188 = arith.constant 1 : i32
      scf.for %scan3A_213 = %scan3A_185 to %scan3A_187 step %scan3A_188  : i32 {
        %mul3A_214 = arith.constant 1 : i32
        %mul3A_215 = arith.muli %scan3A_213, %mul3A_214 : i32
        %add3A_216 = arith.constant 0 : i32
        %add3A_217 = arith.addi %add3A_216, %mul3A_215 : i32
        %get3A = arith.constant 0 : i32
        %get3A_218 = arith.constant 0 : i32
        %get3A_219 = tpu.memref_slice %arg10[%scan3A_183, %get3A, %get3A_218] : memref<2x128x128xf32, #tpu.memory_space<vmem>> -> memref<1x128x128xf32, #tpu.memory_space<vmem>>
        %get3A_220 = tpu.memref_squeeze %get3A_219 : memref<1x128x128xf32, #tpu.memory_space<vmem>> -> memref<128x128xf32, #tpu.memory_space<vmem>>
        %get3A_221 = arith.index_cast %add3A_217 : i32 to index
        %get3A_222 = arith.constant 0 : index
        %get3A_223 = tpu.vector_load %get3A_220[%get3A_221, %get3A_222] {strides = array<i32>} : memref<128x128xf32, #tpu.memory_space<vmem>>, vector<1x16xf32>,
        %get3A_224 = vector.shape_cast %get3A_223 : vector<1x16xf32> to vector<16xf32>
        %swap3A = arith.constant 0 : i32
        %swap3A_225 = arith.constant 0 : i32
        %swap3A_226 = tpu.memref_slice %arg9[%scan3A_184, %swap3A, %swap3A_225] : memref<2x128x128xf32, #tpu.memory_space<vmem>> -> memref<1x128x128xf32, #tpu.memory_space<vmem>>
        %swap3A_227 = tpu.memref_squeeze %swap3A_226 : memref<1x128x128xf32, #tpu.memory_space<vmem>> -> memref<128x128xf32, #tpu.memory_space<vmem>>
        %swap3A_228 = arith.index_cast %add3A_217 : i32 to index
        %swap3A_229 = arith.constant 0 : index
        %swap3A_230 = tpu.vector_load %swap3A_227[%swap3A_228, %swap3A_229] {strides = array<i32>} : memref<128x128xf32, #tpu.memory_space<vmem>>, vector<1x16xf32>,
        %swap3A_231 = vector.shape_cast %swap3A_230 : vector<1x16xf32> to vector<16xf32>
        %swap3A_232 = vector.shape_cast %get3A_224 : vector<16xf32> to vector<1x16xf32>
        tpu.vector_store %swap3A_227[%swap3A_228, %swap3A_229], %swap3A_232 {add = true, strides = array<i32>} : memref<128x128xf32, #tpu.memory_space<vmem>>, vector<1x16xf32>,
        %get3A_233 = arith.constant 0 : i32
        %get3A_234 = arith.constant 0 : i32
        %get3A_235 = tpu.memref_slice %arg10[%scan3A_183, %get3A_233, %get3A_234] : memref<2x128x128xf32, #tpu.memory_space<vmem>> -> memref<1x128x128xf32, #tpu.memory_space<vmem>>
        %get3A_236 = tpu.memref_squeeze %get3A_235 : memref<1x128x128xf32, #tpu.memory_space<vmem>> -> memref<128x128xf32, #tpu.memory_space<vmem>>
        %get3A_237 = arith.index_cast %add3A_217 : i32 to index
        %get3A_238 = arith.constant 16 : index
        %get3A_239 = tpu.vector_load %get3A_236[%get3A_237, %get3A_238] {strides = array<i32>} : memref<128x128xf32, #tpu.memory_space<vmem>>, vector<1x16xf32>,
        %get3A_240 = vector.shape_cast %get3A_239 : vector<1x16xf32> to vector<16xf32>
        %swap3A_241 = arith.constant 0 : i32
        %swap3A_242 = arith.constant 0 : i32
        %swap3A_243 = tpu.memref_slice %arg9[%scan3A_184, %swap3A_241, %swap3A_242] : memref<2x128x128xf32, #tpu.memory_space<vmem>> -> memref<1x128x128xf32, #tpu.memory_space<vmem>>
        %swap3A_244 = tpu.memref_squeeze %swap3A_243 : memref<1x128x128xf32, #tpu.memory_space<vmem>> -> memref<128x128xf32, #tpu.memory_space<vmem>>
        %swap3A_245 = arith.index_cast %add3A_217 : i32 to index
        %swap3A_246 = arith.constant 16 : index
        %swap3A_247 = tpu.vector_load %swap3A_244[%swap3A_245, %swap3A_246] {strides = array<i32>} : memref<128x128xf32, #tpu.memory_space<vmem>>, vector<1x16xf32>,
        %swap3A_248 = vector.shape_cast %swap3A_247 : vector<1x16xf32> to vector<16xf32>
        %swap3A_249 = vector.shape_cast %get3A_240 : vector<16xf32> to vector<1x16xf32>
        tpu.vector_store %swap3A_244[%swap3A_245, %swap3A_246], %swap3A_249 {add = true, strides = array<i32>} : memref<128x128xf32, #tpu.memory_space<vmem>>, vector<1x16xf32>,
        %get3A_250 = arith.constant 0 : i32
        %get3A_251 = arith.constant 0 : i32
        %get3A_252 = tpu.memref_slice %arg10[%scan3A_183, %get3A_250, %get3A_251] : memref<2x128x128xf32, #tpu.memory_space<vmem>> -> memref<1x128x128xf32, #tpu.memory_space<vmem>>
        %get3A_253 = tpu.memref_squeeze %get3A_252 : memref<1x128x128xf32, #tpu.memory_space<vmem>> -> memref<128x128xf32, #tpu.memory_space<vmem>>
        %get3A_254 = arith.index_cast %add3A_217 : i32 to index
        %get3A_255 = arith.constant 32 : index
        %get3A_256 = tpu.vector_load %get3A_253[%get3A_254, %get3A_255] {strides = array<i32>} : memref<128x128xf32, #tpu.memory_space<vmem>>, vector<1x16xf32>,
        %get3A_257 = vector.shape_cast %get3A_256 : vector<1x16xf32> to vector<16xf32>
        %swap3A_258 = arith.constant 0 : i32
        %swap3A_259 = arith.constant 0 : i32
        %swap3A_260 = tpu.memref_slice %arg9[%scan3A_184, %swap3A_258, %swap3A_259] : memref<2x128x128xf32, #tpu.memory_space<vmem>> -> memref<1x128x128xf32, #tpu.memory_space<vmem>>
        %swap3A_261 = tpu.memref_squeeze %swap3A_260 : memref<1x128x128xf32, #tpu.memory_space<vmem>> -> memref<128x128xf32, #tpu.memory_space<vmem>>
        %swap3A_262 = arith.index_cast %add3A_217 : i32 to index
        %swap3A_263 = arith.constant 32 : index
        %swap3A_264 = tpu.vector_load %swap3A_261[%swap3A_262, %swap3A_263] {strides = array<i32>} : memref<128x128xf32, #tpu.memory_space<vmem>>, vector<1x16xf32>,
        %swap3A_265 = vector.shape_cast %swap3A_264 : vector<1x16xf32> to vector<16xf32>
        %swap3A_266 = vector.shape_cast %get3A_257 : vector<16xf32> to vector<1x16xf32>
        tpu.vector_store %swap3A_261[%swap3A_262, %swap3A_263], %swap3A_266 {add = true, strides = array<i32>} : memref<128x128xf32, #tpu.memory_space<vmem>>, vector<1x16xf32>,
        %get3A_267 = arith.constant 0 : i32
        %get3A_268 = arith.constant 0 : i32
        %get3A_269 = tpu.memref_slice %arg10[%scan3A_183, %get3A_267, %get3A_268] : memref<2x128x128xf32, #tpu.memory_space<vmem>> -> memref<1x128x128xf32, #tpu.memory_space<vmem>>
        %get3A_270 = tpu.memref_squeeze %get3A_269 : memref<1x128x128xf32, #tpu.memory_space<vmem>> -> memref<128x128xf32, #tpu.memory_space<vmem>>
        %get3A_271 = arith.index_cast %add3A_217 : i32 to index
        %get3A_272 = arith.constant 48 : index
        %get3A_273 = tpu.vector_load %get3A_270[%get3A_271, %get3A_272] {strides = array<i32>} : memref<128x128xf32, #tpu.memory_space<vmem>>, vector<1x16xf32>,
        %get3A_274 = vector.shape_cast %get3A_273 : vector<1x16xf32> to vector<16xf32>
        %swap3A_275 = arith.constant 0 : i32
        %swap3A_276 = arith.constant 0 : i32
        %swap3A_277 = tpu.memref_slice %arg9[%scan3A_184, %swap3A_275, %swap3A_276] : memref<2x128x128xf32, #tpu.memory_space<vmem>> -> memref<1x128x128xf32, #tpu.memory_space<vmem>>
        %swap3A_278 = tpu.memref_squeeze %swap3A_277 : memref<1x128x128xf32, #tpu.memory_space<vmem>> -> memref<128x128xf32, #tpu.memory_space<vmem>>
        %swap3A_279 = arith.index_cast %add3A_217 : i32 to index
        %swap3A_280 = arith.constant 48 : index
        %swap3A_281 = tpu.vector_load %swap3A_278[%swap3A_279, %swap3A_280] {strides = array<i32>} : memref<128x128xf32, #tpu.memory_space<vmem>>, vector<1x16xf32>,
        %swap3A_282 = vector.shape_cast %swap3A_281 : vector<1x16xf32> to vector<16xf32>
        %swap3A_283 = vector.shape_cast %get3A_274 : vector<16xf32> to vector<1x16xf32>
        tpu.vector_store %swap3A_278[%swap3A_279, %swap3A_280], %swap3A_283 {add = true, strides = array<i32>} : memref<128x128xf32, #tpu.memory_space<vmem>>, vector<1x16xf32>,
        %get3A_284 = arith.constant 0 : i32
        %get3A_285 = arith.constant 0 : i32
        %get3A_286 = tpu.memref_slice %arg10[%scan3A_183, %get3A_284, %get3A_285] : memref<2x128x128xf32, #tpu.memory_space<vmem>> -> memref<1x128x128xf32, #tpu.memory_space<vmem>>
        %get3A_287 = tpu.memref_squeeze %get3A_286 : memref<1x128x128xf32, #tpu.memory_space<vmem>> -> memref<128x128xf32, #tpu.memory_space<vmem>>
        %get3A_288 = arith.index_cast %add3A_217 : i32 to index
        %get3A_289 = arith.constant 64 : index
        %get3A_290 = tpu.vector_load %get3A_287[%get3A_288, %get3A_289] {strides = array<i32>} : memref<128x128xf32, #tpu.memory_space<vmem>>, vector<1x16xf32>,
        %get3A_291 = vector.shape_cast %get3A_290 : vector<1x16xf32> to vector<16xf32>
        %swap3A_292 = arith.constant 0 : i32
        %swap3A_293 = arith.constant 0 : i32
        %swap3A_294 = tpu.memref_slice %arg9[%scan3A_184, %swap3A_292, %swap3A_293] : memref<2x128x128xf32, #tpu.memory_space<vmem>> -> memref<1x128x128xf32, #tpu.memory_space<vmem>>
        %swap3A_295 = tpu.memref_squeeze %swap3A_294 : memref<1x128x128xf32, #tpu.memory_space<vmem>> -> memref<128x128xf32, #tpu.memory_space<vmem>>
        %swap3A_296 = arith.index_cast %add3A_217 : i32 to index
        %swap3A_297 = arith.constant 64 : index
        %swap3A_298 = tpu.vector_load %swap3A_295[%swap3A_296, %swap3A_297] {strides = array<i32>} : memref<128x128xf32, #tpu.memory_space<vmem>>, vector<1x16xf32>,
        %swap3A_299 = vector.shape_cast %swap3A_298 : vector<1x16xf32> to vector<16xf32>
        %swap3A_300 = vector.shape_cast %get3A_291 : vector<16xf32> to vector<1x16xf32>
        tpu.vector_store %swap3A_295[%swap3A_296, %swap3A_297], %swap3A_300 {add = true, strides = array<i32>} : memref<128x128xf32, #tpu.memory_space<vmem>>, vector<1x16xf32>,
        %get3A_301 = arith.constant 0 : i32
        %get3A_302 = arith.constant 0 : i32
        %get3A_303 = tpu.memref_slice %arg10[%scan3A_183, %get3A_301, %get3A_302] : memref<2x128x128xf32, #tpu.memory_space<vmem>> -> memref<1x128x128xf32, #tpu.memory_space<vmem>>
        %get3A_304 = tpu.memref_squeeze %get3A_303 : memref<1x128x128xf32, #tpu.memory_space<vmem>> -> memref<128x128xf32, #tpu.memory_space<vmem>>
        %get3A_305 = arith.index_cast %add3A_217 : i32 to index
        %get3A_306 = arith.constant 80 : index
        %get3A_307 = tpu.vector_load %get3A_304[%get3A_305, %get3A_306] {strides = array<i32>} : memref<128x128xf32, #tpu.memory_space<vmem>>, vector<1x16xf32>,
        %get3A_308 = vector.shape_cast %get3A_307 : vector<1x16xf32> to vector<16xf32>
        %swap3A_309 = arith.constant 0 : i32
        %swap3A_310 = arith.constant 0 : i32
        %swap3A_311 = tpu.memref_slice %arg9[%scan3A_184, %swap3A_309, %swap3A_310] : memref<2x128x128xf32, #tpu.memory_space<vmem>> -> memref<1x128x128xf32, #tpu.memory_space<vmem>>
        %swap3A_312 = tpu.memref_squeeze %swap3A_311 : memref<1x128x128xf32, #tpu.memory_space<vmem>> -> memref<128x128xf32, #tpu.memory_space<vmem>>
        %swap3A_313 = arith.index_cast %add3A_217 : i32 to index
        %swap3A_314 = arith.constant 80 : index
        %swap3A_315 = tpu.vector_load %swap3A_312[%swap3A_313, %swap3A_314] {strides = array<i32>} : memref<128x128xf32, #tpu.memory_space<vmem>>, vector<1x16xf32>,
        %swap3A_316 = vector.shape_cast %swap3A_315 : vector<1x16xf32> to vector<16xf32>
        %swap3A_317 = vector.shape_cast %get3A_308 : vector<16xf32> to vector<1x16xf32>
        tpu.vector_store %swap3A_312[%swap3A_313, %swap3A_314], %swap3A_317 {add = true, strides = array<i32>} : memref<128x128xf32, #tpu.memory_space<vmem>>, vector<1x16xf32>,
        %get3A_318 = arith.constant 0 : i32
        %get3A_319 = arith.constant 0 : i32
        %get3A_320 = tpu.memref_slice %arg10[%scan3A_183, %get3A_318, %get3A_319] : memref<2x128x128xf32, #tpu.memory_space<vmem>> -> memref<1x128x128xf32, #tpu.memory_space<vmem>>
        %get3A_321 = tpu.memref_squeeze %get3A_320 : memref<1x128x128xf32, #tpu.memory_space<vmem>> -> memref<128x128xf32, #tpu.memory_space<vmem>>
        %get3A_322 = arith.index_cast %add3A_217 : i32 to index
        %get3A_323 = arith.constant 96 : index
        %get3A_324 = tpu.vector_load %get3A_321[%get3A_322, %get3A_323] {strides = array<i32>} : memref<128x128xf32, #tpu.memory_space<vmem>>, vector<1x16xf32>,
        %get3A_325 = vector.shape_cast %get3A_324 : vector<1x16xf32> to vector<16xf32>
        %swap3A_326 = arith.constant 0 : i32
        %swap3A_327 = arith.constant 0 : i32
        %swap3A_328 = tpu.memref_slice %arg9[%scan3A_184, %swap3A_326, %swap3A_327] : memref<2x128x128xf32, #tpu.memory_space<vmem>> -> memref<1x128x128xf32, #tpu.memory_space<vmem>>
        %swap3A_329 = tpu.memref_squeeze %swap3A_328 : memref<1x128x128xf32, #tpu.memory_space<vmem>> -> memref<128x128xf32, #tpu.memory_space<vmem>>
        %swap3A_330 = arith.index_cast %add3A_217 : i32 to index
        %swap3A_331 = arith.constant 96 : index
        %swap3A_332 = tpu.vector_load %swap3A_329[%swap3A_330, %swap3A_331] {strides = array<i32>} : memref<128x128xf32, #tpu.memory_space<vmem>>, vector<1x16xf32>,
        %swap3A_333 = vector.shape_cast %swap3A_332 : vector<1x16xf32> to vector<16xf32>
        %swap3A_334 = vector.shape_cast %get3A_325 : vector<16xf32> to vector<1x16xf32>
        tpu.vector_store %swap3A_329[%swap3A_330, %swap3A_331], %swap3A_334 {add = true, strides = array<i32>} : memref<128x128xf32, #tpu.memory_space<vmem>>, vector<1x16xf32>,
        %get3A_335 = arith.constant 0 : i32
        %get3A_336 = arith.constant 0 : i32
        %get3A_337 = tpu.memref_slice %arg10[%scan3A_183, %get3A_335, %get3A_336] : memref<2x128x128xf32, #tpu.memory_space<vmem>> -> memref<1x128x128xf32, #tpu.memory_space<vmem>>
        %get3A_338 = tpu.memref_squeeze %get3A_337 : memref<1x128x128xf32, #tpu.memory_space<vmem>> -> memref<128x128xf32, #tpu.memory_space<vmem>>
        %get3A_339 = arith.index_cast %add3A_217 : i32 to index
        %get3A_340 = arith.constant 112 : index
        %get3A_341 = tpu.vector_load %get3A_338[%get3A_339, %get3A_340] {strides = array<i32>} : memref<128x128xf32, #tpu.memory_space<vmem>>, vector<1x16xf32>,
        %get3A_342 = vector.shape_cast %get3A_341 : vector<1x16xf32> to vector<16xf32>
        %swap3A_343 = arith.constant 0 : i32
        %swap3A_344 = arith.constant 0 : i32
        %swap3A_345 = tpu.memref_slice %arg9[%scan3A_184, %swap3A_343, %swap3A_344] : memref<2x128x128xf32, #tpu.memory_space<vmem>> -> memref<1x128x128xf32, #tpu.memory_space<vmem>>
        %swap3A_346 = tpu.memref_squeeze %swap3A_345 : memref<1x128x128xf32, #tpu.memory_space<vmem>> -> memref<128x128xf32, #tpu.memory_space<vmem>>
        %swap3A_347 = arith.index_cast %add3A_217 : i32 to index
        %swap3A_348 = arith.constant 112 : index
        %swap3A_349 = tpu.vector_load %swap3A_346[%swap3A_347, %swap3A_348] {strides = array<i32>} : memref<128x128xf32, #tpu.memory_space<vmem>>, vector<1x16xf32>,
        %swap3A_350 = vector.shape_cast %swap3A_349 : vector<1x16xf32> to vector<16xf32>
        %swap3A_351 = vector.shape_cast %get3A_342 : vector<16xf32> to vector<1x16xf32>
        tpu.vector_store %swap3A_346[%swap3A_347, %swap3A_348], %swap3A_351 {add = true, strides = array<i32>} : memref<128x128xf32, #tpu.memory_space<vmem>>, vector<1x16xf32>,
      }
      %scan3A_189 = arith.constant 128 : i32
      %add3A_190 = arith.addi %mul3A_2, %add3A_152 : i32
      %mul3A_191 = arith.constant 128 : i32
      %mul3A_192 = arith.muli %add3A_190, %mul3A_191 : i32
      %dma_start3A_193 = arith.constant 1 : i32
      %dma_start3A_194 = arith.constant 0 : i32
      %dma_start3A_195 = arith.constant 0 : i32
      %dma_start3A_196 = tpu.memref_slice %arg9[%dma_start3A_193, %dma_start3A_194, %dma_start3A_195] : memref<2x128x128xf32, #tpu.memory_space<vmem>> -> memref<1x128x128xf32, #tpu.memory_space<vmem>>
      %dma_start3A_197 = tpu.memref_squeeze %dma_start3A_196 : memref<1x128x128xf32, #tpu.memory_space<vmem>> -> memref<128x128xf32, #tpu.memory_space<vmem>>
      %dma_start3A_198 = arith.constant 0 : i32
      %dma_start3A_199 = tpu.memref_slice %arg6[%mul3A_192, %dma_start3A_198] : memref<327680x128xf32, #tpu.memory_space<hbm>> -> memref<128x128xf32, #tpu.memory_space<hbm>>
      %dma_start3A_200 = arith.constant 0 : i32
      %dma_start3A_201 = tpu.memref_slice %arg6[%mul3A_192, %dma_start3A_200] : memref<327680x128xf32, #tpu.memory_space<hbm>> -> memref<128x128xf32, #tpu.memory_space<hbm>>
      %dma_start3A_202 = arith.constant 0 : i32
      %dma_start3A_203 = arith.constant 0 : i32
      %dma_start3A_204 = tpu.memref_slice %arg9[%dma_start3A_193, %dma_start3A_202, %dma_start3A_203] : memref<2x128x128xf32, #tpu.memory_space<vmem>> -> memref<1x128x128xf32, #tpu.memory_space<vmem>>
      %dma_start3A_205 = tpu.memref_squeeze %dma_start3A_204 : memref<1x128x128xf32, #tpu.memory_space<vmem>> -> memref<128x128xf32, #tpu.memory_space<vmem>>
      tpu.enqueue_dma source(%dma_start3A_205 : memref<128x128xf32, #tpu.memory_space<vmem>>) target(%dma_start3A_201 : memref<128x128xf32, #tpu.memory_space<hbm>>) target_semaphore(%arg16 : memref<!tpu.dma_semaphore, #tpu.memory_space<semaphore_mem>>)
      %add3A_206 = arith.constant 2 : i32
      %add3A_207 = arith.addi %add3A_152, %add3A_206 : i32
      %lt3A_208 = arith.constant 80 : i32
      %lt3A_209 = arith.cmpi slt, %add3A_207, %lt3A_208 : i32
      %convert_element_type3A_210 = arith.extui %lt3A_209 : i1 to i32
      %cond3A_211 = arith.constant 0 : i32
      %cond3A_212 = arith.cmpi ne, %convert_element_type3A_210, %cond3A_211 : i32
      scf.if %cond3A_212 {
        %dma_wait3A_213 = arith.constant 1 : i32
        %dma_wait3A_214 = arith.constant 0 : i32
        %dma_wait3A_215 = arith.constant 0 : i32
        %dma_wait3A_216 = tpu.memref_slice %arg9[%dma_wait3A_213, %dma_wait3A_214, %dma_wait3A_215] : memref<2x128x128xf32, #tpu.memory_space<vmem>> -> memref<1x128x128xf32, #tpu.memory_space<vmem>>
        %dma_wait3A_217 = tpu.memref_squeeze %dma_wait3A_216 : memref<1x128x128xf32, #tpu.memory_space<vmem>> -> memref<128x128xf32, #tpu.memory_space<vmem>>
        %dma_wait3A_218 = arith.constant 0 : i32
        %dma_wait3A_219 = arith.constant 0 : i32
        %dma_wait3A_220 = tpu.memref_slice %arg6[%dma_wait3A_218, %dma_wait3A_219] : memref<327680x128xf32, #tpu.memory_space<hbm>> -> memref<128x128xf32, #tpu.memory_space<hbm>>
        %dma_wait3A_221 = arith.constant 0 : i32
        %dma_wait3A_222 = arith.constant 0 : i32
        %dma_wait3A_223 = tpu.memref_slice %arg6[%dma_wait3A_221, %dma_wait3A_222] : memref<327680x128xf32, #tpu.memory_space<hbm>> -> memref<128x128xf32, #tpu.memory_space<hbm>>
        %dma_wait3A_224 = arith.constant 0 : i32
        %dma_wait3A_225 = arith.constant 0 : i32
        %dma_wait3A_226 = tpu.memref_slice %arg9[%dma_wait3A_213, %dma_wait3A_224, %dma_wait3A_225] : memref<2x128x128xf32, #tpu.memory_space<vmem>> -> memref<1x128x128xf32, #tpu.memory_space<vmem>>
        %dma_wait3A_227 = tpu.memref_squeeze %dma_wait3A_226 : memref<1x128x128xf32, #tpu.memory_space<vmem>> -> memref<128x128xf32, #tpu.memory_space<vmem>>
        tpu.wait_dma2 semaphore(%arg16 : memref<!tpu.dma_semaphore, #tpu.memory_space<semaphore_mem>>) src(%dma_wait3A_227 : memref<128x128xf32, #tpu.memory_space<vmem>>) dst(%dma_wait3A_223 : memref<128x128xf32, #tpu.memory_space<hbm>>)
        %add3A_228 = arith.constant 2 : i32
        %add3A_229 = arith.addi %add3A_152, %add3A_228 : i32
        %dma_start3A_230 = arith.constant 1 : i32
        %dma_start3A_231 = arith.constant 0 : i32
        %dma_start3A_232 = arith.constant 0 : i32
        %dma_start3A_233 = tpu.memref_slice %arg9[%dma_start3A_230, %dma_start3A_231, %dma_start3A_232] : memref<2x128x128xf32, #tpu.memory_space<vmem>> -> memref<1x128x128xf32, #tpu.memory_space<vmem>>
        %dma_start3A_234 = tpu.memref_squeeze %dma_start3A_233 : memref<1x128x128xf32, #tpu.memory_space<vmem>> -> memref<128x128xf32, #tpu.memory_space<vmem>>
        %dma_start3A_235 = arith.constant 0 : i32
        %dma_start3A_236 = tpu.memref_slice %arg7[%add3A_229, %dma_start3A_235] : memref<80x128xi32, #tpu.memory_space<vmem>> -> memref<1x128xi32, #tpu.memory_space<vmem>>
        %dma_start3A_237 = tpu.memref_squeeze %dma_start3A_236 : memref<1x128xi32, #tpu.memory_space<vmem>> -> memref<128xi32, #tpu.memory_space<vmem>>
        %dma_start3A_238 = arith.constant 0 : i32
        %dma_start3A_239 = arith.constant 0 : i32
        %dma_start3A_240 = tpu.memref_slice %arg2[%dma_start3A_238, %dma_start3A_239] : memref<10240x128xf32, #tpu.memory_space<hbm>> -> memref<10240x128xf32, #tpu.memory_space<hbm>>
        tpu.enqueue_indirect_dma source(%dma_start3A_240 : memref<10240x128xf32, #tpu.memory_space<hbm>>) target(%dma_start3A_234 : memref<128x128xf32, #tpu.memory_space<vmem>>) offsets(%dma_start3A_237 : memref<128xi32, #tpu.memory_space<vmem>>) semaphore(%arg12 : memref<!tpu.dma_semaphore, #tpu.memory_space<semaphore_mem>>)
        %dma_start3A_241 = arith.constant 1 : i32
        %dma_start3A_242 = arith.constant 0 : i32
        %dma_start3A_243 = arith.constant 0 : i32
        %dma_start3A_244 = tpu.memref_slice %arg10[%dma_start3A_241, %dma_start3A_242, %dma_start3A_243] : memref<2x128x128xf32, #tpu.memory_space<vmem>> -> memref<1x128x128xf32, #tpu.memory_space<vmem>>
        %dma_start3A_245 = tpu.memref_squeeze %dma_start3A_244 : memref<1x128x128xf32, #tpu.memory_space<vmem>> -> memref<128x128xf32, #tpu.memory_space<vmem>>
        %dma_start3A_246 = arith.constant 0 : i32
        %dma_start3A_247 = tpu.memref_slice %arg8[%add3A_229, %dma_start3A_246] : memref<80x128xi32, #tpu.memory_space<vmem>> -> memref<1x128xi32, #tpu.memory_space<vmem>>
        %dma_start3A_248 = tpu.memref_squeeze %dma_start3A_247 : memref<1x128xi32, #tpu.memory_space<vmem>> -> memref<128xi32, #tpu.memory_space<vmem>>
        %dma_start3A_249 = arith.constant 0 : i32
        %dma_start3A_250 = arith.constant 0 : i32
        %dma_start3A_251 = tpu.memref_slice %arg3[%dma_start3A_249, %dma_start3A_250] : memref<10240x128xf32, #tpu.memory_space<hbm>> -> memref<10240x128xf32, #tpu.memory_space<hbm>>
        tpu.enqueue_indirect_dma source(%dma_start3A_251 : memref<10240x128xf32, #tpu.memory_space<hbm>>) target(%dma_start3A_245 : memref<128x128xf32, #tpu.memory_space<vmem>>) offsets(%dma_start3A_248 : memref<128xi32, #tpu.memory_space<vmem>>) semaphore(%arg14 : memref<!tpu.dma_semaphore, #tpu.memory_space<semaphore_mem>>)
      } else {
      }
    }
    %scan3A_53 = arith.constant 40 : i32
    %dma_wait3A = arith.constant 0 : i32
    %dma_wait3A_54 = arith.constant 0 : i32
    %dma_wait3A_55 = arith.constant 0 : i32
    %dma_wait3A_56 = tpu.memref_slice %arg9[%dma_wait3A, %dma_wait3A_54, %dma_wait3A_55] : memref<2x128x128xf32, #tpu.memory_space<vmem>> -> memref<1x128x128xf32, #tpu.memory_space<vmem>>
    %dma_wait3A_57 = tpu.memref_squeeze %dma_wait3A_56 : memref<1x128x128xf32, #tpu.memory_space<vmem>> -> memref<128x128xf32, #tpu.memory_space<vmem>>
    %dma_wait3A_58 = arith.constant 0 : i32
    %dma_wait3A_59 = arith.constant 0 : i32
    %dma_wait3A_60 = tpu.memref_slice %arg6[%dma_wait3A_58, %dma_wait3A_59] : memref<327680x128xf32, #tpu.memory_space<hbm>> -> memref<128x128xf32, #tpu.memory_space<hbm>>
    %dma_wait3A_61 = arith.constant 0 : i32
    %dma_wait3A_62 = arith.constant 0 : i32
    %dma_wait3A_63 = tpu.memref_slice %arg6[%dma_wait3A_61, %dma_wait3A_62] : memref<327680x128xf32, #tpu.memory_space<hbm>> -> memref<128x128xf32, #tpu.memory_space<hbm>>
    %dma_wait3A_64 = arith.constant 0 : i32
    %dma_wait3A_65 = arith.constant 0 : i32
    %dma_wait3A_66 = tpu.memref_slice %arg9[%dma_wait3A, %dma_wait3A_64, %dma_wait3A_65] : memref<2x128x128xf32, #tpu.memory_space<vmem>> -> memref<1x128x128xf32, #tpu.memory_space<vmem>>
    %dma_wait3A_67 = tpu.memref_squeeze %dma_wait3A_66 : memref<1x128x128xf32, #tpu.memory_space<vmem>> -> memref<128x128xf32, #tpu.memory_space<vmem>>
    tpu.wait_dma2 semaphore(%arg15 : memref<!tpu.dma_semaphore, #tpu.memory_space<semaphore_mem>>) src(%dma_wait3A_67 : memref<128x128xf32, #tpu.memory_space<vmem>>) dst(%dma_wait3A_63 : memref<128x128xf32, #tpu.memory_space<hbm>>)
    %dma_wait3A_68 = arith.constant 1 : i32
    %dma_wait3A_69 = arith.constant 0 : i32
    %dma_wait3A_70 = arith.constant 0 : i32
    %dma_wait3A_71 = tpu.memref_slice %arg9[%dma_wait3A_68, %dma_wait3A_69, %dma_wait3A_70] : memref<2x128x128xf32, #tpu.memory_space<vmem>> -> memref<1x128x128xf32, #tpu.memory_space<vmem>>
    %dma_wait3A_72 = tpu.memref_squeeze %dma_wait3A_71 : memref<1x128x128xf32, #tpu.memory_space<vmem>> -> memref<128x128xf32, #tpu.memory_space<vmem>>
    %dma_wait3A_73 = arith.constant 0 : i32
    %dma_wait3A_74 = arith.constant 0 : i32
    %dma_wait3A_75 = tpu.memref_slice %arg6[%dma_wait3A_73, %dma_wait3A_74] : memref<327680x128xf32, #tpu.memory_space<hbm>> -> memref<128x128xf32, #tpu.memory_space<hbm>>
    %dma_wait3A_76 = arith.constant 0 : i32
    %dma_wait3A_77 = arith.constant 0 : i32
    %dma_wait3A_78 = tpu.memref_slice %arg6[%dma_wait3A_76, %dma_wait3A_77] : memref<327680x128xf32, #tpu.memory_space<hbm>> -> memref<128x128xf32, #tpu.memory_space<hbm>>
    %dma_wait3A_79 = arith.constant 0 : i32
    %dma_wait3A_80 = arith.constant 0 : i32
    %dma_wait3A_81 = tpu.memref_slice %arg9[%dma_wait3A_68, %dma_wait3A_79, %dma_wait3A_80] : memref<2x128x128xf32, #tpu.memory_space<vmem>> -> memref<1x128x128xf32, #tpu.memory_space<vmem>>
    %dma_wait3A_82 = tpu.memref_squeeze %dma_wait3A_81 : memref<1x128x128xf32, #tpu.memory_space<vmem>> -> memref<128x128xf32, #tpu.memory_space<vmem>>
    tpu.wait_dma2 semaphore(%arg16 : memref<!tpu.dma_semaphore, #tpu.memory_space<semaphore_mem>>) src(%dma_wait3A_82 : memref<128x128xf32, #tpu.memory_space<vmem>>) dst(%dma_wait3A_78 : memref<128x128xf32, #tpu.memory_space<hbm>>)
    return
  }
}

module attributes {stable_mosaic.version = 14 : i64} {
  func.func @_enc_body(%arg0: i32, %arg1: memref<512x128xf32, #tpu.memory_space<vmem>>, %arg2: memref<128x128xf32, #tpu.memory_space<vmem>>, %arg3: memref<1x128xf32, #tpu.memory_space<vmem>>, %arg4: memref<512x128xf32, #tpu.memory_space<vmem>>) attributes {dimension_semantics = [#tpu.dimension_semantics<arbitrary>], iteration_bounds = array<i64: 20>, scalar_prefetch = 0 : i64, scratch_operands = 0 : i64, tpu.core_type = #tpu.core_type<tc>, window_params = [{transform_indices = @transform_0, window_bounds = array<i64: 512, 128>}, {pipeline_mode = #tpu.pipeline_mode<synchronous>, transform_indices = @transform_1, window_bounds = array<i64: 128, 128>}, {pipeline_mode = #tpu.pipeline_mode<synchronous>, transform_indices = @transform_2, window_bounds = array<i64: 1, 128>}, {transform_indices = @transform_3, window_bounds = array<i64: 512, 128>}]} {
    %get3A = arith.constant 0 : index
    %get3A_0 = arith.constant 0 : index
    %get3A_1 = vector.load %arg1[%get3A, %get3A_0] : memref<512x128xf32, #tpu.memory_space<vmem>>, vector<512x128xf32>
    %get3A_2 = arith.constant 0 : index
    %get3A_3 = arith.constant 0 : index
    %get3A_4 = vector.load %arg2[%get3A_2, %get3A_3] : memref<128x128xf32, #tpu.memory_space<vmem>>, vector<128x128xf32>
    %dot_general3A = arith.constant dense<0.000000e+00> : vector<512x128xf32>
    %dot_general3A_5 = tpu.matmul %get3A_1, %get3A_4, %dot_general3A {dimension_numbers = #tpu.dot_dimension_numbers<[1], [0], [0], [1], [0, 0, 1, 1], [], []>, transpose_lhs_hint = false} : vector<512x128xf32>, vector<128x128xf32>, vector<512x128xf32> -> vector<512x128xf32>
    %get3A_6 = arith.constant 0 : index
    %get3A_7 = arith.constant 0 : index
    %get3A_8 = vector.load %arg3[%get3A_6, %get3A_7] : memref<1x128xf32, #tpu.memory_space<vmem>>, vector<1x128xf32>
    %add3A = vector.broadcast %get3A_8 : vector<1x128xf32> to vector<512x128xf32>
    %add3A_9 = arith.addf %dot_general3A_5, %add3A : vector<512x128xf32>
    %swap3A = arith.constant 0 : index
    %swap3A_10 = arith.constant 0 : index
    %swap3A_11 = vector.load %arg4[%swap3A, %swap3A_10] : memref<512x128xf32, #tpu.memory_space<vmem>>, vector<512x128xf32>
    tpu.vector_store %arg4[%swap3A, %swap3A_10], %add3A_9 {strides = array<i32>} : memref<512x128xf32, #tpu.memory_space<vmem>>, vector<512x128xf32>,
    return
  }
  func.func @transform_0(%arg0: i32) -> (i32, i32) {
    %c0_i32 = arith.constant 0 : i32
    %c0_i32_0 = arith.constant 0 : i32
    return %arg0, %c0_i32 : i32, i32
  }
  func.func @transform_1(%arg0: i32) -> (i32, i32) {
    %c0_i32 = arith.constant 0 : i32
    %c0_i32_0 = arith.constant 0 : i32
    %c0_i32_1 = arith.constant 0 : i32
    return %c0_i32, %c0_i32_0 : i32, i32
  }
  func.func @transform_2(%arg0: i32) -> (i32, i32) {
    %c0_i32 = arith.constant 0 : i32
    %c0_i32_0 = arith.constant 0 : i32
    %c0_i32_1 = arith.constant 0 : i32
    return %c0_i32, %c0_i32_0 : i32, i32
  }
  func.func @transform_3(%arg0: i32) -> (i32, i32) {
    %c0_i32 = arith.constant 0 : i32
    %c0_i32_0 = arith.constant 0 : i32
    return %arg0, %c0_i32 : i32, i32
  }
}

module attributes {stable_mosaic.version = 14 : i64} {
  func.func @_recip_body(%arg0: i32, %arg1: memref<2x512x128xf32, #tpu.memory_space<vmem>>, %arg2: memref<512x1xf32, #tpu.memory_space<vmem>>) attributes {dimension_semantics = [#tpu.dimension_semantics<arbitrary>], iteration_bounds = array<i64: 20>, scalar_prefetch = 0 : i64, scratch_operands = 0 : i64, tpu.core_type = #tpu.core_type<tc>, window_params = [{transform_indices = @transform_0, window_bounds = array<i64: 2, 512, 128>}, {transform_indices = @transform_1, window_bounds = array<i64: 512, 1>}]} {
    %get3A = arith.constant 0 : index
    %get3A_0 = arith.constant 0 : index
    %get3A_1 = arith.constant 0 : index
    %get3A_2 = vector.load %arg1[%get3A, %get3A_0, %get3A_1] : memref<2x512x128xf32, #tpu.memory_space<vmem>>, vector<1x512x1xf32>
    %get3A_3 = vector.shape_cast %get3A_2 : vector<1x512x1xf32> to vector<512x1xf32>
    %get3A_4 = arith.constant 1 : index
    %get3A_5 = arith.constant 0 : index
    %get3A_6 = arith.constant 0 : index
    %get3A_7 = vector.load %arg1[%get3A_4, %get3A_5, %get3A_6] : memref<2x512x128xf32, #tpu.memory_space<vmem>>, vector<1x512x1xf32>
    %get3A_8 = vector.shape_cast %get3A_7 : vector<1x512x1xf32> to vector<512x1xf32>
    %add3A = arith.addf %get3A_3, %get3A_8 : vector<512x1xf32>
    %max3A = arith.constant 1.000000e+00 : f32
    %max3A_9 = vector.broadcast %max3A : f32 to vector<512x1xf32>
    %max3A_10 = arith.maximumf %add3A, %max3A_9 : vector<512x1xf32>
    %div3A = arith.constant 1.000000e+00 : f32
    %div3A_11 = vector.broadcast %div3A : f32 to vector<512x1xf32>
    %div3A_12 = arith.divf %div3A_11, %max3A_10 : vector<512x1xf32>
    %swap3A = arith.constant 0 : index
    %swap3A_13 = arith.constant 0 : index
    %swap3A_14 = vector.load %arg2[%swap3A, %swap3A_13] : memref<512x1xf32, #tpu.memory_space<vmem>>, vector<512x1xf32>
    tpu.vector_store %arg2[%swap3A, %swap3A_13], %div3A_12 {strides = array<i32>} : memref<512x1xf32, #tpu.memory_space<vmem>>, vector<512x1xf32>,
    return
  }
  func.func @transform_0(%arg0: i32) -> (i32, i32, i32) {
    %c0_i32 = arith.constant 0 : i32
    %c0_i32_0 = arith.constant 0 : i32
    %c0_i32_1 = arith.constant 0 : i32
    return %c0_i32, %arg0, %c0_i32_0 : i32, i32, i32
  }
  func.func @transform_1(%arg0: i32) -> (i32, i32) {
    %c0_i32 = arith.constant 0 : i32
    %c0_i32_0 = arith.constant 0 : i32
    return %arg0, %c0_i32 : i32, i32
  }
}

module attributes {stable_mosaic.version = 14 : i64} {
  func.func @_layer3_body(%arg0: i32, %arg1: memref<2x512x128xf32, #tpu.memory_space<vmem>>, %arg2: memref<512x1xf32, #tpu.memory_space<vmem>>, %arg3: memref<128x128xf32, #tpu.memory_space<vmem>>, %arg4: memref<1x128xf32, #tpu.memory_space<vmem>>, %arg5: memref<128x128xf32, #tpu.memory_space<vmem>>, %arg6: memref<128x128xf32, #tpu.memory_space<vmem>>, %arg7: memref<512x128xf32, #tpu.memory_space<vmem>>, %arg8: memref<512x128xf32, #tpu.memory_space<vmem>>) attributes {dimension_semantics = [#tpu.dimension_semantics<arbitrary>], iteration_bounds = array<i64: 20>, scalar_prefetch = 0 : i64, scratch_operands = 0 : i64, tpu.core_type = #tpu.core_type<tc>, window_params = [{transform_indices = @transform_0, window_bounds = array<i64: 2, 512, 128>}, {transform_indices = @transform_1, window_bounds = array<i64: 512, 1>}, {pipeline_mode = #tpu.pipeline_mode<synchronous>, transform_indices = @transform_2, window_bounds = array<i64: 128, 128>}, {pipeline_mode = #tpu.pipeline_mode<synchronous>, transform_indices = @transform_3, window_bounds = array<i64: 1, 128>}, {pipeline_mode = #tpu.pipeline_mode<synchronous>, transform_indices = @transform_4, window_bounds = array<i64: 128, 128>}, {pipeline_mode = #tpu.pipeline_mode<synchronous>, transform_indices = @transform_5, window_bounds = array<i64: 128, 128>}, {transform_indices = @transform_6, window_bounds = array<i64: 512, 128>}, {transform_indices = @transform_7, window_bounds = array<i64: 512, 128>}]} {
    %get3A = arith.constant 0 : index
    %get3A_0 = arith.constant 0 : index
    %get3A_1 = arith.constant 0 : index
    %get3A_2 = vector.load %arg1[%get3A, %get3A_0, %get3A_1] : memref<2x512x128xf32, #tpu.memory_space<vmem>>, vector<1x512x128xf32>
    %get3A_3 = vector.shape_cast %get3A_2 : vector<1x512x128xf32> to vector<512x128xf32>
    %get3A_4 = arith.constant 1 : index
    %get3A_5 = arith.constant 0 : index
    %get3A_6 = arith.constant 0 : index
    %get3A_7 = vector.load %arg1[%get3A_4, %get3A_5, %get3A_6] : memref<2x512x128xf32, #tpu.memory_space<vmem>>, vector<1x512x128xf32>
    %get3A_8 = vector.shape_cast %get3A_7 : vector<1x512x128xf32> to vector<512x128xf32>
    %add3A = arith.addf %get3A_3, %get3A_8 : vector<512x128xf32>
    %get3A_9 = arith.constant 0 : index
    %get3A_10 = arith.constant 0 : index
    %get3A_11 = vector.load %arg2[%get3A_9, %get3A_10] : memref<512x1xf32, #tpu.memory_space<vmem>>, vector<512x1xf32>
    %mul3A = vector.broadcast %get3A_11 : vector<512x1xf32> to vector<512x128xf32>
    %mul3A_12 = arith.mulf %add3A, %mul3A : vector<512x128xf32>
    %get3A_13 = arith.constant 0 : index
    %get3A_14 = arith.constant 0 : index
    %get3A_15 = vector.load %arg3[%get3A_13, %get3A_14] : memref<128x128xf32, #tpu.memory_space<vmem>>, vector<128x128xf32>
    %dot_general3A = arith.constant dense<0.000000e+00> : vector<512x128xf32>
    %dot_general3A_16 = tpu.matmul %mul3A_12, %get3A_15, %dot_general3A {dimension_numbers = #tpu.dot_dimension_numbers<[1], [0], [0], [1], [0, 0, 1, 1], [], []>, transpose_lhs_hint = false} : vector<512x128xf32>, vector<128x128xf32>, vector<512x128xf32> -> vector<512x128xf32>
    %get3A_17 = arith.constant 0 : index
    %get3A_18 = arith.constant 0 : index
    %get3A_19 = vector.load %arg4[%get3A_17, %get3A_18] : memref<1x128xf32, #tpu.memory_space<vmem>>, vector<1x128xf32>
    %add3A_20 = vector.broadcast %get3A_19 : vector<1x128xf32> to vector<512x128xf32>
    %add3A_21 = arith.addf %dot_general3A_16, %add3A_20 : vector<512x128xf32>
    %max3A = arith.constant 0.000000e+00 : f32
    %max3A_22 = vector.broadcast %max3A : f32 to vector<512x128xf32>
    %max3A_23 = arith.maximumf %add3A_21, %max3A_22 : vector<512x128xf32>
    %get3A_24 = arith.constant 0 : index
    %get3A_25 = arith.constant 0 : index
    %get3A_26 = vector.load %arg5[%get3A_24, %get3A_25] : memref<128x128xf32, #tpu.memory_space<vmem>>, vector<128x128xf32>
    %dot_general3A_27 = arith.constant dense<0.000000e+00> : vector<512x128xf32>
    %dot_general3A_28 = tpu.matmul %max3A_23, %get3A_26, %dot_general3A_27 {dimension_numbers = #tpu.dot_dimension_numbers<[1], [0], [0], [1], [0, 0, 1, 1], [], []>, transpose_lhs_hint = false} : vector<512x128xf32>, vector<128x128xf32>, vector<512x128xf32> -> vector<512x128xf32>
    %swap3A = arith.constant 0 : index
    %swap3A_29 = arith.constant 0 : index
    %swap3A_30 = vector.load %arg7[%swap3A, %swap3A_29] : memref<512x128xf32, #tpu.memory_space<vmem>>, vector<512x128xf32>
    tpu.vector_store %arg7[%swap3A, %swap3A_29], %dot_general3A_28 {strides = array<i32>} : memref<512x128xf32, #tpu.memory_space<vmem>>, vector<512x128xf32>,
    %get3A_31 = arith.constant 0 : index
    %get3A_32 = arith.constant 0 : index
    %get3A_33 = vector.load %arg6[%get3A_31, %get3A_32] : memref<128x128xf32, #tpu.memory_space<vmem>>, vector<128x128xf32>
    %dot_general3A_34 = arith.constant dense<0.000000e+00> : vector<512x128xf32>
    %dot_general3A_35 = tpu.matmul %max3A_23, %get3A_33, %dot_general3A_34 {dimension_numbers = #tpu.dot_dimension_numbers<[1], [0], [0], [1], [0, 0, 1, 1], [], []>, transpose_lhs_hint = false} : vector<512x128xf32>, vector<128x128xf32>, vector<512x128xf32> -> vector<512x128xf32>
    %swap3A_36 = arith.constant 0 : index
    %swap3A_37 = arith.constant 0 : index
    %swap3A_38 = vector.load %arg8[%swap3A_36, %swap3A_37] : memref<512x128xf32, #tpu.memory_space<vmem>>, vector<512x128xf32>
    tpu.vector_store %arg8[%swap3A_36, %swap3A_37], %dot_general3A_35 {strides = array<i32>} : memref<512x128xf32, #tpu.memory_space<vmem>>, vector<512x128xf32>,
    return
  }
  func.func @transform_0(%arg0: i32) -> (i32, i32, i32) {
    %c0_i32 = arith.constant 0 : i32
    %c0_i32_0 = arith.constant 0 : i32
    %c0_i32_1 = arith.constant 0 : i32
    return %c0_i32, %arg0, %c0_i32_0 : i32, i32, i32
  }
  func.func @transform_1(%arg0: i32) -> (i32, i32) {
    %c0_i32 = arith.constant 0 : i32
    %c0_i32_0 = arith.constant 0 : i32
    return %arg0, %c0_i32 : i32, i32
  }
  func.func @transform_2(%arg0: i32) -> (i32, i32) {
    %c0_i32 = arith.constant 0 : i32
    %c0_i32_0 = arith.constant 0 : i32
    %c0_i32_1 = arith.constant 0 : i32
    return %c0_i32, %c0_i32_0 : i32, i32
  }
  func.func @transform_3(%arg0: i32) -> (i32, i32) {
    %c0_i32 = arith.constant 0 : i32
    %c0_i32_0 = arith.constant 0 : i32
    %c0_i32_1 = arith.constant 0 : i32
    return %c0_i32, %c0_i32_0 : i32, i32
  }
  func.func @transform_4(%arg0: i32) -> (i32, i32) {
    %c0_i32 = arith.constant 0 : i32
    %c0_i32_0 = arith.constant 0 : i32
    %c0_i32_1 = arith.constant 0 : i32
    return %c0_i32, %c0_i32_0 : i32, i32
  }
  func.func @transform_5(%arg0: i32) -> (i32, i32) {
    %c0_i32 = arith.constant 0 : i32
    %c0_i32_0 = arith.constant 0 : i32
    %c0_i32_1 = arith.constant 0 : i32
    return %c0_i32, %c0_i32_0 : i32, i32
  }
  func.func @transform_6(%arg0: i32) -> (i32, i32) {
    %c0_i32 = arith.constant 0 : i32
    %c0_i32_0 = arith.constant 0 : i32
    return %arg0, %c0_i32 : i32, i32
  }
  func.func @transform_7(%arg0: i32) -> (i32, i32) {
    %c0_i32 = arith.constant 0 : i32
    %c0_i32_0 = arith.constant 0 : i32
    return %arg0, %c0_i32 : i32, i32
  }
}

module attributes {stable_mosaic.version = 14 : i64} {
  func.func @_layer_body(%arg0: i32, %arg1: memref<2x512x128xf32, #tpu.memory_space<vmem>>, %arg2: memref<512x1xf32, #tpu.memory_space<vmem>>, %arg3: memref<128x128xf32, #tpu.memory_space<vmem>>, %arg4: memref<1x128xf32, #tpu.memory_space<vmem>>, %arg5: memref<512x128xf32, #tpu.memory_space<vmem>>) attributes {dimension_semantics = [#tpu.dimension_semantics<arbitrary>], iteration_bounds = array<i64: 20>, scalar_prefetch = 0 : i64, scratch_operands = 0 : i64, tpu.core_type = #tpu.core_type<tc>, window_params = [{transform_indices = @transform_0, window_bounds = array<i64: 2, 512, 128>}, {transform_indices = @transform_1, window_bounds = array<i64: 512, 1>}, {pipeline_mode = #tpu.pipeline_mode<synchronous>, transform_indices = @transform_2, window_bounds = array<i64: 128, 128>}, {pipeline_mode = #tpu.pipeline_mode<synchronous>, transform_indices = @transform_3, window_bounds = array<i64: 1, 128>}, {transform_indices = @transform_4, window_bounds = array<i64: 512, 128>}]} {
    %get3A = arith.constant 0 : index
    %get3A_0 = arith.constant 0 : index
    %get3A_1 = arith.constant 0 : index
    %get3A_2 = vector.load %arg1[%get3A, %get3A_0, %get3A_1] : memref<2x512x128xf32, #tpu.memory_space<vmem>>, vector<1x512x128xf32>
    %get3A_3 = vector.shape_cast %get3A_2 : vector<1x512x128xf32> to vector<512x128xf32>
    %get3A_4 = arith.constant 1 : index
    %get3A_5 = arith.constant 0 : index
    %get3A_6 = arith.constant 0 : index
    %get3A_7 = vector.load %arg1[%get3A_4, %get3A_5, %get3A_6] : memref<2x512x128xf32, #tpu.memory_space<vmem>>, vector<1x512x128xf32>
    %get3A_8 = vector.shape_cast %get3A_7 : vector<1x512x128xf32> to vector<512x128xf32>
    %add3A = arith.addf %get3A_3, %get3A_8 : vector<512x128xf32>
    %get3A_9 = arith.constant 0 : index
    %get3A_10 = arith.constant 0 : index
    %get3A_11 = vector.load %arg2[%get3A_9, %get3A_10] : memref<512x1xf32, #tpu.memory_space<vmem>>, vector<512x1xf32>
    %mul3A = vector.broadcast %get3A_11 : vector<512x1xf32> to vector<512x128xf32>
    %mul3A_12 = arith.mulf %add3A, %mul3A : vector<512x128xf32>
    %get3A_13 = arith.constant 0 : index
    %get3A_14 = arith.constant 0 : index
    %get3A_15 = vector.load %arg3[%get3A_13, %get3A_14] : memref<128x128xf32, #tpu.memory_space<vmem>>, vector<128x128xf32>
    %dot_general3A = arith.constant dense<0.000000e+00> : vector<512x128xf32>
    %dot_general3A_16 = tpu.matmul %mul3A_12, %get3A_15, %dot_general3A {dimension_numbers = #tpu.dot_dimension_numbers<[1], [0], [0], [1], [0, 0, 1, 1], [], []>, transpose_lhs_hint = false} : vector<512x128xf32>, vector<128x128xf32>, vector<512x128xf32> -> vector<512x128xf32>
    %get3A_17 = arith.constant 0 : index
    %get3A_18 = arith.constant 0 : index
    %get3A_19 = vector.load %arg4[%get3A_17, %get3A_18] : memref<1x128xf32, #tpu.memory_space<vmem>>, vector<1x128xf32>
    %add3A_20 = vector.broadcast %get3A_19 : vector<1x128xf32> to vector<512x128xf32>
    %add3A_21 = arith.addf %dot_general3A_16, %add3A_20 : vector<512x128xf32>
    %max3A = arith.constant 0.000000e+00 : f32
    %max3A_22 = vector.broadcast %max3A : f32 to vector<512x128xf32>
    %max3A_23 = arith.maximumf %add3A_21, %max3A_22 : vector<512x128xf32>
    %swap3A = arith.constant 0 : index
    %swap3A_24 = arith.constant 0 : index
    %swap3A_25 = vector.load %arg5[%swap3A, %swap3A_24] : memref<512x128xf32, #tpu.memory_space<vmem>>, vector<512x128xf32>
    tpu.vector_store %arg5[%swap3A, %swap3A_24], %max3A_23 {strides = array<i32>} : memref<512x128xf32, #tpu.memory_space<vmem>>, vector<512x128xf32>,
    return
  }
  func.func @transform_0(%arg0: i32) -> (i32, i32, i32) {
    %c0_i32 = arith.constant 0 : i32
    %c0_i32_0 = arith.constant 0 : i32
    %c0_i32_1 = arith.constant 0 : i32
    return %c0_i32, %arg0, %c0_i32_0 : i32, i32, i32
  }
  func.func @transform_1(%arg0: i32) -> (i32, i32) {
    %c0_i32 = arith.constant 0 : i32
    %c0_i32_0 = arith.constant 0 : i32
    return %arg0, %c0_i32 : i32, i32
  }
  func.func @transform_2(%arg0: i32) -> (i32, i32) {
    %c0_i32 = arith.constant 0 : i32
    %c0_i32_0 = arith.constant 0 : i32
    %c0_i32_1 = arith.constant 0 : i32
    return %c0_i32, %c0_i32_0 : i32, i32
  }
  func.func @transform_3(%arg0: i32) -> (i32, i32) {
    %c0_i32 = arith.constant 0 : i32
    %c0_i32_0 = arith.constant 0 : i32
    %c0_i32_1 = arith.constant 0 : i32
    return %c0_i32, %c0_i32_0 : i32, i32
  }
  func.func @transform_4(%arg0: i32) -> (i32, i32) {
    %c0_i32 = arith.constant 0 : i32
    %c0_i32_0 = arith.constant 0 : i32
    return %arg0, %c0_i32 : i32, i32
  }
}

module attributes {stable_mosaic.version = 14 : i64} {
  func.func @_score_body(%arg0: i32, %arg1: memref<4000x128xf32, #tpu.memory_space<vmem>>, %arg2: memref<4000x16xf32, #tpu.memory_space<vmem>>, %arg3: memref<16x128xf32, #tpu.memory_space<vmem>>, %arg4: memref<1x128xf32, #tpu.memory_space<vmem>>, %arg5: memref<1x128xf32, #tpu.memory_space<vmem>>, %arg6: memref<1x1xf32, #tpu.memory_space<vmem>>, %arg7: memref<4000x1xf32, #tpu.memory_space<vmem>>) attributes {dimension_semantics = [#tpu.dimension_semantics<arbitrary>], iteration_bounds = array<i64: 80>, scalar_prefetch = 0 : i64, scratch_operands = 0 : i64, tpu.core_type = #tpu.core_type<tc>, window_params = [{transform_indices = @transform_0, window_bounds = array<i64: 4000, 128>}, {transform_indices = @transform_1, window_bounds = array<i64: 4000, 16>}, {pipeline_mode = #tpu.pipeline_mode<synchronous>, transform_indices = @transform_2, window_bounds = array<i64: 16, 128>}, {pipeline_mode = #tpu.pipeline_mode<synchronous>, transform_indices = @transform_3, window_bounds = array<i64: 1, 128>}, {pipeline_mode = #tpu.pipeline_mode<synchronous>, transform_indices = @transform_4, window_bounds = array<i64: 1, 128>}, {pipeline_mode = #tpu.pipeline_mode<synchronous>, transform_indices = @transform_5, window_bounds = array<i64: 1, 1>}, {transform_indices = @transform_6, window_bounds = array<i64: 4000, 1>}]} {
    %get3A = arith.constant 0 : index
    %get3A_0 = arith.constant 0 : index
    %get3A_1 = vector.load %arg2[%get3A, %get3A_0] : memref<4000x16xf32, #tpu.memory_space<vmem>>, vector<4000x16xf32>
    %get3A_2 = arith.constant 0 : index
    %get3A_3 = arith.constant 0 : index
    %get3A_4 = vector.load %arg3[%get3A_2, %get3A_3] : memref<16x128xf32, #tpu.memory_space<vmem>>, vector<16x128xf32>
    %dot_general3A = arith.constant dense<0.000000e+00> : vector<4000x128xf32>
    %dot_general3A_5 = tpu.matmul %get3A_1, %get3A_4, %dot_general3A {dimension_numbers = #tpu.dot_dimension_numbers<[1], [0], [0], [1], [0, 0, 1, 1], [], []>, transpose_lhs_hint = false} : vector<4000x16xf32>, vector<16x128xf32>, vector<4000x128xf32> -> vector<4000x128xf32>
    %get3A_6 = arith.constant 0 : index
    %get3A_7 = arith.constant 0 : index
    %get3A_8 = vector.load %arg4[%get3A_6, %get3A_7] : memref<1x128xf32, #tpu.memory_space<vmem>>, vector<1x128xf32>
    %add3A = vector.broadcast %get3A_8 : vector<1x128xf32> to vector<4000x128xf32>
    %add3A_9 = arith.addf %dot_general3A_5, %add3A : vector<4000x128xf32>
    %get3A_10 = arith.constant 0 : index
    %get3A_11 = arith.constant 0 : index
    %get3A_12 = vector.load %arg1[%get3A_10, %get3A_11] : memref<4000x128xf32, #tpu.memory_space<vmem>>, vector<4000x128xf32>
    %add3A_13 = arith.addf %get3A_12, %add3A_9 : vector<4000x128xf32>
    %max3A = arith.constant 0.000000e+00 : f32
    %max3A_14 = vector.broadcast %max3A : f32 to vector<4000x128xf32>
    %max3A_15 = arith.maximumf %add3A_13, %max3A_14 : vector<4000x128xf32>
    %get3A_16 = arith.constant 0 : index
    %get3A_17 = arith.constant 0 : index
    %get3A_18 = vector.load %arg5[%get3A_16, %get3A_17] : memref<1x128xf32, #tpu.memory_space<vmem>>, vector<1x128xf32>
    %mul3A = vector.broadcast %get3A_18 : vector<1x128xf32> to vector<4000x128xf32>
    %mul3A_19 = arith.mulf %max3A_15, %mul3A : vector<4000x128xf32>
    %reduce_sum3A = arith.constant dense<0.000000e+00> : vector<4000xf32>
    %reduce_sum3A_20 = vector.multi_reduction <add>, %mul3A_19, %reduce_sum3A [1] : vector<4000x128xf32> to vector<4000xf32>
    %broadcast_in_dim3A = vector.shape_cast %reduce_sum3A_20 : vector<4000xf32> to vector<4000x1xf32>
    %get3A_21 = arith.constant 0 : index
    %get3A_22 = arith.constant 0 : index
    %get3A_23 = vector.load %arg6[%get3A_21, %get3A_22] : memref<1x1xf32, #tpu.memory_space<vmem>>, vector<1x1xf32>
    %add3A_24 = vector.broadcast %get3A_23 : vector<1x1xf32> to vector<4000x1xf32>
    %add3A_25 = arith.addf %broadcast_in_dim3A, %add3A_24 : vector<4000x1xf32>
    %swap3A = arith.constant 0 : index
    %swap3A_26 = arith.constant 0 : index
    %swap3A_27 = vector.load %arg7[%swap3A, %swap3A_26] : memref<4000x1xf32, #tpu.memory_space<vmem>>, vector<4000x1xf32>
    tpu.vector_store %arg7[%swap3A, %swap3A_26], %add3A_25 {strides = array<i32>} : memref<4000x1xf32, #tpu.memory_space<vmem>>, vector<4000x1xf32>,
    return
  }
  func.func @transform_0(%arg0: i32) -> (i32, i32) {
    %c0_i32 = arith.constant 0 : i32
    %c0_i32_0 = arith.constant 0 : i32
    return %arg0, %c0_i32 : i32, i32
  }
  func.func @transform_1(%arg0: i32) -> (i32, i32) {
    %c0_i32 = arith.constant 0 : i32
    %c0_i32_0 = arith.constant 0 : i32
    return %arg0, %c0_i32 : i32, i32
  }
  func.func @transform_2(%arg0: i32) -> (i32, i32) {
    %c0_i32 = arith.constant 0 : i32
    %c0_i32_0 = arith.constant 0 : i32
    %c0_i32_1 = arith.constant 0 : i32
    return %c0_i32, %c0_i32_0 : i32, i32
  }
  func.func @transform_3(%arg0: i32) -> (i32, i32) {
    %c0_i32 = arith.constant 0 : i32
    %c0_i32_0 = arith.constant 0 : i32
    %c0_i32_1 = arith.constant 0 : i32
    return %c0_i32, %c0_i32_0 : i32, i32
  }
  func.func @transform_4(%arg0: i32) -> (i32, i32) {
    %c0_i32 = arith.constant 0 : i32
    %c0_i32_0 = arith.constant 0 : i32
    %c0_i32_1 = arith.constant 0 : i32
    return %c0_i32, %c0_i32_0 : i32, i32
  }
  func.func @transform_5(%arg0: i32) -> (i32, i32) {
    %c0_i32 = arith.constant 0 : i32
    %c0_i32_0 = arith.constant 0 : i32
    %c0_i32_1 = arith.constant 0 : i32
    return %c0_i32, %c0_i32_0 : i32, i32
  }
  func.func @transform_6(%arg0: i32) -> (i32, i32) {
    %c0_i32 = arith.constant 0 : i32
    %c0_i32_0 = arith.constant 0 : i32
    return %arg0, %c0_i32 : i32, i32
  }
}

</mosaic_0001>

<sc_bundles>
// kernel: kernel.13.cloned.1.call-start
scs
__scs_entry_jumppad:
0x0: {  	(pc) =	sbr.rel $0x88, $3  }
0x1: {  	(tag) =	ssettag $0x0;
	lr =	simm.s32 $0x1  }
0x2: {  	[smem:$0x3F90] =	sst lr;
	_ =	strace $0xD0000000  }
0x3: {  	_ = 	snop  }
0x4: {  	_ = 	snop  }
0x5: {  	_ = 	snop  }
0x6: {  	_ = 	snop  }
0x7: {  	_ = 	snop  }
__scs_overlays_trampoline_lowered:
0x8: {  	[smem:$0x3F9F] =	sst s0  }
0x9: {  	[smem:$0x3FA0] =	sst s1  }
0xa: {  	[smem:$0x3FA1] =	sst s2  }
0xb: {  	[smem:$0x3FA2] =	sst s3  }
0xc: {  	[smem:$0x3FA3] =	sst s4  }
0xd: {  	[smem:$0x3FA4] =	sst s5  }
0xe: {  	[smem:$0x3FA5] =	sst s6  }
0xf: {  	[smem:$0x3FA6] =	sst s7  }
0x10: {  	[smem:$0x3FA7] =	sst s8  }
0x11: {  	[smem:$0x3FA8] =	sst s9;
	s0 =	simm.s32 @!p0 $0x0  }
0x12: {  	s1 =	sld [smem:$0x3F8E];
	s0 =	simm.s32 @p0 $0x1  }
0x13: {  	[smem:$0x3FA9] =	sst s0;
	s0 =	simm.s32 @!p1 $0x0  }
0x14: {  	s2 =	sld [smem:$0x3F8D];
	s0 =	simm.s32 @p1 $0x1  }
0x15: {  	[smem:$0x3FAA] =	sst s0;
	s0 =	simm.s32 @!p2 $0x0  }
0x16: {  	s3 =	sld [smem:$0x3FDB];
	s0 =	simm.s32 @p2 $0x1  }
0x17: {  	s4 =	simm.s32 $0x1BF5;
	[smem:$0x3FAC] =	sst s0  }
0x18: {  	s0 =	sld [smem:$0x3F8F];
	_ =	swait.ge [sflag:s4], $0x0  }
0x19: {  	s7 =	sld [smem:$0x3F90]  }
0x1a: {  	s8 =	sadd.s32 $0xFFFFE003, lr  }
0x1b: {  	s9 =	sadd.s32 $0xFFFFFEF7, lr;
	s5 =	simm.s32 $0xFFFFFFFF;
	p2 =	slt.u32 s8, $0xFFFFF086  }
0x1c: {  	p1 =	slt.u32 s9, $0xF7A;
	s5 =	simm.s32 @!p2 $0x0  }
0x1d: {  	s5 =	simm.s32 @p1 $0x1;
	p0 =	seq.s32 s7, s2  }
0x1e: {  	s7 =	smul.u32 @!p0 $0xF7A, s2;
	p2 =	seq.s32 @!p0 s5, $0x0  }
0x1f: {  	s9 =	smul.u32 $0xF7A, s1;
	s8 =	simm.s32 @!p0 $0x1BF5;
	p2 =	por !p2, p0  }
0x20: {  	[sflag:s8] =	ssyncset.s32 @!p0 $0xFFFFF086;
	s6 =	sadd.s32 @!p0 s3, s7;
	s7 =	simm.s32 @!p0 $0x108  }
0x21: {  	s3 =	sadd.s32 s3, s9;
	s6 =	sadd.s32 @!p0 $0x88, s6;
	s7 =	simm.s32 @p2 $0x1082  }
0x22: {  	[simem:s7], [sflag:s8] =	dma.local @!p0 [hbm:s6], $0xF7A  }
0x23: {  	s9 =	sor.u32 $0xD0000000, s2;
	s6 =	simm.s32 $0x108;
	_ =	swait.ge @!p0 [sflag:s8], $0x0  }
0x24: {  	s3 =	sadd.s32 $0x88, s3;
	s6 =	simm.s32 @!p1 $0x1082;
	[sflag:s4] =	ssyncset.s32 $0xFFFFF086  }
0x25: {  	[simem:s6], [sflag:s4] =	dma.local [hbm:s3], $0xF7A  }
0x26: {  	[smem:$0x3F90] =	sst s1;
	(tag) =	ssettag s2;
	_ =	strace s9  }
0x27: {  	s1 =	sld [smem:$0x3FA0]  }
0x28: {  	s2 =	sld [smem:$0x3FA1]  }
0x29: {  	s4 =	sld [smem:$0x3FA3]  }
0x2a: {  	p0 =	seq.s32 s5, $0x0;
	s5 =	sld [smem:$0x3FA4]  }
0x2b: {  	s6 =	sld [smem:$0x3FA5]  }
0x2c: {  	s7 =	sld [smem:$0x3FA6]  }
0x2d: {  	s3 =	simm.s32 $0x108;
	s8 =	sld [smem:$0x3FA7]  }
0x2e: {  	s3 =	simm.s32 @!p0 $0x1082;
	s9 =	sld [smem:$0x3FA8]  }
0x2f: {  	lr =	sadd.s32 s0, s3;
	s0 =	sld [smem:$0x3F9F]  }
0x30: {  	s3 =	sld [smem:$0x3FA2]  }
0x31: {  	[smem:$0x3FAB] =	sst s10  }
0x32: {  	s10 =	sld [smem:$0x3FA9];
	_ =	sdelay $0x3  }
0x33: {  	p0 =	seq.s32 s10, $0x1;
	s10 =	sld [smem:$0x3FAB];
	_ =	sdelay $0x3  }
0x34: {  	[smem:$0x3FAB] =	sst s10  }
0x35: {  	s10 =	sld [smem:$0x3FAA];
	_ =	sdelay $0x3  }
0x36: {  	p1 =	seq.s32 s10, $0x1;
	s10 =	sld [smem:$0x3FAB];
	_ =	sdelay $0x3  }
0x37: {  	[smem:$0x3FAB] =	sst s10  }
0x38: {  	s10 =	sld [smem:$0x3FAC]  }
0x39: {  	_ = 	snop;
	(pc) =	sbr.ind lr, $3  }
0x3a: {  	_ = 	snop  }
0x3b: {  	_ = 	snop  }
0x3c: {  	p2 =	seq.s32 s10, $0x1;
	s10 =	sld [smem:$0x3FAB]  }
0x3d: {  	_ =	shalt  }
0x3e: {  	_ =	shalt  }
0x3f: {  	_ =	shalt  }
0x40: {  	_ =	shalt  }
0x41: {  	_ =	shalt  }
0x42: {  	_ =	shalt  }
0x43: {  	_ =	shalt  }
0x44: {  	_ =	shalt  }
0x45: {  	_ =	shalt  }
0x46: {  	_ =	shalt  }
0x47: {  	_ =	shalt  }
0x48: {  	_ =	shalt  }
0x49: {  	_ =	shalt  }
0x4a: {  	_ =	shalt  }
0x4b: {  	_ =	shalt  }
0x4c: {  	_ =	shalt  }
0x4d: {  	_ =	shalt  }
0x4e: {  	_ =	shalt  }
0x4f: {  	_ =	shalt  }
0x50: {  	_ =	shalt  }
0x51: {  	_ =	shalt  }
0x52: {  	_ =	shalt  }
0x53: {  	_ =	shalt  }
0x54: {  	_ =	shalt  }
0x55: {  	_ =	shalt  }
0x56: {  	_ =	shalt  }
0x57: {  	_ =	shalt  }
0x58: {  	_ =	shalt  }
0x59: {  	_ =	shalt  }
0x5a: {  	_ =	shalt  }
0x5b: {  	_ =	shalt  }
0x5c: {  	_ =	shalt  }
0x5d: {  	_ =	shalt  }
0x5e: {  	_ =	shalt  }
0x5f: {  	_ =	shalt  }
0x60: {  	_ =	shalt  }
0x61: {  	_ =	shalt  }
0x62: {  	_ =	shalt  }
0x63: {  	_ =	shalt  }
0x64: {  	_ =	shalt  }
0x65: {  	_ =	shalt  }
0x66: {  	_ =	shalt  }
0x67: {  	_ =	shalt  }
0x68: {  	_ =	shalt  }
0x69: {  	_ =	shalt  }
0x6a: {  	_ =	shalt  }
0x6b: {  	_ =	shalt  }
0x6c: {  	_ =	shalt  }
0x6d: {  	_ =	shalt  }
0x6e: {  	_ =	shalt  }
0x6f: {  	_ =	shalt  }
0x70: {  	_ =	shalt  }
0x71: {  	_ =	shalt  }
0x72: {  	_ =	shalt  }
0x73: {  	_ =	shalt  }
0x74: {  	_ =	shalt  }
0x75: {  	_ =	shalt  }
0x76: {  	_ =	shalt  }
0x77: {  	_ =	shalt  }
0x78: {  	_ =	shalt  }
0x79: {  	_ =	shalt  }
0x7a: {  	_ =	shalt  }
0x7b: {  	_ =	shalt  }
0x7c: {  	_ =	shalt  }
0x7d: {  	_ =	shalt  }
0x7e: {  	_ =	shalt  }
0x7f: {  	_ =	shalt  }
0x80: {  	_ =	shalt  }
0x81: {  	_ =	shalt  }
0x82: {  	_ =	shalt  }
0x83: {  	_ =	shalt  }
0x84: {  	_ =	shalt  }
0x85: {  	_ =	shalt  }
0x86: {  	_ =	shalt  }
0x87: {  	_ =	shalt  }
.Lfunc_end0:
.L_simem_size_0:
called_computation_lowered:
.L_overlay_start_0:
0x88: {  	s2 =	sld [smem:$0x3FD9]  }
0x89: {  	s3 =	sld [smem:$0x3FFE];
	_ =	sdelay $0x1  }
0x8a: {  	s1 =	srdreg.scid  }
0x8b: {  	s0 =	sand.u32 $0x1, s1  }
0x8c: {  	s17 =	sshll.u32 s0, $0xA;
	s2 =	sadd.s32 s3, s2  }
0x8d: {  	s2 =	sadd.s32 s2, s17  }
0x8e: {  	[smem:$0x3FB7] =	sst s2  }
0x8f: {  	_ = 	snop  }
0x90: {  	s2 =	sld [smem:$0x3FD0];
	(tm) =	ssettm $0x1  }
0x91: {  	s18 =	sld [smem:$0x3FFB];
	_ =	sdelay $0x3  }
0x92: {  	_ =	strace s18  }
0x93: {  	s3 =	sld [smem:$0x3FFC];
	_ =	sdelay $0x3  }
0x94: {  	_ =	strace s3  }
0x95: {  	s3 =	sld [smem:$0x3FFD];
	_ =	sdelay $0x3  }
0x96: {  	_ =	strace s3  }
0x97: {  	_ =	strace $0x8FFFFFFF  }
0x98: {  	s19 =	sld [smem:$0x3FDB];
	_ =	sdelay $0x1  }
0x99: {  	s4 =	simm.s32 $_scs_section_size  }
0x9a: {  	s5 =	simm.s32 $_size__tile_overlayer_lowered;
	s6 =	simm.s32 $_tile_overlayer_lowered  }
0x9b: {  	s22 =	simm.s32 $0x1BFF;
	s21 =	sshll.u32 s6, $0x1;
	s3 =	sadd.s32 s4, s19  }
0x9c: {  	s7 =	simm.s32 $0x0;
	s20 =	sshll.u32 s5, $0x1;
	s5 =	sadd.s32 s21, s3  }
0x9d: {  	[timem:s7], [sflag:s22] =	dma.local [hbm:s5], s20  }
0x9e: {  	_ =	swait.ge [sflag:s22], s20  }
0x9f: {  	s4 =	ssub.s32 $0x0, s20;
	[sflag:s22] =	ssyncset.done $0x0  }
0xa0: {  	[sflag:s22] =	ssyncadd.s32 s4;
	_ =	sdelay $0x1  }
0xa1: {  	s23 =	simm.s32 $0x1B8B  }
0xa2: {  	_ =	swait.ge [sflag:s23], $0x1  }
0xa3: {  	[sflag:s23] =	ssyncset.done $0x0  }
0xa4: {  	s25 =	simm.s32 $0x1B8E;
	s24 =	sld [smem:$0x3FFE];
	[sflag:s23] =	ssyncadd.s32 $0xFFFFFFFF  }
0xa5: {  	s26 =	simm.s32 $execute0_lowered;
	[smem:$0x3FD2] =	sst s25  }
0xa6: {  	s5 =	sshll.u32 s26, $0x1;
	_ =	strace $0x80000046;
	[dreg:$0x1] =	wrdreg $0xFFFFFFFF  }
0xa7: {  	s28 =	simm.s32 $_size_execute0_lowered;
	s3 =	sadd.s32 s3, s5;
	[dreg:$0x0] =	wrdreg $0x0  }
0xa8: {  	s5 =	sshll.u32 s28, $0x1;
	[dreg:$0x2] =	wrdreg s3  }
0xa9: {  	[dreg:$0x3] =	wrdreg s5  }
0xaa: {  	[dreg:$0x4] =	wrdreg $0xC0  }
0xab: {  	_ =	task [dreg:s7], $0x5FFFF  }
0xac: {  	[dreg:$0x1] =	wrdreg $0xFFFFFFFF  }
0xad: {  	[dreg:$0x0] =	wrdreg $0x60  }
0xae: {  	[dreg:$0x2] =	wrdreg s24  }
0xaf: {  	[dreg:$0x3] =	wrdreg s2  }
0xb0: {  	[dreg:$0x4] =	wrdreg $0x68000  }
0xb1: {  	[dreg:$0x5] =	wrdreg $0x9  }
0xb2: {  	_ =	task.clear_ibuf [dreg:s7], $0x6FFFF;
	_ =	strace $0x90000046  }
0xb3: {  	s29 =	simm.s32 $0x9;
	_ =	strace $0x80000048  }
0xb4: {  	_ =	swait.ge [sflag:s29], $0x1  }
0xb5: {  	[sflag:s29] =	ssyncadd.s32 $0xFFFFFFFF  }
0xb6: {  	_ =	strace $0x90000048  }
0xb7: {  	_ =	sfence  }
0xb8: {  	s30 =	sld [smem:$0x0];
	_ =	sdelay $0x2  }
0xb9: {  	s31 =	sshll.u32 s1, $0xD;
	s1 =	sshrl.u32 s1, $0x2  }
0xba: {  	s3 =	sand.u32 $0x4000, s31;
	s1 =	sadd.s32 s1, s30  }
0xbb: {  	s0 =	sor.u32 s3, s0;
	s1 =	sshll.u32 s1, $0x11  }
0xbc: {  	s0 =	sor.u32 s1, s0  }
0xbd: {  	s0 =	sadd.s32 $0x8F2B, s0  }
0xbe: {  	[sflag:s0] =	ssyncadd.remote.s32 $0x1  }
0xbf: {  	_ =	sfence.sel $0xFFFF  }
0xc0: {  	[dreg:$0x0] =	wrdreg $0xFFFFFFFF;
	(pc) =	sbr.abs _section_cstart, $3  }
0xc1: {  	[dreg:$0x1] =	wrdreg $0xFFFFFFFF  }
0xc2: {  	_ =	task.clear_ibuf [dreg:s7], $0x2FFFF;
	_ =	strace $0x9FFFFFFF  }
0xc3: {  	(tm) =	ssettm $0x7FFFFFFF  }
tec
execute0_lowered:
.L_overlay_start_1:
0x0: {  	(tag) =	ssettag $0x1  }
0x1: {  	s6 =	rddreg [dreg:$0x0]  }
0x2: {  	s0 =	srdreg.scid;
	s2 =	rddreg [dreg:$0x1]  }
0x3: {  	s3 =	rddreg [dreg:$0x2];
	s4 =	simm.s32 $0x0;
	s13 =	simm.s32 $0x80  }
0x4: {  	s14 =	simm.s32 $0x100;
	s15 =	simm.s32 $0x180;
	s16 =	simm.s32 $0x200  }
0x5: {  	s17 =	simm.s32 $0x280;
	s18 =	simm.s32 $0x300;
	s19 =	simm.s32 $0x380  }
0x6: {  	s20 =	simm.s32 $0x1;
	s21 =	simm.s32 $0x2;
	s22 =	simm.s32 $0x3  }
0x7: {  	s23 =	simm.s32 $0x4;
	s24 =	simm.s32 $0x5;
	s25 =	simm.s32 $0x6  }
0x8: {  	s28 =	simm.s32 $0x8;
	s5 =	sand.u32 $0x1, s0;
	s0 =	stileid.u32  }
0x9: {  	s29 =	simm.s32 $0x0;
	[smem:$0x7FF] =	sst s4;
	s8 =	smul.u32 $0x14000, s0  }
0xa: {  	s1 =	sshll.u32 s5, $0x4;
	s9 =	smul.u32 $0x140000, s5;
	_ =	strace $0x80000047  }
0xb: {  	s26 =	smul.u32 $0x50000, s0;
	s5 =	ssub.s32 $0x2, s5;
	s1 =	sor.u32 s0, s1  }
0xc: {  	s31 =	sshll.u32 s0, $0x6;
	s30 =	sshrl.u32 s5, $0x1;
	s7 =	smul.u32 $0x500, s1  }
0xd: {  	s10 =	sshrl.u32 s8, $0x3;
	s8 =	sadd.s32 s8, s9;
	s9 =	sshrl.u32 s26, $0x2  }
0xe: {  	s11 =	ssub.s32 s5, s30;
	s26 =	simm.s32 $0x7;
	s10 =	sadd.s32 s10, s6  }
0xf: {  	s8 =	sshrl.u32 s8, $0x3;
	s12 =	sadd.s32 s9, s3;
	s9 =	smax.u32 s11, $0x1  }
0x10: {  	s11 =	simm.s32 $0x9;
	s7 =	sadd.s32 s7, s6;
	s8 =	sadd.s32 s8, s6  }
0x11: {  	s5 =	sadd.s32 $0x17C00, s10;
	s6 =	sor.u32 $0x1C09, s31;
	s10 =	sshrl.u32 s12, $0x3  }
0x12: {  	s12 =	simm.s32 $0x2800;
	s7 =	sadd.s32 $0x3C00, s7;
	s8 =	sadd.s32 $0x3FC00, s8  }
.LBB2_1:
0x13: {  	[spmem:s10], [sflag:s6] =	dma.local [hbm:s5], $0x2800  }
0x14: {  	_ =	swait.ge [sflag:s11], $0x2800  }
0x15: {  	[sflag:s11] =	ssyncset.done $0x0  }
0x16: {  	[sflag:s11] =	ssyncadd.s32 $0xFFFFD800  }
0x17: {  	[tilespmem:s4], [sflag:$0x9] =	stream.linear.gather [hbm4b:s7+s4], $0x2800, $0x38;
	[tilespmem:$0x1A800] =	vst v63  }
0x18: {  	_ =	swait.ge [sflag:s11], $0x2800  }
0x19: {  	[sflag:s11] =	ssyncset.done $0x0  }
0x1a: {  	[sflag:s11] =	ssyncadd.s32 $0xFFFFD800  }
0x1b: {  	[tilespmem:s12], [sflag:$0x9] =	stream.linear.gather [hbm4b:s2+s4], $0x4000, $0x38;
	[tilespmem:$0x1A800] =	vst v63  }
0x1c: {  	_ =	swait.ge [sflag:s11], $0x4000  }
0x1d: {  	[sflag:s11] =	ssyncset.done $0x0  }
0x1e: {  	[sflag:s11] =	ssyncadd.s32 $0xFFFFC000  }
0x1f: {  	[bflag:$0x0] =	sbarrier.arrive $0xFFFF  }
0x20: {  	[spmem:s3] =	stream.indirect.scatter.add.f32 [tilespmem:s12], [sflag:$0x1], $0x80, s4, s13, $0xb8;
	[tilespmem:$0x1A800] =	vst v63  }
0x21: {  	_ = 	snop  }
0x22: {  	[spmem:s3] =	stream.indirect.scatter.add.f32 [tilespmem:s12], [sflag:$0x2], $0x80, s13, s13, $0xb8;
	[tilespmem:$0x1A800] =	vst v63  }
0x23: {  	_ = 	snop  }
0x24: {  	[spmem:s3] =	stream.indirect.scatter.add.f32 [tilespmem:s12], [sflag:$0x3], $0x80, s14, s13, $0xb8;
	[tilespmem:$0x1A800] =	vst v63  }
0x25: {  	_ = 	snop  }
0x26: {  	[spmem:s3] =	stream.indirect.scatter.add.f32 [tilespmem:s12], [sflag:$0x4], $0x80, s15, s13, $0xb8;
	[tilespmem:$0x1A800] =	vst v63  }
0x27: {  	_ = 	snop  }
0x28: {  	[spmem:s3] =	stream.indirect.scatter.add.f32 [tilespmem:s12], [sflag:$0x5], $0x80, s16, s13, $0xb8;
	[tilespmem:$0x1A800] =	vst v63  }
0x29: {  	_ = 	snop  }
0x2a: {  	[spmem:s3] =	stream.indirect.scatter.add.f32 [tilespmem:s12], [sflag:$0x6], $0x80, s17, s13, $0xb8;
	[tilespmem:$0x1A800] =	vst v63  }
0x2b: {  	_ = 	snop  }
0x2c: {  	[spmem:s3] =	stream.indirect.scatter.add.f32 [tilespmem:s12], [sflag:$0x7], $0x80, s18, s13, $0xb8;
	[tilespmem:$0x1A800] =	vst v63  }
0x2d: {  	_ = 	snop  }
0x2e: {  	[spmem:s3] =	stream.indirect.scatter.add.f32 [tilespmem:s12], [sflag:$0x8], $0x80, s19, s13, $0xb8;
	[tilespmem:$0x1A800] =	vst v63  }
0x2f: {  	_ =	swait.ge [sflag:s20], $0x4000  }
0x30: {  	[sflag:s20] =	ssyncset.done $0x0  }
0x31: {  	s30 =	simm.s32 $0x400;
	[sflag:s20] =	ssyncadd.s32 $0xFFFFC000  }
0x32: {  	[spmem:s3] =	stream.indirect.scatter.add.f32 [tilespmem:s12], [sflag:$0x1], $0x80, s30, s13, $0xb8;
	[tilespmem:$0x1A800] =	vst v63  }
0x33: {  	_ =	swait.ge [sflag:s21], $0x4000  }
0x34: {  	[sflag:s21] =	ssyncset.done $0x0  }
0x35: {  	s30 =	simm.s32 $0x480;
	[sflag:s21] =	ssyncadd.s32 $0xFFFFC000  }
0x36: {  	[spmem:s3] =	stream.indirect.scatter.add.f32 [tilespmem:s12], [sflag:$0x2], $0x80, s30, s13, $0xb8;
	[tilespmem:$0x1A800] =	vst v63  }
0x37: {  	_ =	swait.ge [sflag:s22], $0x4000  }
0x38: {  	[sflag:s22] =	ssyncset.done $0x0  }
0x39: {  	s30 =	simm.s32 $0x500;
	[sflag:s22] =	ssyncadd.s32 $0xFFFFC000  }
0x3a: {  	[spmem:s3] =	stream.indirect.scatter.add.f32 [tilespmem:s12], [sflag:$0x3], $0x80, s30, s13, $0xb8;
	[tilespmem:$0x1A800] =	vst v63  }
0x3b: {  	_ =	swait.ge [sflag:s23], $0x4000  }
0x3c: {  	[sflag:s23] =	ssyncset.done $0x0  }
0x3d: {  	s30 =	simm.s32 $0x580;
	[sflag:s23] =	ssyncadd.s32 $0xFFFFC000  }
0x3e: {  	[spmem:s3] =	stream.indirect.scatter.add.f32 [tilespmem:s12], [sflag:$0x4], $0x80, s30, s13, $0xb8;
	[tilespmem:$0x1A800] =	vst v63  }
0x3f: {  	_ =	swait.ge [sflag:s24], $0x4000  }
0x40: {  	[sflag:s24] =	ssyncset.done $0x0  }
0x41: {  	s30 =	simm.s32 $0x600;
	[sflag:s24] =	ssyncadd.s32 $0xFFFFC000  }
0x42: {  	[spmem:s3] =	stream.indirect.scatter.add.f32 [tilespmem:s12], [sflag:$0x5], $0x80, s30, s13, $0xb8;
	[tilespmem:$0x1A800] =	vst v63  }
0x43: {  	_ =	swait.ge [sflag:s25], $0x4000  }
0x44: {  	[sflag:s25] =	ssyncset.done $0x0  }
0x45: {  	s30 =	simm.s32 $0x680;
	[sflag:s25] =	ssyncadd.s32 $0xFFFFC000  }
0x46: {  	[spmem:s3] =	stream.indirect.scatter.add.f32 [tilespmem:s12], [sflag:$0x6], $0x80, s30, s13, $0xb8;
	[tilespmem:$0x1A800] =	vst v63  }
0x47: {  	_ =	swait.ge [sflag:s26], $0x4000  }
0x48: {  	[sflag:s26] =	ssyncset.done $0x0  }
0x49: {  	s30 =	simm.s32 $0x700;
	[sflag:s26] =	ssyncadd.s32 $0xFFFFC000  }
0x4a: {  	[spmem:s3] =	stream.indirect.scatter.add.f32 [tilespmem:s12], [sflag:$0x7], $0x80, s30, s13, $0xb8;
	[tilespmem:$0x1A800] =	vst v63  }
0x4b: {  	_ =	swait.ge [sflag:s28], $0x4000  }
0x4c: {  	[sflag:s28] =	ssyncset.done $0x0  }
0x4d: {  	s31 =	simm.s32 $0x780;
	s30 =	simm.s32 $0x1000;
	[sflag:s28] =	ssyncadd.s32 $0xFFFFC000  }
.LBB2_2:
0x4e: {  	[spmem:s3] =	stream.indirect.scatter.add.f32 [tilespmem:s12], [sflag:$0x8], $0x80, s31, s13, $0xb8;
	[tilespmem:$0x1A800] =	vst v63  }
0x4f: {  	s31 =	smov.u32 s30  }
0x50: {  	p0 =	sne.s32 s30, $0x8000;
	s30 =	sadd.s32 $0x1000, s30;
	_ =	swait.ge [sflag:s20], $0x4000  }
0x51: {  	s31 =	sshra.s32 s31, $0x2;
	[sflag:s20] =	ssyncset.done $0x0  }
0x52: {  	s1 =	sadd.s32 $0x400, s31;
	[sflag:s20] =	ssyncadd.s32 $0xFFFFC000  }
0x53: {  	[spmem:s3] =	stream.indirect.scatter.add.f32 [tilespmem:s12], [sflag:$0x1], $0x80, s1, s13, $0xb8;
	[tilespmem:$0x1A800] =	vst v63  }
0x54: {  	_ =	swait.ge [sflag:s21], $0x4000  }
0x55: {  	[sflag:s21] =	ssyncset.done $0x0  }
0x56: {  	s1 =	sadd.s32 $0x480, s31;
	[sflag:s21] =	ssyncadd.s32 $0xFFFFC000  }
0x57: {  	[spmem:s3] =	stream.indirect.scatter.add.f32 [tilespmem:s12], [sflag:$0x2], $0x80, s1, s13, $0xb8;
	[tilespmem:$0x1A800] =	vst v63  }
0x58: {  	_ =	swait.ge [sflag:s22], $0x4000  }
0x59: {  	[sflag:s22] =	ssyncset.done $0x0  }
0x5a: {  	s1 =	sadd.s32 $0x500, s31;
	[sflag:s22] =	ssyncadd.s32 $0xFFFFC000  }
0x5b: {  	[spmem:s3] =	stream.indirect.scatter.add.f32 [tilespmem:s12], [sflag:$0x3], $0x80, s1, s13, $0xb8;
	[tilespmem:$0x1A800] =	vst v63  }
0x5c: {  	_ =	swait.ge [sflag:s23], $0x4000  }
0x5d: {  	[sflag:s23] =	ssyncset.done $0x0  }
0x5e: {  	s1 =	sadd.s32 $0x580, s31;
	[sflag:s23] =	ssyncadd.s32 $0xFFFFC000  }
0x5f: {  	[spmem:s3] =	stream.indirect.scatter.add.f32 [tilespmem:s12], [sflag:$0x4], $0x80, s1, s13, $0xb8;
	[tilespmem:$0x1A800] =	vst v63  }
0x60: {  	_ =	swait.ge [sflag:s24], $0x4000  }
0x61: {  	[sflag:s24] =	ssyncset.done $0x0  }
0x62: {  	s1 =	sadd.s32 $0x600, s31;
	[sflag:s24] =	ssyncadd.s32 $0xFFFFC000  }
0x63: {  	[spmem:s3] =	stream.indirect.scatter.add.f32 [tilespmem:s12], [sflag:$0x5], $0x80, s1, s13, $0xb8;
	[tilespmem:$0x1A800] =	vst v63  }
0x64: {  	_ =	swait.ge [sflag:s25], $0x4000  }
0x65: {  	[sflag:s25] =	ssyncset.done $0x0  }
0x66: {  	s1 =	sadd.s32 $0x680, s31;
	[sflag:s25] =	ssyncadd.s32 $0xFFFFC000  }
0x67: {  	[spmem:s3] =	stream.indirect.scatter.add.f32 [tilespmem:s12], [sflag:$0x6], $0x80, s1, s13, $0xb8;
	[tilespmem:$0x1A800] =	vst v63  }
0x68: {  	_ =	swait.ge [sflag:s26], $0x4000  }
0x69: {  	[sflag:s26] =	ssyncset.done $0x0  }
.Ltmp0:
0x6a: {  	s1 =	sadd.s32 $0x700, s31;
	[sflag:s26] =	ssyncadd.s32 $0xFFFFC000;
	(pc) =	sbr.rel @p0 .LBB2_2-.Ltmp0, $4  }
0x6b: {  	[spmem:s3] =	stream.indirect.scatter.add.f32 [tilespmem:s12], [sflag:$0x7], $0x80, s1, s13, $0xb8;
	[tilespmem:$0x1A800] =	vst v63  }
0x6c: {  	_ =	swait.ge [sflag:s28], $0x4000  }
0x6d: {  	[sflag:s28] =	ssyncset.done $0x0  }
0x6e: {  	s31 =	sadd.s32 $0x780, s31;
	[sflag:s28] =	ssyncadd.s32 $0xFFFFC000  }
0x6f: {  	[spmem:s3] =	stream.indirect.scatter.add.f32 [tilespmem:s12], [sflag:$0x8], $0x80, s31, s13, $0xb8;
	[tilespmem:$0x1A800] =	vst v63  }
0x70: {  	_ =	swait.ge [sflag:s20], $0x4000  }
0x71: {  	[sflag:s20] =	ssyncset.done $0x0  }
0x72: {  	[sflag:s20] =	ssyncadd.s32 $0xFFFFC000  }
0x73: {  	_ =	swait.ge [sflag:s21], $0x4000  }
0x74: {  	[sflag:s21] =	ssyncset.done $0x0  }
0x75: {  	[sflag:s21] =	ssyncadd.s32 $0xFFFFC000  }
0x76: {  	_ =	swait.ge [sflag:s22], $0x4000  }
0x77: {  	[sflag:s22] =	ssyncset.done $0x0  }
0x78: {  	[sflag:s22] =	ssyncadd.s32 $0xFFFFC000  }
0x79: {  	_ =	swait.ge [sflag:s23], $0x4000  }
0x7a: {  	[sflag:s23] =	ssyncset.done $0x0  }
0x7b: {  	[sflag:s23] =	ssyncadd.s32 $0xFFFFC000  }
0x7c: {  	_ =	swait.ge [sflag:s24], $0x4000  }
0x7d: {  	[sflag:s24] =	ssyncset.done $0x0  }
0x7e: {  	[sflag:s24] =	ssyncadd.s32 $0xFFFFC000  }
0x7f: {  	_ =	swait.ge [sflag:s25], $0x4000  }
0x80: {  	[sflag:s25] =	ssyncset.done $0x0  }
0x81: {  	[sflag:s25] =	ssyncadd.s32 $0xFFFFC000  }
0x82: {  	_ =	swait.ge [sflag:s26], $0x4000  }
0x83: {  	[sflag:s26] =	ssyncset.done $0x0  }
0x84: {  	[sflag:s26] =	ssyncadd.s32 $0xFFFFC000  }
0x85: {  	_ =	swait.ge [sflag:s28], $0x4000  }
0x86: {  	s29 =	sadd.s32 $0x1, s29;
	[sflag:s28] =	ssyncset.done $0x0  }
0x87: {  	p0 =	sne.s32 s29, s9;
	[sflag:s28] =	ssyncadd.s32 $0xFFFFC000  }
.Ltmp1:
0x88: {  	[bflag:$0x0] =	sbarrier.arrive $0xFFFF;
	(pc) =	sbr.rel @p0 .LBB2_1-.Ltmp1, $4  }
0x89: {  	[hbm:s8], [sflag:s6] =	dma.local [spmem:s10], $0x2800  }
0x8a: {  	_ =	swait.ge [sflag:s11], $0x2800  }
0x8b: {  	[sflag:s11] =	ssyncset.done $0x0  }
0x8c: {  	[sflag:s11] =	ssyncadd.s32 $0xFFFFD800  }
0x8d: {  	_ =	sfence.sel $0x180000  }
0x8e: {  	[bflag:$0x0] =	sbarrier.arrive $0xFFFF  }
0x8f: {  	_ =	strace $0x90000047  }
0x90: {  	[bflag:$0x2] =	sbarrier.arrive $0xFFFF  }
0x91: {  	p0 =	sne.s32 s0, $0x0;
	s0 =	rddreg [dreg:$0x3]  }
0x92: {  	s0 =	sadd.s32 @!p0 $0x100000, s0  }
0x93: {  	[sflag:s0] =	ssyncadd.tile.s32 @!p0 $0x1;
	_ =	shalt  }
.Lfunc_end2:
_tile_overlayer_lowered:
.L_overlay_start_2:
0x94: {  	(tag) =	ssettag $0x2  }
0x95: {  	s0 =	rddreg [dreg:$0x0];
	s2 =	stileid.u32  }
0x96: {  	s1 =	rddreg [dreg:$0x1];
	p0 =	sne.s32 s2, $0x0  }
0x97: {  	s3 =	rddreg [dreg:$0x2];
	[bflag:$0x3] =	sbarrier.arrive $0xFFFF;
	s2 =	simm.s32 @!p0 $0x1C09  }
0x98: {  	[timem:s3], [sflag:s2] =	dma.local @!p0 [hbm:s0], s1  }
0x99: {  	s0 =	simm.s32 @!p0 $0x9  }
0x9a: {  	_ =	swait.ge @!p0 [sflag:s0], s1  }
0x9b: {  	s1 =	ssub.s32 @!p0 $0x0, s1;
	[sflag:s0] =	ssyncset.done @!p0 $0x0  }
0x9c: {  	[sflag:s0] =	ssyncadd.s32 @!p0 s1  }
0x9d: {  	[bflag:$0x3] =	sbarrier.arrive $0xFFFF  }
0x9e: {  	_ =	shalt  }

// kernel: kernel.16.cloned.1.call-start
scs
__scs_entry_jumppad:
0x0: {  	(pc) =	sbr.rel $0x88, $3  }
0x1: {  	(tag) =	ssettag $0x0;
	lr =	simm.s32 $0x1  }
0x2: {  	[smem:$0x3F90] =	sst lr;
	_ =	strace $0xD0000000  }
0x3: {  	_ = 	snop  }
0x4: {  	_ = 	snop  }
0x5: {  	_ = 	snop  }
0x6: {  	_ = 	snop  }
0x7: {  	_ = 	snop  }
__scs_overlays_trampoline_lowered:
0x8: {  	[smem:$0x3F9F] =	sst s0  }
0x9: {  	[smem:$0x3FA0] =	sst s1  }
0xa: {  	[smem:$0x3FA1] =	sst s2  }
0xb: {  	[smem:$0x3FA2] =	sst s3  }
0xc: {  	[smem:$0x3FA3] =	sst s4  }
0xd: {  	[smem:$0x3FA4] =	sst s5  }
0xe: {  	[smem:$0x3FA5] =	sst s6  }
0xf: {  	[smem:$0x3FA6] =	sst s7  }
0x10: {  	[smem:$0x3FA7] =	sst s8  }
0x11: {  	[smem:$0x3FA8] =	sst s9;
	s0 =	simm.s32 @!p0 $0x0  }
0x12: {  	s1 =	sld [smem:$0x3F8E];
	s0 =	simm.s32 @p0 $0x1  }
0x13: {  	[smem:$0x3FA9] =	sst s0;
	s0 =	simm.s32 @!p1 $0x0  }
0x14: {  	s2 =	sld [smem:$0x3F8D];
	s0 =	simm.s32 @p1 $0x1  }
0x15: {  	[smem:$0x3FAA] =	sst s0;
	s0 =	simm.s32 @!p2 $0x0  }
0x16: {  	s3 =	sld [smem:$0x3FDB];
	s0 =	simm.s32 @p2 $0x1  }
0x17: {  	s4 =	simm.s32 $0x1BF5;
	[smem:$0x3FAC] =	sst s0  }
0x18: {  	s0 =	sld [smem:$0x3F8F];
	_ =	swait.ge [sflag:s4], $0x0  }
0x19: {  	s7 =	sld [smem:$0x3F90]  }
0x1a: {  	s8 =	sadd.s32 $0xFFFFE003, lr  }
0x1b: {  	s9 =	sadd.s32 $0xFFFFFEF7, lr;
	s5 =	simm.s32 $0xFFFFFFFF;
	p2 =	slt.u32 s8, $0xFFFFF086  }
0x1c: {  	p1 =	slt.u32 s9, $0xF7A;
	s5 =	simm.s32 @!p2 $0x0  }
0x1d: {  	s5 =	simm.s32 @p1 $0x1;
	p0 =	seq.s32 s7, s2  }
0x1e: {  	s7 =	smul.u32 @!p0 $0xF7A, s2;
	p2 =	seq.s32 @!p0 s5, $0x0  }
0x1f: {  	s9 =	smul.u32 $0xF7A, s1;
	s8 =	simm.s32 @!p0 $0x1BF5;
	p2 =	por !p2, p0  }
0x20: {  	[sflag:s8] =	ssyncset.s32 @!p0 $0xFFFFF086;
	s6 =	sadd.s32 @!p0 s3, s7;
	s7 =	simm.s32 @!p0 $0x108  }
0x21: {  	s3 =	sadd.s32 s3, s9;
	s6 =	sadd.s32 @!p0 $0x88, s6;
	s7 =	simm.s32 @p2 $0x1082  }
0x22: {  	[simem:s7], [sflag:s8] =	dma.local @!p0 [hbm:s6], $0xF7A  }
0x23: {  	s9 =	sor.u32 $0xD0000000, s2;
	s6 =	simm.s32 $0x108;
	_ =	swait.ge @!p0 [sflag:s8], $0x0  }
0x24: {  	s3 =	sadd.s32 $0x88, s3;
	s6 =	simm.s32 @!p1 $0x1082;
	[sflag:s4] =	ssyncset.s32 $0xFFFFF086  }
0x25: {  	[simem:s6], [sflag:s4] =	dma.local [hbm:s3], $0xF7A  }
0x26: {  	[smem:$0x3F90] =	sst s1;
	(tag) =	ssettag s2;
	_ =	strace s9  }
0x27: {  	s1 =	sld [smem:$0x3FA0]  }
0x28: {  	s2 =	sld [smem:$0x3FA1]  }
0x29: {  	s4 =	sld [smem:$0x3FA3]  }
0x2a: {  	p0 =	seq.s32 s5, $0x0;
	s5 =	sld [smem:$0x3FA4]  }
0x2b: {  	s6 =	sld [smem:$0x3FA5]  }
0x2c: {  	s7 =	sld [smem:$0x3FA6]  }
0x2d: {  	s3 =	simm.s32 $0x108;
	s8 =	sld [smem:$0x3FA7]  }
0x2e: {  	s3 =	simm.s32 @!p0 $0x1082;
	s9 =	sld [smem:$0x3FA8]  }
0x2f: {  	lr =	sadd.s32 s0, s3;
	s0 =	sld [smem:$0x3F9F]  }
0x30: {  	s3 =	sld [smem:$0x3FA2]  }
0x31: {  	[smem:$0x3FAB] =	sst s10  }
0x32: {  	s10 =	sld [smem:$0x3FA9];
	_ =	sdelay $0x3  }
0x33: {  	p0 =	seq.s32 s10, $0x1;
	s10 =	sld [smem:$0x3FAB];
	_ =	sdelay $0x3  }
0x34: {  	[smem:$0x3FAB] =	sst s10  }
0x35: {  	s10 =	sld [smem:$0x3FAA];
	_ =	sdelay $0x3  }
0x36: {  	p1 =	seq.s32 s10, $0x1;
	s10 =	sld [smem:$0x3FAB];
	_ =	sdelay $0x3  }
0x37: {  	[smem:$0x3FAB] =	sst s10  }
0x38: {  	s10 =	sld [smem:$0x3FAC]  }
0x39: {  	_ = 	snop;
	(pc) =	sbr.ind lr, $3  }
0x3a: {  	_ = 	snop  }
0x3b: {  	_ = 	snop  }
0x3c: {  	p2 =	seq.s32 s10, $0x1;
	s10 =	sld [smem:$0x3FAB]  }
0x3d: {  	_ =	shalt  }
0x3e: {  	_ =	shalt  }
0x3f: {  	_ =	shalt  }
0x40: {  	_ =	shalt  }
0x41: {  	_ =	shalt  }
0x42: {  	_ =	shalt  }
0x43: {  	_ =	shalt  }
0x44: {  	_ =	shalt  }
0x45: {  	_ =	shalt  }
0x46: {  	_ =	shalt  }
0x47: {  	_ =	shalt  }
0x48: {  	_ =	shalt  }
0x49: {  	_ =	shalt  }
0x4a: {  	_ =	shalt  }
0x4b: {  	_ =	shalt  }
0x4c: {  	_ =	shalt  }
0x4d: {  	_ =	shalt  }
0x4e: {  	_ =	shalt  }
0x4f: {  	_ =	shalt  }
0x50: {  	_ =	shalt  }
0x51: {  	_ =	shalt  }
0x52: {  	_ =	shalt  }
0x53: {  	_ =	shalt  }
0x54: {  	_ =	shalt  }
0x55: {  	_ =	shalt  }
0x56: {  	_ =	shalt  }
0x57: {  	_ =	shalt  }
0x58: {  	_ =	shalt  }
0x59: {  	_ =	shalt  }
0x5a: {  	_ =	shalt  }
0x5b: {  	_ =	shalt  }
0x5c: {  	_ =	shalt  }
0x5d: {  	_ =	shalt  }
0x5e: {  	_ =	shalt  }
0x5f: {  	_ =	shalt  }
0x60: {  	_ =	shalt  }
0x61: {  	_ =	shalt  }
0x62: {  	_ =	shalt  }
0x63: {  	_ =	shalt  }
0x64: {  	_ =	shalt  }
0x65: {  	_ =	shalt  }
0x66: {  	_ =	shalt  }
0x67: {  	_ =	shalt  }
0x68: {  	_ =	shalt  }
0x69: {  	_ =	shalt  }
0x6a: {  	_ =	shalt  }
0x6b: {  	_ =	shalt  }
0x6c: {  	_ =	shalt  }
0x6d: {  	_ =	shalt  }
0x6e: {  	_ =	shalt  }
0x6f: {  	_ =	shalt  }
0x70: {  	_ =	shalt  }
0x71: {  	_ =	shalt  }
0x72: {  	_ =	shalt  }
0x73: {  	_ =	shalt  }
0x74: {  	_ =	shalt  }
0x75: {  	_ =	shalt  }
0x76: {  	_ =	shalt  }
0x77: {  	_ =	shalt  }
0x78: {  	_ =	shalt  }
0x79: {  	_ =	shalt  }
0x7a: {  	_ =	shalt  }
0x7b: {  	_ =	shalt  }
0x7c: {  	_ =	shalt  }
0x7d: {  	_ =	shalt  }
0x7e: {  	_ =	shalt  }
0x7f: {  	_ =	shalt  }
0x80: {  	_ =	shalt  }
0x81: {  	_ =	shalt  }
0x82: {  	_ =	shalt  }
0x83: {  	_ =	shalt  }
0x84: {  	_ =	shalt  }
0x85: {  	_ =	shalt  }
0x86: {  	_ =	shalt  }
0x87: {  	_ =	shalt  }
.Lfunc_end0:
.L_simem_size_0:
called_computation.1_lowered:
.L_overlay_start_0:
0x88: {  	s2 =	sld [smem:$0x3FD9]  }
0x89: {  	s3 =	sld [smem:$0x3FFE];
	_ =	sdelay $0x1  }
0x8a: {  	s1 =	srdreg.scid  }
0x8b: {  	s0 =	sand.u32 $0x1, s1  }
0x8c: {  	s17 =	sshll.u32 s0, $0xA;
	s2 =	sadd.s32 s3, s2  }
0x8d: {  	s2 =	sadd.s32 s2, s17  }
0x8e: {  	[smem:$0x3FB7] =	sst s2  }
0x8f: {  	_ = 	snop  }
0x90: {  	(tm) =	ssettm $0x1  }
0x91: {  	s18 =	sld [smem:$0x3FFB];
	_ =	sdelay $0x3  }
0x92: {  	_ =	strace s18  }
0x93: {  	s2 =	sld [smem:$0x3FFC];
	_ =	sdelay $0x3  }
0x94: {  	_ =	strace s2  }
0x95: {  	s2 =	sld [smem:$0x3FFD];
	_ =	sdelay $0x3  }
0x96: {  	_ =	strace s2  }
0x97: {  	_ =	strace $0x8FFFFFFF  }
0x98: {  	s19 =	sld [smem:$0x3FDB];
	_ =	sdelay $0x1  }
0x99: {  	s20 =	simm.s32 $_scs_section_size  }
0x9a: {  	s4 =	simm.s32 $_size__tile_overlayer_lowered;
	s5 =	simm.s32 $_tile_overlayer_lowered  }
0x9b: {  	s6 =	simm.s32 $0x1BFF;
	s21 =	sshll.u32 s5, $0x1;
	s3 =	sadd.s32 s20, s19  }
0x9c: {  	s22 =	simm.s32 $0x0;
	s4 =	sshll.u32 s4, $0x1;
	s5 =	sadd.s32 s21, s3  }
0x9d: {  	[timem:s22], [sflag:s6] =	dma.local [hbm:s5], s4  }
0x9e: {  	_ =	swait.ge [sflag:s6], s4  }
0x9f: {  	s4 =	ssub.s32 $0x0, s4;
	[sflag:s6] =	ssyncset.done $0x0  }
0xa0: {  	[sflag:s6] =	ssyncadd.s32 s4;
	_ =	sdelay $0x1  }
0xa1: {  	s23 =	simm.s32 $0x1B8B  }
0xa2: {  	_ =	swait.ge [sflag:s23], $0x1  }
0xa3: {  	[sflag:s23] =	ssyncset.done $0x0  }
0xa4: {  	[sflag:s23] =	ssyncadd.s32 $0xFFFFFFFF  }
0xa5: {  	s4 =	sld [smem:$0x0]  }
0xa6: {  	s5 =	sand.u32 $0xFFFFFFFE, s1  }
0xa7: {  	p0 =	sne.s32 s1, s5  }
0xa8: {  	s5 =	sshll.u32 @p0 s5, $0xE  }
0xa9: {  	s5 =	sadd.s32 @p0 $0x11B8D, s5;
	s6 =	sshll.u32 @p0 s4, $0x11  }
0xaa: {  	s5 =	sor.u32 @p0 s6, s5  }
0xab: {  	[sflag:s5] =	ssyncadd.remote.s32 @p0 $0x1;
	_ =	sdelay $0x1  }
0xac: {  	s5 =	simm.s32 @p0 $0x1B8D  }
0xad: {  	_ =	swait.eq @p0 [sflag:s5], $0x1  }
0xae: {  	[sflag:s5] =	ssyncadd.s32 @p0 $0xFFFFFFFF  }
0xaf: {  	s6 =	sshll.u32 @!p0 s1, $0xE  }
0xb0: {  	s6 =	sor.u32 @!p0 $0x4000, s6;
	s5 =	simm.s32 @!p0 $0x1B8D  }
0xb1: {  	s4 =	sshll.u32 @!p0 s4, $0x11;
	s6 =	sadd.s32 @!p0 $0x11B8D, s6;
	_ =	swait.eq @!p0 [sflag:s5], $0x1  }
0xb2: {  	s4 =	sor.u32 @!p0 s4, s6;
	[sflag:s5] =	ssyncadd.s32 @!p0 $0xFFFFFFFF  }
0xb3: {  	s25 =	simm.s32 $0x1B8E;
	s24 =	sld [smem:$0x3FFE];
	[sflag:s4] =	ssyncadd.remote.s32 @!p0 $0x1  }
0xb4: {  	s26 =	simm.s32 $execute0_lowered;
	[smem:$0x3FD2] =	sst s25  }
0xb5: {  	s5 =	sshll.u32 s26, $0x1;
	_ =	strace $0x80000049;
	[dreg:$0x1] =	wrdreg $0xFFFFFFFF  }
0xb6: {  	s28 =	simm.s32 $_size_execute0_lowered;
	s3 =	sadd.s32 s3, s5;
	[dreg:$0x0] =	wrdreg $0x0  }
0xb7: {  	s5 =	sshll.u32 s28, $0x1;
	[dreg:$0x2] =	wrdreg s3  }
0xb8: {  	[dreg:$0x3] =	wrdreg s5  }
0xb9: {  	[dreg:$0x4] =	wrdreg $0xC0  }
0xba: {  	_ =	task [dreg:s22], $0x5FFFF  }
0xbb: {  	[dreg:$0x1] =	wrdreg $0xFFFFFFFF  }
0xbc: {  	[dreg:$0x0] =	wrdreg $0x60  }
0xbd: {  	[dreg:$0x2] =	wrdreg s24  }
0xbe: {  	[dreg:$0x3] =	wrdreg $0xA9000  }
0xbf: {  	[dreg:$0x4] =	wrdreg $0xA  }
0xc0: {  	_ =	task.clear_ibuf [dreg:s22], $0x5FFFF;
	_ =	strace $0x90000049  }
0xc1: {  	s29 =	simm.s32 $0xA;
	_ =	strace $0x8000004B  }
0xc2: {  	_ =	swait.ge [sflag:s29], $0x1  }
0xc3: {  	[sflag:s29] =	ssyncadd.s32 $0xFFFFFFFF  }
0xc4: {  	_ =	strace $0x9000004B  }
0xc5: {  	_ =	sfence  }
0xc6: {  	s30 =	sld [smem:$0x0];
	_ =	sdelay $0x2  }
0xc7: {  	s31 =	sshll.u32 s1, $0xD;
	s1 =	sshrl.u32 s1, $0x2  }
0xc8: {  	s4 =	sand.u32 $0x4000, s31;
	s1 =	sadd.s32 s1, s30  }
0xc9: {  	s0 =	sor.u32 s4, s0;
	s1 =	sshll.u32 s1, $0x11  }
0xca: {  	s0 =	sor.u32 s1, s0  }
0xcb: {  	s0 =	sadd.s32 $0x8F2B, s0  }
0xcc: {  	[sflag:s0] =	ssyncadd.remote.s32 $0x1  }
0xcd: {  	_ =	sfence.sel $0xFFFF  }
0xce: {  	[dreg:$0x0] =	wrdreg $0xFFFFFFFF;
	(pc) =	sbr.abs _section_cstart, $3  }
0xcf: {  	[dreg:$0x1] =	wrdreg $0xFFFFFFFF  }
0xd0: {  	_ =	task.clear_ibuf [dreg:s22], $0x2FFFF;
	_ =	strace $0x9FFFFFFF  }
0xd1: {  	(tm) =	ssettm $0x7FFFFFFF  }
tec
execute0_lowered:
.L_overlay_start_1:
0x0: {  	(tag) =	ssettag $0x1  }
0x1: {  	s6 =	rddreg [dreg:$0x0]  }
0x2: {  	s0 =	srdreg.scid;
	s2 =	rddreg [dreg:$0x1]  }
0x3: {  	s3 =	simm.s32 $0x0;
	s17 =	simm.s32 $0x80;
	s18 =	simm.s32 $0x2900  }
0x4: {  	s19 =	simm.s32 $0x2880;
	s5 =	sand.u32 $0x1, s0;
	s0 =	stileid.u32  }
0x5: {  	s20 =	simm.s32 $0x6900;
	s28 =	simm.s32 $0x0;
	s9 =	smul.u32 $0x14000, s0  }
0x6: {  	[smem:$0x7FF] =	sst s3;
	s4 =	sadd.s32 $0x8FC00, s6;
	s10 =	smul.u32 $0x140000, s5  }
0x7: {  	s13 =	sadd.s32 $0x3C00, s6;
	s1 =	sshll.u32 s5, $0x4;
	s22 =	smul.u32 $0x50000, s0  }
0x8: {  	_ =	strace $0x8000004A;
	s23 =	ssub.s32 $0x2, s5;
	s14 =	smul.u32 $0x28000, s5  }
0x9: {  	s25 =	smul.u32 $0x2800, s0;
	s26 =	sshll.u32 s0, $0x6;
	s7 =	sor.u32 s0, s1  }
0xa: {  	s24 =	sshrl.u32 s23, $0x1;
	s8 =	smul.u32 $0x500, s7;
	s11 =	sshrl.u32 s9, $0x3  }
0xb: {  	s9 =	sadd.s32 s9, s10;
	s7 =	smul.u32 $0x2800, s7;
	s15 =	ssub.s32 s23, s24  }
0xc: {  	s29 =	sadd.s32 s25, s14;
	s23 =	simm.s32 $0x5;
	s24 =	simm.s32 $0x4  }
0xd: {  	s25 =	simm.s32 $0x2;
	s21 =	sadd.s32 s11, s6;
	s9 =	sshrl.u32 s9, $0x3  }
0xe: {  	s11 =	sshrl.u32 s22, $0x2;
	s14 =	sor.u32 $0x100, s29;
	s31 =	sor.u32 $0x180, s29  }
0xf: {  	s22 =	simm.s32 $0x1;
	s8 =	sadd.s32 s8, s6;
	s12 =	sadd.s32 s9, s6  }
0x10: {  	s16 =	sadd.s32 s11, s2;
	s5 =	sadd.s32 $0x17C00, s21;
	s7 =	sshrl.u32 s7, $0x3  }
0x11: {  	s6 =	sor.u32 $0x1C07, s26;
	s30 =	sshrl.u32 s14, $0x3;
	s11 =	smax.u32 s15, $0x1  }
0x12: {  	s14 =	sshrl.u32 s31, $0x3;
	s15 =	simm.s32 $0x7;
	s21 =	simm.s32 $0x3  }
0x13: {  	s26 =	simm.s32 $0x6;
	s7 =	sadd.s32 s13, s7;
	s8 =	sadd.s32 $0xDC00, s8  }
0x14: {  	s10 =	sadd.s32 $0xB7C00, s12;
	s12 =	sadd.s32 s30, s13;
	s13 =	sadd.s32 s14, s13  }
0x15: {  	s14 =	sshrl.u32 s16, $0x3;
	s16 =	simm.s32 $0x2800;
	s9 =	sadd.s32 $0x10, s7  }
.LBB2_1:
0x16: {  	[spmem:s14], [sflag:s6] =	dma.local [hbm:s5], $0x2800  }
0x17: {  	_ =	swait.ge [sflag:s15], $0x2800  }
0x18: {  	[sflag:s15] =	ssyncset.done $0x0  }
0x19: {  	[sflag:s15] =	ssyncadd.s32 $0xFFFFD800  }
0x1a: {  	[tilespmem:s3], [sflag:$0x7] =	stream.linear.gather [hbm4b:s8+s3], $0x2800, $0x38;
	[tilespmem:$0x1E900] =	vst v63  }
0x1b: {  	_ =	swait.ge [sflag:s15], $0x2800  }
0x1c: {  	[sflag:s15] =	ssyncset.done $0x0  }
0x1d: {  	[sflag:s15] =	ssyncadd.s32 $0xFFFFD800  }
0x1e: {  	[bflag:$0x0] =	sbarrier.arrive $0xFFFF  }
0x1f: {  	[tilespmem:s16], [sflag:$0x1] =	stream.linear.gather [hbm4b:s7+s3], $0x80, $0x38;
	[tilespmem:$0x1E900] =	vst v63  }
0x20: {  	_ = 	snop  }
0x21: {  	[tilespmem:s18], [sflag:$0x3] =	stream.indirect.gather [hbm4b:s4+s17], $0x80, s3, s17, $0xb8;
	[tilespmem:$0x1E900] =	vst v63  }
0x22: {  	_ = 	snop  }
0x23: {  	[tilespmem:s19], [sflag:$0x2] =	stream.linear.gather [hbm4b:s9+s3], $0x80, $0x38;
	[tilespmem:$0x1E900] =	vst v63  }
0x24: {  	_ = 	snop  }
0x25: {  	[tilespmem:s20], [sflag:$0x4] =	stream.indirect.gather [hbm4b:s4+s17], $0x80, s17, s17, $0xb8;
	[tilespmem:$0x1E900] =	vst v63  }
0x26: {  	_ =	swait.ge [sflag:s21], $0x4000  }
0x27: {  	[sflag:s21] =	ssyncset.done $0x0  }
0x28: {  	[sflag:s21] =	ssyncadd.s32 $0xFFFFC000  }
0x29: {  	_ =	swait.ge [sflag:s22], $0x80  }
0x2a: {  	[sflag:s22] =	ssyncset.done $0x0  }
0x2b: {  	[sflag:s22] =	ssyncadd.s32 $0xFFFFFF80  }
0x2c: {  	[spmem:s2] =	stream.indirect.scatter.add.f32 [tilespmem:s18], [sflag:$0x5], $0x80, s16, s17, $0xb8;
	[tilespmem:$0x1E900] =	vst v63  }
0x2d: {  	_ =	swait.ge [sflag:s23], $0x4000  }
0x2e: {  	[sflag:s23] =	ssyncset.done $0x0  }
0x2f: {  	s29 =	simm.s32 $0x100;
	[sflag:s23] =	ssyncadd.s32 $0xFFFFC000  }
0x30: {  	[tilespmem:s18], [sflag:$0x3] =	stream.indirect.gather [hbm4b:s4+s17], $0x80, s29, s17, $0xb8;
	[tilespmem:$0x1E900] =	vst v63  }
0x31: {  	s29 =	sadd.s32 $0x0, s12  }
0x32: {  	[tilespmem:s16], [sflag:$0x1] =	stream.linear.gather [hbm4b:s29+s3], $0x80, $0x38;
	[tilespmem:$0x1E900] =	vst v63  }
0x33: {  	_ =	swait.ge [sflag:s24], $0x4000  }
0x34: {  	[sflag:s24] =	ssyncset.done $0x0  }
0x35: {  	[sflag:s24] =	ssyncadd.s32 $0xFFFFC000  }
0x36: {  	_ =	swait.ge [sflag:s25], $0x80  }
0x37: {  	[sflag:s25] =	ssyncset.done $0x0  }
0x38: {  	[sflag:s25] =	ssyncadd.s32 $0xFFFFFF80  }
0x39: {  	[spmem:s2] =	stream.indirect.scatter.add.f32 [tilespmem:s20], [sflag:$0x6], $0x80, s19, s17, $0xb8;
	[tilespmem:$0x1E900] =	vst v63  }
0x3a: {  	_ =	swait.ge [sflag:s26], $0x4000  }
0x3b: {  	[sflag:s26] =	ssyncset.done $0x0  }
0x3c: {  	s29 =	simm.s32 $0x180;
	[sflag:s26] =	ssyncadd.s32 $0xFFFFC000  }
0x3d: {  	[tilespmem:s20], [sflag:$0x4] =	stream.indirect.gather [hbm4b:s4+s17], $0x80, s29, s17, $0xb8;
	[tilespmem:$0x1E900] =	vst v63  }
0x3e: {  	s31 =	sadd.s32 $0x0, s13;
	s30 =	simm.s32 $0x200;
	s29 =	simm.s32 $0x20  }
.LBB2_2:
0x3f: {  	[tilespmem:s19], [sflag:$0x2] =	stream.linear.gather [hbm4b:s31+s3], $0x80, $0x38;
	[tilespmem:$0x1E900] =	vst v63  }
0x40: {  	s31 =	smov.u32 s29  }
0x41: {  	p0 =	sne.s32 s29, $0x4C0;
	s29 =	sadd.s32 $0x20, s29;
	_ =	swait.ge [sflag:s21], $0x4000  }
0x42: {  	[sflag:s21] =	ssyncset.done $0x0  }
0x43: {  	[sflag:s21] =	ssyncadd.s32 $0xFFFFC000  }
0x44: {  	_ =	swait.ge [sflag:s22], $0x80  }
0x45: {  	[sflag:s22] =	ssyncset.done $0x0  }
0x46: {  	[sflag:s22] =	ssyncadd.s32 $0xFFFFFF80  }
0x47: {  	[spmem:s2] =	stream.indirect.scatter.add.f32 [tilespmem:s18], [sflag:$0x5], $0x80, s16, s17, $0xb8;
	[tilespmem:$0x1E900] =	vst v63  }
0x48: {  	_ =	swait.ge [sflag:s23], $0x4000  }
0x49: {  	[sflag:s23] =	ssyncset.done $0x0  }
0x4a: {  	[sflag:s23] =	ssyncadd.s32 $0xFFFFC000  }
0x4b: {  	[tilespmem:s18], [sflag:$0x3] =	stream.indirect.gather [hbm4b:s4+s17], $0x80, s30, s17, $0xb8;
	[tilespmem:$0x1E900] =	vst v63  }
0x4c: {  	s1 =	sadd.s32 s31, s12  }
0x4d: {  	[tilespmem:s16], [sflag:$0x1] =	stream.linear.gather [hbm4b:s1+s3], $0x80, $0x38;
	[tilespmem:$0x1E900] =	vst v63  }
0x4e: {  	_ =	swait.ge [sflag:s24], $0x4000  }
0x4f: {  	[sflag:s24] =	ssyncset.done $0x0  }
0x50: {  	[sflag:s24] =	ssyncadd.s32 $0xFFFFC000  }
0x51: {  	_ =	swait.ge [sflag:s25], $0x80  }
0x52: {  	[sflag:s25] =	ssyncset.done $0x0  }
0x53: {  	[sflag:s25] =	ssyncadd.s32 $0xFFFFFF80  }
0x54: {  	[spmem:s2] =	stream.indirect.scatter.add.f32 [tilespmem:s20], [sflag:$0x6], $0x80, s19, s17, $0xb8;
	[tilespmem:$0x1E900] =	vst v63  }
.Ltmp0:
0x55: {  	_ =	swait.ge [sflag:s26], $0x4000;
	(pc) =	sbr.rel @p0 .LBB2_2-.Ltmp0, $4  }
0x56: {  	[sflag:s26] =	ssyncset.done $0x0  }
0x57: {  	s1 =	sadd.s32 $0x80, s30;
	[sflag:s26] =	ssyncadd.s32 $0xFFFFC000  }
0x58: {  	[tilespmem:s20], [sflag:$0x4] =	stream.indirect.gather [hbm4b:s4+s17], $0x80, s1, s17, $0xb8;
	[tilespmem:$0x1E900] =	vst v63  }
0x59: {  	s31 =	sadd.s32 s31, s13;
	s30 =	sadd.s32 $0x100, s30  }
0x5a: {  	[tilespmem:s19], [sflag:$0x2] =	stream.linear.gather [hbm4b:s31+s3], $0x80, $0x38;
	[tilespmem:$0x1E900] =	vst v63  }
0x5b: {  	_ =	swait.ge [sflag:s21], $0x4000  }
0x5c: {  	[sflag:s21] =	ssyncset.done $0x0  }
0x5d: {  	[sflag:s21] =	ssyncadd.s32 $0xFFFFC000  }
0x5e: {  	_ =	swait.ge [sflag:s22], $0x80  }
0x5f: {  	[sflag:s22] =	ssyncset.done $0x0  }
0x60: {  	[sflag:s22] =	ssyncadd.s32 $0xFFFFFF80  }
0x61: {  	[spmem:s2] =	stream.indirect.scatter.add.f32 [tilespmem:s18], [sflag:$0x5], $0x80, s16, s17, $0xb8;
	[tilespmem:$0x1E900] =	vst v63  }
0x62: {  	_ =	swait.ge [sflag:s24], $0x4000  }
0x63: {  	[sflag:s24] =	ssyncset.done $0x0  }
0x64: {  	[sflag:s24] =	ssyncadd.s32 $0xFFFFC000  }
0x65: {  	_ =	swait.ge [sflag:s25], $0x80  }
0x66: {  	[sflag:s25] =	ssyncset.done $0x0  }
0x67: {  	[sflag:s25] =	ssyncadd.s32 $0xFFFFFF80  }
0x68: {  	[spmem:s2] =	stream.indirect.scatter.add.f32 [tilespmem:s20], [sflag:$0x6], $0x80, s19, s17, $0xb8;
	[tilespmem:$0x1E900] =	vst v63  }
0x69: {  	_ =	swait.ge [sflag:s23], $0x4000  }
0x6a: {  	[sflag:s23] =	ssyncset.done $0x0  }
0x6b: {  	[sflag:s23] =	ssyncadd.s32 $0xFFFFC000  }
0x6c: {  	_ =	swait.ge [sflag:s26], $0x4000  }
0x6d: {  	s28 =	sadd.s32 $0x1, s28;
	[sflag:s26] =	ssyncset.done $0x0  }
0x6e: {  	p0 =	sne.s32 s28, s11;
	[sflag:s26] =	ssyncadd.s32 $0xFFFFC000  }
.Ltmp1:
0x6f: {  	[bflag:$0x0] =	sbarrier.arrive $0xFFFF;
	(pc) =	sbr.rel @p0 .LBB2_1-.Ltmp1, $4  }
0x70: {  	[hbm:s10], [sflag:s6] =	dma.local [spmem:s14], $0x2800  }
0x71: {  	_ =	swait.ge [sflag:s15], $0x2800  }
0x72: {  	[sflag:s15] =	ssyncset.done $0x0  }
0x73: {  	[sflag:s15] =	ssyncadd.s32 $0xFFFFD800  }
0x74: {  	_ =	sfence.sel $0x180000  }
0x75: {  	[bflag:$0x0] =	sbarrier.arrive $0xFFFF  }
0x76: {  	_ =	strace $0x9000004A  }
0x77: {  	[bflag:$0x2] =	sbarrier.arrive $0xFFFF  }
0x78: {  	p0 =	sne.s32 s0, $0x0;
	s0 =	rddreg [dreg:$0x2]  }
0x79: {  	s0 =	sadd.s32 @!p0 $0x100000, s0  }
0x7a: {  	[sflag:s0] =	ssyncadd.tile.s32 @!p0 $0x1;
	_ =	shalt  }
.Lfunc_end2:
_tile_overlayer_lowered:
.L_overlay_start_2:
0x7b: {  	(tag) =	ssettag $0x2  }
0x7c: {  	s0 =	rddreg [dreg:$0x0];
	s2 =	stileid.u32  }
0x7d: {  	s1 =	rddreg [dreg:$0x1];
	p0 =	sne.s32 s2, $0x0  }
0x7e: {  	s3 =	rddreg [dreg:$0x2];
	[bflag:$0x3] =	sbarrier.arrive $0xFFFF;
	s2 =	simm.s32 @!p0 $0x1C07  }
0x7f: {  	[timem:s3], [sflag:s2] =	dma.local @!p0 [hbm:s0], s1  }
0x80: {  	s0 =	simm.s32 @!p0 $0x7  }
0x81: {  	_ =	swait.ge @!p0 [sflag:s0], s1  }
0x82: {  	s1 =	ssub.s32 @!p0 $0x0, s1;
	[sflag:s0] =	ssyncset.done @!p0 $0x0  }
0x83: {  	[sflag:s0] =	ssyncadd.s32 @!p0 s1  }
0x84: {  	[bflag:$0x3] =	sbarrier.arrive $0xFFFF  }
0x85: {  	_ =	shalt  }

// kernel: kernel.19.cloned.1.call-start
scs
__scs_entry_jumppad:
0x0: {  	(pc) =	sbr.rel $0x88, $3  }
0x1: {  	(tag) =	ssettag $0x0;
	lr =	simm.s32 $0x1  }
0x2: {  	[smem:$0x3F90] =	sst lr;
	_ =	strace $0xD0000000  }
0x3: {  	_ = 	snop  }
0x4: {  	_ = 	snop  }
0x5: {  	_ = 	snop  }
0x6: {  	_ = 	snop  }
0x7: {  	_ = 	snop  }
__scs_overlays_trampoline_lowered:
0x8: {  	[smem:$0x3F9F] =	sst s0  }
0x9: {  	[smem:$0x3FA0] =	sst s1  }
0xa: {  	[smem:$0x3FA1] =	sst s2  }
0xb: {  	[smem:$0x3FA2] =	sst s3  }
0xc: {  	[smem:$0x3FA3] =	sst s4  }
0xd: {  	[smem:$0x3FA4] =	sst s5  }
0xe: {  	[smem:$0x3FA5] =	sst s6  }
0xf: {  	[smem:$0x3FA6] =	sst s7  }
0x10: {  	[smem:$0x3FA7] =	sst s8  }
0x11: {  	[smem:$0x3FA8] =	sst s9;
	s0 =	simm.s32 @!p0 $0x0  }
0x12: {  	s1 =	sld [smem:$0x3F8E];
	s0 =	simm.s32 @p0 $0x1  }
0x13: {  	[smem:$0x3FA9] =	sst s0;
	s0 =	simm.s32 @!p1 $0x0  }
0x14: {  	s2 =	sld [smem:$0x3F8D];
	s0 =	simm.s32 @p1 $0x1  }
0x15: {  	[smem:$0x3FAA] =	sst s0;
	s0 =	simm.s32 @!p2 $0x0  }
0x16: {  	s3 =	sld [smem:$0x3FDB];
	s0 =	simm.s32 @p2 $0x1  }
0x17: {  	s4 =	simm.s32 $0x1BF5;
	[smem:$0x3FAC] =	sst s0  }
0x18: {  	s0 =	sld [smem:$0x3F8F];
	_ =	swait.ge [sflag:s4], $0x0  }
0x19: {  	s7 =	sld [smem:$0x3F90]  }
0x1a: {  	s8 =	sadd.s32 $0xFFFFE003, lr  }
0x1b: {  	s9 =	sadd.s32 $0xFFFFFEF7, lr;
	s5 =	simm.s32 $0xFFFFFFFF;
	p2 =	slt.u32 s8, $0xFFFFF086  }
0x1c: {  	p1 =	slt.u32 s9, $0xF7A;
	s5 =	simm.s32 @!p2 $0x0  }
0x1d: {  	s5 =	simm.s32 @p1 $0x1;
	p0 =	seq.s32 s7, s2  }
0x1e: {  	s7 =	smul.u32 @!p0 $0xF7A, s2;
	p2 =	seq.s32 @!p0 s5, $0x0  }
0x1f: {  	s9 =	smul.u32 $0xF7A, s1;
	s8 =	simm.s32 @!p0 $0x1BF5;
	p2 =	por !p2, p0  }
0x20: {  	[sflag:s8] =	ssyncset.s32 @!p0 $0xFFFFF086;
	s6 =	sadd.s32 @!p0 s3, s7;
	s7 =	simm.s32 @!p0 $0x108  }
0x21: {  	s3 =	sadd.s32 s3, s9;
	s6 =	sadd.s32 @!p0 $0x88, s6;
	s7 =	simm.s32 @p2 $0x1082  }
0x22: {  	[simem:s7], [sflag:s8] =	dma.local @!p0 [hbm:s6], $0xF7A  }
0x23: {  	s9 =	sor.u32 $0xD0000000, s2;
	s6 =	simm.s32 $0x108;
	_ =	swait.ge @!p0 [sflag:s8], $0x0  }
0x24: {  	s3 =	sadd.s32 $0x88, s3;
	s6 =	simm.s32 @!p1 $0x1082;
	[sflag:s4] =	ssyncset.s32 $0xFFFFF086  }
0x25: {  	[simem:s6], [sflag:s4] =	dma.local [hbm:s3], $0xF7A  }
0x26: {  	[smem:$0x3F90] =	sst s1;
	(tag) =	ssettag s2;
	_ =	strace s9  }
0x27: {  	s1 =	sld [smem:$0x3FA0]  }
0x28: {  	s2 =	sld [smem:$0x3FA1]  }
0x29: {  	s4 =	sld [smem:$0x3FA3]  }
0x2a: {  	p0 =	seq.s32 s5, $0x0;
	s5 =	sld [smem:$0x3FA4]  }
0x2b: {  	s6 =	sld [smem:$0x3FA5]  }
0x2c: {  	s7 =	sld [smem:$0x3FA6]  }
0x2d: {  	s3 =	simm.s32 $0x108;
	s8 =	sld [smem:$0x3FA7]  }
0x2e: {  	s3 =	simm.s32 @!p0 $0x1082;
	s9 =	sld [smem:$0x3FA8]  }
0x2f: {  	lr =	sadd.s32 s0, s3;
	s0 =	sld [smem:$0x3F9F]  }
0x30: {  	s3 =	sld [smem:$0x3FA2]  }
0x31: {  	[smem:$0x3FAB] =	sst s10  }
0x32: {  	s10 =	sld [smem:$0x3FA9];
	_ =	sdelay $0x3  }
0x33: {  	p0 =	seq.s32 s10, $0x1;
	s10 =	sld [smem:$0x3FAB];
	_ =	sdelay $0x3  }
0x34: {  	[smem:$0x3FAB] =	sst s10  }
0x35: {  	s10 =	sld [smem:$0x3FAA];
	_ =	sdelay $0x3  }
0x36: {  	p1 =	seq.s32 s10, $0x1;
	s10 =	sld [smem:$0x3FAB];
	_ =	sdelay $0x3  }
0x37: {  	[smem:$0x3FAB] =	sst s10  }
0x38: {  	s10 =	sld [smem:$0x3FAC]  }
0x39: {  	_ = 	snop;
	(pc) =	sbr.ind lr, $3  }
0x3a: {  	_ = 	snop  }
0x3b: {  	_ = 	snop  }
0x3c: {  	p2 =	seq.s32 s10, $0x1;
	s10 =	sld [smem:$0x3FAB]  }
0x3d: {  	_ =	shalt  }
0x3e: {  	_ =	shalt  }
0x3f: {  	_ =	shalt  }
0x40: {  	_ =	shalt  }
0x41: {  	_ =	shalt  }
0x42: {  	_ =	shalt  }
0x43: {  	_ =	shalt  }
0x44: {  	_ =	shalt  }
0x45: {  	_ =	shalt  }
0x46: {  	_ =	shalt  }
0x47: {  	_ =	shalt  }
0x48: {  	_ =	shalt  }
0x49: {  	_ =	shalt  }
0x4a: {  	_ =	shalt  }
0x4b: {  	_ =	shalt  }
0x4c: {  	_ =	shalt  }
0x4d: {  	_ =	shalt  }
0x4e: {  	_ =	shalt  }
0x4f: {  	_ =	shalt  }
0x50: {  	_ =	shalt  }
0x51: {  	_ =	shalt  }
0x52: {  	_ =	shalt  }
0x53: {  	_ =	shalt  }
0x54: {  	_ =	shalt  }
0x55: {  	_ =	shalt  }
0x56: {  	_ =	shalt  }
0x57: {  	_ =	shalt  }
0x58: {  	_ =	shalt  }
0x59: {  	_ =	shalt  }
0x5a: {  	_ =	shalt  }
0x5b: {  	_ =	shalt  }
0x5c: {  	_ =	shalt  }
0x5d: {  	_ =	shalt  }
0x5e: {  	_ =	shalt  }
0x5f: {  	_ =	shalt  }
0x60: {  	_ =	shalt  }
0x61: {  	_ =	shalt  }
0x62: {  	_ =	shalt  }
0x63: {  	_ =	shalt  }
0x64: {  	_ =	shalt  }
0x65: {  	_ =	shalt  }
0x66: {  	_ =	shalt  }
0x67: {  	_ =	shalt  }
0x68: {  	_ =	shalt  }
0x69: {  	_ =	shalt  }
0x6a: {  	_ =	shalt  }
0x6b: {  	_ =	shalt  }
0x6c: {  	_ =	shalt  }
0x6d: {  	_ =	shalt  }
0x6e: {  	_ =	shalt  }
0x6f: {  	_ =	shalt  }
0x70: {  	_ =	shalt  }
0x71: {  	_ =	shalt  }
0x72: {  	_ =	shalt  }
0x73: {  	_ =	shalt  }
0x74: {  	_ =	shalt  }
0x75: {  	_ =	shalt  }
0x76: {  	_ =	shalt  }
0x77: {  	_ =	shalt  }
0x78: {  	_ =	shalt  }
0x79: {  	_ =	shalt  }
0x7a: {  	_ =	shalt  }
0x7b: {  	_ =	shalt  }
0x7c: {  	_ =	shalt  }
0x7d: {  	_ =	shalt  }
0x7e: {  	_ =	shalt  }
0x7f: {  	_ =	shalt  }
0x80: {  	_ =	shalt  }
0x81: {  	_ =	shalt  }
0x82: {  	_ =	shalt  }
0x83: {  	_ =	shalt  }
0x84: {  	_ =	shalt  }
0x85: {  	_ =	shalt  }
0x86: {  	_ =	shalt  }
0x87: {  	_ =	shalt  }
.Lfunc_end0:
.L_simem_size_0:
called_computation.2_lowered:
.L_overlay_start_0:
0x88: {  	s2 =	sld [smem:$0x3FD9]  }
0x89: {  	s3 =	sld [smem:$0x3FFE];
	_ =	sdelay $0x1  }
0x8a: {  	s1 =	srdreg.scid  }
0x8b: {  	s0 =	sand.u32 $0x1, s1  }
0x8c: {  	s16 =	sshll.u32 s0, $0xA;
	s2 =	sadd.s32 s3, s2  }
0x8d: {  	s2 =	sadd.s32 s2, s16  }
0x8e: {  	[smem:$0x3FB7] =	sst s2  }
0x8f: {  	_ = 	snop  }
0x90: {  	(tm) =	ssettm $0x1  }
0x91: {  	s17 =	sld [smem:$0x3FFB];
	_ =	sdelay $0x3  }
0x92: {  	_ =	strace s17  }
0x93: {  	s2 =	sld [smem:$0x3FFC];
	_ =	sdelay $0x3  }
0x94: {  	_ =	strace s2  }
0x95: {  	s2 =	sld [smem:$0x3FFD];
	_ =	sdelay $0x3  }
0x96: {  	_ =	strace s2  }
0x97: {  	_ =	strace $0x8FFFFFFF  }
0x98: {  	s18 =	sld [smem:$0x3FDB];
	_ =	sdelay $0x1  }
0x99: {  	s19 =	simm.s32 $_scs_section_size  }
0x9a: {  	s4 =	simm.s32 $_size__tile_overlayer_lowered;
	s5 =	simm.s32 $_tile_overlayer_lowered  }
0x9b: {  	s22 =	simm.s32 $0x1BFF;
	s21 =	sshll.u32 s5, $0x1;
	s2 =	sadd.s32 s19, s18  }
0x9c: {  	s6 =	simm.s32 $0x0;
	s20 =	sshll.u32 s4, $0x1;
	s4 =	sadd.s32 s21, s2  }
0x9d: {  	[timem:s6], [sflag:s22] =	dma.local [hbm:s4], s20  }
0x9e: {  	_ =	swait.ge [sflag:s22], s20  }
0x9f: {  	s3 =	ssub.s32 $0x0, s20;
	[sflag:s22] =	ssyncset.done $0x0  }
0xa0: {  	[sflag:s22] =	ssyncadd.s32 s3;
	_ =	sdelay $0x1  }
0xa1: {  	s23 =	simm.s32 $0x1B8B  }
0xa2: {  	_ =	swait.ge [sflag:s23], $0x1  }
0xa3: {  	[sflag:s23] =	ssyncset.done $0x0  }
0xa4: {  	s25 =	simm.s32 $0x1B8E;
	s24 =	sld [smem:$0x3FFE];
	[sflag:s23] =	ssyncadd.s32 $0xFFFFFFFF  }
0xa5: {  	s26 =	simm.s32 $execute0_lowered;
	[smem:$0x3FD2] =	sst s25  }
0xa6: {  	s4 =	sshll.u32 s26, $0x1;
	_ =	strace $0x8000004C;
	[dreg:$0x1] =	wrdreg $0xFFFFFFFF  }
0xa7: {  	s28 =	simm.s32 $_size_execute0_lowered;
	s2 =	sadd.s32 s2, s4;
	[dreg:$0x0] =	wrdreg $0x0  }
0xa8: {  	s4 =	sshll.u32 s28, $0x1;
	[dreg:$0x2] =	wrdreg s2  }
0xa9: {  	[dreg:$0x3] =	wrdreg s4  }
0xaa: {  	[dreg:$0x4] =	wrdreg $0xC0  }
0xab: {  	_ =	task [dreg:s6], $0x5FFFF  }
0xac: {  	[dreg:$0x1] =	wrdreg $0xFFFFFFFF  }
0xad: {  	[dreg:$0x0] =	wrdreg $0x60  }
0xae: {  	[dreg:$0x2] =	wrdreg s24  }
0xaf: {  	[dreg:$0x3] =	wrdreg $0xA9000  }
0xb0: {  	[dreg:$0x4] =	wrdreg $0x9  }
0xb1: {  	_ =	task.clear_ibuf [dreg:s6], $0x5FFFF;
	_ =	strace $0x9000004C  }
0xb2: {  	s29 =	simm.s32 $0x9;
	_ =	strace $0x8000004E  }
0xb3: {  	_ =	swait.ge [sflag:s29], $0x1  }
0xb4: {  	[sflag:s29] =	ssyncadd.s32 $0xFFFFFFFF  }
0xb5: {  	_ =	strace $0x9000004E  }
0xb6: {  	_ =	sfence  }
0xb7: {  	s30 =	sld [smem:$0x0];
	_ =	sdelay $0x2  }
0xb8: {  	s31 =	sshll.u32 s1, $0xD;
	s1 =	sshrl.u32 s1, $0x2  }
0xb9: {  	s3 =	sand.u32 $0x4000, s31;
	s1 =	sadd.s32 s1, s30  }
0xba: {  	s0 =	sor.u32 s3, s0;
	s1 =	sshll.u32 s1, $0x11  }
0xbb: {  	s0 =	sor.u32 s1, s0  }
0xbc: {  	s0 =	sadd.s32 $0x8F2B, s0  }
0xbd: {  	[sflag:s0] =	ssyncadd.remote.s32 $0x1  }
0xbe: {  	_ =	sfence.sel $0xFFFF  }
0xbf: {  	[dreg:$0x0] =	wrdreg $0xFFFFFFFF;
	(pc) =	sbr.abs _section_cstart, $3  }
0xc0: {  	[dreg:$0x1] =	wrdreg $0xFFFFFFFF  }
0xc1: {  	_ =	task.clear_ibuf [dreg:s6], $0x2FFFF;
	_ =	strace $0x9FFFFFFF  }
0xc2: {  	(tm) =	ssettm $0x7FFFFFFF  }
0xc3: {  	_ =	shalt  }
tec
execute0_lowered:
.L_overlay_start_1:
0x0: {  	(tag) =	ssettag $0x1  }
0x1: {  	s6 =	rddreg [dreg:$0x0]  }
0x2: {  	s0 =	srdreg.scid;
	s2 =	rddreg [dreg:$0x1]  }
0x3: {  	s3 =	simm.s32 $0x0;
	s17 =	simm.s32 $0x80;
	s18 =	simm.s32 $0x2900  }
0x4: {  	s19 =	simm.s32 $0x2880;
	s5 =	sand.u32 $0x1, s0;
	s0 =	stileid.u32  }
0x5: {  	s20 =	simm.s32 $0x6900;
	s28 =	simm.s32 $0x0;
	s9 =	smul.u32 $0x14000, s0  }
0x6: {  	[smem:$0x7FF] =	sst s3;
	s4 =	sadd.s32 $0x3FC00, s6;
	s10 =	smul.u32 $0x140000, s5  }
0x7: {  	s13 =	sadd.s32 $0x3C00, s6;
	s1 =	sshll.u32 s5, $0x4;
	s22 =	smul.u32 $0x50000, s0  }
0x8: {  	_ =	strace $0x8000004D;
	s23 =	ssub.s32 $0x2, s5;
	s14 =	smul.u32 $0x28000, s5  }
0x9: {  	s25 =	smul.u32 $0x2800, s0;
	s26 =	sshll.u32 s0, $0x6;
	s7 =	sor.u32 s0, s1  }
0xa: {  	s24 =	sshrl.u32 s23, $0x1;
	s8 =	smul.u32 $0x500, s7;
	s11 =	sshrl.u32 s9, $0x3  }
0xb: {  	s9 =	sadd.s32 s9, s10;
	s7 =	smul.u32 $0x2800, s7;
	s15 =	ssub.s32 s23, s24  }
0xc: {  	s29 =	sadd.s32 s25, s14;
	s23 =	simm.s32 $0x5;
	s24 =	simm.s32 $0x4  }
0xd: {  	s25 =	simm.s32 $0x2;
	s21 =	sadd.s32 s11, s6;
	s9 =	sshrl.u32 s9, $0x3  }
0xe: {  	s11 =	sshrl.u32 s22, $0x2;
	s14 =	sor.u32 $0x100, s29;
	s31 =	sor.u32 $0x180, s29  }
0xf: {  	s22 =	simm.s32 $0x1;
	s8 =	sadd.s32 s8, s6;
	s12 =	sadd.s32 s9, s6  }
0x10: {  	s16 =	sadd.s32 s11, s2;
	s5 =	sadd.s32 $0x17C00, s21;
	s7 =	sshrl.u32 s7, $0x3  }
0x11: {  	s6 =	sor.u32 $0x1C07, s26;
	s30 =	sshrl.u32 s14, $0x3;
	s11 =	smax.u32 s15, $0x1  }
0x12: {  	s14 =	sshrl.u32 s31, $0x3;
	s15 =	simm.s32 $0x7;
	s21 =	simm.s32 $0x3  }
0x13: {  	s26 =	simm.s32 $0x6;
	s7 =	sadd.s32 s13, s7;
	s8 =	sadd.s32 $0xDC00, s8  }
0x14: {  	s10 =	sadd.s32 $0x67C00, s12;
	s12 =	sadd.s32 s30, s13;
	s13 =	sadd.s32 s14, s13  }
0x15: {  	s14 =	sshrl.u32 s16, $0x3;
	s16 =	simm.s32 $0x2800;
	s9 =	sadd.s32 $0x10, s7  }
.LBB2_1:
0x16: {  	[spmem:s14], [sflag:s6] =	dma.local [hbm:s5], $0x2800  }
0x17: {  	_ =	swait.ge [sflag:s15], $0x2800  }
0x18: {  	[sflag:s15] =	ssyncset.done $0x0  }
0x19: {  	[sflag:s15] =	ssyncadd.s32 $0xFFFFD800  }
0x1a: {  	[tilespmem:s3], [sflag:$0x7] =	stream.linear.gather [hbm4b:s8+s3], $0x2800, $0x38;
	[tilespmem:$0x1E900] =	vst v63  }
0x1b: {  	_ =	swait.ge [sflag:s15], $0x2800  }
0x1c: {  	[sflag:s15] =	ssyncset.done $0x0  }
0x1d: {  	[sflag:s15] =	ssyncadd.s32 $0xFFFFD800  }
0x1e: {  	[bflag:$0x0] =	sbarrier.arrive $0xFFFF  }
0x1f: {  	[tilespmem:s16], [sflag:$0x1] =	stream.linear.gather [hbm4b:s7+s3], $0x80, $0x38;
	[tilespmem:$0x1E900] =	vst v63  }
0x20: {  	_ = 	snop  }
0x21: {  	[tilespmem:s18], [sflag:$0x3] =	stream.indirect.gather [hbm4b:s4+s17], $0x80, s3, s17, $0xb8;
	[tilespmem:$0x1E900] =	vst v63  }
0x22: {  	_ = 	snop  }
0x23: {  	[tilespmem:s19], [sflag:$0x2] =	stream.linear.gather [hbm4b:s9+s3], $0x80, $0x38;
	[tilespmem:$0x1E900] =	vst v63  }
0x24: {  	_ = 	snop  }
0x25: {  	[tilespmem:s20], [sflag:$0x4] =	stream.indirect.gather [hbm4b:s4+s17], $0x80, s17, s17, $0xb8;
	[tilespmem:$0x1E900] =	vst v63  }
0x26: {  	_ =	swait.ge [sflag:s21], $0x4000  }
0x27: {  	[sflag:s21] =	ssyncset.done $0x0  }
0x28: {  	[sflag:s21] =	ssyncadd.s32 $0xFFFFC000  }
0x29: {  	_ =	swait.ge [sflag:s22], $0x80  }
0x2a: {  	[sflag:s22] =	ssyncset.done $0x0  }
0x2b: {  	[sflag:s22] =	ssyncadd.s32 $0xFFFFFF80  }
0x2c: {  	[spmem:s2] =	stream.indirect.scatter.add.f32 [tilespmem:s18], [sflag:$0x5], $0x80, s16, s17, $0xb8;
	[tilespmem:$0x1E900] =	vst v63  }
0x2d: {  	_ =	swait.ge [sflag:s23], $0x4000  }
0x2e: {  	[sflag:s23] =	ssyncset.done $0x0  }
0x2f: {  	s29 =	simm.s32 $0x100;
	[sflag:s23] =	ssyncadd.s32 $0xFFFFC000  }
0x30: {  	[tilespmem:s18], [sflag:$0x3] =	stream.indirect.gather [hbm4b:s4+s17], $0x80, s29, s17, $0xb8;
	[tilespmem:$0x1E900] =	vst v63  }
0x31: {  	s29 =	sadd.s32 $0x0, s12  }
0x32: {  	[tilespmem:s16], [sflag:$0x1] =	stream.linear.gather [hbm4b:s29+s3], $0x80, $0x38;
	[tilespmem:$0x1E900] =	vst v63  }
0x33: {  	_ =	swait.ge [sflag:s24], $0x4000  }
0x34: {  	[sflag:s24] =	ssyncset.done $0x0  }
0x35: {  	[sflag:s24] =	ssyncadd.s32 $0xFFFFC000  }
0x36: {  	_ =	swait.ge [sflag:s25], $0x80  }
0x37: {  	[sflag:s25] =	ssyncset.done $0x0  }
0x38: {  	[sflag:s25] =	ssyncadd.s32 $0xFFFFFF80  }
0x39: {  	[spmem:s2] =	stream.indirect.scatter.add.f32 [tilespmem:s20], [sflag:$0x6], $0x80, s19, s17, $0xb8;
	[tilespmem:$0x1E900] =	vst v63  }
0x3a: {  	_ =	swait.ge [sflag:s26], $0x4000  }
0x3b: {  	[sflag:s26] =	ssyncset.done $0x0  }
0x3c: {  	s29 =	simm.s32 $0x180;
	[sflag:s26] =	ssyncadd.s32 $0xFFFFC000  }
0x3d: {  	[tilespmem:s20], [sflag:$0x4] =	stream.indirect.gather [hbm4b:s4+s17], $0x80, s29, s17, $0xb8;
	[tilespmem:$0x1E900] =	vst v63  }
0x3e: {  	s31 =	sadd.s32 $0x0, s13;
	s30 =	simm.s32 $0x200;
	s29 =	simm.s32 $0x20  }
.LBB2_2:
0x3f: {  	[tilespmem:s19], [sflag:$0x2] =	stream.linear.gather [hbm4b:s31+s3], $0x80, $0x38;
	[tilespmem:$0x1E900] =	vst v63  }
0x40: {  	s31 =	smov.u32 s29  }
0x41: {  	p0 =	sne.s32 s29, $0x4C0;
	s29 =	sadd.s32 $0x20, s29;
	_ =	swait.ge [sflag:s21], $0x4000  }
0x42: {  	[sflag:s21] =	ssyncset.done $0x0  }
0x43: {  	[sflag:s21] =	ssyncadd.s32 $0xFFFFC000  }
0x44: {  	_ =	swait.ge [sflag:s22], $0x80  }
0x45: {  	[sflag:s22] =	ssyncset.done $0x0  }
0x46: {  	[sflag:s22] =	ssyncadd.s32 $0xFFFFFF80  }
0x47: {  	[spmem:s2] =	stream.indirect.scatter.add.f32 [tilespmem:s18], [sflag:$0x5], $0x80, s16, s17, $0xb8;
	[tilespmem:$0x1E900] =	vst v63  }
0x48: {  	_ =	swait.ge [sflag:s23], $0x4000  }
0x49: {  	[sflag:s23] =	ssyncset.done $0x0  }
0x4a: {  	[sflag:s23] =	ssyncadd.s32 $0xFFFFC000  }
0x4b: {  	[tilespmem:s18], [sflag:$0x3] =	stream.indirect.gather [hbm4b:s4+s17], $0x80, s30, s17, $0xb8;
	[tilespmem:$0x1E900] =	vst v63  }
0x4c: {  	s1 =	sadd.s32 s31, s12  }
0x4d: {  	[tilespmem:s16], [sflag:$0x1] =	stream.linear.gather [hbm4b:s1+s3], $0x80, $0x38;
	[tilespmem:$0x1E900] =	vst v63  }
0x4e: {  	_ =	swait.ge [sflag:s24], $0x4000  }
0x4f: {  	[sflag:s24] =	ssyncset.done $0x0  }
0x50: {  	[sflag:s24] =	ssyncadd.s32 $0xFFFFC000  }
0x51: {  	_ =	swait.ge [sflag:s25], $0x80  }
0x52: {  	[sflag:s25] =	ssyncset.done $0x0  }
0x53: {  	[sflag:s25] =	ssyncadd.s32 $0xFFFFFF80  }
0x54: {  	[spmem:s2] =	stream.indirect.scatter.add.f32 [tilespmem:s20], [sflag:$0x6], $0x80, s19, s17, $0xb8;
	[tilespmem:$0x1E900] =	vst v63  }
.Ltmp0:
0x55: {  	_ =	swait.ge [sflag:s26], $0x4000;
	(pc) =	sbr.rel @p0 .LBB2_2-.Ltmp0, $4  }
0x56: {  	[sflag:s26] =	ssyncset.done $0x0  }
0x57: {  	s1 =	sadd.s32 $0x80, s30;
	[sflag:s26] =	ssyncadd.s32 $0xFFFFC000  }
0x58: {  	[tilespmem:s20], [sflag:$0x4] =	stream.indirect.gather [hbm4b:s4+s17], $0x80, s1, s17, $0xb8;
	[tilespmem:$0x1E900] =	vst v63  }
0x59: {  	s31 =	sadd.s32 s31, s13;
	s30 =	sadd.s32 $0x100, s30  }
0x5a: {  	[tilespmem:s19], [sflag:$0x2] =	stream.linear.gather [hbm4b:s31+s3], $0x80, $0x38;
	[tilespmem:$0x1E900] =	vst v63  }
0x5b: {  	_ =	swait.ge [sflag:s21], $0x4000  }
0x5c: {  	[sflag:s21] =	ssyncset.done $0x0  }
0x5d: {  	[sflag:s21] =	ssyncadd.s32 $0xFFFFC000  }
0x5e: {  	_ =	swait.ge [sflag:s22], $0x80  }
0x5f: {  	[sflag:s22] =	ssyncset.done $0x0  }
0x60: {  	[sflag:s22] =	ssyncadd.s32 $0xFFFFFF80  }
0x61: {  	[spmem:s2] =	stream.indirect.scatter.add.f32 [tilespmem:s18], [sflag:$0x5], $0x80, s16, s17, $0xb8;
	[tilespmem:$0x1E900] =	vst v63  }
0x62: {  	_ =	swait.ge [sflag:s24], $0x4000  }
0x63: {  	[sflag:s24] =	ssyncset.done $0x0  }
0x64: {  	[sflag:s24] =	ssyncadd.s32 $0xFFFFC000  }
0x65: {  	_ =	swait.ge [sflag:s25], $0x80  }
0x66: {  	[sflag:s25] =	ssyncset.done $0x0  }
0x67: {  	[sflag:s25] =	ssyncadd.s32 $0xFFFFFF80  }
0x68: {  	[spmem:s2] =	stream.indirect.scatter.add.f32 [tilespmem:s20], [sflag:$0x6], $0x80, s19, s17, $0xb8;
	[tilespmem:$0x1E900] =	vst v63  }
0x69: {  	_ =	swait.ge [sflag:s23], $0x4000  }
0x6a: {  	[sflag:s23] =	ssyncset.done $0x0  }
0x6b: {  	[sflag:s23] =	ssyncadd.s32 $0xFFFFC000  }
0x6c: {  	_ =	swait.ge [sflag:s26], $0x4000  }
0x6d: {  	s28 =	sadd.s32 $0x1, s28;
	[sflag:s26] =	ssyncset.done $0x0  }
0x6e: {  	p0 =	sne.s32 s28, s11;
	[sflag:s26] =	ssyncadd.s32 $0xFFFFC000  }
.Ltmp1:
0x6f: {  	[bflag:$0x0] =	sbarrier.arrive $0xFFFF;
	(pc) =	sbr.rel @p0 .LBB2_1-.Ltmp1, $4  }
0x70: {  	[hbm:s10], [sflag:s6] =	dma.local [spmem:s14], $0x2800  }
0x71: {  	_ =	swait.ge [sflag:s15], $0x2800  }
0x72: {  	[sflag:s15] =	ssyncset.done $0x0  }
0x73: {  	[sflag:s15] =	ssyncadd.s32 $0xFFFFD800  }
0x74: {  	_ =	sfence.sel $0x180000  }
0x75: {  	[bflag:$0x0] =	sbarrier.arrive $0xFFFF  }
0x76: {  	_ =	strace $0x9000004D  }
0x77: {  	[bflag:$0x2] =	sbarrier.arrive $0xFFFF  }
0x78: {  	p0 =	sne.s32 s0, $0x0;
	s0 =	rddreg [dreg:$0x2]  }
0x79: {  	s0 =	sadd.s32 @!p0 $0x100000, s0  }
0x7a: {  	[sflag:s0] =	ssyncadd.tile.s32 @!p0 $0x1;
	_ =	shalt  }
.Lfunc_end2:
_tile_overlayer_lowered:
.L_overlay_start_2:
0x7b: {  	(tag) =	ssettag $0x2  }
0x7c: {  	s0 =	rddreg [dreg:$0x0];
	s2 =	stileid.u32  }
0x7d: {  	s1 =	rddreg [dreg:$0x1];
	p0 =	sne.s32 s2, $0x0  }
0x7e: {  	s3 =	rddreg [dreg:$0x2];
	[bflag:$0x3] =	sbarrier.arrive $0xFFFF;
	s2 =	simm.s32 @!p0 $0x1C07  }
0x7f: {  	[timem:s3], [sflag:s2] =	dma.local @!p0 [hbm:s0], s1  }
0x80: {  	s0 =	simm.s32 @!p0 $0x7  }
0x81: {  	_ =	swait.ge @!p0 [sflag:s0], s1  }
0x82: {  	s1 =	ssub.s32 @!p0 $0x0, s1;
	[sflag:s0] =	ssyncset.done @!p0 $0x0  }
0x83: {  	[sflag:s0] =	ssyncadd.s32 @!p0 s1  }
0x84: {  	[bflag:$0x3] =	sbarrier.arrive $0xFFFF  }
0x85: {  	_ =	shalt  }

// kernel: kernel.22.cloned.1.call-start
scs
__scs_entry_jumppad:
0x0: {  	(pc) =	sbr.rel $0x88, $3  }
0x1: {  	(tag) =	ssettag $0x0;
	lr =	simm.s32 $0x1  }
0x2: {  	[smem:$0x3F90] =	sst lr;
	_ =	strace $0xD0000000  }
0x3: {  	_ = 	snop  }
0x4: {  	_ = 	snop  }
0x5: {  	_ = 	snop  }
0x6: {  	_ = 	snop  }
0x7: {  	_ = 	snop  }
__scs_overlays_trampoline_lowered:
0x8: {  	[smem:$0x3F9F] =	sst s0  }
0x9: {  	[smem:$0x3FA0] =	sst s1  }
0xa: {  	[smem:$0x3FA1] =	sst s2  }
0xb: {  	[smem:$0x3FA2] =	sst s3  }
0xc: {  	[smem:$0x3FA3] =	sst s4  }
0xd: {  	[smem:$0x3FA4] =	sst s5  }
0xe: {  	[smem:$0x3FA5] =	sst s6  }
0xf: {  	[smem:$0x3FA6] =	sst s7  }
0x10: {  	[smem:$0x3FA7] =	sst s8  }
0x11: {  	[smem:$0x3FA8] =	sst s9;
	s0 =	simm.s32 @!p0 $0x0  }
0x12: {  	s1 =	sld [smem:$0x3F8E];
	s0 =	simm.s32 @p0 $0x1  }
0x13: {  	[smem:$0x3FA9] =	sst s0;
	s0 =	simm.s32 @!p1 $0x0  }
0x14: {  	s2 =	sld [smem:$0x3F8D];
	s0 =	simm.s32 @p1 $0x1  }
0x15: {  	[smem:$0x3FAA] =	sst s0;
	s0 =	simm.s32 @!p2 $0x0  }
0x16: {  	s3 =	sld [smem:$0x3FDB];
	s0 =	simm.s32 @p2 $0x1  }
0x17: {  	s4 =	simm.s32 $0x1BF5;
	[smem:$0x3FAC] =	sst s0  }
0x18: {  	s0 =	sld [smem:$0x3F8F];
	_ =	swait.ge [sflag:s4], $0x0  }
0x19: {  	s7 =	sld [smem:$0x3F90]  }
0x1a: {  	s8 =	sadd.s32 $0xFFFFE003, lr  }
0x1b: {  	s9 =	sadd.s32 $0xFFFFFEF7, lr;
	s5 =	simm.s32 $0xFFFFFFFF;
	p2 =	slt.u32 s8, $0xFFFFF086  }
0x1c: {  	p1 =	slt.u32 s9, $0xF7A;
	s5 =	simm.s32 @!p2 $0x0  }
0x1d: {  	s5 =	simm.s32 @p1 $0x1;
	p0 =	seq.s32 s7, s2  }
0x1e: {  	s7 =	smul.u32 @!p0 $0xF7A, s2;
	p2 =	seq.s32 @!p0 s5, $0x0  }
0x1f: {  	s9 =	smul.u32 $0xF7A, s1;
	s8 =	simm.s32 @!p0 $0x1BF5;
	p2 =	por !p2, p0  }
0x20: {  	[sflag:s8] =	ssyncset.s32 @!p0 $0xFFFFF086;
	s6 =	sadd.s32 @!p0 s3, s7;
	s7 =	simm.s32 @!p0 $0x108  }
0x21: {  	s3 =	sadd.s32 s3, s9;
	s6 =	sadd.s32 @!p0 $0x88, s6;
	s7 =	simm.s32 @p2 $0x1082  }
0x22: {  	[simem:s7], [sflag:s8] =	dma.local @!p0 [hbm:s6], $0xF7A  }
0x23: {  	s9 =	sor.u32 $0xD0000000, s2;
	s6 =	simm.s32 $0x108;
	_ =	swait.ge @!p0 [sflag:s8], $0x0  }
0x24: {  	s3 =	sadd.s32 $0x88, s3;
	s6 =	simm.s32 @!p1 $0x1082;
	[sflag:s4] =	ssyncset.s32 $0xFFFFF086  }
0x25: {  	[simem:s6], [sflag:s4] =	dma.local [hbm:s3], $0xF7A  }
0x26: {  	[smem:$0x3F90] =	sst s1;
	(tag) =	ssettag s2;
	_ =	strace s9  }
0x27: {  	s1 =	sld [smem:$0x3FA0]  }
0x28: {  	s2 =	sld [smem:$0x3FA1]  }
0x29: {  	s4 =	sld [smem:$0x3FA3]  }
0x2a: {  	p0 =	seq.s32 s5, $0x0;
	s5 =	sld [smem:$0x3FA4]  }
0x2b: {  	s6 =	sld [smem:$0x3FA5]  }
0x2c: {  	s7 =	sld [smem:$0x3FA6]  }
0x2d: {  	s3 =	simm.s32 $0x108;
	s8 =	sld [smem:$0x3FA7]  }
0x2e: {  	s3 =	simm.s32 @!p0 $0x1082;
	s9 =	sld [smem:$0x3FA8]  }
0x2f: {  	lr =	sadd.s32 s0, s3;
	s0 =	sld [smem:$0x3F9F]  }
0x30: {  	s3 =	sld [smem:$0x3FA2]  }
0x31: {  	[smem:$0x3FAB] =	sst s10  }
0x32: {  	s10 =	sld [smem:$0x3FA9];
	_ =	sdelay $0x3  }
0x33: {  	p0 =	seq.s32 s10, $0x1;
	s10 =	sld [smem:$0x3FAB];
	_ =	sdelay $0x3  }
0x34: {  	[smem:$0x3FAB] =	sst s10  }
0x35: {  	s10 =	sld [smem:$0x3FAA];
	_ =	sdelay $0x3  }
0x36: {  	p1 =	seq.s32 s10, $0x1;
	s10 =	sld [smem:$0x3FAB];
	_ =	sdelay $0x3  }
0x37: {  	[smem:$0x3FAB] =	sst s10  }
0x38: {  	s10 =	sld [smem:$0x3FAC]  }
0x39: {  	_ = 	snop;
	(pc) =	sbr.ind lr, $3  }
0x3a: {  	_ = 	snop  }
0x3b: {  	_ = 	snop  }
0x3c: {  	p2 =	seq.s32 s10, $0x1;
	s10 =	sld [smem:$0x3FAB]  }
0x3d: {  	_ =	shalt  }
0x3e: {  	_ =	shalt  }
0x3f: {  	_ =	shalt  }
0x40: {  	_ =	shalt  }
0x41: {  	_ =	shalt  }
0x42: {  	_ =	shalt  }
0x43: {  	_ =	shalt  }
0x44: {  	_ =	shalt  }
0x45: {  	_ =	shalt  }
0x46: {  	_ =	shalt  }
0x47: {  	_ =	shalt  }
0x48: {  	_ =	shalt  }
0x49: {  	_ =	shalt  }
0x4a: {  	_ =	shalt  }
0x4b: {  	_ =	shalt  }
0x4c: {  	_ =	shalt  }
0x4d: {  	_ =	shalt  }
0x4e: {  	_ =	shalt  }
0x4f: {  	_ =	shalt  }
0x50: {  	_ =	shalt  }
0x51: {  	_ =	shalt  }
0x52: {  	_ =	shalt  }
0x53: {  	_ =	shalt  }
0x54: {  	_ =	shalt  }
0x55: {  	_ =	shalt  }
0x56: {  	_ =	shalt  }
0x57: {  	_ =	shalt  }
0x58: {  	_ =	shalt  }
0x59: {  	_ =	shalt  }
0x5a: {  	_ =	shalt  }
0x5b: {  	_ =	shalt  }
0x5c: {  	_ =	shalt  }
0x5d: {  	_ =	shalt  }
0x5e: {  	_ =	shalt  }
0x5f: {  	_ =	shalt  }
0x60: {  	_ =	shalt  }
0x61: {  	_ =	shalt  }
0x62: {  	_ =	shalt  }
0x63: {  	_ =	shalt  }
0x64: {  	_ =	shalt  }
0x65: {  	_ =	shalt  }
0x66: {  	_ =	shalt  }
0x67: {  	_ =	shalt  }
0x68: {  	_ =	shalt  }
0x69: {  	_ =	shalt  }
0x6a: {  	_ =	shalt  }
0x6b: {  	_ =	shalt  }
0x6c: {  	_ =	shalt  }
0x6d: {  	_ =	shalt  }
0x6e: {  	_ =	shalt  }
0x6f: {  	_ =	shalt  }
0x70: {  	_ =	shalt  }
0x71: {  	_ =	shalt  }
0x72: {  	_ =	shalt  }
0x73: {  	_ =	shalt  }
0x74: {  	_ =	shalt  }
0x75: {  	_ =	shalt  }
0x76: {  	_ =	shalt  }
0x77: {  	_ =	shalt  }
0x78: {  	_ =	shalt  }
0x79: {  	_ =	shalt  }
0x7a: {  	_ =	shalt  }
0x7b: {  	_ =	shalt  }
0x7c: {  	_ =	shalt  }
0x7d: {  	_ =	shalt  }
0x7e: {  	_ =	shalt  }
0x7f: {  	_ =	shalt  }
0x80: {  	_ =	shalt  }
0x81: {  	_ =	shalt  }
0x82: {  	_ =	shalt  }
0x83: {  	_ =	shalt  }
0x84: {  	_ =	shalt  }
0x85: {  	_ =	shalt  }
0x86: {  	_ =	shalt  }
0x87: {  	_ =	shalt  }
.Lfunc_end0:
.L_simem_size_0:
called_computation.3_lowered:
.L_overlay_start_0:
0x88: {  	s2 =	sld [smem:$0x3FD9]  }
0x89: {  	s3 =	sld [smem:$0x3FFE];
	_ =	sdelay $0x1  }
0x8a: {  	s1 =	srdreg.scid  }
0x8b: {  	s0 =	sand.u32 $0x1, s1  }
0x8c: {  	s16 =	sshll.u32 s0, $0xA;
	s2 =	sadd.s32 s3, s2  }
0x8d: {  	s2 =	sadd.s32 s2, s16  }
0x8e: {  	[smem:$0x3FB7] =	sst s2  }
0x8f: {  	_ = 	snop  }
0x90: {  	(tm) =	ssettm $0x1  }
0x91: {  	s17 =	sld [smem:$0x3FFB];
	_ =	sdelay $0x3  }
0x92: {  	_ =	strace s17  }
0x93: {  	s2 =	sld [smem:$0x3FFC];
	_ =	sdelay $0x3  }
0x94: {  	_ =	strace s2  }
0x95: {  	s2 =	sld [smem:$0x3FFD];
	_ =	sdelay $0x3  }
0x96: {  	_ =	strace s2  }
0x97: {  	_ =	strace $0x8FFFFFFF  }
0x98: {  	s18 =	sld [smem:$0x3FDB];
	_ =	sdelay $0x1  }
0x99: {  	s19 =	simm.s32 $_scs_section_size  }
0x9a: {  	s4 =	simm.s32 $_size__tile_overlayer_lowered;
	s5 =	simm.s32 $_tile_overlayer_lowered  }
0x9b: {  	s22 =	simm.s32 $0x1BFF;
	s21 =	sshll.u32 s5, $0x1;
	s2 =	sadd.s32 s19, s18  }
0x9c: {  	s6 =	simm.s32 $0x0;
	s20 =	sshll.u32 s4, $0x1;
	s4 =	sadd.s32 s21, s2  }
0x9d: {  	[timem:s6], [sflag:s22] =	dma.local [hbm:s4], s20  }
0x9e: {  	_ =	swait.ge [sflag:s22], s20  }
0x9f: {  	s3 =	ssub.s32 $0x0, s20;
	[sflag:s22] =	ssyncset.done $0x0  }
0xa0: {  	[sflag:s22] =	ssyncadd.s32 s3;
	_ =	sdelay $0x1  }
0xa1: {  	s23 =	simm.s32 $0x1B8B  }
0xa2: {  	_ =	swait.ge [sflag:s23], $0x1  }
0xa3: {  	[sflag:s23] =	ssyncset.done $0x0  }
0xa4: {  	s25 =	simm.s32 $0x1B8E;
	s24 =	sld [smem:$0x3FFE];
	[sflag:s23] =	ssyncadd.s32 $0xFFFFFFFF  }
0xa5: {  	s26 =	simm.s32 $execute0_lowered;
	[smem:$0x3FD2] =	sst s25  }
0xa6: {  	s4 =	sshll.u32 s26, $0x1;
	_ =	strace $0x8000004F;
	[dreg:$0x1] =	wrdreg $0xFFFFFFFF  }
0xa7: {  	s28 =	simm.s32 $_size_execute0_lowered;
	s2 =	sadd.s32 s2, s4;
	[dreg:$0x0] =	wrdreg $0x0  }
0xa8: {  	s4 =	sshll.u32 s28, $0x1;
	[dreg:$0x2] =	wrdreg s2  }
0xa9: {  	[dreg:$0x3] =	wrdreg s4  }
0xaa: {  	[dreg:$0x4] =	wrdreg $0xC0  }
0xab: {  	_ =	task [dreg:s6], $0x5FFFF  }
0xac: {  	[dreg:$0x1] =	wrdreg $0xFFFFFFFF  }
0xad: {  	[dreg:$0x0] =	wrdreg $0x60  }
0xae: {  	[dreg:$0x2] =	wrdreg s24  }
0xaf: {  	[dreg:$0x3] =	wrdreg $0xA9000  }
0xb0: {  	[dreg:$0x4] =	wrdreg $0x9  }
0xb1: {  	_ =	task.clear_ibuf [dreg:s6], $0x5FFFF;
	_ =	strace $0x9000004F  }
0xb2: {  	s29 =	simm.s32 $0x9;
	_ =	strace $0x80000051  }
0xb3: {  	_ =	swait.ge [sflag:s29], $0x1  }
0xb4: {  	[sflag:s29] =	ssyncadd.s32 $0xFFFFFFFF  }
0xb5: {  	_ =	strace $0x90000051  }
0xb6: {  	_ =	sfence  }
0xb7: {  	s30 =	sld [smem:$0x0];
	_ =	sdelay $0x2  }
0xb8: {  	s31 =	sshll.u32 s1, $0xD;
	s1 =	sshrl.u32 s1, $0x2  }
0xb9: {  	s3 =	sand.u32 $0x4000, s31;
	s1 =	sadd.s32 s1, s30  }
0xba: {  	s0 =	sor.u32 s3, s0;
	s1 =	sshll.u32 s1, $0x11  }
0xbb: {  	s0 =	sor.u32 s1, s0  }
0xbc: {  	s0 =	sadd.s32 $0x8F2B, s0  }
0xbd: {  	[sflag:s0] =	ssyncadd.remote.s32 $0x1  }
0xbe: {  	_ =	sfence.sel $0xFFFF  }
0xbf: {  	[dreg:$0x0] =	wrdreg $0xFFFFFFFF;
	(pc) =	sbr.abs _section_cstart, $3  }
0xc0: {  	[dreg:$0x1] =	wrdreg $0xFFFFFFFF  }
0xc1: {  	_ =	task.clear_ibuf [dreg:s6], $0x2FFFF;
	_ =	strace $0x9FFFFFFF  }
0xc2: {  	(tm) =	ssettm $0x7FFFFFFF  }
0xc3: {  	_ =	shalt  }
tec
execute0_lowered:
.L_overlay_start_1:
0x0: {  	(tag) =	ssettag $0x1  }
0x1: {  	s6 =	rddreg [dreg:$0x0]  }
0x2: {  	s0 =	srdreg.scid;
	s2 =	rddreg [dreg:$0x1]  }
0x3: {  	s3 =	simm.s32 $0x0;
	s17 =	simm.s32 $0x80;
	s18 =	simm.s32 $0x2900  }
0x4: {  	s19 =	simm.s32 $0x2880;
	s5 =	sand.u32 $0x1, s0;
	s0 =	stileid.u32  }
0x5: {  	s20 =	simm.s32 $0x6900;
	s28 =	simm.s32 $0x0;
	s9 =	smul.u32 $0x14000, s0  }
0x6: {  	[smem:$0x7FF] =	sst s3;
	s4 =	sadd.s32 $0x3FC00, s6;
	s10 =	smul.u32 $0x140000, s5  }
0x7: {  	s13 =	sadd.s32 $0x3C00, s6;
	s1 =	sshll.u32 s5, $0x4;
	s22 =	smul.u32 $0x50000, s0  }
0x8: {  	_ =	strace $0x80000050;
	s23 =	ssub.s32 $0x2, s5;
	s14 =	smul.u32 $0x28000, s5  }
0x9: {  	s25 =	smul.u32 $0x2800, s0;
	s26 =	sshll.u32 s0, $0x6;
	s7 =	sor.u32 s0, s1  }
0xa: {  	s24 =	sshrl.u32 s23, $0x1;
	s8 =	smul.u32 $0x500, s7;
	s11 =	sshrl.u32 s9, $0x3  }
0xb: {  	s9 =	sadd.s32 s9, s10;
	s7 =	smul.u32 $0x2800, s7;
	s15 =	ssub.s32 s23, s24  }
0xc: {  	s29 =	sadd.s32 s25, s14;
	s23 =	simm.s32 $0x5;
	s24 =	simm.s32 $0x4  }
0xd: {  	s25 =	simm.s32 $0x2;
	s21 =	sadd.s32 s11, s6;
	s9 =	sshrl.u32 s9, $0x3  }
0xe: {  	s11 =	sshrl.u32 s22, $0x2;
	s14 =	sor.u32 $0x100, s29;
	s31 =	sor.u32 $0x180, s29  }
0xf: {  	s22 =	simm.s32 $0x1;
	s8 =	sadd.s32 s8, s6;
	s12 =	sadd.s32 s9, s6  }
0x10: {  	s16 =	sadd.s32 s11, s2;
	s5 =	sadd.s32 $0x17C00, s21;
	s7 =	sshrl.u32 s7, $0x3  }
0x11: {  	s6 =	sor.u32 $0x1C07, s26;
	s30 =	sshrl.u32 s14, $0x3;
	s11 =	smax.u32 s15, $0x1  }
0x12: {  	s14 =	sshrl.u32 s31, $0x3;
	s15 =	simm.s32 $0x7;
	s21 =	simm.s32 $0x3  }
0x13: {  	s26 =	simm.s32 $0x6;
	s7 =	sadd.s32 s13, s7;
	s8 =	sadd.s32 $0xDC00, s8  }
0x14: {  	s10 =	sadd.s32 $0x67C00, s12;
	s12 =	sadd.s32 s30, s13;
	s13 =	sadd.s32 s14, s13  }
0x15: {  	s14 =	sshrl.u32 s16, $0x3;
	s16 =	simm.s32 $0x2800;
	s9 =	sadd.s32 $0x10, s7  }
.LBB2_1:
0x16: {  	[spmem:s14], [sflag:s6] =	dma.local [hbm:s5], $0x2800  }
0x17: {  	_ =	swait.ge [sflag:s15], $0x2800  }
0x18: {  	[sflag:s15] =	ssyncset.done $0x0  }
0x19: {  	[sflag:s15] =	ssyncadd.s32 $0xFFFFD800  }
0x1a: {  	[tilespmem:s3], [sflag:$0x7] =	stream.linear.gather [hbm4b:s8+s3], $0x2800, $0x38;
	[tilespmem:$0x1E900] =	vst v63  }
0x1b: {  	_ =	swait.ge [sflag:s15], $0x2800  }
0x1c: {  	[sflag:s15] =	ssyncset.done $0x0  }
0x1d: {  	[sflag:s15] =	ssyncadd.s32 $0xFFFFD800  }
0x1e: {  	[bflag:$0x0] =	sbarrier.arrive $0xFFFF  }
0x1f: {  	[tilespmem:s16], [sflag:$0x1] =	stream.linear.gather [hbm4b:s7+s3], $0x80, $0x38;
	[tilespmem:$0x1E900] =	vst v63  }
0x20: {  	_ = 	snop  }
0x21: {  	[tilespmem:s18], [sflag:$0x3] =	stream.indirect.gather [hbm4b:s4+s17], $0x80, s3, s17, $0xb8;
	[tilespmem:$0x1E900] =	vst v63  }
0x22: {  	_ = 	snop  }
0x23: {  	[tilespmem:s19], [sflag:$0x2] =	stream.linear.gather [hbm4b:s9+s3], $0x80, $0x38;
	[tilespmem:$0x1E900] =	vst v63  }
0x24: {  	_ = 	snop  }
0x25: {  	[tilespmem:s20], [sflag:$0x4] =	stream.indirect.gather [hbm4b:s4+s17], $0x80, s17, s17, $0xb8;
	[tilespmem:$0x1E900] =	vst v63  }
0x26: {  	_ =	swait.ge [sflag:s21], $0x4000  }
0x27: {  	[sflag:s21] =	ssyncset.done $0x0  }
0x28: {  	[sflag:s21] =	ssyncadd.s32 $0xFFFFC000  }
0x29: {  	_ =	swait.ge [sflag:s22], $0x80  }
0x2a: {  	[sflag:s22] =	ssyncset.done $0x0  }
0x2b: {  	[sflag:s22] =	ssyncadd.s32 $0xFFFFFF80  }
0x2c: {  	[spmem:s2] =	stream.indirect.scatter.add.f32 [tilespmem:s18], [sflag:$0x5], $0x80, s16, s17, $0xb8;
	[tilespmem:$0x1E900] =	vst v63  }
0x2d: {  	_ =	swait.ge [sflag:s23], $0x4000  }
0x2e: {  	[sflag:s23] =	ssyncset.done $0x0  }
0x2f: {  	s29 =	simm.s32 $0x100;
	[sflag:s23] =	ssyncadd.s32 $0xFFFFC000  }
0x30: {  	[tilespmem:s18], [sflag:$0x3] =	stream.indirect.gather [hbm4b:s4+s17], $0x80, s29, s17, $0xb8;
	[tilespmem:$0x1E900] =	vst v63  }
0x31: {  	s29 =	sadd.s32 $0x0, s12  }
0x32: {  	[tilespmem:s16], [sflag:$0x1] =	stream.linear.gather [hbm4b:s29+s3], $0x80, $0x38;
	[tilespmem:$0x1E900] =	vst v63  }
0x33: {  	_ =	swait.ge [sflag:s24], $0x4000  }
0x34: {  	[sflag:s24] =	ssyncset.done $0x0  }
0x35: {  	[sflag:s24] =	ssyncadd.s32 $0xFFFFC000  }
0x36: {  	_ =	swait.ge [sflag:s25], $0x80  }
0x37: {  	[sflag:s25] =	ssyncset.done $0x0  }
0x38: {  	[sflag:s25] =	ssyncadd.s32 $0xFFFFFF80  }
0x39: {  	[spmem:s2] =	stream.indirect.scatter.add.f32 [tilespmem:s20], [sflag:$0x6], $0x80, s19, s17, $0xb8;
	[tilespmem:$0x1E900] =	vst v63  }
0x3a: {  	_ =	swait.ge [sflag:s26], $0x4000  }
0x3b: {  	[sflag:s26] =	ssyncset.done $0x0  }
0x3c: {  	s29 =	simm.s32 $0x180;
	[sflag:s26] =	ssyncadd.s32 $0xFFFFC000  }
0x3d: {  	[tilespmem:s20], [sflag:$0x4] =	stream.indirect.gather [hbm4b:s4+s17], $0x80, s29, s17, $0xb8;
	[tilespmem:$0x1E900] =	vst v63  }
0x3e: {  	s31 =	sadd.s32 $0x0, s13;
	s30 =	simm.s32 $0x200;
	s29 =	simm.s32 $0x20  }
.LBB2_2:
0x3f: {  	[tilespmem:s19], [sflag:$0x2] =	stream.linear.gather [hbm4b:s31+s3], $0x80, $0x38;
	[tilespmem:$0x1E900] =	vst v63  }
0x40: {  	s31 =	smov.u32 s29  }
0x41: {  	p0 =	sne.s32 s29, $0x4C0;
	s29 =	sadd.s32 $0x20, s29;
	_ =	swait.ge [sflag:s21], $0x4000  }
0x42: {  	[sflag:s21] =	ssyncset.done $0x0  }
0x43: {  	[sflag:s21] =	ssyncadd.s32 $0xFFFFC000  }
0x44: {  	_ =	swait.ge [sflag:s22], $0x80  }
0x45: {  	[sflag:s22] =	ssyncset.done $0x0  }
0x46: {  	[sflag:s22] =	ssyncadd.s32 $0xFFFFFF80  }
0x47: {  	[spmem:s2] =	stream.indirect.scatter.add.f32 [tilespmem:s18], [sflag:$0x5], $0x80, s16, s17, $0xb8;
	[tilespmem:$0x1E900] =	vst v63  }
0x48: {  	_ =	swait.ge [sflag:s23], $0x4000  }
0x49: {  	[sflag:s23] =	ssyncset.done $0x0  }
0x4a: {  	[sflag:s23] =	ssyncadd.s32 $0xFFFFC000  }
0x4b: {  	[tilespmem:s18], [sflag:$0x3] =	stream.indirect.gather [hbm4b:s4+s17], $0x80, s30, s17, $0xb8;
	[tilespmem:$0x1E900] =	vst v63  }
0x4c: {  	s1 =	sadd.s32 s31, s12  }
0x4d: {  	[tilespmem:s16], [sflag:$0x1] =	stream.linear.gather [hbm4b:s1+s3], $0x80, $0x38;
	[tilespmem:$0x1E900] =	vst v63  }
0x4e: {  	_ =	swait.ge [sflag:s24], $0x4000  }
0x4f: {  	[sflag:s24] =	ssyncset.done $0x0  }
0x50: {  	[sflag:s24] =	ssyncadd.s32 $0xFFFFC000  }
0x51: {  	_ =	swait.ge [sflag:s25], $0x80  }
0x52: {  	[sflag:s25] =	ssyncset.done $0x0  }
0x53: {  	[sflag:s25] =	ssyncadd.s32 $0xFFFFFF80  }
0x54: {  	[spmem:s2] =	stream.indirect.scatter.add.f32 [tilespmem:s20], [sflag:$0x6], $0x80, s19, s17, $0xb8;
	[tilespmem:$0x1E900] =	vst v63  }
.Ltmp0:
0x55: {  	_ =	swait.ge [sflag:s26], $0x4000;
	(pc) =	sbr.rel @p0 .LBB2_2-.Ltmp0, $4  }
0x56: {  	[sflag:s26] =	ssyncset.done $0x0  }
0x57: {  	s1 =	sadd.s32 $0x80, s30;
	[sflag:s26] =	ssyncadd.s32 $0xFFFFC000  }
0x58: {  	[tilespmem:s20], [sflag:$0x4] =	stream.indirect.gather [hbm4b:s4+s17], $0x80, s1, s17, $0xb8;
	[tilespmem:$0x1E900] =	vst v63  }
0x59: {  	s31 =	sadd.s32 s31, s13;
	s30 =	sadd.s32 $0x100, s30  }
0x5a: {  	[tilespmem:s19], [sflag:$0x2] =	stream.linear.gather [hbm4b:s31+s3], $0x80, $0x38;
	[tilespmem:$0x1E900] =	vst v63  }
0x5b: {  	_ =	swait.ge [sflag:s21], $0x4000  }
0x5c: {  	[sflag:s21] =	ssyncset.done $0x0  }
0x5d: {  	[sflag:s21] =	ssyncadd.s32 $0xFFFFC000  }
0x5e: {  	_ =	swait.ge [sflag:s22], $0x80  }
0x5f: {  	[sflag:s22] =	ssyncset.done $0x0  }
0x60: {  	[sflag:s22] =	ssyncadd.s32 $0xFFFFFF80  }
0x61: {  	[spmem:s2] =	stream.indirect.scatter.add.f32 [tilespmem:s18], [sflag:$0x5], $0x80, s16, s17, $0xb8;
	[tilespmem:$0x1E900] =	vst v63  }
0x62: {  	_ =	swait.ge [sflag:s24], $0x4000  }
0x63: {  	[sflag:s24] =	ssyncset.done $0x0  }
0x64: {  	[sflag:s24] =	ssyncadd.s32 $0xFFFFC000  }
0x65: {  	_ =	swait.ge [sflag:s25], $0x80  }
0x66: {  	[sflag:s25] =	ssyncset.done $0x0  }
0x67: {  	[sflag:s25] =	ssyncadd.s32 $0xFFFFFF80  }
0x68: {  	[spmem:s2] =	stream.indirect.scatter.add.f32 [tilespmem:s20], [sflag:$0x6], $0x80, s19, s17, $0xb8;
	[tilespmem:$0x1E900] =	vst v63  }
0x69: {  	_ =	swait.ge [sflag:s23], $0x4000  }
0x6a: {  	[sflag:s23] =	ssyncset.done $0x0  }
0x6b: {  	[sflag:s23] =	ssyncadd.s32 $0xFFFFC000  }
0x6c: {  	_ =	swait.ge [sflag:s26], $0x4000  }
0x6d: {  	s28 =	sadd.s32 $0x1, s28;
	[sflag:s26] =	ssyncset.done $0x0  }
0x6e: {  	p0 =	sne.s32 s28, s11;
	[sflag:s26] =	ssyncadd.s32 $0xFFFFC000  }
.Ltmp1:
0x6f: {  	[bflag:$0x0] =	sbarrier.arrive $0xFFFF;
	(pc) =	sbr.rel @p0 .LBB2_1-.Ltmp1, $4  }
0x70: {  	[hbm:s10], [sflag:s6] =	dma.local [spmem:s14], $0x2800  }
0x71: {  	_ =	swait.ge [sflag:s15], $0x2800  }
0x72: {  	[sflag:s15] =	ssyncset.done $0x0  }
0x73: {  	[sflag:s15] =	ssyncadd.s32 $0xFFFFD800  }
0x74: {  	_ =	sfence.sel $0x180000  }
0x75: {  	[bflag:$0x0] =	sbarrier.arrive $0xFFFF  }
0x76: {  	_ =	strace $0x90000050  }
0x77: {  	[bflag:$0x2] =	sbarrier.arrive $0xFFFF  }
0x78: {  	p0 =	sne.s32 s0, $0x0;
	s0 =	rddreg [dreg:$0x2]  }
0x79: {  	s0 =	sadd.s32 @!p0 $0x100000, s0  }
0x7a: {  	[sflag:s0] =	ssyncadd.tile.s32 @!p0 $0x1;
	_ =	shalt  }
.Lfunc_end2:
_tile_overlayer_lowered:
.L_overlay_start_2:
0x7b: {  	(tag) =	ssettag $0x2  }
0x7c: {  	s0 =	rddreg [dreg:$0x0];
	s2 =	stileid.u32  }
0x7d: {  	s1 =	rddreg [dreg:$0x1];
	p0 =	sne.s32 s2, $0x0  }
0x7e: {  	s3 =	rddreg [dreg:$0x2];
	[bflag:$0x3] =	sbarrier.arrive $0xFFFF;
	s2 =	simm.s32 @!p0 $0x1C07  }
0x7f: {  	[timem:s3], [sflag:s2] =	dma.local @!p0 [hbm:s0], s1  }
0x80: {  	s0 =	simm.s32 @!p0 $0x7  }
0x81: {  	_ =	swait.ge @!p0 [sflag:s0], s1  }
0x82: {  	s1 =	ssub.s32 @!p0 $0x0, s1;
	[sflag:s0] =	ssyncset.done @!p0 $0x0  }
0x83: {  	[sflag:s0] =	ssyncadd.s32 @!p0 s1  }
0x84: {  	[bflag:$0x3] =	sbarrier.arrive $0xFFFF  }
0x85: {  	_ =	shalt  }

// kernel: kernel.25.cloned.1.call-start
scs
__scs_entry_jumppad:
0x0: {  	(pc) =	sbr.rel $0x88, $3  }
0x1: {  	(tag) =	ssettag $0x0;
	lr =	simm.s32 $0x1  }
0x2: {  	[smem:$0x3F90] =	sst lr;
	_ =	strace $0xD0000000  }
0x3: {  	_ = 	snop  }
0x4: {  	_ = 	snop  }
0x5: {  	_ = 	snop  }
0x6: {  	_ = 	snop  }
0x7: {  	_ = 	snop  }
__scs_overlays_trampoline_lowered:
0x8: {  	[smem:$0x3F9F] =	sst s0  }
0x9: {  	[smem:$0x3FA0] =	sst s1  }
0xa: {  	[smem:$0x3FA1] =	sst s2  }
0xb: {  	[smem:$0x3FA2] =	sst s3  }
0xc: {  	[smem:$0x3FA3] =	sst s4  }
0xd: {  	[smem:$0x3FA4] =	sst s5  }
0xe: {  	[smem:$0x3FA5] =	sst s6  }
0xf: {  	[smem:$0x3FA6] =	sst s7  }
0x10: {  	[smem:$0x3FA7] =	sst s8  }
0x11: {  	[smem:$0x3FA8] =	sst s9;
	s0 =	simm.s32 @!p0 $0x0  }
0x12: {  	s1 =	sld [smem:$0x3F8E];
	s0 =	simm.s32 @p0 $0x1  }
0x13: {  	[smem:$0x3FA9] =	sst s0;
	s0 =	simm.s32 @!p1 $0x0  }
0x14: {  	s2 =	sld [smem:$0x3F8D];
	s0 =	simm.s32 @p1 $0x1  }
0x15: {  	[smem:$0x3FAA] =	sst s0;
	s0 =	simm.s32 @!p2 $0x0  }
0x16: {  	s3 =	sld [smem:$0x3FDB];
	s0 =	simm.s32 @p2 $0x1  }
0x17: {  	s4 =	simm.s32 $0x1BF5;
	[smem:$0x3FAC] =	sst s0  }
0x18: {  	s0 =	sld [smem:$0x3F8F];
	_ =	swait.ge [sflag:s4], $0x0  }
0x19: {  	s7 =	sld [smem:$0x3F90]  }
0x1a: {  	s8 =	sadd.s32 $0xFFFFE003, lr  }
0x1b: {  	s9 =	sadd.s32 $0xFFFFFEF7, lr;
	s5 =	simm.s32 $0xFFFFFFFF;
	p2 =	slt.u32 s8, $0xFFFFF086  }
0x1c: {  	p1 =	slt.u32 s9, $0xF7A;
	s5 =	simm.s32 @!p2 $0x0  }
0x1d: {  	s5 =	simm.s32 @p1 $0x1;
	p0 =	seq.s32 s7, s2  }
0x1e: {  	s7 =	smul.u32 @!p0 $0xF7A, s2;
	p2 =	seq.s32 @!p0 s5, $0x0  }
0x1f: {  	s9 =	smul.u32 $0xF7A, s1;
	s8 =	simm.s32 @!p0 $0x1BF5;
	p2 =	por !p2, p0  }
0x20: {  	[sflag:s8] =	ssyncset.s32 @!p0 $0xFFFFF086;
	s6 =	sadd.s32 @!p0 s3, s7;
	s7 =	simm.s32 @!p0 $0x108  }
0x21: {  	s3 =	sadd.s32 s3, s9;
	s6 =	sadd.s32 @!p0 $0x88, s6;
	s7 =	simm.s32 @p2 $0x1082  }
0x22: {  	[simem:s7], [sflag:s8] =	dma.local @!p0 [hbm:s6], $0xF7A  }
0x23: {  	s9 =	sor.u32 $0xD0000000, s2;
	s6 =	simm.s32 $0x108;
	_ =	swait.ge @!p0 [sflag:s8], $0x0  }
0x24: {  	s3 =	sadd.s32 $0x88, s3;
	s6 =	simm.s32 @!p1 $0x1082;
	[sflag:s4] =	ssyncset.s32 $0xFFFFF086  }
0x25: {  	[simem:s6], [sflag:s4] =	dma.local [hbm:s3], $0xF7A  }
0x26: {  	[smem:$0x3F90] =	sst s1;
	(tag) =	ssettag s2;
	_ =	strace s9  }
0x27: {  	s1 =	sld [smem:$0x3FA0]  }
0x28: {  	s2 =	sld [smem:$0x3FA1]  }
0x29: {  	s4 =	sld [smem:$0x3FA3]  }
0x2a: {  	p0 =	seq.s32 s5, $0x0;
	s5 =	sld [smem:$0x3FA4]  }
0x2b: {  	s6 =	sld [smem:$0x3FA5]  }
0x2c: {  	s7 =	sld [smem:$0x3FA6]  }
0x2d: {  	s3 =	simm.s32 $0x108;
	s8 =	sld [smem:$0x3FA7]  }
0x2e: {  	s3 =	simm.s32 @!p0 $0x1082;
	s9 =	sld [smem:$0x3FA8]  }
0x2f: {  	lr =	sadd.s32 s0, s3;
	s0 =	sld [smem:$0x3F9F]  }
0x30: {  	s3 =	sld [smem:$0x3FA2]  }
0x31: {  	[smem:$0x3FAB] =	sst s10  }
0x32: {  	s10 =	sld [smem:$0x3FA9];
	_ =	sdelay $0x3  }
0x33: {  	p0 =	seq.s32 s10, $0x1;
	s10 =	sld [smem:$0x3FAB];
	_ =	sdelay $0x3  }
0x34: {  	[smem:$0x3FAB] =	sst s10  }
0x35: {  	s10 =	sld [smem:$0x3FAA];
	_ =	sdelay $0x3  }
0x36: {  	p1 =	seq.s32 s10, $0x1;
	s10 =	sld [smem:$0x3FAB];
	_ =	sdelay $0x3  }
0x37: {  	[smem:$0x3FAB] =	sst s10  }
0x38: {  	s10 =	sld [smem:$0x3FAC]  }
0x39: {  	_ = 	snop;
	(pc) =	sbr.ind lr, $3  }
0x3a: {  	_ = 	snop  }
0x3b: {  	_ = 	snop  }
0x3c: {  	p2 =	seq.s32 s10, $0x1;
	s10 =	sld [smem:$0x3FAB]  }
0x3d: {  	_ =	shalt  }
0x3e: {  	_ =	shalt  }
0x3f: {  	_ =	shalt  }
0x40: {  	_ =	shalt  }
0x41: {  	_ =	shalt  }
0x42: {  	_ =	shalt  }
0x43: {  	_ =	shalt  }
0x44: {  	_ =	shalt  }
0x45: {  	_ =	shalt  }
0x46: {  	_ =	shalt  }
0x47: {  	_ =	shalt  }
0x48: {  	_ =	shalt  }
0x49: {  	_ =	shalt  }
0x4a: {  	_ =	shalt  }
0x4b: {  	_ =	shalt  }
0x4c: {  	_ =	shalt  }
0x4d: {  	_ =	shalt  }
0x4e: {  	_ =	shalt  }
0x4f: {  	_ =	shalt  }
0x50: {  	_ =	shalt  }
0x51: {  	_ =	shalt  }
0x52: {  	_ =	shalt  }
0x53: {  	_ =	shalt  }
0x54: {  	_ =	shalt  }
0x55: {  	_ =	shalt  }
0x56: {  	_ =	shalt  }
0x57: {  	_ =	shalt  }
0x58: {  	_ =	shalt  }
0x59: {  	_ =	shalt  }
0x5a: {  	_ =	shalt  }
0x5b: {  	_ =	shalt  }
0x5c: {  	_ =	shalt  }
0x5d: {  	_ =	shalt  }
0x5e: {  	_ =	shalt  }
0x5f: {  	_ =	shalt  }
0x60: {  	_ =	shalt  }
0x61: {  	_ =	shalt  }
0x62: {  	_ =	shalt  }
0x63: {  	_ =	shalt  }
0x64: {  	_ =	shalt  }
0x65: {  	_ =	shalt  }
0x66: {  	_ =	shalt  }
0x67: {  	_ =	shalt  }
0x68: {  	_ =	shalt  }
0x69: {  	_ =	shalt  }
0x6a: {  	_ =	shalt  }
0x6b: {  	_ =	shalt  }
0x6c: {  	_ =	shalt  }
0x6d: {  	_ =	shalt  }
0x6e: {  	_ =	shalt  }
0x6f: {  	_ =	shalt  }
0x70: {  	_ =	shalt  }
0x71: {  	_ =	shalt  }
0x72: {  	_ =	shalt  }
0x73: {  	_ =	shalt  }
0x74: {  	_ =	shalt  }
0x75: {  	_ =	shalt  }
0x76: {  	_ =	shalt  }
0x77: {  	_ =	shalt  }
0x78: {  	_ =	shalt  }
0x79: {  	_ =	shalt  }
0x7a: {  	_ =	shalt  }
0x7b: {  	_ =	shalt  }
0x7c: {  	_ =	shalt  }
0x7d: {  	_ =	shalt  }
0x7e: {  	_ =	shalt  }
0x7f: {  	_ =	shalt  }
0x80: {  	_ =	shalt  }
0x81: {  	_ =	shalt  }
0x82: {  	_ =	shalt  }
0x83: {  	_ =	shalt  }
0x84: {  	_ =	shalt  }
0x85: {  	_ =	shalt  }
0x86: {  	_ =	shalt  }
0x87: {  	_ =	shalt  }
.Lfunc_end0:
.L_simem_size_0:
called_computation.4_lowered:
.L_overlay_start_0:
0x88: {  	s2 =	sld [smem:$0x3FD9]  }
0x89: {  	s3 =	sld [smem:$0x3FFE];
	_ =	sdelay $0x1  }
0x8a: {  	s1 =	srdreg.scid  }
0x8b: {  	s0 =	sand.u32 $0x1, s1  }
0x8c: {  	s16 =	sshll.u32 s0, $0xA;
	s2 =	sadd.s32 s3, s2  }
0x8d: {  	s2 =	sadd.s32 s2, s16  }
0x8e: {  	[smem:$0x3FB7] =	sst s2  }
0x8f: {  	_ = 	snop  }
0x90: {  	(tm) =	ssettm $0x1  }
0x91: {  	s17 =	sld [smem:$0x3FFB];
	_ =	sdelay $0x3  }
0x92: {  	_ =	strace s17  }
0x93: {  	s2 =	sld [smem:$0x3FFC];
	_ =	sdelay $0x3  }
0x94: {  	_ =	strace s2  }
0x95: {  	s2 =	sld [smem:$0x3FFD];
	_ =	sdelay $0x3  }
0x96: {  	_ =	strace s2  }
0x97: {  	_ =	strace $0x8FFFFFFF  }
0x98: {  	s18 =	sld [smem:$0x3FDB];
	_ =	sdelay $0x1  }
0x99: {  	s19 =	simm.s32 $_scs_section_size  }
0x9a: {  	s4 =	simm.s32 $_size__tile_overlayer_lowered;
	s5 =	simm.s32 $_tile_overlayer_lowered  }
0x9b: {  	s22 =	simm.s32 $0x1BFF;
	s21 =	sshll.u32 s5, $0x1;
	s2 =	sadd.s32 s19, s18  }
0x9c: {  	s6 =	simm.s32 $0x0;
	s20 =	sshll.u32 s4, $0x1;
	s4 =	sadd.s32 s21, s2  }
0x9d: {  	[timem:s6], [sflag:s22] =	dma.local [hbm:s4], s20  }
0x9e: {  	_ =	swait.ge [sflag:s22], s20  }
0x9f: {  	s3 =	ssub.s32 $0x0, s20;
	[sflag:s22] =	ssyncset.done $0x0  }
0xa0: {  	[sflag:s22] =	ssyncadd.s32 s3;
	_ =	sdelay $0x1  }
0xa1: {  	s23 =	simm.s32 $0x1B8B  }
0xa2: {  	_ =	swait.ge [sflag:s23], $0x1  }
0xa3: {  	[sflag:s23] =	ssyncset.done $0x0  }
0xa4: {  	s25 =	simm.s32 $0x1B8E;
	s24 =	sld [smem:$0x3FFE];
	[sflag:s23] =	ssyncadd.s32 $0xFFFFFFFF  }
0xa5: {  	s26 =	simm.s32 $execute0_lowered;
	[smem:$0x3FD2] =	sst s25  }
0xa6: {  	s4 =	sshll.u32 s26, $0x1;
	_ =	strace $0x80000052;
	[dreg:$0x1] =	wrdreg $0xFFFFFFFF  }
0xa7: {  	s28 =	simm.s32 $_size_execute0_lowered;
	s2 =	sadd.s32 s2, s4;
	[dreg:$0x0] =	wrdreg $0x0  }
0xa8: {  	s4 =	sshll.u32 s28, $0x1;
	[dreg:$0x2] =	wrdreg s2  }
0xa9: {  	[dreg:$0x3] =	wrdreg s4  }
0xaa: {  	[dreg:$0x4] =	wrdreg $0xC0  }
0xab: {  	_ =	task [dreg:s6], $0x5FFFF  }
0xac: {  	[dreg:$0x1] =	wrdreg $0xFFFFFFFF  }
0xad: {  	[dreg:$0x0] =	wrdreg $0x60  }
0xae: {  	[dreg:$0x2] =	wrdreg s24  }
0xaf: {  	[dreg:$0x3] =	wrdreg $0x9  }
0xb0: {  	_ =	task.clear_ibuf [dreg:s6], $0x4FFFF;
	_ =	strace $0x90000052  }
0xb1: {  	s29 =	simm.s32 $0x9;
	_ =	strace $0x80000054  }
0xb2: {  	_ =	swait.ge [sflag:s29], $0x1  }
0xb3: {  	[sflag:s29] =	ssyncadd.s32 $0xFFFFFFFF  }
0xb4: {  	_ =	strace $0x90000054  }
0xb5: {  	_ =	sfence  }
0xb6: {  	s30 =	sld [smem:$0x0];
	_ =	sdelay $0x2  }
0xb7: {  	s31 =	sshll.u32 s1, $0xD;
	s1 =	sshrl.u32 s1, $0x2  }
0xb8: {  	s3 =	sand.u32 $0x4000, s31;
	s1 =	sadd.s32 s1, s30  }
0xb9: {  	s0 =	sor.u32 s3, s0;
	s1 =	sshll.u32 s1, $0x11  }
0xba: {  	s0 =	sor.u32 s1, s0  }
0xbb: {  	s0 =	sadd.s32 $0x8F2B, s0  }
0xbc: {  	[sflag:s0] =	ssyncadd.remote.s32 $0x1  }
0xbd: {  	_ =	sfence.sel $0xFFFF  }
0xbe: {  	[dreg:$0x0] =	wrdreg $0xFFFFFFFF;
	(pc) =	sbr.abs _section_cstart, $3  }
0xbf: {  	[dreg:$0x1] =	wrdreg $0xFFFFFFFF  }
0xc0: {  	_ =	task.clear_ibuf [dreg:s6], $0x2FFFF;
	_ =	strace $0x9FFFFFFF  }
0xc1: {  	(tm) =	ssettm $0x7FFFFFFF  }
tec
execute0_lowered:
.L_overlay_start_1:
0x0: {  	(tag) =	ssettag $0x1  }
0x1: {  	s6 =	rddreg [dreg:$0x0];
	s1 =	srdreg.scid  }
0x2: {  	s2 =	simm.s32 $0x0;
	s11 =	simm.s32 $0x7;
	s12 =	simm.s32 $0x2800  }
0x3: {  	s13 =	simm.s32 $0x80;
	s14 =	simm.s32 $0x5000;
	s15 =	simm.s32 $0xD000  }
0x4: {  	s16 =	simm.s32 $0x9000;
	s17 =	simm.s32 $0x2880;
	s18 =	simm.s32 $0x11000  }
0x5: {  	s19 =	simm.s32 $0x1;
	s20 =	simm.s32 $0x3;
	s21 =	simm.s32 $0x2  }
0x6: {  	s22 =	simm.s32 $0x4;
	s23 =	simm.s32 $0x5;
	s24 =	simm.s32 $0x6  }
0x7: {  	s25 =	simm.s32 $0x0;
	s5 =	sand.u32 $0x1, s1;
	s1 =	stileid.u32  }
0x8: {  	[smem:$0x7FF] =	sst s2;
	s4 =	sadd.s32 $0x3FC00, s6;
	s3 =	sshll.u32 s5, $0x4  }
.Ltmp0:
0x9: {  	s9 =	ssub.s32 $0x2, s5;
	s7 =	sor.u32 s1, s3;
	(pc) =	sbr.rel .LBB2_1-.Ltmp0, $4  }
0xa: {  	_ =	strace $0x80000053;
	s10 =	sshrl.u32 s9, $0x1;
	s8 =	smul.u32 $0x500, s7  }
0xb: {  	s3 =	sadd.s32 $0x17C00, s6;
	s5 =	smul.u32 $0x50, s7;
	s10 =	ssub.s32 s9, s10  }
0xc: {  	s10 =	smax.u32 s10, $0x1;
	s8 =	sadd.s32 s8, s6;
	s6 =	sadd.s32 $0x67C00, s6  }
0xd: {  	s9 =	sor.u32 $0x1, s5;
	s7 =	sadd.s32 $0xDC00, s8;
	s8 =	sadd.s32 $0x3C00, s8  }
.LBB2_8:
0xe: {  	s25 =	sadd.s32 $0x1, s25  }
0xf: {  	_ =	swait.ge [sflag:s23], $0x4000;
	p0 =	sne.s32 s25, s10  }
.Ltmp1:
0x10: {  	[sflag:s23] =	ssyncset.done $0x0;
	(pc) =	sbr.rel @!p0 .LBB2_9-.Ltmp1, $4  }
0x11: {  	[sflag:s23] =	ssyncadd.s32 $0xFFFFC000  }
0x12: {  	_ =	swait.ge [sflag:s24], $0x4000  }
0x13: {  	[sflag:s24] =	ssyncset.done $0x0  }
0x14: {  	[sflag:s24] =	ssyncadd.s32 $0xFFFFC000  }
.LBB2_1:
0x15: {  	[tilespmem:s2], [sflag:$0x7] =	stream.linear.gather [hbm4b:s7+s2], $0x2800, $0x38;
	[tilespmem:$0x15000] =	vst v63  }
0x16: {  	_ =	swait.ge [sflag:s11], $0x2800  }
0x17: {  	[sflag:s11] =	ssyncset.done $0x0  }
0x18: {  	[sflag:s11] =	ssyncadd.s32 $0xFFFFD800  }
0x19: {  	[tilespmem:s12], [sflag:$0x7] =	stream.linear.gather [hbm4b:s8+s2], $0x2800, $0x38;
	[tilespmem:$0x15000] =	vst v63  }
0x1a: {  	_ =	swait.ge [sflag:s11], $0x2800  }
0x1b: {  	[sflag:s11] =	ssyncset.done $0x0  }
0x1c: {  	[sflag:s11] =	ssyncadd.s32 $0xFFFFD800  }
0x1d: {  	[tilespmem:s14], [sflag:$0x1] =	stream.indirect.gather [hbm4b:s3+s13], $0x80, s2, s13, $0xb8;
	[tilespmem:$0x15000] =	vst v63  }
0x1e: {  	_ = 	snop  }
0x1f: {  	[tilespmem:s15], [sflag:$0x3] =	stream.indirect.gather [hbm4b:s4+s13], $0x80, s12, s13, $0xb8;
	[tilespmem:$0x15000] =	vst v63  }
0x20: {  	_ = 	snop  }
0x21: {  	[tilespmem:s16], [sflag:$0x2] =	stream.indirect.gather [hbm4b:s3+s13], $0x80, s13, s13, $0xb8;
	[tilespmem:$0x15000] =	vst v63  }
0x22: {  	s26 =	simm.s32 $0x0  }
0x23: {  	[tilespmem:s18], [sflag:$0x4] =	stream.indirect.gather [hbm4b:s4+s13], $0x80, s17, s13, $0xb8;
	[tilespmem:$0x15000] =	vst v63  }
.LBB2_2:
0x24: {  	_ =	swait.ge [sflag:s19], $0x4000  }
0x25: {  	[sflag:s19] =	ssyncset.done $0x0  }
0x26: {  	[sflag:s19] =	ssyncadd.s32 $0xFFFFC000  }
0x27: {  	_ =	swait.ge [sflag:s20], $0x4000  }
0x28: {  	[sflag:s20] =	ssyncset.done $0x0  }
0x29: {  	s29 =	simm.s32 $0x0;
	s28 =	simm.s32 $0x200;
	[sflag:s20] =	ssyncadd.s32 $0xFFFFC000  }
.LBB2_3:
0x2a: {  	p0 =	sne.s32 s28, $0xFE00;
	v0 =	vld [tilespmem:s29+$0xD070]  }
0x2b: {  	v1 =	vld [tilespmem:s29+$0xD000]  }
0x2c: {  	v2 =	vld [tilespmem:s29+$0xD010]  }
0x2d: {  	v3 =	vld [tilespmem:s29+$0xD020]  }
0x2e: {  	v4 =	vld [tilespmem:s29+$0xD030]  }
0x2f: {  	[tilespmem:s29+$0x5070] =	vst.add.f32.msk $0xffff, v0  }
0x30: {  	v0 =	vld [tilespmem:s29+$0xD040]  }
0x31: {  	v5 =	vld [tilespmem:s29+$0xD050]  }
0x32: {  	v6 =	vld [tilespmem:s29+$0xD060]  }
0x33: {  	[tilespmem:s29+$0x5000] =	vst.add.f32.msk $0xffff, v1  }
0x34: {  	[tilespmem:s29+$0x5010] =	vst.add.f32.msk $0xffff, v2  }
.Ltmp2:
0x35: {  	[tilespmem:s29+$0x5020] =	vst.add.f32.msk $0xffff, v3;
	(pc) =	sbr.rel @p0 .LBB2_3-.Ltmp2, $4  }
0x36: {  	[tilespmem:s29+$0x5030] =	vst.add.f32.msk $0xffff, v4  }
0x37: {  	[tilespmem:s29+$0x5040] =	vst.add.f32.msk $0xffff, v0  }
0x38: {  	[tilespmem:s29+$0x5050] =	vst.add.f32.msk $0xffff, v5  }
0x39: {  	[tilespmem:s29+$0x5060] =	vst.add.f32.msk $0xffff, v6;
	s29 =	sshra.s32 s28, $0x2;
	s28 =	sadd.s32 $0x200, s28  }
0x3a: {  	v0 =	vld [tilespmem:s29+$0xD070]  }
0x3b: {  	v1 =	vld [tilespmem:s29+$0xD000]  }
0x3c: {  	v2 =	vld [tilespmem:s29+$0xD010]  }
0x3d: {  	v3 =	vld [tilespmem:s29+$0xD020]  }
0x3e: {  	v4 =	vld [tilespmem:s29+$0xD030]  }
0x3f: {  	v63 =	vld [tilespmem:s29+$0xD040]  }
0x40: {  	v5 =	vld [tilespmem:s29+$0xD050]  }
0x41: {  	v6 =	vld [tilespmem:s29+$0xD060]  }
0x42: {  	[tilespmem:s29+$0x5070] =	vst.add.f32.msk $0xffff, v0  }
0x43: {  	[tilespmem:s29+$0x5000] =	vst.add.f32.msk $0xffff, v1  }
0x44: {  	[tilespmem:s29+$0x5010] =	vst.add.f32.msk $0xffff, v2  }
0x45: {  	[tilespmem:s29+$0x5020] =	vst.add.f32.msk $0xffff, v3  }
0x46: {  	s28 =	sshll.u32 s26, $0x1;
	[tilespmem:s29+$0x5030] =	vst.add.f32.msk $0xffff, v4  }
0x47: {  	s30 =	sadd.s32 s5, s28;
	[tilespmem:s29+$0x5040] =	vst.add.f32.msk $0xffff, v63  }
0x48: {  	s30 =	sshll.u32 s30, $0xB;
	[tilespmem:s29+$0x5050] =	vst.add.f32.msk $0xffff, v5  }
0x49: {  	p0 =	seq.s32 s26, $0x27;
	[tilespmem:s29+$0x5060] =	vst.add.f32.msk $0xffff, v6;
	s29 =	sadd.s32 s6, s30  }
0x4a: {  	[hbm4b:s29+s2] =	stream.linear.scatter [tilespmem:s14], [sflag:$0x5], $0x4000, $0x38;
	[tilespmem:$0x15000] =	vst v63  }
0x4b: {  	s29 =	simm.s32 @!p0 $0x5  }
0x4c: {  	_ =	swait.ge @!p0 [sflag:s29], $0x4000  }
0x4d: {  	[sflag:s29] =	ssyncset.done @!p0 $0x0  }
0x4e: {  	[sflag:s29] =	ssyncadd.s32 @!p0 $0xFFFFC000;
	s29 =	sshll.u32 @!p0 s26, $0x8  }
0x4f: {  	s31 =	simm.s32 @!p0 $0x80;
	s0 =	simm.s32 @!p0 $0x5000;
	s30 =	sadd.s32 @!p0 $0x100, s29  }
0x50: {  	[tilespmem:s0], [sflag:$0x1] =	stream.indirect.gather @!p0 [hbm4b:s3+s31], $0x80, s30, s31, $0xb8;
	[tilespmem:$0x15000] =	vst v63  }
0x51: {  	s0 =	sadd.s32 @!p0 $0x2900, s29;
	s29 =	simm.s32 @!p0 $0xD000  }
0x52: {  	[tilespmem:s29], [sflag:$0x3] =	stream.indirect.gather @!p0 [hbm4b:s4+s31], $0x80, s0, s31, $0xb8;
	[tilespmem:$0x15000] =	vst v63  }
0x53: {  	_ =	swait.ge [sflag:s21], $0x4000  }
0x54: {  	[sflag:s21] =	ssyncset.done $0x0  }
0x55: {  	[sflag:s21] =	ssyncadd.s32 $0xFFFFC000  }
0x56: {  	_ =	swait.ge [sflag:s22], $0x4000  }
0x57: {  	[sflag:s22] =	ssyncset.done $0x0  }
0x58: {  	s30 =	simm.s32 $0x200;
	s29 =	simm.s32 $0x0;
	[sflag:s22] =	ssyncadd.s32 $0xFFFFC000  }
.LBB2_5:
0x59: {  	p1 =	sne.s32 s30, $0xFE00;
	v0 =	vld [tilespmem:s29+$0x11070]  }
0x5a: {  	v1 =	vld [tilespmem:s29+$0x11000]  }
0x5b: {  	v2 =	vld [tilespmem:s29+$0x11010]  }
0x5c: {  	v3 =	vld [tilespmem:s29+$0x11020]  }
0x5d: {  	v4 =	vld [tilespmem:s29+$0x11030]  }
0x5e: {  	[tilespmem:s29+$0x9070] =	vst.add.f32.msk $0xffff, v0  }
0x5f: {  	v0 =	vld [tilespmem:s29+$0x11040]  }
0x60: {  	v5 =	vld [tilespmem:s29+$0x11050]  }
0x61: {  	v6 =	vld [tilespmem:s29+$0x11060]  }
0x62: {  	[tilespmem:s29+$0x9000] =	vst.add.f32.msk $0xffff, v1  }
0x63: {  	[tilespmem:s29+$0x9010] =	vst.add.f32.msk $0xffff, v2  }
.Ltmp3:
0x64: {  	[tilespmem:s29+$0x9020] =	vst.add.f32.msk $0xffff, v3;
	(pc) =	sbr.rel @p1 .LBB2_5-.Ltmp3, $4  }
0x65: {  	[tilespmem:s29+$0x9030] =	vst.add.f32.msk $0xffff, v4  }
0x66: {  	[tilespmem:s29+$0x9040] =	vst.add.f32.msk $0xffff, v0  }
0x67: {  	[tilespmem:s29+$0x9050] =	vst.add.f32.msk $0xffff, v5  }
0x68: {  	[tilespmem:s29+$0x9060] =	vst.add.f32.msk $0xffff, v6;
	s29 =	sshra.s32 s30, $0x2;
	s30 =	sadd.s32 $0x200, s30  }
0x69: {  	v0 =	vld [tilespmem:s29+$0x11070]  }
0x6a: {  	v1 =	vld [tilespmem:s29+$0x11000]  }
0x6b: {  	v2 =	vld [tilespmem:s29+$0x11010]  }
0x6c: {  	v3 =	vld [tilespmem:s29+$0x11020]  }
0x6d: {  	v4 =	vld [tilespmem:s29+$0x11030]  }
0x6e: {  	v63 =	vld [tilespmem:s29+$0x11040]  }
0x6f: {  	v5 =	vld [tilespmem:s29+$0x11050]  }
0x70: {  	v6 =	vld [tilespmem:s29+$0x11060]  }
0x71: {  	[tilespmem:s29+$0x9070] =	vst.add.f32.msk $0xffff, v0  }
0x72: {  	[tilespmem:s29+$0x9000] =	vst.add.f32.msk $0xffff, v1  }
0x73: {  	[tilespmem:s29+$0x9010] =	vst.add.f32.msk $0xffff, v2  }
0x74: {  	[tilespmem:s29+$0x9020] =	vst.add.f32.msk $0xffff, v3  }
.Ltmp4:
0x75: {  	s0 =	sadd.s32 s28, s9;
	[tilespmem:s29+$0x9030] =	vst.add.f32.msk $0xffff, v4;
	(pc) =	sbr.rel @p0 .LBB2_8-.Ltmp4, $4  }
0x76: {  	s0 =	sshll.u32 s0, $0xB;
	[tilespmem:s29+$0x9040] =	vst.add.f32.msk $0xffff, v63  }
0x77: {  	s0 =	sand.u32 $0x1FFFF800, s0;
	[tilespmem:s29+$0x9050] =	vst.add.f32.msk $0xffff, v5  }
0x78: {  	s0 =	sadd.s32 s6, s0;
	[tilespmem:s29+$0x9060] =	vst.add.f32.msk $0xffff, v6  }
0x79: {  	[hbm4b:s0+s2] =	stream.linear.scatter [tilespmem:s16], [sflag:$0x6], $0x4000, $0x38;
	[tilespmem:$0x15000] =	vst v63  }
0x7a: {  	_ =	swait.ge [sflag:s24], $0x4000  }
.Ltmp5:
0x7b: {  	s0 =	sshll.u32 s26, $0x8;
	[sflag:s24] =	ssyncset.done $0x0;
	(pc) =	sbr.rel .LBB2_2-.Ltmp5, $4  }
0x7c: {  	s28 =	sadd.s32 $0x180, s0;
	[sflag:s24] =	ssyncadd.s32 $0xFFFFC000  }
0x7d: {  	[tilespmem:s16], [sflag:$0x2] =	stream.indirect.gather [hbm4b:s3+s13], $0x80, s28, s13, $0xb8;
	[tilespmem:$0x15000] =	vst v63  }
0x7e: {  	s26 =	sadd.s32 $0x1, s26;
	s0 =	sadd.s32 $0x2980, s0  }
0x7f: {  	[tilespmem:s18], [sflag:$0x4] =	stream.indirect.gather [hbm4b:s4+s13], $0x80, s0, s13, $0xb8;
	[tilespmem:$0x15000] =	vst v63  }
.LBB2_9:
0x80: {  	_ =	sfence.sel $0x180000  }
0x81: {  	[bflag:$0x0] =	sbarrier.arrive $0xFFFF  }
0x82: {  	_ =	strace $0x90000053  }
0x83: {  	[bflag:$0x2] =	sbarrier.arrive $0xFFFF  }
0x84: {  	p0 =	sne.s32 s1, $0x0;
	s0 =	rddreg [dreg:$0x1]  }
0x85: {  	s0 =	sadd.s32 @!p0 $0x100000, s0  }
0x86: {  	[sflag:s0] =	ssyncadd.tile.s32 @!p0 $0x1;
	_ =	shalt  }
.Lfunc_end2:
_tile_overlayer_lowered:
.L_overlay_start_2:
0x87: {  	(tag) =	ssettag $0x2  }
0x88: {  	s0 =	rddreg [dreg:$0x0];
	s2 =	stileid.u32  }
0x89: {  	s1 =	rddreg [dreg:$0x1];
	p0 =	sne.s32 s2, $0x0  }
0x8a: {  	s3 =	rddreg [dreg:$0x2];
	[bflag:$0x3] =	sbarrier.arrive $0xFFFF;
	s2 =	simm.s32 @!p0 $0x1C07  }
0x8b: {  	[timem:s3], [sflag:s2] =	dma.local @!p0 [hbm:s0], s1  }
0x8c: {  	s0 =	simm.s32 @!p0 $0x7  }
0x8d: {  	_ =	swait.ge @!p0 [sflag:s0], s1  }
0x8e: {  	s1 =	ssub.s32 @!p0 $0x0, s1;
	[sflag:s0] =	ssyncset.done @!p0 $0x0  }
0x8f: {  	[sflag:s0] =	ssyncadd.s32 @!p0 s1  }
0x90: {  	[bflag:$0x3] =	sbarrier.arrive $0xFFFF  }
0x91: {  	_ =	shalt  }

</sc_bundles>
